<compile_context>
chip_gen: v7x
topology: tpu7x:2x2x1
jax: 0.10.2.dev20260603
libtpu: 0.0.44.dev20260713+nightly
codegen_flags: <defaults>
</compile_context>

<pallas_src>
import functools

import jax
import jax.numpy as jnp
from jax.experimental import pallas as pl
from jax.experimental.pallas import tpu as pltpu
from jax.experimental.pallas import tpu_sc as plsc

N = 10000
E = 320000
D = 64
DG = 16
NC = 2
NS = 16
NT = NC * NS
CK = 128
CH = 80
EPT = CH * CK
EPAD = NT * EPT
VPAD = 10112
STRIPE = VPAD // NS
DUMMY_DST = 10008


def _mesh():
    return plsc.VectorSubcoreMesh(core_axis_name="c", subcore_axis_name="s")


_SC_PARAMS = pltpu.CompilerParams(use_tc_tiling_on_sc=False)


def _sc_degree(dst2, ones, z16):

    @functools.partial(
        pl.kernel,
        out_type=jax.ShapeDtypeStruct((NC, VPAD, DG), jnp.float32),
        mesh=_mesh(),
        scratch_types=[
            pltpu.VMEM((CH, CK), jnp.int32),
            pltpu.VMEM((CK, DG), jnp.float32),
            pltpu.VMEM_SHARED((VPAD, DG), jnp.float32),
            pltpu.SemaphoreType.DMA((4,)),
        ],
        compiler_params=_SC_PARAMS,
    )
    def k(dst_hbm, ones_hbm, z_hbm, out_hbm, didx_all, ones_v, acc, ssem):
        c = jax.lax.axis_index("c")
        s = jax.lax.axis_index("s")
        w = c * NS + s
        pltpu.sync_copy(ones_hbm, ones_v)
        pltpu.sync_copy(dst_hbm.at[pl.ds(w * CH, CH)], didx_all)
        pltpu.sync_copy(z_hbm.at[pl.ds(s * STRIPE, STRIPE)],
                        acc.at[pl.ds(s * STRIPE, STRIPE)])
        plsc.subcore_barrier()

        for b in range(4):
            pltpu.async_copy(ones_v, acc.at[didx_all.at[b]], ssem.at[b],
                             add=True)

        @pl.loop(0, CH // 4 - 1)
        def _(t):
            base = t * 4
            for b in range(4):
                pltpu.make_async_copy(ones_v, acc.at[didx_all.at[base + b]],
                                      ssem.at[b]).wait()
                pltpu.async_copy(ones_v, acc.at[didx_all.at[base + 4 + b]],
                                 ssem.at[b], add=True)

        for b in range(4):
            pltpu.make_async_copy(ones_v, acc.at[didx_all.at[b]],
                                  ssem.at[b]).wait()

        plsc.subcore_barrier()
        pltpu.sync_copy(acc.at[pl.ds(s * STRIPE, STRIPE)],
                        out_hbm.at[c].at[pl.ds(s * STRIPE, STRIPE)])

    return k(dst2, ones, z16)


NB = 2


def _sc_agg(src2, dst2, g, z64):

    @functools.partial(
        pl.kernel,
        out_type=jax.ShapeDtypeStruct((NC, VPAD, D), jnp.float32),
        mesh=_mesh(),
        scratch_types=[
            pltpu.VMEM((CH, CK), jnp.int32),
            pltpu.VMEM((CH, CK), jnp.int32),
            pltpu.VMEM((NB, CK, D), jnp.float32),
            pltpu.VMEM_SHARED((VPAD, D), jnp.float32),
            pltpu.VMEM_SHARED((VPAD, D), jnp.float32),
            pltpu.SemaphoreType.DMA((NB,)),
            pltpu.SemaphoreType.DMA((NB,)),
            pltpu.SemaphoreType.DMA((4,)),
        ],
        compiler_params=_SC_PARAMS,
    )
    def k(src_hbm, dst_hbm, g_hbm, z_hbm, out_hbm, sidx_all, didx_all,
          rows_v, g_sp, acc, gsem, ssem, psem):
        c = jax.lax.axis_index("c")
        s = jax.lax.axis_index("s")
        w = c * NS + s
        pltpu.async_copy(src_hbm.at[pl.ds(w * CH, CH)], sidx_all, psem.at[0])
        pltpu.async_copy(dst_hbm.at[pl.ds(w * CH, CH)], didx_all, psem.at[1])
        pltpu.async_copy(g_hbm.at[pl.ds(s * STRIPE, STRIPE)],
                         g_sp.at[pl.ds(s * STRIPE, STRIPE)], psem.at[2])
        pltpu.async_copy(z_hbm.at[pl.ds(s * STRIPE, STRIPE)],
                         acc.at[pl.ds(s * STRIPE, STRIPE)], psem.at[3])
        pltpu.make_async_copy(src_hbm.at[pl.ds(w * CH, CH)], sidx_all,
                              psem.at[0]).wait()
        pltpu.make_async_copy(dst_hbm.at[pl.ds(w * CH, CH)], didx_all,
                              psem.at[1]).wait()
        pltpu.make_async_copy(g_hbm.at[pl.ds(s * STRIPE, STRIPE)],
                              g_sp.at[pl.ds(s * STRIPE, STRIPE)],
                              psem.at[2]).wait()
        pltpu.make_async_copy(z_hbm.at[pl.ds(s * STRIPE, STRIPE)],
                              acc.at[pl.ds(s * STRIPE, STRIPE)],
                              psem.at[3]).wait()
        plsc.subcore_barrier()

        for b in range(NB):
            pltpu.async_copy(g_sp.at[sidx_all.at[b]], rows_v.at[b],
                             gsem.at[b])

        @pl.loop(0, CH // NB - 1)
        def _(t):
            base = t * NB
            for b in range(NB):
                pltpu.make_async_copy(g_sp.at[sidx_all.at[base + b]],
                                      rows_v.at[b], gsem.at[b]).wait()
                pltpu.async_copy(rows_v.at[b], acc.at[didx_all.at[base + b]],
                                 ssem.at[b], add=True)
            for b in range(NB):
                pltpu.make_async_copy(rows_v.at[b],
                                      acc.at[didx_all.at[base + b]],
                                      ssem.at[b]).wait()
                pltpu.async_copy(g_sp.at[sidx_all.at[base + NB + b]],
                                 rows_v.at[b], gsem.at[b])

        base = CH - NB
        for b in range(NB):
            pltpu.make_async_copy(g_sp.at[sidx_all.at[base + b]],
                                  rows_v.at[b], gsem.at[b]).wait()
            pltpu.async_copy(rows_v.at[b], acc.at[didx_all.at[base + b]],
                             ssem.at[b], add=True)
        for b in range(NB):
            pltpu.make_async_copy(rows_v.at[b], acc.at[didx_all.at[base + b]],
                                  ssem.at[b]).wait()

        plsc.subcore_barrier()
        pltpu.sync_copy(acc.at[pl.ds(s * STRIPE, STRIPE)],
                        out_hbm.at[c].at[pl.ds(s * STRIPE, STRIPE)])

    return k(src2, dst2, g, z64)


def _tc_scale0(degp, x, W0):
    def body(dp_ref, x_ref, w_ref, dinv_ref, g_ref):
        dp = dp_ref[...]
        deg = dp[0, :N, 0:1] + dp[1, :N, 0:1] + 1.0
        dinv = jax.lax.rsqrt(deg)
        dinv_ref[...] = dinv
        h = jnp.dot(x_ref[...], w_ref[...],
                    preferred_element_type=jnp.float32)
        g_ref[...] = jnp.concatenate(
            [h * dinv, jnp.zeros((VPAD - N, D), jnp.float32)])

    return pl.pallas_call(
        body,
        out_shape=[
            jax.ShapeDtypeStruct((N, 1), jnp.float32),
            jax.ShapeDtypeStruct((VPAD, D), jnp.float32),
        ],
    )(degp, x, W0)


def _tc_mid(p, g, dinv, b, W):
    def body(p_ref, g_ref, dinv_ref, b_ref, w_ref, o_ref):
        pv = p_ref[...]
        sm = pv[0, :N] + pv[1, :N] + g_ref[...][:N]
        dv = dinv_ref[...]
        f = jnp.maximum(dv * sm + b_ref[...], 0.0)
        o_ref[...] = jnp.concatenate(
            [dv * jnp.dot(f, w_ref[...], preferred_element_type=jnp.float32),
             jnp.zeros((VPAD - N, D), jnp.float32)])

    return pl.pallas_call(
        body,
        out_shape=jax.ShapeDtypeStruct((VPAD, D), jnp.float32),
    )(p, g, dinv, b, W)


def _tc_last(p, g, dinv, b):
    def body(p_ref, g_ref, dinv_ref, b_ref, o_ref):
        pv = p_ref[...]
        sm = pv[0, :N] + pv[1, :N] + g_ref[...][:N]
        o_ref[...] = dinv_ref[...] * sm + b_ref[...]

    return pl.pallas_call(
        body,
        out_shape=jax.ShapeDtypeStruct((N, D), jnp.float32),
    )(p, g, dinv, b)


def kernel(x, edge_index, W0, b0, W1, b1, W2, b2, W3, b3):
    src = edge_index[0].astype(jnp.int32)
    dst = edge_index[1].astype(jnp.int32)
    pad = EPAD - E
    src2 = jnp.concatenate([src, jnp.zeros((pad,), jnp.int32)]).reshape(
        NT * CH, CK)
    dst2 = jnp.concatenate([dst, jnp.full((pad,), DUMMY_DST, jnp.int32)]
                           ).reshape(NT * CH, CK)
    ones = jnp.ones((CK, DG), jnp.float32)
    z16 = jnp.zeros((VPAD, DG), jnp.float32)
    z64 = jnp.zeros((VPAD, D), jnp.float32)

    degp = _sc_degree(dst2, ones, z16)
    dinv, g = _tc_scale0(degp, x, W0)
    for b, W in ((b0, W1), (b1, W2), (b2, W3)):
        p = _sc_agg(src2, dst2, g, z64)
        g = _tc_mid(p, g, dinv, b.reshape(1, D), W)
    p = _sc_agg(src2, dst2, g, z64)
    return _tc_last(p, g, dinv, b3.reshape(1, D))

# --- scband reference (transcript-rebuilt; emitter-appended) ---
"""Pipeline reference for scband-ocgnn-86165633893117 (READ-ONLY COPY).

The authoritative reference and input builder live on the scoring server;
editing this copy changes nothing except your own understanding.
"""

import jax, jax.numpy as jnp
import numpy as np

N_NODES = 10000
N_EDGES = 320000
IN_DIM = 128
HID_DIM = 64


def setup_inputs(seed: int = 0) -> dict:
    key = jax.random.key(seed)
    ks = jax.random.split(key, 12)
    x = jax.random.normal(ks[0], (N_NODES, IN_DIM), dtype=jnp.float32)
    edge_index = jax.random.randint(ks[1], (2, N_EDGES), 0, N_NODES, dtype=jnp.int64)
    def glorot(k, fan_in, fan_out):
        limit = jnp.sqrt(6.0 / (fan_in + fan_out))
        return jax.random.uniform(k, (fan_in, fan_out), dtype=jnp.float32, minval=-limit, maxval=limit)
    W0 = glorot(ks[2], IN_DIM, HID_DIM)
    b0 = jnp.zeros((HID_DIM,), dtype=jnp.float32)
    W1 = glorot(ks[3], HID_DIM, HID_DIM)
    b1 = jnp.zeros((HID_DIM,), dtype=jnp.float32)
    W2 = glorot(ks[4], HID_DIM, HID_DIM)
    b2 = jnp.zeros((HID_DIM,), dtype=jnp.float32)
    W3 = glorot(ks[5], HID_DIM, HID_DIM)
    b3 = jnp.zeros((HID_DIM,), dtype=jnp.float32)
    return {"x": x, "edge_index": edge_index, "W0": W0, "b0": b0, "W1": W1, "b1": b1, "W2": W2, "b2": b2, "W3": W3, "b3": b3}


def _gcn_norm(edge_index, num_nodes):
    # add self loops + symmetric normalization (PyG gcn_norm)
    src = edge_index[0]
    dst = edge_index[1]
    loop = jnp.arange(num_nodes, dtype=src.dtype)
    src = jnp.concatenate([src, loop])
    dst = jnp.concatenate([dst, loop])
    w = jnp.ones(src.shape[0], dtype=jnp.float32)
    deg = jax.ops.segment_sum(w, dst, num_segments=num_nodes)
    dinv = jnp.where(deg > 0, 1.0 / jnp.sqrt(deg), 0.0)
    norm = dinv[src] * dinv[dst]
    return src, dst, norm


def _gcn_conv(x, W, b, src, dst, norm, num_nodes):
    h = x @ W
    msg = h[src] * norm[:, None]
    out = jax.ops.segment_sum(msg, dst, num_segments=num_nodes)
    return out + b


def reference(x, edge_index, W0, b0, W1, b1, W2, b2, W3, b3):
    num_nodes = x.shape[0]
    src, dst, norm = _gcn_norm(edge_index, num_nodes)
    h = jax.nn.relu(_gcn_conv(x, W0, b0, src, dst, norm, num_nodes))
    h = jax.nn.relu(_gcn_conv(h, W1, b1, src, dst, norm, num_nodes))
    h = jax.nn.relu(_gcn_conv(h, W2, b2, src, dst, norm, num_nodes))
    emb = _gcn_conv(h, W3, b3, src, dst, norm, num_nodes)
    return emb

if __name__ == "__main__":
    import jax
    _d = setup_inputs()
    print(jax.jit(kernel)(*tuple(_d.values())))

</pallas_src>

<mosaic_0001>
#map = affine_map<(d0, d1) -> (0, 0)>
#map1 = affine_map<(d0, d1) -> (0, 0, 0)>
module attributes {stable_mosaic.version = 14 : i64} {
  func.func @k(%arg0: i32, %arg1: i32, %arg2: memref<2560x128xi32, #tpu.memory_space<hbm>>, %arg3: memref<128x16xf32, #tpu.memory_space<hbm>>, %arg4: memref<10112x16xf32, #tpu.memory_space<hbm>>, %arg5: memref<2x10112x16xf32, #tpu.memory_space<hbm>>, %arg6: memref<80x128xi32, #tpu.memory_space<vmem>>, %arg7: memref<128x16xf32, #tpu.memory_space<vmem>>, %arg8: memref<10112x16xf32, #tpu.memory_space<vmem_shared>>, %arg9: memref<4x!tpu.dma_semaphore, #tpu.memory_space<semaphore_mem>>) attributes {dimension_semantics = [#tpu.dimension_semantics<core_parallel>, #tpu.dimension_semantics<subcore_parallel>], iteration_bounds = array<i64: 2, 16>, scalar_prefetch = 0 : i64, scratch_operands = 4 : i64, tpu.core_type = #tpu.core_type<sc_vector_subcore>, window_params = [{transform_indices = #map}, {transform_indices = #map}, {transform_indices = #map}, {transform_indices = #map1}]} {
    %mul3A = arith.constant 16 : i32
    %mul3A_0 = arith.muli %arg0, %mul3A : i32
    %add3A = arith.addi %mul3A_0, %arg1 : i32
    "tpu.region"() ({
      %run_scoped3A = tpu.sem_alloc : memref<!tpu.dma_semaphore, #tpu.memory_space<semaphore_mem>>
      tpu.enqueue_dma source(%arg3 : memref<128x16xf32, #tpu.memory_space<hbm>>) target(%arg7 : memref<128x16xf32, #tpu.memory_space<vmem>>) target_semaphore(%run_scoped3A : memref<!tpu.dma_semaphore, #tpu.memory_space<semaphore_mem>>)
      tpu.wait_dma2 semaphore(%run_scoped3A : memref<!tpu.dma_semaphore, #tpu.memory_space<semaphore_mem>>) src(%arg3 : memref<128x16xf32, #tpu.memory_space<hbm>>) dst(%arg7 : memref<128x16xf32, #tpu.memory_space<vmem>>)
      tpu.yield
    }) : () -> ()
    %mul3A_1 = arith.constant 80 : i32
    %mul3A_2 = arith.muli %add3A, %mul3A_1 : i32
    "tpu.region"() ({
      %run_scoped3A = tpu.sem_alloc : memref<!tpu.dma_semaphore, #tpu.memory_space<semaphore_mem>>
      %dma_start3A_94 = arith.constant 0 : i32
      %dma_start3A_95 = tpu.memref_slice %arg2[%mul3A_2, %dma_start3A_94] : memref<2560x128xi32, #tpu.memory_space<hbm>> -> memref<80x128xi32, #tpu.memory_space<hbm>>
      %dma_start3A_96 = arith.constant 0 : i32
      %dma_start3A_97 = tpu.memref_slice %arg2[%mul3A_2, %dma_start3A_96] : memref<2560x128xi32, #tpu.memory_space<hbm>> -> memref<80x128xi32, #tpu.memory_space<hbm>>
      tpu.enqueue_dma source(%dma_start3A_97 : memref<80x128xi32, #tpu.memory_space<hbm>>) target(%arg6 : memref<80x128xi32, #tpu.memory_space<vmem>>) target_semaphore(%run_scoped3A : memref<!tpu.dma_semaphore, #tpu.memory_space<semaphore_mem>>)
      %dma_wait3A_98 = arith.constant 0 : i32
      %dma_wait3A_99 = tpu.memref_slice %arg2[%mul3A_2, %dma_wait3A_98] : memref<2560x128xi32, #tpu.memory_space<hbm>> -> memref<80x128xi32, #tpu.memory_space<hbm>>
      %dma_wait3A_100 = arith.constant 0 : i32
      %dma_wait3A_101 = tpu.memref_slice %arg2[%mul3A_2, %dma_wait3A_100] : memref<2560x128xi32, #tpu.memory_space<hbm>> -> memref<80x128xi32, #tpu.memory_space<hbm>>
      tpu.wait_dma2 semaphore(%run_scoped3A : memref<!tpu.dma_semaphore, #tpu.memory_space<semaphore_mem>>) src(%dma_wait3A_101 : memref<80x128xi32, #tpu.memory_space<hbm>>) dst(%arg6 : memref<80x128xi32, #tpu.memory_space<vmem>>)
      tpu.yield
    }) : () -> ()
    %mul3A_3 = arith.constant 632 : i32
    %mul3A_4 = arith.muli %arg1, %mul3A_3 : i32
    %mul3A_5 = arith.constant 632 : i32
    %mul3A_6 = arith.muli %arg1, %mul3A_5 : i32
    "tpu.region"() ({
      %run_scoped3A = tpu.sem_alloc : memref<!tpu.dma_semaphore, #tpu.memory_space<semaphore_mem>>
      %dma_start3A_94 = arith.constant 0 : i32
      %dma_start3A_95 = tpu.memref_slice %arg8[%mul3A_6, %dma_start3A_94] : memref<10112x16xf32, #tpu.memory_space<vmem_shared>> -> memref<632x16xf32, #tpu.memory_space<vmem_shared>>
      %dma_start3A_96 = arith.constant 0 : i32
      %dma_start3A_97 = tpu.memref_slice %arg4[%mul3A_4, %dma_start3A_96] : memref<10112x16xf32, #tpu.memory_space<hbm>> -> memref<632x16xf32, #tpu.memory_space<hbm>>
      tpu.enqueue_dma source(%dma_start3A_97 : memref<632x16xf32, #tpu.memory_space<hbm>>) target(%dma_start3A_95 : memref<632x16xf32, #tpu.memory_space<vmem_shared>>) target_semaphore(%run_scoped3A : memref<!tpu.dma_semaphore, #tpu.memory_space<semaphore_mem>>)
      %dma_wait3A_98 = arith.constant 0 : i32
      %dma_wait3A_99 = tpu.memref_slice %arg8[%mul3A_6, %dma_wait3A_98] : memref<10112x16xf32, #tpu.memory_space<vmem_shared>> -> memref<632x16xf32, #tpu.memory_space<vmem_shared>>
      %dma_wait3A_100 = arith.constant 0 : i32
      %dma_wait3A_101 = tpu.memref_slice %arg4[%mul3A_4, %dma_wait3A_100] : memref<10112x16xf32, #tpu.memory_space<hbm>> -> memref<632x16xf32, #tpu.memory_space<hbm>>
      tpu.wait_dma2 semaphore(%run_scoped3A : memref<!tpu.dma_semaphore, #tpu.memory_space<semaphore_mem>>) src(%dma_wait3A_101 : memref<632x16xf32, #tpu.memory_space<hbm>>) dst(%dma_wait3A_99 : memref<632x16xf32, #tpu.memory_space<vmem_shared>>)
      tpu.yield
    }) : () -> ()
    %barrier3A = arith.constant 0 : index
    tpu.barrier barrier_id(%barrier3A)
    %dma_start3A = arith.constant 0 : i32
    %dma_start3A_7 = arith.constant 0 : i32
    %dma_start3A_8 = arith.constant 0 : i32
    %dma_start3A_9 = tpu.memref_slice %arg6[%dma_start3A, %dma_start3A_8] : memref<80x128xi32, #tpu.memory_space<vmem>> -> memref<1x128xi32, #tpu.memory_space<vmem>>
    %dma_start3A_10 = tpu.memref_squeeze %dma_start3A_9 : memref<1x128xi32, #tpu.memory_space<vmem>> -> memref<128xi32, #tpu.memory_space<vmem>>
    %dma_start3A_11 = arith.constant 0 : i32
    %dma_start3A_12 = arith.constant 0 : i32
    %dma_start3A_13 = tpu.memref_slice %arg8[%dma_start3A_11, %dma_start3A_12] : memref<10112x16xf32, #tpu.memory_space<vmem_shared>> -> memref<10112x16xf32, #tpu.memory_space<vmem_shared>>
    %dma_start3A_14 = tpu.memref_slice %arg9[%dma_start3A_7] : memref<4x!tpu.dma_semaphore, #tpu.memory_space<semaphore_mem>> -> memref<1x!tpu.dma_semaphore, #tpu.memory_space<semaphore_mem>>
    %dma_start3A_15 = tpu.memref_squeeze %dma_start3A_14 : memref<1x!tpu.dma_semaphore, #tpu.memory_space<semaphore_mem>> -> memref<!tpu.dma_semaphore, #tpu.memory_space<semaphore_mem>>
    tpu.enqueue_indirect_dma source(%arg7 : memref<128x16xf32, #tpu.memory_space<vmem>>) target(%dma_start3A_13 : memref<10112x16xf32, #tpu.memory_space<vmem_shared>>) offsets(%dma_start3A_10 : memref<128xi32, #tpu.memory_space<vmem>>) semaphore(%dma_start3A_15 : memref<!tpu.dma_semaphore, #tpu.memory_space<semaphore_mem>>) {add = true}
    %dma_start3A_16 = arith.constant 1 : i32
    %dma_start3A_17 = arith.constant 1 : i32
    %dma_start3A_18 = arith.constant 0 : i32
    %dma_start3A_19 = tpu.memref_slice %arg6[%dma_start3A_16, %dma_start3A_18] : memref<80x128xi32, #tpu.memory_space<vmem>> -> memref<1x128xi32, #tpu.memory_space<vmem>>
    %dma_start3A_20 = tpu.memref_squeeze %dma_start3A_19 : memref<1x128xi32, #tpu.memory_space<vmem>> -> memref<128xi32, #tpu.memory_space<vmem>>
    %dma_start3A_21 = arith.constant 0 : i32
    %dma_start3A_22 = arith.constant 0 : i32
    %dma_start3A_23 = tpu.memref_slice %arg8[%dma_start3A_21, %dma_start3A_22] : memref<10112x16xf32, #tpu.memory_space<vmem_shared>> -> memref<10112x16xf32, #tpu.memory_space<vmem_shared>>
    %dma_start3A_24 = tpu.memref_slice %arg9[%dma_start3A_17] : memref<4x!tpu.dma_semaphore, #tpu.memory_space<semaphore_mem>> -> memref<1x!tpu.dma_semaphore, #tpu.memory_space<semaphore_mem>>
    %dma_start3A_25 = tpu.memref_squeeze %dma_start3A_24 : memref<1x!tpu.dma_semaphore, #tpu.memory_space<semaphore_mem>> -> memref<!tpu.dma_semaphore, #tpu.memory_space<semaphore_mem>>
    tpu.enqueue_indirect_dma source(%arg7 : memref<128x16xf32, #tpu.memory_space<vmem>>) target(%dma_start3A_23 : memref<10112x16xf32, #tpu.memory_space<vmem_shared>>) offsets(%dma_start3A_20 : memref<128xi32, #tpu.memory_space<vmem>>) semaphore(%dma_start3A_25 : memref<!tpu.dma_semaphore, #tpu.memory_space<semaphore_mem>>) {add = true}
    %dma_start3A_26 = arith.constant 2 : i32
    %dma_start3A_27 = arith.constant 2 : i32
    %dma_start3A_28 = arith.constant 0 : i32
    %dma_start3A_29 = tpu.memref_slice %arg6[%dma_start3A_26, %dma_start3A_28] : memref<80x128xi32, #tpu.memory_space<vmem>> -> memref<1x128xi32, #tpu.memory_space<vmem>>
    %dma_start3A_30 = tpu.memref_squeeze %dma_start3A_29 : memref<1x128xi32, #tpu.memory_space<vmem>> -> memref<128xi32, #tpu.memory_space<vmem>>
    %dma_start3A_31 = arith.constant 0 : i32
    %dma_start3A_32 = arith.constant 0 : i32
    %dma_start3A_33 = tpu.memref_slice %arg8[%dma_start3A_31, %dma_start3A_32] : memref<10112x16xf32, #tpu.memory_space<vmem_shared>> -> memref<10112x16xf32, #tpu.memory_space<vmem_shared>>
    %dma_start3A_34 = tpu.memref_slice %arg9[%dma_start3A_27] : memref<4x!tpu.dma_semaphore, #tpu.memory_space<semaphore_mem>> -> memref<1x!tpu.dma_semaphore, #tpu.memory_space<semaphore_mem>>
    %dma_start3A_35 = tpu.memref_squeeze %dma_start3A_34 : memref<1x!tpu.dma_semaphore, #tpu.memory_space<semaphore_mem>> -> memref<!tpu.dma_semaphore, #tpu.memory_space<semaphore_mem>>
    tpu.enqueue_indirect_dma source(%arg7 : memref<128x16xf32, #tpu.memory_space<vmem>>) target(%dma_start3A_33 : memref<10112x16xf32, #tpu.memory_space<vmem_shared>>) offsets(%dma_start3A_30 : memref<128xi32, #tpu.memory_space<vmem>>) semaphore(%dma_start3A_35 : memref<!tpu.dma_semaphore, #tpu.memory_space<semaphore_mem>>) {add = true}
    %dma_start3A_36 = arith.constant 3 : i32
    %dma_start3A_37 = arith.constant 3 : i32
    %dma_start3A_38 = arith.constant 0 : i32
    %dma_start3A_39 = tpu.memref_slice %arg6[%dma_start3A_36, %dma_start3A_38] : memref<80x128xi32, #tpu.memory_space<vmem>> -> memref<1x128xi32, #tpu.memory_space<vmem>>
    %dma_start3A_40 = tpu.memref_squeeze %dma_start3A_39 : memref<1x128xi32, #tpu.memory_space<vmem>> -> memref<128xi32, #tpu.memory_space<vmem>>
    %dma_start3A_41 = arith.constant 0 : i32
    %dma_start3A_42 = arith.constant 0 : i32
    %dma_start3A_43 = tpu.memref_slice %arg8[%dma_start3A_41, %dma_start3A_42] : memref<10112x16xf32, #tpu.memory_space<vmem_shared>> -> memref<10112x16xf32, #tpu.memory_space<vmem_shared>>
    %dma_start3A_44 = tpu.memref_slice %arg9[%dma_start3A_37] : memref<4x!tpu.dma_semaphore, #tpu.memory_space<semaphore_mem>> -> memref<1x!tpu.dma_semaphore, #tpu.memory_space<semaphore_mem>>
    %dma_start3A_45 = tpu.memref_squeeze %dma_start3A_44 : memref<1x!tpu.dma_semaphore, #tpu.memory_space<semaphore_mem>> -> memref<!tpu.dma_semaphore, #tpu.memory_space<semaphore_mem>>
    tpu.enqueue_indirect_dma source(%arg7 : memref<128x16xf32, #tpu.memory_space<vmem>>) target(%dma_start3A_43 : memref<10112x16xf32, #tpu.memory_space<vmem_shared>>) offsets(%dma_start3A_40 : memref<128xi32, #tpu.memory_space<vmem>>) semaphore(%dma_start3A_45 : memref<!tpu.dma_semaphore, #tpu.memory_space<semaphore_mem>>) {add = true}
    %scan3A = arith.constant 0 : i32
    %scan3A_46 = arith.constant 19 : i32
    %scan3A_47 = arith.addi %scan3A, %scan3A_46 : i32
    %scan3A_48 = arith.constant 1 : i32
    scf.for %scan3A_94 = %scan3A to %scan3A_47 step %scan3A_48  : i32 {
      %mul3A_95 = arith.constant 1 : i32
      %mul3A_96 = arith.muli %scan3A_94, %mul3A_95 : i32
      %add3A_97 = arith.constant 0 : i32
      %add3A_98 = arith.addi %add3A_97, %mul3A_96 : i32
      %mul3A_99 = arith.constant 4 : i32
      %mul3A_100 = arith.muli %add3A_98, %mul3A_99 : i32
      %add3A_101 = arith.constant 0 : i32
      %add3A_102 = arith.addi %mul3A_100, %add3A_101 : i32
      %dma_wait3A_103 = arith.constant 0 : i32
      %dma_wait3A_104 = arith.constant 0 : i32
      %dma_wait3A_105 = tpu.memref_slice %arg6[%add3A_102, %dma_wait3A_104] : memref<80x128xi32, #tpu.memory_space<vmem>> -> memref<1x128xi32, #tpu.memory_space<vmem>>
      %dma_wait3A_106 = tpu.memref_squeeze %dma_wait3A_105 : memref<1x128xi32, #tpu.memory_space<vmem>> -> memref<128xi32, #tpu.memory_space<vmem>>
      %dma_wait3A_107 = arith.constant 0 : i32
      %dma_wait3A_108 = arith.constant 0 : i32
      %dma_wait3A_109 = tpu.memref_slice %arg8[%dma_wait3A_107, %dma_wait3A_108] : memref<10112x16xf32, #tpu.memory_space<vmem_shared>> -> memref<10112x16xf32, #tpu.memory_space<vmem_shared>>
      %dma_wait3A_110 = tpu.memref_slice %arg9[%dma_wait3A_103] : memref<4x!tpu.dma_semaphore, #tpu.memory_space<semaphore_mem>> -> memref<1x!tpu.dma_semaphore, #tpu.memory_space<semaphore_mem>>
      %dma_wait3A_111 = tpu.memref_squeeze %dma_wait3A_110 : memref<1x!tpu.dma_semaphore, #tpu.memory_space<semaphore_mem>> -> memref<!tpu.dma_semaphore, #tpu.memory_space<semaphore_mem>>
      tpu.wait_indirect_dma semaphore(%dma_wait3A_111 : memref<!tpu.dma_semaphore, #tpu.memory_space<semaphore_mem>>) src(%arg7 : memref<128x16xf32, #tpu.memory_space<vmem>>) dst(%dma_wait3A_109 : memref<10112x16xf32, #tpu.memory_space<vmem_shared>>)
      %add3A_112 = arith.constant 4 : i32
      %add3A_113 = arith.addi %mul3A_100, %add3A_112 : i32
      %add3A_114 = arith.constant 0 : i32
      %add3A_115 = arith.addi %add3A_113, %add3A_114 : i32
      %dma_start3A_116 = arith.constant 0 : i32
      %dma_start3A_117 = arith.constant 0 : i32
      %dma_start3A_118 = tpu.memref_slice %arg6[%add3A_115, %dma_start3A_117] : memref<80x128xi32, #tpu.memory_space<vmem>> -> memref<1x128xi32, #tpu.memory_space<vmem>>
      %dma_start3A_119 = tpu.memref_squeeze %dma_start3A_118 : memref<1x128xi32, #tpu.memory_space<vmem>> -> memref<128xi32, #tpu.memory_space<vmem>>
      %dma_start3A_120 = arith.constant 0 : i32
      %dma_start3A_121 = arith.constant 0 : i32
      %dma_start3A_122 = tpu.memref_slice %arg8[%dma_start3A_120, %dma_start3A_121] : memref<10112x16xf32, #tpu.memory_space<vmem_shared>> -> memref<10112x16xf32, #tpu.memory_space<vmem_shared>>
      %dma_start3A_123 = tpu.memref_slice %arg9[%dma_start3A_116] : memref<4x!tpu.dma_semaphore, #tpu.memory_space<semaphore_mem>> -> memref<1x!tpu.dma_semaphore, #tpu.memory_space<semaphore_mem>>
      %dma_start3A_124 = tpu.memref_squeeze %dma_start3A_123 : memref<1x!tpu.dma_semaphore, #tpu.memory_space<semaphore_mem>> -> memref<!tpu.dma_semaphore, #tpu.memory_space<semaphore_mem>>
      tpu.enqueue_indirect_dma source(%arg7 : memref<128x16xf32, #tpu.memory_space<vmem>>) target(%dma_start3A_122 : memref<10112x16xf32, #tpu.memory_space<vmem_shared>>) offsets(%dma_start3A_119 : memref<128xi32, #tpu.memory_space<vmem>>) semaphore(%dma_start3A_124 : memref<!tpu.dma_semaphore, #tpu.memory_space<semaphore_mem>>) {add = true}
      %add3A_125 = arith.constant 1 : i32
      %add3A_126 = arith.addi %mul3A_100, %add3A_125 : i32
      %dma_wait3A_127 = arith.constant 1 : i32
      %dma_wait3A_128 = arith.constant 0 : i32
      %dma_wait3A_129 = tpu.memref_slice %arg6[%add3A_126, %dma_wait3A_128] : memref<80x128xi32, #tpu.memory_space<vmem>> -> memref<1x128xi32, #tpu.memory_space<vmem>>
      %dma_wait3A_130 = tpu.memref_squeeze %dma_wait3A_129 : memref<1x128xi32, #tpu.memory_space<vmem>> -> memref<128xi32, #tpu.memory_space<vmem>>
      %dma_wait3A_131 = arith.constant 0 : i32
      %dma_wait3A_132 = arith.constant 0 : i32
      %dma_wait3A_133 = tpu.memref_slice %arg8[%dma_wait3A_131, %dma_wait3A_132] : memref<10112x16xf32, #tpu.memory_space<vmem_shared>> -> memref<10112x16xf32, #tpu.memory_space<vmem_shared>>
      %dma_wait3A_134 = tpu.memref_slice %arg9[%dma_wait3A_127] : memref<4x!tpu.dma_semaphore, #tpu.memory_space<semaphore_mem>> -> memref<1x!tpu.dma_semaphore, #tpu.memory_space<semaphore_mem>>
      %dma_wait3A_135 = tpu.memref_squeeze %dma_wait3A_134 : memref<1x!tpu.dma_semaphore, #tpu.memory_space<semaphore_mem>> -> memref<!tpu.dma_semaphore, #tpu.memory_space<semaphore_mem>>
      tpu.wait_indirect_dma semaphore(%dma_wait3A_135 : memref<!tpu.dma_semaphore, #tpu.memory_space<semaphore_mem>>) src(%arg7 : memref<128x16xf32, #tpu.memory_space<vmem>>) dst(%dma_wait3A_133 : memref<10112x16xf32, #tpu.memory_space<vmem_shared>>)
      %add3A_136 = arith.constant 4 : i32
      %add3A_137 = arith.addi %mul3A_100, %add3A_136 : i32
      %add3A_138 = arith.constant 1 : i32
      %add3A_139 = arith.addi %add3A_137, %add3A_138 : i32
      %dma_start3A_140 = arith.constant 1 : i32
      %dma_start3A_141 = arith.constant 0 : i32
      %dma_start3A_142 = tpu.memref_slice %arg6[%add3A_139, %dma_start3A_141] : memref<80x128xi32, #tpu.memory_space<vmem>> -> memref<1x128xi32, #tpu.memory_space<vmem>>
      %dma_start3A_143 = tpu.memref_squeeze %dma_start3A_142 : memref<1x128xi32, #tpu.memory_space<vmem>> -> memref<128xi32, #tpu.memory_space<vmem>>
      %dma_start3A_144 = arith.constant 0 : i32
      %dma_start3A_145 = arith.constant 0 : i32
      %dma_start3A_146 = tpu.memref_slice %arg8[%dma_start3A_144, %dma_start3A_145] : memref<10112x16xf32, #tpu.memory_space<vmem_shared>> -> memref<10112x16xf32, #tpu.memory_space<vmem_shared>>
      %dma_start3A_147 = tpu.memref_slice %arg9[%dma_start3A_140] : memref<4x!tpu.dma_semaphore, #tpu.memory_space<semaphore_mem>> -> memref<1x!tpu.dma_semaphore, #tpu.memory_space<semaphore_mem>>
      %dma_start3A_148 = tpu.memref_squeeze %dma_start3A_147 : memref<1x!tpu.dma_semaphore, #tpu.memory_space<semaphore_mem>> -> memref<!tpu.dma_semaphore, #tpu.memory_space<semaphore_mem>>
      tpu.enqueue_indirect_dma source(%arg7 : memref<128x16xf32, #tpu.memory_space<vmem>>) target(%dma_start3A_146 : memref<10112x16xf32, #tpu.memory_space<vmem_shared>>) offsets(%dma_start3A_143 : memref<128xi32, #tpu.memory_space<vmem>>) semaphore(%dma_start3A_148 : memref<!tpu.dma_semaphore, #tpu.memory_space<semaphore_mem>>) {add = true}
      %add3A_149 = arith.constant 2 : i32
      %add3A_150 = arith.addi %mul3A_100, %add3A_149 : i32
      %dma_wait3A_151 = arith.constant 2 : i32
      %dma_wait3A_152 = arith.constant 0 : i32
      %dma_wait3A_153 = tpu.memref_slice %arg6[%add3A_150, %dma_wait3A_152] : memref<80x128xi32, #tpu.memory_space<vmem>> -> memref<1x128xi32, #tpu.memory_space<vmem>>
      %dma_wait3A_154 = tpu.memref_squeeze %dma_wait3A_153 : memref<1x128xi32, #tpu.memory_space<vmem>> -> memref<128xi32, #tpu.memory_space<vmem>>
      %dma_wait3A_155 = arith.constant 0 : i32
      %dma_wait3A_156 = arith.constant 0 : i32
      %dma_wait3A_157 = tpu.memref_slice %arg8[%dma_wait3A_155, %dma_wait3A_156] : memref<10112x16xf32, #tpu.memory_space<vmem_shared>> -> memref<10112x16xf32, #tpu.memory_space<vmem_shared>>
      %dma_wait3A_158 = tpu.memref_slice %arg9[%dma_wait3A_151] : memref<4x!tpu.dma_semaphore, #tpu.memory_space<semaphore_mem>> -> memref<1x!tpu.dma_semaphore, #tpu.memory_space<semaphore_mem>>
      %dma_wait3A_159 = tpu.memref_squeeze %dma_wait3A_158 : memref<1x!tpu.dma_semaphore, #tpu.memory_space<semaphore_mem>> -> memref<!tpu.dma_semaphore, #tpu.memory_space<semaphore_mem>>
      tpu.wait_indirect_dma semaphore(%dma_wait3A_159 : memref<!tpu.dma_semaphore, #tpu.memory_space<semaphore_mem>>) src(%arg7 : memref<128x16xf32, #tpu.memory_space<vmem>>) dst(%dma_wait3A_157 : memref<10112x16xf32, #tpu.memory_space<vmem_shared>>)
      %add3A_160 = arith.constant 4 : i32
      %add3A_161 = arith.addi %mul3A_100, %add3A_160 : i32
      %add3A_162 = arith.constant 2 : i32
      %add3A_163 = arith.addi %add3A_161, %add3A_162 : i32
      %dma_start3A_164 = arith.constant 2 : i32
      %dma_start3A_165 = arith.constant 0 : i32
      %dma_start3A_166 = tpu.memref_slice %arg6[%add3A_163, %dma_start3A_165] : memref<80x128xi32, #tpu.memory_space<vmem>> -> memref<1x128xi32, #tpu.memory_space<vmem>>
      %dma_start3A_167 = tpu.memref_squeeze %dma_start3A_166 : memref<1x128xi32, #tpu.memory_space<vmem>> -> memref<128xi32, #tpu.memory_space<vmem>>
      %dma_start3A_168 = arith.constant 0 : i32
      %dma_start3A_169 = arith.constant 0 : i32
      %dma_start3A_170 = tpu.memref_slice %arg8[%dma_start3A_168, %dma_start3A_169] : memref<10112x16xf32, #tpu.memory_space<vmem_shared>> -> memref<10112x16xf32, #tpu.memory_space<vmem_shared>>
      %dma_start3A_171 = tpu.memref_slice %arg9[%dma_start3A_164] : memref<4x!tpu.dma_semaphore, #tpu.memory_space<semaphore_mem>> -> memref<1x!tpu.dma_semaphore, #tpu.memory_space<semaphore_mem>>
      %dma_start3A_172 = tpu.memref_squeeze %dma_start3A_171 : memref<1x!tpu.dma_semaphore, #tpu.memory_space<semaphore_mem>> -> memref<!tpu.dma_semaphore, #tpu.memory_space<semaphore_mem>>
      tpu.enqueue_indirect_dma source(%arg7 : memref<128x16xf32, #tpu.memory_space<vmem>>) target(%dma_start3A_170 : memref<10112x16xf32, #tpu.memory_space<vmem_shared>>) offsets(%dma_start3A_167 : memref<128xi32, #tpu.memory_space<vmem>>) semaphore(%dma_start3A_172 : memref<!tpu.dma_semaphore, #tpu.memory_space<semaphore_mem>>) {add = true}
      %add3A_173 = arith.constant 3 : i32
      %add3A_174 = arith.addi %mul3A_100, %add3A_173 : i32
      %dma_wait3A_175 = arith.constant 3 : i32
      %dma_wait3A_176 = arith.constant 0 : i32
      %dma_wait3A_177 = tpu.memref_slice %arg6[%add3A_174, %dma_wait3A_176] : memref<80x128xi32, #tpu.memory_space<vmem>> -> memref<1x128xi32, #tpu.memory_space<vmem>>
      %dma_wait3A_178 = tpu.memref_squeeze %dma_wait3A_177 : memref<1x128xi32, #tpu.memory_space<vmem>> -> memref<128xi32, #tpu.memory_space<vmem>>
      %dma_wait3A_179 = arith.constant 0 : i32
      %dma_wait3A_180 = arith.constant 0 : i32
      %dma_wait3A_181 = tpu.memref_slice %arg8[%dma_wait3A_179, %dma_wait3A_180] : memref<10112x16xf32, #tpu.memory_space<vmem_shared>> -> memref<10112x16xf32, #tpu.memory_space<vmem_shared>>
      %dma_wait3A_182 = tpu.memref_slice %arg9[%dma_wait3A_175] : memref<4x!tpu.dma_semaphore, #tpu.memory_space<semaphore_mem>> -> memref<1x!tpu.dma_semaphore, #tpu.memory_space<semaphore_mem>>
      %dma_wait3A_183 = tpu.memref_squeeze %dma_wait3A_182 : memref<1x!tpu.dma_semaphore, #tpu.memory_space<semaphore_mem>> -> memref<!tpu.dma_semaphore, #tpu.memory_space<semaphore_mem>>
      tpu.wait_indirect_dma semaphore(%dma_wait3A_183 : memref<!tpu.dma_semaphore, #tpu.memory_space<semaphore_mem>>) src(%arg7 : memref<128x16xf32, #tpu.memory_space<vmem>>) dst(%dma_wait3A_181 : memref<10112x16xf32, #tpu.memory_space<vmem_shared>>)
      %add3A_184 = arith.constant 4 : i32
      %add3A_185 = arith.addi %mul3A_100, %add3A_184 : i32
      %add3A_186 = arith.constant 3 : i32
      %add3A_187 = arith.addi %add3A_185, %add3A_186 : i32
      %dma_start3A_188 = arith.constant 3 : i32
      %dma_start3A_189 = arith.constant 0 : i32
      %dma_start3A_190 = tpu.memref_slice %arg6[%add3A_187, %dma_start3A_189] : memref<80x128xi32, #tpu.memory_space<vmem>> -> memref<1x128xi32, #tpu.memory_space<vmem>>
      %dma_start3A_191 = tpu.memref_squeeze %dma_start3A_190 : memref<1x128xi32, #tpu.memory_space<vmem>> -> memref<128xi32, #tpu.memory_space<vmem>>
      %dma_start3A_192 = arith.constant 0 : i32
      %dma_start3A_193 = arith.constant 0 : i32
      %dma_start3A_194 = tpu.memref_slice %arg8[%dma_start3A_192, %dma_start3A_193] : memref<10112x16xf32, #tpu.memory_space<vmem_shared>> -> memref<10112x16xf32, #tpu.memory_space<vmem_shared>>
      %dma_start3A_195 = tpu.memref_slice %arg9[%dma_start3A_188] : memref<4x!tpu.dma_semaphore, #tpu.memory_space<semaphore_mem>> -> memref<1x!tpu.dma_semaphore, #tpu.memory_space<semaphore_mem>>
      %dma_start3A_196 = tpu.memref_squeeze %dma_start3A_195 : memref<1x!tpu.dma_semaphore, #tpu.memory_space<semaphore_mem>> -> memref<!tpu.dma_semaphore, #tpu.memory_space<semaphore_mem>>
      tpu.enqueue_indirect_dma source(%arg7 : memref<128x16xf32, #tpu.memory_space<vmem>>) target(%dma_start3A_194 : memref<10112x16xf32, #tpu.memory_space<vmem_shared>>) offsets(%dma_start3A_191 : memref<128xi32, #tpu.memory_space<vmem>>) semaphore(%dma_start3A_196 : memref<!tpu.dma_semaphore, #tpu.memory_space<semaphore_mem>>) {add = true}
    }
    %scan3A_49 = arith.constant 19 : i32
    %dma_wait3A = arith.constant 0 : i32
    %dma_wait3A_50 = arith.constant 0 : i32
    %dma_wait3A_51 = arith.constant 0 : i32
    %dma_wait3A_52 = tpu.memref_slice %arg6[%dma_wait3A, %dma_wait3A_51] : memref<80x128xi32, #tpu.memory_space<vmem>> -> memref<1x128xi32, #tpu.memory_space<vmem>>
    %dma_wait3A_53 = tpu.memref_squeeze %dma_wait3A_52 : memref<1x128xi32, #tpu.memory_space<vmem>> -> memref<128xi32, #tpu.memory_space<vmem>>
    %dma_wait3A_54 = arith.constant 0 : i32
    %dma_wait3A_55 = arith.constant 0 : i32
    %dma_wait3A_56 = tpu.memref_slice %arg8[%dma_wait3A_54, %dma_wait3A_55] : memref<10112x16xf32, #tpu.memory_space<vmem_shared>> -> memref<10112x16xf32, #tpu.memory_space<vmem_shared>>
    %dma_wait3A_57 = tpu.memref_slice %arg9[%dma_wait3A_50] : memref<4x!tpu.dma_semaphore, #tpu.memory_space<semaphore_mem>> -> memref<1x!tpu.dma_semaphore, #tpu.memory_space<semaphore_mem>>
    %dma_wait3A_58 = tpu.memref_squeeze %dma_wait3A_57 : memref<1x!tpu.dma_semaphore, #tpu.memory_space<semaphore_mem>> -> memref<!tpu.dma_semaphore, #tpu.memory_space<semaphore_mem>>
    tpu.wait_indirect_dma semaphore(%dma_wait3A_58 : memref<!tpu.dma_semaphore, #tpu.memory_space<semaphore_mem>>) src(%arg7 : memref<128x16xf32, #tpu.memory_space<vmem>>) dst(%dma_wait3A_56 : memref<10112x16xf32, #tpu.memory_space<vmem_shared>>)
    %dma_wait3A_59 = arith.constant 1 : i32
    %dma_wait3A_60 = arith.constant 1 : i32
    %dma_wait3A_61 = arith.constant 0 : i32
    %dma_wait3A_62 = tpu.memref_slice %arg6[%dma_wait3A_59, %dma_wait3A_61] : memref<80x128xi32, #tpu.memory_space<vmem>> -> memref<1x128xi32, #tpu.memory_space<vmem>>
    %dma_wait3A_63 = tpu.memref_squeeze %dma_wait3A_62 : memref<1x128xi32, #tpu.memory_space<vmem>> -> memref<128xi32, #tpu.memory_space<vmem>>
    %dma_wait3A_64 = arith.constant 0 : i32
    %dma_wait3A_65 = arith.constant 0 : i32
    %dma_wait3A_66 = tpu.memref_slice %arg8[%dma_wait3A_64, %dma_wait3A_65] : memref<10112x16xf32, #tpu.memory_space<vmem_shared>> -> memref<10112x16xf32, #tpu.memory_space<vmem_shared>>
    %dma_wait3A_67 = tpu.memref_slice %arg9[%dma_wait3A_60] : memref<4x!tpu.dma_semaphore, #tpu.memory_space<semaphore_mem>> -> memref<1x!tpu.dma_semaphore, #tpu.memory_space<semaphore_mem>>
    %dma_wait3A_68 = tpu.memref_squeeze %dma_wait3A_67 : memref<1x!tpu.dma_semaphore, #tpu.memory_space<semaphore_mem>> -> memref<!tpu.dma_semaphore, #tpu.memory_space<semaphore_mem>>
    tpu.wait_indirect_dma semaphore(%dma_wait3A_68 : memref<!tpu.dma_semaphore, #tpu.memory_space<semaphore_mem>>) src(%arg7 : memref<128x16xf32, #tpu.memory_space<vmem>>) dst(%dma_wait3A_66 : memref<10112x16xf32, #tpu.memory_space<vmem_shared>>)
    %dma_wait3A_69 = arith.constant 2 : i32
    %dma_wait3A_70 = arith.constant 2 : i32
    %dma_wait3A_71 = arith.constant 0 : i32
    %dma_wait3A_72 = tpu.memref_slice %arg6[%dma_wait3A_69, %dma_wait3A_71] : memref<80x128xi32, #tpu.memory_space<vmem>> -> memref<1x128xi32, #tpu.memory_space<vmem>>
    %dma_wait3A_73 = tpu.memref_squeeze %dma_wait3A_72 : memref<1x128xi32, #tpu.memory_space<vmem>> -> memref<128xi32, #tpu.memory_space<vmem>>
    %dma_wait3A_74 = arith.constant 0 : i32
    %dma_wait3A_75 = arith.constant 0 : i32
    %dma_wait3A_76 = tpu.memref_slice %arg8[%dma_wait3A_74, %dma_wait3A_75] : memref<10112x16xf32, #tpu.memory_space<vmem_shared>> -> memref<10112x16xf32, #tpu.memory_space<vmem_shared>>
    %dma_wait3A_77 = tpu.memref_slice %arg9[%dma_wait3A_70] : memref<4x!tpu.dma_semaphore, #tpu.memory_space<semaphore_mem>> -> memref<1x!tpu.dma_semaphore, #tpu.memory_space<semaphore_mem>>
    %dma_wait3A_78 = tpu.memref_squeeze %dma_wait3A_77 : memref<1x!tpu.dma_semaphore, #tpu.memory_space<semaphore_mem>> -> memref<!tpu.dma_semaphore, #tpu.memory_space<semaphore_mem>>
    tpu.wait_indirect_dma semaphore(%dma_wait3A_78 : memref<!tpu.dma_semaphore, #tpu.memory_space<semaphore_mem>>) src(%arg7 : memref<128x16xf32, #tpu.memory_space<vmem>>) dst(%dma_wait3A_76 : memref<10112x16xf32, #tpu.memory_space<vmem_shared>>)
    %dma_wait3A_79 = arith.constant 3 : i32
    %dma_wait3A_80 = arith.constant 3 : i32
    %dma_wait3A_81 = arith.constant 0 : i32
    %dma_wait3A_82 = tpu.memref_slice %arg6[%dma_wait3A_79, %dma_wait3A_81] : memref<80x128xi32, #tpu.memory_space<vmem>> -> memref<1x128xi32, #tpu.memory_space<vmem>>
    %dma_wait3A_83 = tpu.memref_squeeze %dma_wait3A_82 : memref<1x128xi32, #tpu.memory_space<vmem>> -> memref<128xi32, #tpu.memory_space<vmem>>
    %dma_wait3A_84 = arith.constant 0 : i32
    %dma_wait3A_85 = arith.constant 0 : i32
    %dma_wait3A_86 = tpu.memref_slice %arg8[%dma_wait3A_84, %dma_wait3A_85] : memref<10112x16xf32, #tpu.memory_space<vmem_shared>> -> memref<10112x16xf32, #tpu.memory_space<vmem_shared>>
    %dma_wait3A_87 = tpu.memref_slice %arg9[%dma_wait3A_80] : memref<4x!tpu.dma_semaphore, #tpu.memory_space<semaphore_mem>> -> memref<1x!tpu.dma_semaphore, #tpu.memory_space<semaphore_mem>>
    %dma_wait3A_88 = tpu.memref_squeeze %dma_wait3A_87 : memref<1x!tpu.dma_semaphore, #tpu.memory_space<semaphore_mem>> -> memref<!tpu.dma_semaphore, #tpu.memory_space<semaphore_mem>>
    tpu.wait_indirect_dma semaphore(%dma_wait3A_88 : memref<!tpu.dma_semaphore, #tpu.memory_space<semaphore_mem>>) src(%arg7 : memref<128x16xf32, #tpu.memory_space<vmem>>) dst(%dma_wait3A_86 : memref<10112x16xf32, #tpu.memory_space<vmem_shared>>)
    %barrier3A_89 = arith.constant 0 : index
    tpu.barrier barrier_id(%barrier3A_89)
    %mul3A_90 = arith.constant 632 : i32
    %mul3A_91 = arith.muli %arg1, %mul3A_90 : i32
    %mul3A_92 = arith.constant 632 : i32
    %mul3A_93 = arith.muli %arg1, %mul3A_92 : i32
    "tpu.region"() ({
      %run_scoped3A = tpu.sem_alloc : memref<!tpu.dma_semaphore, #tpu.memory_space<semaphore_mem>>
      %dma_start3A_94 = arith.constant 0 : i32
      %dma_start3A_95 = arith.constant 0 : i32
      %dma_start3A_96 = tpu.memref_slice %arg5[%arg0, %dma_start3A_94, %dma_start3A_95] : memref<2x10112x16xf32, #tpu.memory_space<hbm>> -> memref<1x10112x16xf32, #tpu.memory_space<hbm>>
      %dma_start3A_97 = tpu.memref_squeeze %dma_start3A_96 : memref<1x10112x16xf32, #tpu.memory_space<hbm>> -> memref<10112x16xf32, #tpu.memory_space<hbm>>
      %dma_start3A_98 = arith.constant 0 : i32
      %dma_start3A_99 = tpu.memref_slice %dma_start3A_97[%mul3A_93, %dma_start3A_98] : memref<10112x16xf32, #tpu.memory_space<hbm>> -> memref<632x16xf32, #tpu.memory_space<hbm>>
      %dma_start3A_100 = arith.constant 0 : i32
      %dma_start3A_101 = tpu.memref_slice %arg8[%mul3A_91, %dma_start3A_100] : memref<10112x16xf32, #tpu.memory_space<vmem_shared>> -> memref<632x16xf32, #tpu.memory_space<vmem_shared>>
      tpu.enqueue_dma source(%dma_start3A_101 : memref<632x16xf32, #tpu.memory_space<vmem_shared>>) target(%dma_start3A_99 : memref<632x16xf32, #tpu.memory_space<hbm>>) target_semaphore(%run_scoped3A : memref<!tpu.dma_semaphore, #tpu.memory_space<semaphore_mem>>)
      %dma_wait3A_102 = arith.constant 0 : i32
      %dma_wait3A_103 = arith.constant 0 : i32
      %dma_wait3A_104 = tpu.memref_slice %arg5[%arg0, %dma_wait3A_102, %dma_wait3A_103] : memref<2x10112x16xf32, #tpu.memory_space<hbm>> -> memref<1x10112x16xf32, #tpu.memory_space<hbm>>
      %dma_wait3A_105 = tpu.memref_squeeze %dma_wait3A_104 : memref<1x10112x16xf32, #tpu.memory_space<hbm>> -> memref<10112x16xf32, #tpu.memory_space<hbm>>
      %dma_wait3A_106 = arith.constant 0 : i32
      %dma_wait3A_107 = tpu.memref_slice %dma_wait3A_105[%mul3A_93, %dma_wait3A_106] : memref<10112x16xf32, #tpu.memory_space<hbm>> -> memref<632x16xf32, #tpu.memory_space<hbm>>
      %dma_wait3A_108 = arith.constant 0 : i32
      %dma_wait3A_109 = tpu.memref_slice %arg8[%mul3A_91, %dma_wait3A_108] : memref<10112x16xf32, #tpu.memory_space<vmem_shared>> -> memref<632x16xf32, #tpu.memory_space<vmem_shared>>
      tpu.wait_dma2 semaphore(%run_scoped3A : memref<!tpu.dma_semaphore, #tpu.memory_space<semaphore_mem>>) src(%dma_wait3A_109 : memref<632x16xf32, #tpu.memory_space<vmem_shared>>) dst(%dma_wait3A_107 : memref<632x16xf32, #tpu.memory_space<hbm>>)
      tpu.yield
    }) : () -> ()
    return
  }
}

#map = affine_map<(d0, d1) -> (0, 0)>
#map1 = affine_map<(d0, d1) -> (0, 0, 0)>
module attributes {stable_mosaic.version = 14 : i64} {
  func.func @k(%arg0: i32, %arg1: i32, %arg2: memref<2560x128xi32, #tpu.memory_space<hbm>>, %arg3: memref<2560x128xi32, #tpu.memory_space<hbm>>, %arg4: memref<10112x64xf32, #tpu.memory_space<hbm>>, %arg5: memref<10112x64xf32, #tpu.memory_space<hbm>>, %arg6: memref<2x10112x64xf32, #tpu.memory_space<hbm>>, %arg7: memref<80x128xi32, #tpu.memory_space<vmem>>, %arg8: memref<80x128xi32, #tpu.memory_space<vmem>>, %arg9: memref<2x128x64xf32, #tpu.memory_space<vmem>>, %arg10: memref<10112x64xf32, #tpu.memory_space<vmem_shared>>, %arg11: memref<10112x64xf32, #tpu.memory_space<vmem_shared>>, %arg12: memref<2x!tpu.dma_semaphore, #tpu.memory_space<semaphore_mem>>, %arg13: memref<2x!tpu.dma_semaphore, #tpu.memory_space<semaphore_mem>>, %arg14: memref<4x!tpu.dma_semaphore, #tpu.memory_space<semaphore_mem>>) attributes {dimension_semantics = [#tpu.dimension_semantics<core_parallel>, #tpu.dimension_semantics<subcore_parallel>], iteration_bounds = array<i64: 2, 16>, scalar_prefetch = 0 : i64, scratch_operands = 8 : i64, tpu.core_type = #tpu.core_type<sc_vector_subcore>, window_params = [{transform_indices = #map}, {transform_indices = #map}, {transform_indices = #map}, {transform_indices = #map}, {transform_indices = #map1}]} {
    %mul3A = arith.constant 16 : i32
    %mul3A_0 = arith.muli %arg0, %mul3A : i32
    %add3A = arith.addi %mul3A_0, %arg1 : i32
    %mul3A_1 = arith.constant 80 : i32
    %mul3A_2 = arith.muli %add3A, %mul3A_1 : i32
    %dma_start3A = arith.constant 0 : i32
    %dma_start3A_3 = arith.constant 0 : i32
    %dma_start3A_4 = tpu.memref_slice %arg2[%mul3A_2, %dma_start3A_3] : memref<2560x128xi32, #tpu.memory_space<hbm>> -> memref<80x128xi32, #tpu.memory_space<hbm>>
    %dma_start3A_5 = tpu.memref_slice %arg14[%dma_start3A] : memref<4x!tpu.dma_semaphore, #tpu.memory_space<semaphore_mem>> -> memref<1x!tpu.dma_semaphore, #tpu.memory_space<semaphore_mem>>
    %dma_start3A_6 = tpu.memref_squeeze %dma_start3A_5 : memref<1x!tpu.dma_semaphore, #tpu.memory_space<semaphore_mem>> -> memref<!tpu.dma_semaphore, #tpu.memory_space<semaphore_mem>>
    %dma_start3A_7 = arith.constant 0 : i32
    %dma_start3A_8 = tpu.memref_slice %arg2[%mul3A_2, %dma_start3A_7] : memref<2560x128xi32, #tpu.memory_space<hbm>> -> memref<80x128xi32, #tpu.memory_space<hbm>>
    tpu.enqueue_dma source(%dma_start3A_8 : memref<80x128xi32, #tpu.memory_space<hbm>>) target(%arg7 : memref<80x128xi32, #tpu.memory_space<vmem>>) target_semaphore(%dma_start3A_6 : memref<!tpu.dma_semaphore, #tpu.memory_space<semaphore_mem>>)
    %mul3A_9 = arith.constant 80 : i32
    %mul3A_10 = arith.muli %add3A, %mul3A_9 : i32
    %dma_start3A_11 = arith.constant 1 : i32
    %dma_start3A_12 = arith.constant 0 : i32
    %dma_start3A_13 = tpu.memref_slice %arg3[%mul3A_10, %dma_start3A_12] : memref<2560x128xi32, #tpu.memory_space<hbm>> -> memref<80x128xi32, #tpu.memory_space<hbm>>
    %dma_start3A_14 = tpu.memref_slice %arg14[%dma_start3A_11] : memref<4x!tpu.dma_semaphore, #tpu.memory_space<semaphore_mem>> -> memref<1x!tpu.dma_semaphore, #tpu.memory_space<semaphore_mem>>
    %dma_start3A_15 = tpu.memref_squeeze %dma_start3A_14 : memref<1x!tpu.dma_semaphore, #tpu.memory_space<semaphore_mem>> -> memref<!tpu.dma_semaphore, #tpu.memory_space<semaphore_mem>>
    %dma_start3A_16 = arith.constant 0 : i32
    %dma_start3A_17 = tpu.memref_slice %arg3[%mul3A_10, %dma_start3A_16] : memref<2560x128xi32, #tpu.memory_space<hbm>> -> memref<80x128xi32, #tpu.memory_space<hbm>>
    tpu.enqueue_dma source(%dma_start3A_17 : memref<80x128xi32, #tpu.memory_space<hbm>>) target(%arg8 : memref<80x128xi32, #tpu.memory_space<vmem>>) target_semaphore(%dma_start3A_15 : memref<!tpu.dma_semaphore, #tpu.memory_space<semaphore_mem>>)
    %mul3A_18 = arith.constant 632 : i32
    %mul3A_19 = arith.muli %arg1, %mul3A_18 : i32
    %mul3A_20 = arith.constant 632 : i32
    %mul3A_21 = arith.muli %arg1, %mul3A_20 : i32
    %dma_start3A_22 = arith.constant 2 : i32
    %dma_start3A_23 = tpu.memref_slice %arg14[%dma_start3A_22] : memref<4x!tpu.dma_semaphore, #tpu.memory_space<semaphore_mem>> -> memref<1x!tpu.dma_semaphore, #tpu.memory_space<semaphore_mem>>
    %dma_start3A_24 = tpu.memref_squeeze %dma_start3A_23 : memref<1x!tpu.dma_semaphore, #tpu.memory_space<semaphore_mem>> -> memref<!tpu.dma_semaphore, #tpu.memory_space<semaphore_mem>>
    %dma_start3A_25 = arith.constant 0 : i32
    %dma_start3A_26 = tpu.memref_slice %arg10[%mul3A_21, %dma_start3A_25] : memref<10112x64xf32, #tpu.memory_space<vmem_shared>> -> memref<632x64xf32, #tpu.memory_space<vmem_shared>>
    %dma_start3A_27 = arith.constant 0 : i32
    %dma_start3A_28 = tpu.memref_slice %arg4[%mul3A_19, %dma_start3A_27] : memref<10112x64xf32, #tpu.memory_space<hbm>> -> memref<632x64xf32, #tpu.memory_space<hbm>>
    tpu.enqueue_dma source(%dma_start3A_28 : memref<632x64xf32, #tpu.memory_space<hbm>>) target(%dma_start3A_26 : memref<632x64xf32, #tpu.memory_space<vmem_shared>>) target_semaphore(%dma_start3A_24 : memref<!tpu.dma_semaphore, #tpu.memory_space<semaphore_mem>>)
    %mul3A_29 = arith.constant 632 : i32
    %mul3A_30 = arith.muli %arg1, %mul3A_29 : i32
    %mul3A_31 = arith.constant 632 : i32
    %mul3A_32 = arith.muli %arg1, %mul3A_31 : i32
    %dma_start3A_33 = arith.constant 3 : i32
    %dma_start3A_34 = tpu.memref_slice %arg14[%dma_start3A_33] : memref<4x!tpu.dma_semaphore, #tpu.memory_space<semaphore_mem>> -> memref<1x!tpu.dma_semaphore, #tpu.memory_space<semaphore_mem>>
    %dma_start3A_35 = tpu.memref_squeeze %dma_start3A_34 : memref<1x!tpu.dma_semaphore, #tpu.memory_space<semaphore_mem>> -> memref<!tpu.dma_semaphore, #tpu.memory_space<semaphore_mem>>
    %dma_start3A_36 = arith.constant 0 : i32
    %dma_start3A_37 = tpu.memref_slice %arg11[%mul3A_32, %dma_start3A_36] : memref<10112x64xf32, #tpu.memory_space<vmem_shared>> -> memref<632x64xf32, #tpu.memory_space<vmem_shared>>
    %dma_start3A_38 = arith.constant 0 : i32
    %dma_start3A_39 = tpu.memref_slice %arg5[%mul3A_30, %dma_start3A_38] : memref<10112x64xf32, #tpu.memory_space<hbm>> -> memref<632x64xf32, #tpu.memory_space<hbm>>
    tpu.enqueue_dma source(%dma_start3A_39 : memref<632x64xf32, #tpu.memory_space<hbm>>) target(%dma_start3A_37 : memref<632x64xf32, #tpu.memory_space<vmem_shared>>) target_semaphore(%dma_start3A_35 : memref<!tpu.dma_semaphore, #tpu.memory_space<semaphore_mem>>)
    %mul3A_40 = arith.constant 80 : i32
    %mul3A_41 = arith.muli %add3A, %mul3A_40 : i32
    %dma_wait3A = arith.constant 0 : i32
    %dma_wait3A_42 = arith.constant 0 : i32
    %dma_wait3A_43 = tpu.memref_slice %arg2[%mul3A_41, %dma_wait3A_42] : memref<2560x128xi32, #tpu.memory_space<hbm>> -> memref<80x128xi32, #tpu.memory_space<hbm>>
    %dma_wait3A_44 = tpu.memref_slice %arg14[%dma_wait3A] : memref<4x!tpu.dma_semaphore, #tpu.memory_space<semaphore_mem>> -> memref<1x!tpu.dma_semaphore, #tpu.memory_space<semaphore_mem>>
    %dma_wait3A_45 = tpu.memref_squeeze %dma_wait3A_44 : memref<1x!tpu.dma_semaphore, #tpu.memory_space<semaphore_mem>> -> memref<!tpu.dma_semaphore, #tpu.memory_space<semaphore_mem>>
    %dma_wait3A_46 = arith.constant 0 : i32
    %dma_wait3A_47 = tpu.memref_slice %arg2[%mul3A_41, %dma_wait3A_46] : memref<2560x128xi32, #tpu.memory_space<hbm>> -> memref<80x128xi32, #tpu.memory_space<hbm>>
    tpu.wait_dma2 semaphore(%dma_wait3A_45 : memref<!tpu.dma_semaphore, #tpu.memory_space<semaphore_mem>>) src(%dma_wait3A_47 : memref<80x128xi32, #tpu.memory_space<hbm>>) dst(%arg7 : memref<80x128xi32, #tpu.memory_space<vmem>>)
    %mul3A_48 = arith.constant 80 : i32
    %mul3A_49 = arith.muli %add3A, %mul3A_48 : i32
    %dma_wait3A_50 = arith.constant 1 : i32
    %dma_wait3A_51 = arith.constant 0 : i32
    %dma_wait3A_52 = tpu.memref_slice %arg3[%mul3A_49, %dma_wait3A_51] : memref<2560x128xi32, #tpu.memory_space<hbm>> -> memref<80x128xi32, #tpu.memory_space<hbm>>
    %dma_wait3A_53 = tpu.memref_slice %arg14[%dma_wait3A_50] : memref<4x!tpu.dma_semaphore, #tpu.memory_space<semaphore_mem>> -> memref<1x!tpu.dma_semaphore, #tpu.memory_space<semaphore_mem>>
    %dma_wait3A_54 = tpu.memref_squeeze %dma_wait3A_53 : memref<1x!tpu.dma_semaphore, #tpu.memory_space<semaphore_mem>> -> memref<!tpu.dma_semaphore, #tpu.memory_space<semaphore_mem>>
    %dma_wait3A_55 = arith.constant 0 : i32
    %dma_wait3A_56 = tpu.memref_slice %arg3[%mul3A_49, %dma_wait3A_55] : memref<2560x128xi32, #tpu.memory_space<hbm>> -> memref<80x128xi32, #tpu.memory_space<hbm>>
    tpu.wait_dma2 semaphore(%dma_wait3A_54 : memref<!tpu.dma_semaphore, #tpu.memory_space<semaphore_mem>>) src(%dma_wait3A_56 : memref<80x128xi32, #tpu.memory_space<hbm>>) dst(%arg8 : memref<80x128xi32, #tpu.memory_space<vmem>>)
    %mul3A_57 = arith.constant 632 : i32
    %mul3A_58 = arith.muli %arg1, %mul3A_57 : i32
    %mul3A_59 = arith.constant 632 : i32
    %mul3A_60 = arith.muli %arg1, %mul3A_59 : i32
    %dma_wait3A_61 = arith.constant 2 : i32
    %dma_wait3A_62 = tpu.memref_slice %arg14[%dma_wait3A_61] : memref<4x!tpu.dma_semaphore, #tpu.memory_space<semaphore_mem>> -> memref<1x!tpu.dma_semaphore, #tpu.memory_space<semaphore_mem>>
    %dma_wait3A_63 = tpu.memref_squeeze %dma_wait3A_62 : memref<1x!tpu.dma_semaphore, #tpu.memory_space<semaphore_mem>> -> memref<!tpu.dma_semaphore, #tpu.memory_space<semaphore_mem>>
    %dma_wait3A_64 = arith.constant 0 : i32
    %dma_wait3A_65 = tpu.memref_slice %arg10[%mul3A_60, %dma_wait3A_64] : memref<10112x64xf32, #tpu.memory_space<vmem_shared>> -> memref<632x64xf32, #tpu.memory_space<vmem_shared>>
    %dma_wait3A_66 = arith.constant 0 : i32
    %dma_wait3A_67 = tpu.memref_slice %arg4[%mul3A_58, %dma_wait3A_66] : memref<10112x64xf32, #tpu.memory_space<hbm>> -> memref<632x64xf32, #tpu.memory_space<hbm>>
    tpu.wait_dma2 semaphore(%dma_wait3A_63 : memref<!tpu.dma_semaphore, #tpu.memory_space<semaphore_mem>>) src(%dma_wait3A_67 : memref<632x64xf32, #tpu.memory_space<hbm>>) dst(%dma_wait3A_65 : memref<632x64xf32, #tpu.memory_space<vmem_shared>>)
    %mul3A_68 = arith.constant 632 : i32
    %mul3A_69 = arith.muli %arg1, %mul3A_68 : i32
    %mul3A_70 = arith.constant 632 : i32
    %mul3A_71 = arith.muli %arg1, %mul3A_70 : i32
    %dma_wait3A_72 = arith.constant 3 : i32
    %dma_wait3A_73 = tpu.memref_slice %arg14[%dma_wait3A_72] : memref<4x!tpu.dma_semaphore, #tpu.memory_space<semaphore_mem>> -> memref<1x!tpu.dma_semaphore, #tpu.memory_space<semaphore_mem>>
    %dma_wait3A_74 = tpu.memref_squeeze %dma_wait3A_73 : memref<1x!tpu.dma_semaphore, #tpu.memory_space<semaphore_mem>> -> memref<!tpu.dma_semaphore, #tpu.memory_space<semaphore_mem>>
    %dma_wait3A_75 = arith.constant 0 : i32
    %dma_wait3A_76 = tpu.memref_slice %arg11[%mul3A_71, %dma_wait3A_75] : memref<10112x64xf32, #tpu.memory_space<vmem_shared>> -> memref<632x64xf32, #tpu.memory_space<vmem_shared>>
    %dma_wait3A_77 = arith.constant 0 : i32
    %dma_wait3A_78 = tpu.memref_slice %arg5[%mul3A_69, %dma_wait3A_77] : memref<10112x64xf32, #tpu.memory_space<hbm>> -> memref<632x64xf32, #tpu.memory_space<hbm>>
    tpu.wait_dma2 semaphore(%dma_wait3A_74 : memref<!tpu.dma_semaphore, #tpu.memory_space<semaphore_mem>>) src(%dma_wait3A_78 : memref<632x64xf32, #tpu.memory_space<hbm>>) dst(%dma_wait3A_76 : memref<632x64xf32, #tpu.memory_space<vmem_shared>>)
    %barrier3A = arith.constant 0 : index
    tpu.barrier barrier_id(%barrier3A)
    %dma_start3A_79 = arith.constant 0 : i32
    %dma_start3A_80 = arith.constant 0 : i32
    %dma_start3A_81 = arith.constant 0 : i32
    %dma_start3A_82 = arith.constant 0 : i32
    %dma_start3A_83 = arith.constant 0 : i32
    %dma_start3A_84 = tpu.memref_slice %arg9[%dma_start3A_80, %dma_start3A_82, %dma_start3A_83] : memref<2x128x64xf32, #tpu.memory_space<vmem>> -> memref<1x128x64xf32, #tpu.memory_space<vmem>>
    %dma_start3A_85 = tpu.memref_squeeze %dma_start3A_84 : memref<1x128x64xf32, #tpu.memory_space<vmem>> -> memref<128x64xf32, #tpu.memory_space<vmem>>
    %dma_start3A_86 = arith.constant 0 : i32
    %dma_start3A_87 = tpu.memref_slice %arg7[%dma_start3A_79, %dma_start3A_86] : memref<80x128xi32, #tpu.memory_space<vmem>> -> memref<1x128xi32, #tpu.memory_space<vmem>>
    %dma_start3A_88 = tpu.memref_squeeze %dma_start3A_87 : memref<1x128xi32, #tpu.memory_space<vmem>> -> memref<128xi32, #tpu.memory_space<vmem>>
    %dma_start3A_89 = arith.constant 0 : i32
    %dma_start3A_90 = arith.constant 0 : i32
    %dma_start3A_91 = tpu.memref_slice %arg10[%dma_start3A_89, %dma_start3A_90] : memref<10112x64xf32, #tpu.memory_space<vmem_shared>> -> memref<10112x64xf32, #tpu.memory_space<vmem_shared>>
    %dma_start3A_92 = tpu.memref_slice %arg12[%dma_start3A_81] : memref<2x!tpu.dma_semaphore, #tpu.memory_space<semaphore_mem>> -> memref<1x!tpu.dma_semaphore, #tpu.memory_space<semaphore_mem>>
    %dma_start3A_93 = tpu.memref_squeeze %dma_start3A_92 : memref<1x!tpu.dma_semaphore, #tpu.memory_space<semaphore_mem>> -> memref<!tpu.dma_semaphore, #tpu.memory_space<semaphore_mem>>
    tpu.enqueue_indirect_dma source(%dma_start3A_91 : memref<10112x64xf32, #tpu.memory_space<vmem_shared>>) target(%dma_start3A_85 : memref<128x64xf32, #tpu.memory_space<vmem>>) offsets(%dma_start3A_88 : memref<128xi32, #tpu.memory_space<vmem>>) semaphore(%dma_start3A_93 : memref<!tpu.dma_semaphore, #tpu.memory_space<semaphore_mem>>)
    %dma_start3A_94 = arith.constant 1 : i32
    %dma_start3A_95 = arith.constant 1 : i32
    %dma_start3A_96 = arith.constant 1 : i32
    %dma_start3A_97 = arith.constant 0 : i32
    %dma_start3A_98 = arith.constant 0 : i32
    %dma_start3A_99 = tpu.memref_slice %arg9[%dma_start3A_95, %dma_start3A_97, %dma_start3A_98] : memref<2x128x64xf32, #tpu.memory_space<vmem>> -> memref<1x128x64xf32, #tpu.memory_space<vmem>>
    %dma_start3A_100 = tpu.memref_squeeze %dma_start3A_99 : memref<1x128x64xf32, #tpu.memory_space<vmem>> -> memref<128x64xf32, #tpu.memory_space<vmem>>
    %dma_start3A_101 = arith.constant 0 : i32
    %dma_start3A_102 = tpu.memref_slice %arg7[%dma_start3A_94, %dma_start3A_101] : memref<80x128xi32, #tpu.memory_space<vmem>> -> memref<1x128xi32, #tpu.memory_space<vmem>>
    %dma_start3A_103 = tpu.memref_squeeze %dma_start3A_102 : memref<1x128xi32, #tpu.memory_space<vmem>> -> memref<128xi32, #tpu.memory_space<vmem>>
    %dma_start3A_104 = arith.constant 0 : i32
    %dma_start3A_105 = arith.constant 0 : i32
    %dma_start3A_106 = tpu.memref_slice %arg10[%dma_start3A_104, %dma_start3A_105] : memref<10112x64xf32, #tpu.memory_space<vmem_shared>> -> memref<10112x64xf32, #tpu.memory_space<vmem_shared>>
    %dma_start3A_107 = tpu.memref_slice %arg12[%dma_start3A_96] : memref<2x!tpu.dma_semaphore, #tpu.memory_space<semaphore_mem>> -> memref<1x!tpu.dma_semaphore, #tpu.memory_space<semaphore_mem>>
    %dma_start3A_108 = tpu.memref_squeeze %dma_start3A_107 : memref<1x!tpu.dma_semaphore, #tpu.memory_space<semaphore_mem>> -> memref<!tpu.dma_semaphore, #tpu.memory_space<semaphore_mem>>
    tpu.enqueue_indirect_dma source(%dma_start3A_106 : memref<10112x64xf32, #tpu.memory_space<vmem_shared>>) target(%dma_start3A_100 : memref<128x64xf32, #tpu.memory_space<vmem>>) offsets(%dma_start3A_103 : memref<128xi32, #tpu.memory_space<vmem>>) semaphore(%dma_start3A_108 : memref<!tpu.dma_semaphore, #tpu.memory_space<semaphore_mem>>)
    %scan3A = arith.constant 0 : i32
    %scan3A_109 = arith.constant 39 : i32
    %scan3A_110 = arith.addi %scan3A, %scan3A_109 : i32
    %scan3A_111 = arith.constant 1 : i32
    scf.for %scan3A_208 = %scan3A to %scan3A_110 step %scan3A_111  : i32 {
      %mul3A_209 = arith.constant 1 : i32
      %mul3A_210 = arith.muli %scan3A_208, %mul3A_209 : i32
      %add3A_211 = arith.constant 0 : i32
      %add3A_212 = arith.addi %add3A_211, %mul3A_210 : i32
      %mul3A_213 = arith.constant 2 : i32
      %mul3A_214 = arith.muli %add3A_212, %mul3A_213 : i32
      %add3A_215 = arith.constant 0 : i32
      %add3A_216 = arith.addi %mul3A_214, %add3A_215 : i32
      %dma_wait3A_217 = arith.constant 0 : i32
      %dma_wait3A_218 = arith.constant 0 : i32
      %dma_wait3A_219 = arith.constant 0 : i32
      %dma_wait3A_220 = arith.constant 0 : i32
      %dma_wait3A_221 = tpu.memref_slice %arg9[%dma_wait3A_217, %dma_wait3A_219, %dma_wait3A_220] : memref<2x128x64xf32, #tpu.memory_space<vmem>> -> memref<1x128x64xf32, #tpu.memory_space<vmem>>
      %dma_wait3A_222 = tpu.memref_squeeze %dma_wait3A_221 : memref<1x128x64xf32, #tpu.memory_space<vmem>> -> memref<128x64xf32, #tpu.memory_space<vmem>>
      %dma_wait3A_223 = arith.constant 0 : i32
      %dma_wait3A_224 = tpu.memref_slice %arg7[%add3A_216, %dma_wait3A_223] : memref<80x128xi32, #tpu.memory_space<vmem>> -> memref<1x128xi32, #tpu.memory_space<vmem>>
      %dma_wait3A_225 = tpu.memref_squeeze %dma_wait3A_224 : memref<1x128xi32, #tpu.memory_space<vmem>> -> memref<128xi32, #tpu.memory_space<vmem>>
      %dma_wait3A_226 = arith.constant 0 : i32
      %dma_wait3A_227 = arith.constant 0 : i32
      %dma_wait3A_228 = tpu.memref_slice %arg10[%dma_wait3A_226, %dma_wait3A_227] : memref<10112x64xf32, #tpu.memory_space<vmem_shared>> -> memref<10112x64xf32, #tpu.memory_space<vmem_shared>>
      %dma_wait3A_229 = tpu.memref_slice %arg12[%dma_wait3A_218] : memref<2x!tpu.dma_semaphore, #tpu.memory_space<semaphore_mem>> -> memref<1x!tpu.dma_semaphore, #tpu.memory_space<semaphore_mem>>
      %dma_wait3A_230 = tpu.memref_squeeze %dma_wait3A_229 : memref<1x!tpu.dma_semaphore, #tpu.memory_space<semaphore_mem>> -> memref<!tpu.dma_semaphore, #tpu.memory_space<semaphore_mem>>
      tpu.wait_indirect_dma semaphore(%dma_wait3A_230 : memref<!tpu.dma_semaphore, #tpu.memory_space<semaphore_mem>>) src(%dma_wait3A_228 : memref<10112x64xf32, #tpu.memory_space<vmem_shared>>) dst(%dma_wait3A_222 : memref<128x64xf32, #tpu.memory_space<vmem>>)
      %add3A_231 = arith.constant 0 : i32
      %add3A_232 = arith.addi %mul3A_214, %add3A_231 : i32
      %dma_start3A_233 = arith.constant 0 : i32
      %dma_start3A_234 = arith.constant 0 : i32
      %dma_start3A_235 = arith.constant 0 : i32
      %dma_start3A_236 = arith.constant 0 : i32
      %dma_start3A_237 = tpu.memref_slice %arg9[%dma_start3A_233, %dma_start3A_235, %dma_start3A_236] : memref<2x128x64xf32, #tpu.memory_space<vmem>> -> memref<1x128x64xf32, #tpu.memory_space<vmem>>
      %dma_start3A_238 = tpu.memref_squeeze %dma_start3A_237 : memref<1x128x64xf32, #tpu.memory_space<vmem>> -> memref<128x64xf32, #tpu.memory_space<vmem>>
      %dma_start3A_239 = arith.constant 0 : i32
      %dma_start3A_240 = tpu.memref_slice %arg8[%add3A_232, %dma_start3A_239] : memref<80x128xi32, #tpu.memory_space<vmem>> -> memref<1x128xi32, #tpu.memory_space<vmem>>
      %dma_start3A_241 = tpu.memref_squeeze %dma_start3A_240 : memref<1x128xi32, #tpu.memory_space<vmem>> -> memref<128xi32, #tpu.memory_space<vmem>>
      %dma_start3A_242 = arith.constant 0 : i32
      %dma_start3A_243 = arith.constant 0 : i32
      %dma_start3A_244 = tpu.memref_slice %arg11[%dma_start3A_242, %dma_start3A_243] : memref<10112x64xf32, #tpu.memory_space<vmem_shared>> -> memref<10112x64xf32, #tpu.memory_space<vmem_shared>>
      %dma_start3A_245 = tpu.memref_slice %arg13[%dma_start3A_234] : memref<2x!tpu.dma_semaphore, #tpu.memory_space<semaphore_mem>> -> memref<1x!tpu.dma_semaphore, #tpu.memory_space<semaphore_mem>>
      %dma_start3A_246 = tpu.memref_squeeze %dma_start3A_245 : memref<1x!tpu.dma_semaphore, #tpu.memory_space<semaphore_mem>> -> memref<!tpu.dma_semaphore, #tpu.memory_space<semaphore_mem>>
      tpu.enqueue_indirect_dma source(%dma_start3A_238 : memref<128x64xf32, #tpu.memory_space<vmem>>) target(%dma_start3A_244 : memref<10112x64xf32, #tpu.memory_space<vmem_shared>>) offsets(%dma_start3A_241 : memref<128xi32, #tpu.memory_space<vmem>>) semaphore(%dma_start3A_246 : memref<!tpu.dma_semaphore, #tpu.memory_space<semaphore_mem>>) {add = true}
      %add3A_247 = arith.constant 1 : i32
      %add3A_248 = arith.addi %mul3A_214, %add3A_247 : i32
      %dma_wait3A_249 = arith.constant 1 : i32
      %dma_wait3A_250 = arith.constant 1 : i32
      %dma_wait3A_251 = arith.constant 0 : i32
      %dma_wait3A_252 = arith.constant 0 : i32
      %dma_wait3A_253 = tpu.memref_slice %arg9[%dma_wait3A_249, %dma_wait3A_251, %dma_wait3A_252] : memref<2x128x64xf32, #tpu.memory_space<vmem>> -> memref<1x128x64xf32, #tpu.memory_space<vmem>>
      %dma_wait3A_254 = tpu.memref_squeeze %dma_wait3A_253 : memref<1x128x64xf32, #tpu.memory_space<vmem>> -> memref<128x64xf32, #tpu.memory_space<vmem>>
      %dma_wait3A_255 = arith.constant 0 : i32
      %dma_wait3A_256 = tpu.memref_slice %arg7[%add3A_248, %dma_wait3A_255] : memref<80x128xi32, #tpu.memory_space<vmem>> -> memref<1x128xi32, #tpu.memory_space<vmem>>
      %dma_wait3A_257 = tpu.memref_squeeze %dma_wait3A_256 : memref<1x128xi32, #tpu.memory_space<vmem>> -> memref<128xi32, #tpu.memory_space<vmem>>
      %dma_wait3A_258 = arith.constant 0 : i32
      %dma_wait3A_259 = arith.constant 0 : i32
      %dma_wait3A_260 = tpu.memref_slice %arg10[%dma_wait3A_258, %dma_wait3A_259] : memref<10112x64xf32, #tpu.memory_space<vmem_shared>> -> memref<10112x64xf32, #tpu.memory_space<vmem_shared>>
      %dma_wait3A_261 = tpu.memref_slice %arg12[%dma_wait3A_250] : memref<2x!tpu.dma_semaphore, #tpu.memory_space<semaphore_mem>> -> memref<1x!tpu.dma_semaphore, #tpu.memory_space<semaphore_mem>>
      %dma_wait3A_262 = tpu.memref_squeeze %dma_wait3A_261 : memref<1x!tpu.dma_semaphore, #tpu.memory_space<semaphore_mem>> -> memref<!tpu.dma_semaphore, #tpu.memory_space<semaphore_mem>>
      tpu.wait_indirect_dma semaphore(%dma_wait3A_262 : memref<!tpu.dma_semaphore, #tpu.memory_space<semaphore_mem>>) src(%dma_wait3A_260 : memref<10112x64xf32, #tpu.memory_space<vmem_shared>>) dst(%dma_wait3A_254 : memref<128x64xf32, #tpu.memory_space<vmem>>)
      %add3A_263 = arith.constant 1 : i32
      %add3A_264 = arith.addi %mul3A_214, %add3A_263 : i32
      %dma_start3A_265 = arith.constant 1 : i32
      %dma_start3A_266 = arith.constant 1 : i32
      %dma_start3A_267 = arith.constant 0 : i32
      %dma_start3A_268 = arith.constant 0 : i32
      %dma_start3A_269 = tpu.memref_slice %arg9[%dma_start3A_265, %dma_start3A_267, %dma_start3A_268] : memref<2x128x64xf32, #tpu.memory_space<vmem>> -> memref<1x128x64xf32, #tpu.memory_space<vmem>>
      %dma_start3A_270 = tpu.memref_squeeze %dma_start3A_269 : memref<1x128x64xf32, #tpu.memory_space<vmem>> -> memref<128x64xf32, #tpu.memory_space<vmem>>
      %dma_start3A_271 = arith.constant 0 : i32
      %dma_start3A_272 = tpu.memref_slice %arg8[%add3A_264, %dma_start3A_271] : memref<80x128xi32, #tpu.memory_space<vmem>> -> memref<1x128xi32, #tpu.memory_space<vmem>>
      %dma_start3A_273 = tpu.memref_squeeze %dma_start3A_272 : memref<1x128xi32, #tpu.memory_space<vmem>> -> memref<128xi32, #tpu.memory_space<vmem>>
      %dma_start3A_274 = arith.constant 0 : i32
      %dma_start3A_275 = arith.constant 0 : i32
      %dma_start3A_276 = tpu.memref_slice %arg11[%dma_start3A_274, %dma_start3A_275] : memref<10112x64xf32, #tpu.memory_space<vmem_shared>> -> memref<10112x64xf32, #tpu.memory_space<vmem_shared>>
      %dma_start3A_277 = tpu.memref_slice %arg13[%dma_start3A_266] : memref<2x!tpu.dma_semaphore, #tpu.memory_space<semaphore_mem>> -> memref<1x!tpu.dma_semaphore, #tpu.memory_space<semaphore_mem>>
      %dma_start3A_278 = tpu.memref_squeeze %dma_start3A_277 : memref<1x!tpu.dma_semaphore, #tpu.memory_space<semaphore_mem>> -> memref<!tpu.dma_semaphore, #tpu.memory_space<semaphore_mem>>
      tpu.enqueue_indirect_dma source(%dma_start3A_270 : memref<128x64xf32, #tpu.memory_space<vmem>>) target(%dma_start3A_276 : memref<10112x64xf32, #tpu.memory_space<vmem_shared>>) offsets(%dma_start3A_273 : memref<128xi32, #tpu.memory_space<vmem>>) semaphore(%dma_start3A_278 : memref<!tpu.dma_semaphore, #tpu.memory_space<semaphore_mem>>) {add = true}
      %add3A_279 = arith.constant 0 : i32
      %add3A_280 = arith.addi %mul3A_214, %add3A_279 : i32
      %dma_wait3A_281 = arith.constant 0 : i32
      %dma_wait3A_282 = arith.constant 0 : i32
      %dma_wait3A_283 = arith.constant 0 : i32
      %dma_wait3A_284 = arith.constant 0 : i32
      %dma_wait3A_285 = tpu.memref_slice %arg9[%dma_wait3A_281, %dma_wait3A_283, %dma_wait3A_284] : memref<2x128x64xf32, #tpu.memory_space<vmem>> -> memref<1x128x64xf32, #tpu.memory_space<vmem>>
      %dma_wait3A_286 = tpu.memref_squeeze %dma_wait3A_285 : memref<1x128x64xf32, #tpu.memory_space<vmem>> -> memref<128x64xf32, #tpu.memory_space<vmem>>
      %dma_wait3A_287 = arith.constant 0 : i32
      %dma_wait3A_288 = tpu.memref_slice %arg8[%add3A_280, %dma_wait3A_287] : memref<80x128xi32, #tpu.memory_space<vmem>> -> memref<1x128xi32, #tpu.memory_space<vmem>>
      %dma_wait3A_289 = tpu.memref_squeeze %dma_wait3A_288 : memref<1x128xi32, #tpu.memory_space<vmem>> -> memref<128xi32, #tpu.memory_space<vmem>>
      %dma_wait3A_290 = arith.constant 0 : i32
      %dma_wait3A_291 = arith.constant 0 : i32
      %dma_wait3A_292 = tpu.memref_slice %arg11[%dma_wait3A_290, %dma_wait3A_291] : memref<10112x64xf32, #tpu.memory_space<vmem_shared>> -> memref<10112x64xf32, #tpu.memory_space<vmem_shared>>
      %dma_wait3A_293 = tpu.memref_slice %arg13[%dma_wait3A_282] : memref<2x!tpu.dma_semaphore, #tpu.memory_space<semaphore_mem>> -> memref<1x!tpu.dma_semaphore, #tpu.memory_space<semaphore_mem>>
      %dma_wait3A_294 = tpu.memref_squeeze %dma_wait3A_293 : memref<1x!tpu.dma_semaphore, #tpu.memory_space<semaphore_mem>> -> memref<!tpu.dma_semaphore, #tpu.memory_space<semaphore_mem>>
      tpu.wait_indirect_dma semaphore(%dma_wait3A_294 : memref<!tpu.dma_semaphore, #tpu.memory_space<semaphore_mem>>) src(%dma_wait3A_286 : memref<128x64xf32, #tpu.memory_space<vmem>>) dst(%dma_wait3A_292 : memref<10112x64xf32, #tpu.memory_space<vmem_shared>>)
      %add3A_295 = arith.constant 2 : i32
      %add3A_296 = arith.addi %mul3A_214, %add3A_295 : i32
      %add3A_297 = arith.constant 0 : i32
      %add3A_298 = arith.addi %add3A_296, %add3A_297 : i32
      %dma_start3A_299 = arith.constant 0 : i32
      %dma_start3A_300 = arith.constant 0 : i32
      %dma_start3A_301 = arith.constant 0 : i32
      %dma_start3A_302 = arith.constant 0 : i32
      %dma_start3A_303 = tpu.memref_slice %arg9[%dma_start3A_299, %dma_start3A_301, %dma_start3A_302] : memref<2x128x64xf32, #tpu.memory_space<vmem>> -> memref<1x128x64xf32, #tpu.memory_space<vmem>>
      %dma_start3A_304 = tpu.memref_squeeze %dma_start3A_303 : memref<1x128x64xf32, #tpu.memory_space<vmem>> -> memref<128x64xf32, #tpu.memory_space<vmem>>
      %dma_start3A_305 = arith.constant 0 : i32
      %dma_start3A_306 = tpu.memref_slice %arg7[%add3A_298, %dma_start3A_305] : memref<80x128xi32, #tpu.memory_space<vmem>> -> memref<1x128xi32, #tpu.memory_space<vmem>>
      %dma_start3A_307 = tpu.memref_squeeze %dma_start3A_306 : memref<1x128xi32, #tpu.memory_space<vmem>> -> memref<128xi32, #tpu.memory_space<vmem>>
      %dma_start3A_308 = arith.constant 0 : i32
      %dma_start3A_309 = arith.constant 0 : i32
      %dma_start3A_310 = tpu.memref_slice %arg10[%dma_start3A_308, %dma_start3A_309] : memref<10112x64xf32, #tpu.memory_space<vmem_shared>> -> memref<10112x64xf32, #tpu.memory_space<vmem_shared>>
      %dma_start3A_311 = tpu.memref_slice %arg12[%dma_start3A_300] : memref<2x!tpu.dma_semaphore, #tpu.memory_space<semaphore_mem>> -> memref<1x!tpu.dma_semaphore, #tpu.memory_space<semaphore_mem>>
      %dma_start3A_312 = tpu.memref_squeeze %dma_start3A_311 : memref<1x!tpu.dma_semaphore, #tpu.memory_space<semaphore_mem>> -> memref<!tpu.dma_semaphore, #tpu.memory_space<semaphore_mem>>
      tpu.enqueue_indirect_dma source(%dma_start3A_310 : memref<10112x64xf32, #tpu.memory_space<vmem_shared>>) target(%dma_start3A_304 : memref<128x64xf32, #tpu.memory_space<vmem>>) offsets(%dma_start3A_307 : memref<128xi32, #tpu.memory_space<vmem>>) semaphore(%dma_start3A_312 : memref<!tpu.dma_semaphore, #tpu.memory_space<semaphore_mem>>)
      %add3A_313 = arith.constant 1 : i32
      %add3A_314 = arith.addi %mul3A_214, %add3A_313 : i32
      %dma_wait3A_315 = arith.constant 1 : i32
      %dma_wait3A_316 = arith.constant 1 : i32
      %dma_wait3A_317 = arith.constant 0 : i32
      %dma_wait3A_318 = arith.constant 0 : i32
      %dma_wait3A_319 = tpu.memref_slice %arg9[%dma_wait3A_315, %dma_wait3A_317, %dma_wait3A_318] : memref<2x128x64xf32, #tpu.memory_space<vmem>> -> memref<1x128x64xf32, #tpu.memory_space<vmem>>
      %dma_wait3A_320 = tpu.memref_squeeze %dma_wait3A_319 : memref<1x128x64xf32, #tpu.memory_space<vmem>> -> memref<128x64xf32, #tpu.memory_space<vmem>>
      %dma_wait3A_321 = arith.constant 0 : i32
      %dma_wait3A_322 = tpu.memref_slice %arg8[%add3A_314, %dma_wait3A_321] : memref<80x128xi32, #tpu.memory_space<vmem>> -> memref<1x128xi32, #tpu.memory_space<vmem>>
      %dma_wait3A_323 = tpu.memref_squeeze %dma_wait3A_322 : memref<1x128xi32, #tpu.memory_space<vmem>> -> memref<128xi32, #tpu.memory_space<vmem>>
      %dma_wait3A_324 = arith.constant 0 : i32
      %dma_wait3A_325 = arith.constant 0 : i32
      %dma_wait3A_326 = tpu.memref_slice %arg11[%dma_wait3A_324, %dma_wait3A_325] : memref<10112x64xf32, #tpu.memory_space<vmem_shared>> -> memref<10112x64xf32, #tpu.memory_space<vmem_shared>>
      %dma_wait3A_327 = tpu.memref_slice %arg13[%dma_wait3A_316] : memref<2x!tpu.dma_semaphore, #tpu.memory_space<semaphore_mem>> -> memref<1x!tpu.dma_semaphore, #tpu.memory_space<semaphore_mem>>
      %dma_wait3A_328 = tpu.memref_squeeze %dma_wait3A_327 : memref<1x!tpu.dma_semaphore, #tpu.memory_space<semaphore_mem>> -> memref<!tpu.dma_semaphore, #tpu.memory_space<semaphore_mem>>
      tpu.wait_indirect_dma semaphore(%dma_wait3A_328 : memref<!tpu.dma_semaphore, #tpu.memory_space<semaphore_mem>>) src(%dma_wait3A_320 : memref<128x64xf32, #tpu.memory_space<vmem>>) dst(%dma_wait3A_326 : memref<10112x64xf32, #tpu.memory_space<vmem_shared>>)
      %add3A_329 = arith.constant 2 : i32
      %add3A_330 = arith.addi %mul3A_214, %add3A_329 : i32
      %add3A_331 = arith.constant 1 : i32
      %add3A_332 = arith.addi %add3A_330, %add3A_331 : i32
      %dma_start3A_333 = arith.constant 1 : i32
      %dma_start3A_334 = arith.constant 1 : i32
      %dma_start3A_335 = arith.constant 0 : i32
      %dma_start3A_336 = arith.constant 0 : i32
      %dma_start3A_337 = tpu.memref_slice %arg9[%dma_start3A_333, %dma_start3A_335, %dma_start3A_336] : memref<2x128x64xf32, #tpu.memory_space<vmem>> -> memref<1x128x64xf32, #tpu.memory_space<vmem>>
      %dma_start3A_338 = tpu.memref_squeeze %dma_start3A_337 : memref<1x128x64xf32, #tpu.memory_space<vmem>> -> memref<128x64xf32, #tpu.memory_space<vmem>>
      %dma_start3A_339 = arith.constant 0 : i32
      %dma_start3A_340 = tpu.memref_slice %arg7[%add3A_332, %dma_start3A_339] : memref<80x128xi32, #tpu.memory_space<vmem>> -> memref<1x128xi32, #tpu.memory_space<vmem>>
      %dma_start3A_341 = tpu.memref_squeeze %dma_start3A_340 : memref<1x128xi32, #tpu.memory_space<vmem>> -> memref<128xi32, #tpu.memory_space<vmem>>
      %dma_start3A_342 = arith.constant 0 : i32
      %dma_start3A_343 = arith.constant 0 : i32
      %dma_start3A_344 = tpu.memref_slice %arg10[%dma_start3A_342, %dma_start3A_343] : memref<10112x64xf32, #tpu.memory_space<vmem_shared>> -> memref<10112x64xf32, #tpu.memory_space<vmem_shared>>
      %dma_start3A_345 = tpu.memref_slice %arg12[%dma_start3A_334] : memref<2x!tpu.dma_semaphore, #tpu.memory_space<semaphore_mem>> -> memref<1x!tpu.dma_semaphore, #tpu.memory_space<semaphore_mem>>
      %dma_start3A_346 = tpu.memref_squeeze %dma_start3A_345 : memref<1x!tpu.dma_semaphore, #tpu.memory_space<semaphore_mem>> -> memref<!tpu.dma_semaphore, #tpu.memory_space<semaphore_mem>>
      tpu.enqueue_indirect_dma source(%dma_start3A_344 : memref<10112x64xf32, #tpu.memory_space<vmem_shared>>) target(%dma_start3A_338 : memref<128x64xf32, #tpu.memory_space<vmem>>) offsets(%dma_start3A_341 : memref<128xi32, #tpu.memory_space<vmem>>) semaphore(%dma_start3A_346 : memref<!tpu.dma_semaphore, #tpu.memory_space<semaphore_mem>>)
    }
    %scan3A_112 = arith.constant 39 : i32
    %dma_wait3A_113 = arith.constant 78 : i32
    %dma_wait3A_114 = arith.constant 0 : i32
    %dma_wait3A_115 = arith.constant 0 : i32
    %dma_wait3A_116 = arith.constant 0 : i32
    %dma_wait3A_117 = arith.constant 0 : i32
    %dma_wait3A_118 = tpu.memref_slice %arg9[%dma_wait3A_114, %dma_wait3A_116, %dma_wait3A_117] : memref<2x128x64xf32, #tpu.memory_space<vmem>> -> memref<1x128x64xf32, #tpu.memory_space<vmem>>
    %dma_wait3A_119 = tpu.memref_squeeze %dma_wait3A_118 : memref<1x128x64xf32, #tpu.memory_space<vmem>> -> memref<128x64xf32, #tpu.memory_space<vmem>>
    %dma_wait3A_120 = arith.constant 0 : i32
    %dma_wait3A_121 = tpu.memref_slice %arg7[%dma_wait3A_113, %dma_wait3A_120] : memref<80x128xi32, #tpu.memory_space<vmem>> -> memref<1x128xi32, #tpu.memory_space<vmem>>
    %dma_wait3A_122 = tpu.memref_squeeze %dma_wait3A_121 : memref<1x128xi32, #tpu.memory_space<vmem>> -> memref<128xi32, #tpu.memory_space<vmem>>
    %dma_wait3A_123 = arith.constant 0 : i32
    %dma_wait3A_124 = arith.constant 0 : i32
    %dma_wait3A_125 = tpu.memref_slice %arg10[%dma_wait3A_123, %dma_wait3A_124] : memref<10112x64xf32, #tpu.memory_space<vmem_shared>> -> memref<10112x64xf32, #tpu.memory_space<vmem_shared>>
    %dma_wait3A_126 = tpu.memref_slice %arg12[%dma_wait3A_115] : memref<2x!tpu.dma_semaphore, #tpu.memory_space<semaphore_mem>> -> memref<1x!tpu.dma_semaphore, #tpu.memory_space<semaphore_mem>>
    %dma_wait3A_127 = tpu.memref_squeeze %dma_wait3A_126 : memref<1x!tpu.dma_semaphore, #tpu.memory_space<semaphore_mem>> -> memref<!tpu.dma_semaphore, #tpu.memory_space<semaphore_mem>>
    tpu.wait_indirect_dma semaphore(%dma_wait3A_127 : memref<!tpu.dma_semaphore, #tpu.memory_space<semaphore_mem>>) src(%dma_wait3A_125 : memref<10112x64xf32, #tpu.memory_space<vmem_shared>>) dst(%dma_wait3A_119 : memref<128x64xf32, #tpu.memory_space<vmem>>)
    %dma_start3A_128 = arith.constant 0 : i32
    %dma_start3A_129 = arith.constant 78 : i32
    %dma_start3A_130 = arith.constant 0 : i32
    %dma_start3A_131 = arith.constant 0 : i32
    %dma_start3A_132 = arith.constant 0 : i32
    %dma_start3A_133 = tpu.memref_slice %arg9[%dma_start3A_128, %dma_start3A_131, %dma_start3A_132] : memref<2x128x64xf32, #tpu.memory_space<vmem>> -> memref<1x128x64xf32, #tpu.memory_space<vmem>>
    %dma_start3A_134 = tpu.memref_squeeze %dma_start3A_133 : memref<1x128x64xf32, #tpu.memory_space<vmem>> -> memref<128x64xf32, #tpu.memory_space<vmem>>
    %dma_start3A_135 = arith.constant 0 : i32
    %dma_start3A_136 = tpu.memref_slice %arg8[%dma_start3A_129, %dma_start3A_135] : memref<80x128xi32, #tpu.memory_space<vmem>> -> memref<1x128xi32, #tpu.memory_space<vmem>>
    %dma_start3A_137 = tpu.memref_squeeze %dma_start3A_136 : memref<1x128xi32, #tpu.memory_space<vmem>> -> memref<128xi32, #tpu.memory_space<vmem>>
    %dma_start3A_138 = arith.constant 0 : i32
    %dma_start3A_139 = arith.constant 0 : i32
    %dma_start3A_140 = tpu.memref_slice %arg11[%dma_start3A_138, %dma_start3A_139] : memref<10112x64xf32, #tpu.memory_space<vmem_shared>> -> memref<10112x64xf32, #tpu.memory_space<vmem_shared>>
    %dma_start3A_141 = tpu.memref_slice %arg13[%dma_start3A_130] : memref<2x!tpu.dma_semaphore, #tpu.memory_space<semaphore_mem>> -> memref<1x!tpu.dma_semaphore, #tpu.memory_space<semaphore_mem>>
    %dma_start3A_142 = tpu.memref_squeeze %dma_start3A_141 : memref<1x!tpu.dma_semaphore, #tpu.memory_space<semaphore_mem>> -> memref<!tpu.dma_semaphore, #tpu.memory_space<semaphore_mem>>
    tpu.enqueue_indirect_dma source(%dma_start3A_134 : memref<128x64xf32, #tpu.memory_space<vmem>>) target(%dma_start3A_140 : memref<10112x64xf32, #tpu.memory_space<vmem_shared>>) offsets(%dma_start3A_137 : memref<128xi32, #tpu.memory_space<vmem>>) semaphore(%dma_start3A_142 : memref<!tpu.dma_semaphore, #tpu.memory_space<semaphore_mem>>) {add = true}
    %dma_wait3A_143 = arith.constant 79 : i32
    %dma_wait3A_144 = arith.constant 1 : i32
    %dma_wait3A_145 = arith.constant 1 : i32
    %dma_wait3A_146 = arith.constant 0 : i32
    %dma_wait3A_147 = arith.constant 0 : i32
    %dma_wait3A_148 = tpu.memref_slice %arg9[%dma_wait3A_144, %dma_wait3A_146, %dma_wait3A_147] : memref<2x128x64xf32, #tpu.memory_space<vmem>> -> memref<1x128x64xf32, #tpu.memory_space<vmem>>
    %dma_wait3A_149 = tpu.memref_squeeze %dma_wait3A_148 : memref<1x128x64xf32, #tpu.memory_space<vmem>> -> memref<128x64xf32, #tpu.memory_space<vmem>>
    %dma_wait3A_150 = arith.constant 0 : i32
    %dma_wait3A_151 = tpu.memref_slice %arg7[%dma_wait3A_143, %dma_wait3A_150] : memref<80x128xi32, #tpu.memory_space<vmem>> -> memref<1x128xi32, #tpu.memory_space<vmem>>
    %dma_wait3A_152 = tpu.memref_squeeze %dma_wait3A_151 : memref<1x128xi32, #tpu.memory_space<vmem>> -> memref<128xi32, #tpu.memory_space<vmem>>
    %dma_wait3A_153 = arith.constant 0 : i32
    %dma_wait3A_154 = arith.constant 0 : i32
    %dma_wait3A_155 = tpu.memref_slice %arg10[%dma_wait3A_153, %dma_wait3A_154] : memref<10112x64xf32, #tpu.memory_space<vmem_shared>> -> memref<10112x64xf32, #tpu.memory_space<vmem_shared>>
    %dma_wait3A_156 = tpu.memref_slice %arg12[%dma_wait3A_145] : memref<2x!tpu.dma_semaphore, #tpu.memory_space<semaphore_mem>> -> memref<1x!tpu.dma_semaphore, #tpu.memory_space<semaphore_mem>>
    %dma_wait3A_157 = tpu.memref_squeeze %dma_wait3A_156 : memref<1x!tpu.dma_semaphore, #tpu.memory_space<semaphore_mem>> -> memref<!tpu.dma_semaphore, #tpu.memory_space<semaphore_mem>>
    tpu.wait_indirect_dma semaphore(%dma_wait3A_157 : memref<!tpu.dma_semaphore, #tpu.memory_space<semaphore_mem>>) src(%dma_wait3A_155 : memref<10112x64xf32, #tpu.memory_space<vmem_shared>>) dst(%dma_wait3A_149 : memref<128x64xf32, #tpu.memory_space<vmem>>)
    %dma_start3A_158 = arith.constant 1 : i32
    %dma_start3A_159 = arith.constant 79 : i32
    %dma_start3A_160 = arith.constant 1 : i32
    %dma_start3A_161 = arith.constant 0 : i32
    %dma_start3A_162 = arith.constant 0 : i32
    %dma_start3A_163 = tpu.memref_slice %arg9[%dma_start3A_158, %dma_start3A_161, %dma_start3A_162] : memref<2x128x64xf32, #tpu.memory_space<vmem>> -> memref<1x128x64xf32, #tpu.memory_space<vmem>>
    %dma_start3A_164 = tpu.memref_squeeze %dma_start3A_163 : memref<1x128x64xf32, #tpu.memory_space<vmem>> -> memref<128x64xf32, #tpu.memory_space<vmem>>
    %dma_start3A_165 = arith.constant 0 : i32
    %dma_start3A_166 = tpu.memref_slice %arg8[%dma_start3A_159, %dma_start3A_165] : memref<80x128xi32, #tpu.memory_space<vmem>> -> memref<1x128xi32, #tpu.memory_space<vmem>>
    %dma_start3A_167 = tpu.memref_squeeze %dma_start3A_166 : memref<1x128xi32, #tpu.memory_space<vmem>> -> memref<128xi32, #tpu.memory_space<vmem>>
    %dma_start3A_168 = arith.constant 0 : i32
    %dma_start3A_169 = arith.constant 0 : i32
    %dma_start3A_170 = tpu.memref_slice %arg11[%dma_start3A_168, %dma_start3A_169] : memref<10112x64xf32, #tpu.memory_space<vmem_shared>> -> memref<10112x64xf32, #tpu.memory_space<vmem_shared>>
    %dma_start3A_171 = tpu.memref_slice %arg13[%dma_start3A_160] : memref<2x!tpu.dma_semaphore, #tpu.memory_space<semaphore_mem>> -> memref<1x!tpu.dma_semaphore, #tpu.memory_space<semaphore_mem>>
    %dma_start3A_172 = tpu.memref_squeeze %dma_start3A_171 : memref<1x!tpu.dma_semaphore, #tpu.memory_space<semaphore_mem>> -> memref<!tpu.dma_semaphore, #tpu.memory_space<semaphore_mem>>
    tpu.enqueue_indirect_dma source(%dma_start3A_164 : memref<128x64xf32, #tpu.memory_space<vmem>>) target(%dma_start3A_170 : memref<10112x64xf32, #tpu.memory_space<vmem_shared>>) offsets(%dma_start3A_167 : memref<128xi32, #tpu.memory_space<vmem>>) semaphore(%dma_start3A_172 : memref<!tpu.dma_semaphore, #tpu.memory_space<semaphore_mem>>) {add = true}
    %dma_wait3A_173 = arith.constant 0 : i32
    %dma_wait3A_174 = arith.constant 78 : i32
    %dma_wait3A_175 = arith.constant 0 : i32
    %dma_wait3A_176 = arith.constant 0 : i32
    %dma_wait3A_177 = arith.constant 0 : i32
    %dma_wait3A_178 = tpu.memref_slice %arg9[%dma_wait3A_173, %dma_wait3A_176, %dma_wait3A_177] : memref<2x128x64xf32, #tpu.memory_space<vmem>> -> memref<1x128x64xf32, #tpu.memory_space<vmem>>
    %dma_wait3A_179 = tpu.memref_squeeze %dma_wait3A_178 : memref<1x128x64xf32, #tpu.memory_space<vmem>> -> memref<128x64xf32, #tpu.memory_space<vmem>>
    %dma_wait3A_180 = arith.constant 0 : i32
    %dma_wait3A_181 = tpu.memref_slice %arg8[%dma_wait3A_174, %dma_wait3A_180] : memref<80x128xi32, #tpu.memory_space<vmem>> -> memref<1x128xi32, #tpu.memory_space<vmem>>
    %dma_wait3A_182 = tpu.memref_squeeze %dma_wait3A_181 : memref<1x128xi32, #tpu.memory_space<vmem>> -> memref<128xi32, #tpu.memory_space<vmem>>
    %dma_wait3A_183 = arith.constant 0 : i32
    %dma_wait3A_184 = arith.constant 0 : i32
    %dma_wait3A_185 = tpu.memref_slice %arg11[%dma_wait3A_183, %dma_wait3A_184] : memref<10112x64xf32, #tpu.memory_space<vmem_shared>> -> memref<10112x64xf32, #tpu.memory_space<vmem_shared>>
    %dma_wait3A_186 = tpu.memref_slice %arg13[%dma_wait3A_175] : memref<2x!tpu.dma_semaphore, #tpu.memory_space<semaphore_mem>> -> memref<1x!tpu.dma_semaphore, #tpu.memory_space<semaphore_mem>>
    %dma_wait3A_187 = tpu.memref_squeeze %dma_wait3A_186 : memref<1x!tpu.dma_semaphore, #tpu.memory_space<semaphore_mem>> -> memref<!tpu.dma_semaphore, #tpu.memory_space<semaphore_mem>>
    tpu.wait_indirect_dma semaphore(%dma_wait3A_187 : memref<!tpu.dma_semaphore, #tpu.memory_space<semaphore_mem>>) src(%dma_wait3A_179 : memref<128x64xf32, #tpu.memory_space<vmem>>) dst(%dma_wait3A_185 : memref<10112x64xf32, #tpu.memory_space<vmem_shared>>)
    %dma_wait3A_188 = arith.constant 1 : i32
    %dma_wait3A_189 = arith.constant 79 : i32
    %dma_wait3A_190 = arith.constant 1 : i32
    %dma_wait3A_191 = arith.constant 0 : i32
    %dma_wait3A_192 = arith.constant 0 : i32
    %dma_wait3A_193 = tpu.memref_slice %arg9[%dma_wait3A_188, %dma_wait3A_191, %dma_wait3A_192] : memref<2x128x64xf32, #tpu.memory_space<vmem>> -> memref<1x128x64xf32, #tpu.memory_space<vmem>>
    %dma_wait3A_194 = tpu.memref_squeeze %dma_wait3A_193 : memref<1x128x64xf32, #tpu.memory_space<vmem>> -> memref<128x64xf32, #tpu.memory_space<vmem>>
    %dma_wait3A_195 = arith.constant 0 : i32
    %dma_wait3A_196 = tpu.memref_slice %arg8[%dma_wait3A_189, %dma_wait3A_195] : memref<80x128xi32, #tpu.memory_space<vmem>> -> memref<1x128xi32, #tpu.memory_space<vmem>>
    %dma_wait3A_197 = tpu.memref_squeeze %dma_wait3A_196 : memref<1x128xi32, #tpu.memory_space<vmem>> -> memref<128xi32, #tpu.memory_space<vmem>>
    %dma_wait3A_198 = arith.constant 0 : i32
    %dma_wait3A_199 = arith.constant 0 : i32
    %dma_wait3A_200 = tpu.memref_slice %arg11[%dma_wait3A_198, %dma_wait3A_199] : memref<10112x64xf32, #tpu.memory_space<vmem_shared>> -> memref<10112x64xf32, #tpu.memory_space<vmem_shared>>
    %dma_wait3A_201 = tpu.memref_slice %arg13[%dma_wait3A_190] : memref<2x!tpu.dma_semaphore, #tpu.memory_space<semaphore_mem>> -> memref<1x!tpu.dma_semaphore, #tpu.memory_space<semaphore_mem>>
    %dma_wait3A_202 = tpu.memref_squeeze %dma_wait3A_201 : memref<1x!tpu.dma_semaphore, #tpu.memory_space<semaphore_mem>> -> memref<!tpu.dma_semaphore, #tpu.memory_space<semaphore_mem>>
    tpu.wait_indirect_dma semaphore(%dma_wait3A_202 : memref<!tpu.dma_semaphore, #tpu.memory_space<semaphore_mem>>) src(%dma_wait3A_194 : memref<128x64xf32, #tpu.memory_space<vmem>>) dst(%dma_wait3A_200 : memref<10112x64xf32, #tpu.memory_space<vmem_shared>>)
    %barrier3A_203 = arith.constant 0 : index
    tpu.barrier barrier_id(%barrier3A_203)
    %mul3A_204 = arith.constant 632 : i32
    %mul3A_205 = arith.muli %arg1, %mul3A_204 : i32
    %mul3A_206 = arith.constant 632 : i32
    %mul3A_207 = arith.muli %arg1, %mul3A_206 : i32
    "tpu.region"() ({
      %run_scoped3A = tpu.sem_alloc : memref<!tpu.dma_semaphore, #tpu.memory_space<semaphore_mem>>
      %dma_start3A_208 = arith.constant 0 : i32
      %dma_start3A_209 = arith.constant 0 : i32
      %dma_start3A_210 = tpu.memref_slice %arg6[%arg0, %dma_start3A_208, %dma_start3A_209] : memref<2x10112x64xf32, #tpu.memory_space<hbm>> -> memref<1x10112x64xf32, #tpu.memory_space<hbm>>
      %dma_start3A_211 = tpu.memref_squeeze %dma_start3A_210 : memref<1x10112x64xf32, #tpu.memory_space<hbm>> -> memref<10112x64xf32, #tpu.memory_space<hbm>>
      %dma_start3A_212 = arith.constant 0 : i32
      %dma_start3A_213 = tpu.memref_slice %dma_start3A_211[%mul3A_207, %dma_start3A_212] : memref<10112x64xf32, #tpu.memory_space<hbm>> -> memref<632x64xf32, #tpu.memory_space<hbm>>
      %dma_start3A_214 = arith.constant 0 : i32
      %dma_start3A_215 = tpu.memref_slice %arg11[%mul3A_205, %dma_start3A_214] : memref<10112x64xf32, #tpu.memory_space<vmem_shared>> -> memref<632x64xf32, #tpu.memory_space<vmem_shared>>
      tpu.enqueue_dma source(%dma_start3A_215 : memref<632x64xf32, #tpu.memory_space<vmem_shared>>) target(%dma_start3A_213 : memref<632x64xf32, #tpu.memory_space<hbm>>) target_semaphore(%run_scoped3A : memref<!tpu.dma_semaphore, #tpu.memory_space<semaphore_mem>>)
      %dma_wait3A_216 = arith.constant 0 : i32
      %dma_wait3A_217 = arith.constant 0 : i32
      %dma_wait3A_218 = tpu.memref_slice %arg6[%arg0, %dma_wait3A_216, %dma_wait3A_217] : memref<2x10112x64xf32, #tpu.memory_space<hbm>> -> memref<1x10112x64xf32, #tpu.memory_space<hbm>>
      %dma_wait3A_219 = tpu.memref_squeeze %dma_wait3A_218 : memref<1x10112x64xf32, #tpu.memory_space<hbm>> -> memref<10112x64xf32, #tpu.memory_space<hbm>>
      %dma_wait3A_220 = arith.constant 0 : i32
      %dma_wait3A_221 = tpu.memref_slice %dma_wait3A_219[%mul3A_207, %dma_wait3A_220] : memref<10112x64xf32, #tpu.memory_space<hbm>> -> memref<632x64xf32, #tpu.memory_space<hbm>>
      %dma_wait3A_222 = arith.constant 0 : i32
      %dma_wait3A_223 = tpu.memref_slice %arg11[%mul3A_205, %dma_wait3A_222] : memref<10112x64xf32, #tpu.memory_space<vmem_shared>> -> memref<632x64xf32, #tpu.memory_space<vmem_shared>>
      tpu.wait_dma2 semaphore(%run_scoped3A : memref<!tpu.dma_semaphore, #tpu.memory_space<semaphore_mem>>) src(%dma_wait3A_223 : memref<632x64xf32, #tpu.memory_space<vmem_shared>>) dst(%dma_wait3A_221 : memref<632x64xf32, #tpu.memory_space<hbm>>)
      tpu.yield
    }) : () -> ()
    return
  }
}

#map = affine_map<(d0, d1) -> (0, 0)>
#map1 = affine_map<(d0, d1) -> (0, 0, 0)>
module attributes {stable_mosaic.version = 14 : i64} {
  func.func @k(%arg0: i32, %arg1: i32, %arg2: memref<2560x128xi32, #tpu.memory_space<hbm>>, %arg3: memref<2560x128xi32, #tpu.memory_space<hbm>>, %arg4: memref<10112x64xf32, #tpu.memory_space<hbm>>, %arg5: memref<10112x64xf32, #tpu.memory_space<hbm>>, %arg6: memref<2x10112x64xf32, #tpu.memory_space<hbm>>, %arg7: memref<80x128xi32, #tpu.memory_space<vmem>>, %arg8: memref<80x128xi32, #tpu.memory_space<vmem>>, %arg9: memref<2x128x64xf32, #tpu.memory_space<vmem>>, %arg10: memref<10112x64xf32, #tpu.memory_space<vmem_shared>>, %arg11: memref<10112x64xf32, #tpu.memory_space<vmem_shared>>, %arg12: memref<2x!tpu.dma_semaphore, #tpu.memory_space<semaphore_mem>>, %arg13: memref<2x!tpu.dma_semaphore, #tpu.memory_space<semaphore_mem>>, %arg14: memref<4x!tpu.dma_semaphore, #tpu.memory_space<semaphore_mem>>) attributes {dimension_semantics = [#tpu.dimension_semantics<core_parallel>, #tpu.dimension_semantics<subcore_parallel>], iteration_bounds = array<i64: 2, 16>, scalar_prefetch = 0 : i64, scratch_operands = 8 : i64, tpu.core_type = #tpu.core_type<sc_vector_subcore>, window_params = [{transform_indices = #map}, {transform_indices = #map}, {transform_indices = #map}, {transform_indices = #map}, {transform_indices = #map1}]} {
    %mul3A = arith.constant 16 : i32
    %mul3A_0 = arith.muli %arg0, %mul3A : i32
    %add3A = arith.addi %mul3A_0, %arg1 : i32
    %mul3A_1 = arith.constant 80 : i32
    %mul3A_2 = arith.muli %add3A, %mul3A_1 : i32
    %dma_start3A = arith.constant 0 : i32
    %dma_start3A_3 = arith.constant 0 : i32
    %dma_start3A_4 = tpu.memref_slice %arg2[%mul3A_2, %dma_start3A_3] : memref<2560x128xi32, #tpu.memory_space<hbm>> -> memref<80x128xi32, #tpu.memory_space<hbm>>
    %dma_start3A_5 = tpu.memref_slice %arg14[%dma_start3A] : memref<4x!tpu.dma_semaphore, #tpu.memory_space<semaphore_mem>> -> memref<1x!tpu.dma_semaphore, #tpu.memory_space<semaphore_mem>>
    %dma_start3A_6 = tpu.memref_squeeze %dma_start3A_5 : memref<1x!tpu.dma_semaphore, #tpu.memory_space<semaphore_mem>> -> memref<!tpu.dma_semaphore, #tpu.memory_space<semaphore_mem>>
    %dma_start3A_7 = arith.constant 0 : i32
    %dma_start3A_8 = tpu.memref_slice %arg2[%mul3A_2, %dma_start3A_7] : memref<2560x128xi32, #tpu.memory_space<hbm>> -> memref<80x128xi32, #tpu.memory_space<hbm>>
    tpu.enqueue_dma source(%dma_start3A_8 : memref<80x128xi32, #tpu.memory_space<hbm>>) target(%arg7 : memref<80x128xi32, #tpu.memory_space<vmem>>) target_semaphore(%dma_start3A_6 : memref<!tpu.dma_semaphore, #tpu.memory_space<semaphore_mem>>)
    %mul3A_9 = arith.constant 80 : i32
    %mul3A_10 = arith.muli %add3A, %mul3A_9 : i32
    %dma_start3A_11 = arith.constant 1 : i32
    %dma_start3A_12 = arith.constant 0 : i32
    %dma_start3A_13 = tpu.memref_slice %arg3[%mul3A_10, %dma_start3A_12] : memref<2560x128xi32, #tpu.memory_space<hbm>> -> memref<80x128xi32, #tpu.memory_space<hbm>>
    %dma_start3A_14 = tpu.memref_slice %arg14[%dma_start3A_11] : memref<4x!tpu.dma_semaphore, #tpu.memory_space<semaphore_mem>> -> memref<1x!tpu.dma_semaphore, #tpu.memory_space<semaphore_mem>>
    %dma_start3A_15 = tpu.memref_squeeze %dma_start3A_14 : memref<1x!tpu.dma_semaphore, #tpu.memory_space<semaphore_mem>> -> memref<!tpu.dma_semaphore, #tpu.memory_space<semaphore_mem>>
    %dma_start3A_16 = arith.constant 0 : i32
    %dma_start3A_17 = tpu.memref_slice %arg3[%mul3A_10, %dma_start3A_16] : memref<2560x128xi32, #tpu.memory_space<hbm>> -> memref<80x128xi32, #tpu.memory_space<hbm>>
    tpu.enqueue_dma source(%dma_start3A_17 : memref<80x128xi32, #tpu.memory_space<hbm>>) target(%arg8 : memref<80x128xi32, #tpu.memory_space<vmem>>) target_semaphore(%dma_start3A_15 : memref<!tpu.dma_semaphore, #tpu.memory_space<semaphore_mem>>)
    %mul3A_18 = arith.constant 632 : i32
    %mul3A_19 = arith.muli %arg1, %mul3A_18 : i32
    %mul3A_20 = arith.constant 632 : i32
    %mul3A_21 = arith.muli %arg1, %mul3A_20 : i32
    %dma_start3A_22 = arith.constant 2 : i32
    %dma_start3A_23 = tpu.memref_slice %arg14[%dma_start3A_22] : memref<4x!tpu.dma_semaphore, #tpu.memory_space<semaphore_mem>> -> memref<1x!tpu.dma_semaphore, #tpu.memory_space<semaphore_mem>>
    %dma_start3A_24 = tpu.memref_squeeze %dma_start3A_23 : memref<1x!tpu.dma_semaphore, #tpu.memory_space<semaphore_mem>> -> memref<!tpu.dma_semaphore, #tpu.memory_space<semaphore_mem>>
    %dma_start3A_25 = arith.constant 0 : i32
    %dma_start3A_26 = tpu.memref_slice %arg10[%mul3A_21, %dma_start3A_25] : memref<10112x64xf32, #tpu.memory_space<vmem_shared>> -> memref<632x64xf32, #tpu.memory_space<vmem_shared>>
    %dma_start3A_27 = arith.constant 0 : i32
    %dma_start3A_28 = tpu.memref_slice %arg4[%mul3A_19, %dma_start3A_27] : memref<10112x64xf32, #tpu.memory_space<hbm>> -> memref<632x64xf32, #tpu.memory_space<hbm>>
    tpu.enqueue_dma source(%dma_start3A_28 : memref<632x64xf32, #tpu.memory_space<hbm>>) target(%dma_start3A_26 : memref<632x64xf32, #tpu.memory_space<vmem_shared>>) target_semaphore(%dma_start3A_24 : memref<!tpu.dma_semaphore, #tpu.memory_space<semaphore_mem>>)
    %mul3A_29 = arith.constant 632 : i32
    %mul3A_30 = arith.muli %arg1, %mul3A_29 : i32
    %mul3A_31 = arith.constant 632 : i32
    %mul3A_32 = arith.muli %arg1, %mul3A_31 : i32
    %dma_start3A_33 = arith.constant 3 : i32
    %dma_start3A_34 = tpu.memref_slice %arg14[%dma_start3A_33] : memref<4x!tpu.dma_semaphore, #tpu.memory_space<semaphore_mem>> -> memref<1x!tpu.dma_semaphore, #tpu.memory_space<semaphore_mem>>
    %dma_start3A_35 = tpu.memref_squeeze %dma_start3A_34 : memref<1x!tpu.dma_semaphore, #tpu.memory_space<semaphore_mem>> -> memref<!tpu.dma_semaphore, #tpu.memory_space<semaphore_mem>>
    %dma_start3A_36 = arith.constant 0 : i32
    %dma_start3A_37 = tpu.memref_slice %arg11[%mul3A_32, %dma_start3A_36] : memref<10112x64xf32, #tpu.memory_space<vmem_shared>> -> memref<632x64xf32, #tpu.memory_space<vmem_shared>>
    %dma_start3A_38 = arith.constant 0 : i32
    %dma_start3A_39 = tpu.memref_slice %arg5[%mul3A_30, %dma_start3A_38] : memref<10112x64xf32, #tpu.memory_space<hbm>> -> memref<632x64xf32, #tpu.memory_space<hbm>>
    tpu.enqueue_dma source(%dma_start3A_39 : memref<632x64xf32, #tpu.memory_space<hbm>>) target(%dma_start3A_37 : memref<632x64xf32, #tpu.memory_space<vmem_shared>>) target_semaphore(%dma_start3A_35 : memref<!tpu.dma_semaphore, #tpu.memory_space<semaphore_mem>>)
    %mul3A_40 = arith.constant 80 : i32
    %mul3A_41 = arith.muli %add3A, %mul3A_40 : i32
    %dma_wait3A = arith.constant 0 : i32
    %dma_wait3A_42 = arith.constant 0 : i32
    %dma_wait3A_43 = tpu.memref_slice %arg2[%mul3A_41, %dma_wait3A_42] : memref<2560x128xi32, #tpu.memory_space<hbm>> -> memref<80x128xi32, #tpu.memory_space<hbm>>
    %dma_wait3A_44 = tpu.memref_slice %arg14[%dma_wait3A] : memref<4x!tpu.dma_semaphore, #tpu.memory_space<semaphore_mem>> -> memref<1x!tpu.dma_semaphore, #tpu.memory_space<semaphore_mem>>
    %dma_wait3A_45 = tpu.memref_squeeze %dma_wait3A_44 : memref<1x!tpu.dma_semaphore, #tpu.memory_space<semaphore_mem>> -> memref<!tpu.dma_semaphore, #tpu.memory_space<semaphore_mem>>
    %dma_wait3A_46 = arith.constant 0 : i32
    %dma_wait3A_47 = tpu.memref_slice %arg2[%mul3A_41, %dma_wait3A_46] : memref<2560x128xi32, #tpu.memory_space<hbm>> -> memref<80x128xi32, #tpu.memory_space<hbm>>
    tpu.wait_dma2 semaphore(%dma_wait3A_45 : memref<!tpu.dma_semaphore, #tpu.memory_space<semaphore_mem>>) src(%dma_wait3A_47 : memref<80x128xi32, #tpu.memory_space<hbm>>) dst(%arg7 : memref<80x128xi32, #tpu.memory_space<vmem>>)
    %mul3A_48 = arith.constant 80 : i32
    %mul3A_49 = arith.muli %add3A, %mul3A_48 : i32
    %dma_wait3A_50 = arith.constant 1 : i32
    %dma_wait3A_51 = arith.constant 0 : i32
    %dma_wait3A_52 = tpu.memref_slice %arg3[%mul3A_49, %dma_wait3A_51] : memref<2560x128xi32, #tpu.memory_space<hbm>> -> memref<80x128xi32, #tpu.memory_space<hbm>>
    %dma_wait3A_53 = tpu.memref_slice %arg14[%dma_wait3A_50] : memref<4x!tpu.dma_semaphore, #tpu.memory_space<semaphore_mem>> -> memref<1x!tpu.dma_semaphore, #tpu.memory_space<semaphore_mem>>
    %dma_wait3A_54 = tpu.memref_squeeze %dma_wait3A_53 : memref<1x!tpu.dma_semaphore, #tpu.memory_space<semaphore_mem>> -> memref<!tpu.dma_semaphore, #tpu.memory_space<semaphore_mem>>
    %dma_wait3A_55 = arith.constant 0 : i32
    %dma_wait3A_56 = tpu.memref_slice %arg3[%mul3A_49, %dma_wait3A_55] : memref<2560x128xi32, #tpu.memory_space<hbm>> -> memref<80x128xi32, #tpu.memory_space<hbm>>
    tpu.wait_dma2 semaphore(%dma_wait3A_54 : memref<!tpu.dma_semaphore, #tpu.memory_space<semaphore_mem>>) src(%dma_wait3A_56 : memref<80x128xi32, #tpu.memory_space<hbm>>) dst(%arg8 : memref<80x128xi32, #tpu.memory_space<vmem>>)
    %mul3A_57 = arith.constant 632 : i32
    %mul3A_58 = arith.muli %arg1, %mul3A_57 : i32
    %mul3A_59 = arith.constant 632 : i32
    %mul3A_60 = arith.muli %arg1, %mul3A_59 : i32
    %dma_wait3A_61 = arith.constant 2 : i32
    %dma_wait3A_62 = tpu.memref_slice %arg14[%dma_wait3A_61] : memref<4x!tpu.dma_semaphore, #tpu.memory_space<semaphore_mem>> -> memref<1x!tpu.dma_semaphore, #tpu.memory_space<semaphore_mem>>
    %dma_wait3A_63 = tpu.memref_squeeze %dma_wait3A_62 : memref<1x!tpu.dma_semaphore, #tpu.memory_space<semaphore_mem>> -> memref<!tpu.dma_semaphore, #tpu.memory_space<semaphore_mem>>
    %dma_wait3A_64 = arith.constant 0 : i32
    %dma_wait3A_65 = tpu.memref_slice %arg10[%mul3A_60, %dma_wait3A_64] : memref<10112x64xf32, #tpu.memory_space<vmem_shared>> -> memref<632x64xf32, #tpu.memory_space<vmem_shared>>
    %dma_wait3A_66 = arith.constant 0 : i32
    %dma_wait3A_67 = tpu.memref_slice %arg4[%mul3A_58, %dma_wait3A_66] : memref<10112x64xf32, #tpu.memory_space<hbm>> -> memref<632x64xf32, #tpu.memory_space<hbm>>
    tpu.wait_dma2 semaphore(%dma_wait3A_63 : memref<!tpu.dma_semaphore, #tpu.memory_space<semaphore_mem>>) src(%dma_wait3A_67 : memref<632x64xf32, #tpu.memory_space<hbm>>) dst(%dma_wait3A_65 : memref<632x64xf32, #tpu.memory_space<vmem_shared>>)
    %mul3A_68 = arith.constant 632 : i32
    %mul3A_69 = arith.muli %arg1, %mul3A_68 : i32
    %mul3A_70 = arith.constant 632 : i32
    %mul3A_71 = arith.muli %arg1, %mul3A_70 : i32
    %dma_wait3A_72 = arith.constant 3 : i32
    %dma_wait3A_73 = tpu.memref_slice %arg14[%dma_wait3A_72] : memref<4x!tpu.dma_semaphore, #tpu.memory_space<semaphore_mem>> -> memref<1x!tpu.dma_semaphore, #tpu.memory_space<semaphore_mem>>
    %dma_wait3A_74 = tpu.memref_squeeze %dma_wait3A_73 : memref<1x!tpu.dma_semaphore, #tpu.memory_space<semaphore_mem>> -> memref<!tpu.dma_semaphore, #tpu.memory_space<semaphore_mem>>
    %dma_wait3A_75 = arith.constant 0 : i32
    %dma_wait3A_76 = tpu.memref_slice %arg11[%mul3A_71, %dma_wait3A_75] : memref<10112x64xf32, #tpu.memory_space<vmem_shared>> -> memref<632x64xf32, #tpu.memory_space<vmem_shared>>
    %dma_wait3A_77 = arith.constant 0 : i32
    %dma_wait3A_78 = tpu.memref_slice %arg5[%mul3A_69, %dma_wait3A_77] : memref<10112x64xf32, #tpu.memory_space<hbm>> -> memref<632x64xf32, #tpu.memory_space<hbm>>
    tpu.wait_dma2 semaphore(%dma_wait3A_74 : memref<!tpu.dma_semaphore, #tpu.memory_space<semaphore_mem>>) src(%dma_wait3A_78 : memref<632x64xf32, #tpu.memory_space<hbm>>) dst(%dma_wait3A_76 : memref<632x64xf32, #tpu.memory_space<vmem_shared>>)
    %barrier3A = arith.constant 0 : index
    tpu.barrier barrier_id(%barrier3A)
    %dma_start3A_79 = arith.constant 0 : i32
    %dma_start3A_80 = arith.constant 0 : i32
    %dma_start3A_81 = arith.constant 0 : i32
    %dma_start3A_82 = arith.constant 0 : i32
    %dma_start3A_83 = arith.constant 0 : i32
    %dma_start3A_84 = tpu.memref_slice %arg9[%dma_start3A_80, %dma_start3A_82, %dma_start3A_83] : memref<2x128x64xf32, #tpu.memory_space<vmem>> -> memref<1x128x64xf32, #tpu.memory_space<vmem>>
    %dma_start3A_85 = tpu.memref_squeeze %dma_start3A_84 : memref<1x128x64xf32, #tpu.memory_space<vmem>> -> memref<128x64xf32, #tpu.memory_space<vmem>>
    %dma_start3A_86 = arith.constant 0 : i32
    %dma_start3A_87 = tpu.memref_slice %arg7[%dma_start3A_79, %dma_start3A_86] : memref<80x128xi32, #tpu.memory_space<vmem>> -> memref<1x128xi32, #tpu.memory_space<vmem>>
    %dma_start3A_88 = tpu.memref_squeeze %dma_start3A_87 : memref<1x128xi32, #tpu.memory_space<vmem>> -> memref<128xi32, #tpu.memory_space<vmem>>
    %dma_start3A_89 = arith.constant 0 : i32
    %dma_start3A_90 = arith.constant 0 : i32
    %dma_start3A_91 = tpu.memref_slice %arg10[%dma_start3A_89, %dma_start3A_90] : memref<10112x64xf32, #tpu.memory_space<vmem_shared>> -> memref<10112x64xf32, #tpu.memory_space<vmem_shared>>
    %dma_start3A_92 = tpu.memref_slice %arg12[%dma_start3A_81] : memref<2x!tpu.dma_semaphore, #tpu.memory_space<semaphore_mem>> -> memref<1x!tpu.dma_semaphore, #tpu.memory_space<semaphore_mem>>
    %dma_start3A_93 = tpu.memref_squeeze %dma_start3A_92 : memref<1x!tpu.dma_semaphore, #tpu.memory_space<semaphore_mem>> -> memref<!tpu.dma_semaphore, #tpu.memory_space<semaphore_mem>>
    tpu.enqueue_indirect_dma source(%dma_start3A_91 : memref<10112x64xf32, #tpu.memory_space<vmem_shared>>) target(%dma_start3A_85 : memref<128x64xf32, #tpu.memory_space<vmem>>) offsets(%dma_start3A_88 : memref<128xi32, #tpu.memory_space<vmem>>) semaphore(%dma_start3A_93 : memref<!tpu.dma_semaphore, #tpu.memory_space<semaphore_mem>>)
    %dma_start3A_94 = arith.constant 1 : i32
    %dma_start3A_95 = arith.constant 1 : i32
    %dma_start3A_96 = arith.constant 1 : i32
    %dma_start3A_97 = arith.constant 0 : i32
    %dma_start3A_98 = arith.constant 0 : i32
    %dma_start3A_99 = tpu.memref_slice %arg9[%dma_start3A_95, %dma_start3A_97, %dma_start3A_98] : memref<2x128x64xf32, #tpu.memory_space<vmem>> -> memref<1x128x64xf32, #tpu.memory_space<vmem>>
    %dma_start3A_100 = tpu.memref_squeeze %dma_start3A_99 : memref<1x128x64xf32, #tpu.memory_space<vmem>> -> memref<128x64xf32, #tpu.memory_space<vmem>>
    %dma_start3A_101 = arith.constant 0 : i32
    %dma_start3A_102 = tpu.memref_slice %arg7[%dma_start3A_94, %dma_start3A_101] : memref<80x128xi32, #tpu.memory_space<vmem>> -> memref<1x128xi32, #tpu.memory_space<vmem>>
    %dma_start3A_103 = tpu.memref_squeeze %dma_start3A_102 : memref<1x128xi32, #tpu.memory_space<vmem>> -> memref<128xi32, #tpu.memory_space<vmem>>
    %dma_start3A_104 = arith.constant 0 : i32
    %dma_start3A_105 = arith.constant 0 : i32
    %dma_start3A_106 = tpu.memref_slice %arg10[%dma_start3A_104, %dma_start3A_105] : memref<10112x64xf32, #tpu.memory_space<vmem_shared>> -> memref<10112x64xf32, #tpu.memory_space<vmem_shared>>
    %dma_start3A_107 = tpu.memref_slice %arg12[%dma_start3A_96] : memref<2x!tpu.dma_semaphore, #tpu.memory_space<semaphore_mem>> -> memref<1x!tpu.dma_semaphore, #tpu.memory_space<semaphore_mem>>
    %dma_start3A_108 = tpu.memref_squeeze %dma_start3A_107 : memref<1x!tpu.dma_semaphore, #tpu.memory_space<semaphore_mem>> -> memref<!tpu.dma_semaphore, #tpu.memory_space<semaphore_mem>>
    tpu.enqueue_indirect_dma source(%dma_start3A_106 : memref<10112x64xf32, #tpu.memory_space<vmem_shared>>) target(%dma_start3A_100 : memref<128x64xf32, #tpu.memory_space<vmem>>) offsets(%dma_start3A_103 : memref<128xi32, #tpu.memory_space<vmem>>) semaphore(%dma_start3A_108 : memref<!tpu.dma_semaphore, #tpu.memory_space<semaphore_mem>>)
    %scan3A = arith.constant 0 : i32
    %scan3A_109 = arith.constant 39 : i32
    %scan3A_110 = arith.addi %scan3A, %scan3A_109 : i32
    %scan3A_111 = arith.constant 1 : i32
    scf.for %scan3A_208 = %scan3A to %scan3A_110 step %scan3A_111  : i32 {
      %mul3A_209 = arith.constant 1 : i32
      %mul3A_210 = arith.muli %scan3A_208, %mul3A_209 : i32
      %add3A_211 = arith.constant 0 : i32
      %add3A_212 = arith.addi %add3A_211, %mul3A_210 : i32
      %mul3A_213 = arith.constant 2 : i32
      %mul3A_214 = arith.muli %add3A_212, %mul3A_213 : i32
      %add3A_215 = arith.constant 0 : i32
      %add3A_216 = arith.addi %mul3A_214, %add3A_215 : i32
      %dma_wait3A_217 = arith.constant 0 : i32
      %dma_wait3A_218 = arith.constant 0 : i32
      %dma_wait3A_219 = arith.constant 0 : i32
      %dma_wait3A_220 = arith.constant 0 : i32
      %dma_wait3A_221 = tpu.memref_slice %arg9[%dma_wait3A_217, %dma_wait3A_219, %dma_wait3A_220] : memref<2x128x64xf32, #tpu.memory_space<vmem>> -> memref<1x128x64xf32, #tpu.memory_space<vmem>>
      %dma_wait3A_222 = tpu.memref_squeeze %dma_wait3A_221 : memref<1x128x64xf32, #tpu.memory_space<vmem>> -> memref<128x64xf32, #tpu.memory_space<vmem>>
      %dma_wait3A_223 = arith.constant 0 : i32
      %dma_wait3A_224 = tpu.memref_slice %arg7[%add3A_216, %dma_wait3A_223] : memref<80x128xi32, #tpu.memory_space<vmem>> -> memref<1x128xi32, #tpu.memory_space<vmem>>
      %dma_wait3A_225 = tpu.memref_squeeze %dma_wait3A_224 : memref<1x128xi32, #tpu.memory_space<vmem>> -> memref<128xi32, #tpu.memory_space<vmem>>
      %dma_wait3A_226 = arith.constant 0 : i32
      %dma_wait3A_227 = arith.constant 0 : i32
      %dma_wait3A_228 = tpu.memref_slice %arg10[%dma_wait3A_226, %dma_wait3A_227] : memref<10112x64xf32, #tpu.memory_space<vmem_shared>> -> memref<10112x64xf32, #tpu.memory_space<vmem_shared>>
      %dma_wait3A_229 = tpu.memref_slice %arg12[%dma_wait3A_218] : memref<2x!tpu.dma_semaphore, #tpu.memory_space<semaphore_mem>> -> memref<1x!tpu.dma_semaphore, #tpu.memory_space<semaphore_mem>>
      %dma_wait3A_230 = tpu.memref_squeeze %dma_wait3A_229 : memref<1x!tpu.dma_semaphore, #tpu.memory_space<semaphore_mem>> -> memref<!tpu.dma_semaphore, #tpu.memory_space<semaphore_mem>>
      tpu.wait_indirect_dma semaphore(%dma_wait3A_230 : memref<!tpu.dma_semaphore, #tpu.memory_space<semaphore_mem>>) src(%dma_wait3A_228 : memref<10112x64xf32, #tpu.memory_space<vmem_shared>>) dst(%dma_wait3A_222 : memref<128x64xf32, #tpu.memory_space<vmem>>)
      %add3A_231 = arith.constant 0 : i32
      %add3A_232 = arith.addi %mul3A_214, %add3A_231 : i32
      %dma_start3A_233 = arith.constant 0 : i32
      %dma_start3A_234 = arith.constant 0 : i32
      %dma_start3A_235 = arith.constant 0 : i32
      %dma_start3A_236 = arith.constant 0 : i32
      %dma_start3A_237 = tpu.memref_slice %arg9[%dma_start3A_233, %dma_start3A_235, %dma_start3A_236] : memref<2x128x64xf32, #tpu.memory_space<vmem>> -> memref<1x128x64xf32, #tpu.memory_space<vmem>>
      %dma_start3A_238 = tpu.memref_squeeze %dma_start3A_237 : memref<1x128x64xf32, #tpu.memory_space<vmem>> -> memref<128x64xf32, #tpu.memory_space<vmem>>
      %dma_start3A_239 = arith.constant 0 : i32
      %dma_start3A_240 = tpu.memref_slice %arg8[%add3A_232, %dma_start3A_239] : memref<80x128xi32, #tpu.memory_space<vmem>> -> memref<1x128xi32, #tpu.memory_space<vmem>>
      %dma_start3A_241 = tpu.memref_squeeze %dma_start3A_240 : memref<1x128xi32, #tpu.memory_space<vmem>> -> memref<128xi32, #tpu.memory_space<vmem>>
      %dma_start3A_242 = arith.constant 0 : i32
      %dma_start3A_243 = arith.constant 0 : i32
      %dma_start3A_244 = tpu.memref_slice %arg11[%dma_start3A_242, %dma_start3A_243] : memref<10112x64xf32, #tpu.memory_space<vmem_shared>> -> memref<10112x64xf32, #tpu.memory_space<vmem_shared>>
      %dma_start3A_245 = tpu.memref_slice %arg13[%dma_start3A_234] : memref<2x!tpu.dma_semaphore, #tpu.memory_space<semaphore_mem>> -> memref<1x!tpu.dma_semaphore, #tpu.memory_space<semaphore_mem>>
      %dma_start3A_246 = tpu.memref_squeeze %dma_start3A_245 : memref<1x!tpu.dma_semaphore, #tpu.memory_space<semaphore_mem>> -> memref<!tpu.dma_semaphore, #tpu.memory_space<semaphore_mem>>
      tpu.enqueue_indirect_dma source(%dma_start3A_238 : memref<128x64xf32, #tpu.memory_space<vmem>>) target(%dma_start3A_244 : memref<10112x64xf32, #tpu.memory_space<vmem_shared>>) offsets(%dma_start3A_241 : memref<128xi32, #tpu.memory_space<vmem>>) semaphore(%dma_start3A_246 : memref<!tpu.dma_semaphore, #tpu.memory_space<semaphore_mem>>) {add = true}
      %add3A_247 = arith.constant 1 : i32
      %add3A_248 = arith.addi %mul3A_214, %add3A_247 : i32
      %dma_wait3A_249 = arith.constant 1 : i32
      %dma_wait3A_250 = arith.constant 1 : i32
      %dma_wait3A_251 = arith.constant 0 : i32
      %dma_wait3A_252 = arith.constant 0 : i32
      %dma_wait3A_253 = tpu.memref_slice %arg9[%dma_wait3A_249, %dma_wait3A_251, %dma_wait3A_252] : memref<2x128x64xf32, #tpu.memory_space<vmem>> -> memref<1x128x64xf32, #tpu.memory_space<vmem>>
      %dma_wait3A_254 = tpu.memref_squeeze %dma_wait3A_253 : memref<1x128x64xf32, #tpu.memory_space<vmem>> -> memref<128x64xf32, #tpu.memory_space<vmem>>
      %dma_wait3A_255 = arith.constant 0 : i32
      %dma_wait3A_256 = tpu.memref_slice %arg7[%add3A_248, %dma_wait3A_255] : memref<80x128xi32, #tpu.memory_space<vmem>> -> memref<1x128xi32, #tpu.memory_space<vmem>>
      %dma_wait3A_257 = tpu.memref_squeeze %dma_wait3A_256 : memref<1x128xi32, #tpu.memory_space<vmem>> -> memref<128xi32, #tpu.memory_space<vmem>>
      %dma_wait3A_258 = arith.constant 0 : i32
      %dma_wait3A_259 = arith.constant 0 : i32
      %dma_wait3A_260 = tpu.memref_slice %arg10[%dma_wait3A_258, %dma_wait3A_259] : memref<10112x64xf32, #tpu.memory_space<vmem_shared>> -> memref<10112x64xf32, #tpu.memory_space<vmem_shared>>
      %dma_wait3A_261 = tpu.memref_slice %arg12[%dma_wait3A_250] : memref<2x!tpu.dma_semaphore, #tpu.memory_space<semaphore_mem>> -> memref<1x!tpu.dma_semaphore, #tpu.memory_space<semaphore_mem>>
      %dma_wait3A_262 = tpu.memref_squeeze %dma_wait3A_261 : memref<1x!tpu.dma_semaphore, #tpu.memory_space<semaphore_mem>> -> memref<!tpu.dma_semaphore, #tpu.memory_space<semaphore_mem>>
      tpu.wait_indirect_dma semaphore(%dma_wait3A_262 : memref<!tpu.dma_semaphore, #tpu.memory_space<semaphore_mem>>) src(%dma_wait3A_260 : memref<10112x64xf32, #tpu.memory_space<vmem_shared>>) dst(%dma_wait3A_254 : memref<128x64xf32, #tpu.memory_space<vmem>>)
      %add3A_263 = arith.constant 1 : i32
      %add3A_264 = arith.addi %mul3A_214, %add3A_263 : i32
      %dma_start3A_265 = arith.constant 1 : i32
      %dma_start3A_266 = arith.constant 1 : i32
      %dma_start3A_267 = arith.constant 0 : i32
      %dma_start3A_268 = arith.constant 0 : i32
      %dma_start3A_269 = tpu.memref_slice %arg9[%dma_start3A_265, %dma_start3A_267, %dma_start3A_268] : memref<2x128x64xf32, #tpu.memory_space<vmem>> -> memref<1x128x64xf32, #tpu.memory_space<vmem>>
      %dma_start3A_270 = tpu.memref_squeeze %dma_start3A_269 : memref<1x128x64xf32, #tpu.memory_space<vmem>> -> memref<128x64xf32, #tpu.memory_space<vmem>>
      %dma_start3A_271 = arith.constant 0 : i32
      %dma_start3A_272 = tpu.memref_slice %arg8[%add3A_264, %dma_start3A_271] : memref<80x128xi32, #tpu.memory_space<vmem>> -> memref<1x128xi32, #tpu.memory_space<vmem>>
      %dma_start3A_273 = tpu.memref_squeeze %dma_start3A_272 : memref<1x128xi32, #tpu.memory_space<vmem>> -> memref<128xi32, #tpu.memory_space<vmem>>
      %dma_start3A_274 = arith.constant 0 : i32
      %dma_start3A_275 = arith.constant 0 : i32
      %dma_start3A_276 = tpu.memref_slice %arg11[%dma_start3A_274, %dma_start3A_275] : memref<10112x64xf32, #tpu.memory_space<vmem_shared>> -> memref<10112x64xf32, #tpu.memory_space<vmem_shared>>
      %dma_start3A_277 = tpu.memref_slice %arg13[%dma_start3A_266] : memref<2x!tpu.dma_semaphore, #tpu.memory_space<semaphore_mem>> -> memref<1x!tpu.dma_semaphore, #tpu.memory_space<semaphore_mem>>
      %dma_start3A_278 = tpu.memref_squeeze %dma_start3A_277 : memref<1x!tpu.dma_semaphore, #tpu.memory_space<semaphore_mem>> -> memref<!tpu.dma_semaphore, #tpu.memory_space<semaphore_mem>>
      tpu.enqueue_indirect_dma source(%dma_start3A_270 : memref<128x64xf32, #tpu.memory_space<vmem>>) target(%dma_start3A_276 : memref<10112x64xf32, #tpu.memory_space<vmem_shared>>) offsets(%dma_start3A_273 : memref<128xi32, #tpu.memory_space<vmem>>) semaphore(%dma_start3A_278 : memref<!tpu.dma_semaphore, #tpu.memory_space<semaphore_mem>>) {add = true}
      %add3A_279 = arith.constant 0 : i32
      %add3A_280 = arith.addi %mul3A_214, %add3A_279 : i32
      %dma_wait3A_281 = arith.constant 0 : i32
      %dma_wait3A_282 = arith.constant 0 : i32
      %dma_wait3A_283 = arith.constant 0 : i32
      %dma_wait3A_284 = arith.constant 0 : i32
      %dma_wait3A_285 = tpu.memref_slice %arg9[%dma_wait3A_281, %dma_wait3A_283, %dma_wait3A_284] : memref<2x128x64xf32, #tpu.memory_space<vmem>> -> memref<1x128x64xf32, #tpu.memory_space<vmem>>
      %dma_wait3A_286 = tpu.memref_squeeze %dma_wait3A_285 : memref<1x128x64xf32, #tpu.memory_space<vmem>> -> memref<128x64xf32, #tpu.memory_space<vmem>>
      %dma_wait3A_287 = arith.constant 0 : i32
      %dma_wait3A_288 = tpu.memref_slice %arg8[%add3A_280, %dma_wait3A_287] : memref<80x128xi32, #tpu.memory_space<vmem>> -> memref<1x128xi32, #tpu.memory_space<vmem>>
      %dma_wait3A_289 = tpu.memref_squeeze %dma_wait3A_288 : memref<1x128xi32, #tpu.memory_space<vmem>> -> memref<128xi32, #tpu.memory_space<vmem>>
      %dma_wait3A_290 = arith.constant 0 : i32
      %dma_wait3A_291 = arith.constant 0 : i32
      %dma_wait3A_292 = tpu.memref_slice %arg11[%dma_wait3A_290, %dma_wait3A_291] : memref<10112x64xf32, #tpu.memory_space<vmem_shared>> -> memref<10112x64xf32, #tpu.memory_space<vmem_shared>>
      %dma_wait3A_293 = tpu.memref_slice %arg13[%dma_wait3A_282] : memref<2x!tpu.dma_semaphore, #tpu.memory_space<semaphore_mem>> -> memref<1x!tpu.dma_semaphore, #tpu.memory_space<semaphore_mem>>
      %dma_wait3A_294 = tpu.memref_squeeze %dma_wait3A_293 : memref<1x!tpu.dma_semaphore, #tpu.memory_space<semaphore_mem>> -> memref<!tpu.dma_semaphore, #tpu.memory_space<semaphore_mem>>
      tpu.wait_indirect_dma semaphore(%dma_wait3A_294 : memref<!tpu.dma_semaphore, #tpu.memory_space<semaphore_mem>>) src(%dma_wait3A_286 : memref<128x64xf32, #tpu.memory_space<vmem>>) dst(%dma_wait3A_292 : memref<10112x64xf32, #tpu.memory_space<vmem_shared>>)
      %add3A_295 = arith.constant 2 : i32
      %add3A_296 = arith.addi %mul3A_214, %add3A_295 : i32
      %add3A_297 = arith.constant 0 : i32
      %add3A_298 = arith.addi %add3A_296, %add3A_297 : i32
      %dma_start3A_299 = arith.constant 0 : i32
      %dma_start3A_300 = arith.constant 0 : i32
      %dma_start3A_301 = arith.constant 0 : i32
      %dma_start3A_302 = arith.constant 0 : i32
      %dma_start3A_303 = tpu.memref_slice %arg9[%dma_start3A_299, %dma_start3A_301, %dma_start3A_302] : memref<2x128x64xf32, #tpu.memory_space<vmem>> -> memref<1x128x64xf32, #tpu.memory_space<vmem>>
      %dma_start3A_304 = tpu.memref_squeeze %dma_start3A_303 : memref<1x128x64xf32, #tpu.memory_space<vmem>> -> memref<128x64xf32, #tpu.memory_space<vmem>>
      %dma_start3A_305 = arith.constant 0 : i32
      %dma_start3A_306 = tpu.memref_slice %arg7[%add3A_298, %dma_start3A_305] : memref<80x128xi32, #tpu.memory_space<vmem>> -> memref<1x128xi32, #tpu.memory_space<vmem>>
      %dma_start3A_307 = tpu.memref_squeeze %dma_start3A_306 : memref<1x128xi32, #tpu.memory_space<vmem>> -> memref<128xi32, #tpu.memory_space<vmem>>
      %dma_start3A_308 = arith.constant 0 : i32
      %dma_start3A_309 = arith.constant 0 : i32
      %dma_start3A_310 = tpu.memref_slice %arg10[%dma_start3A_308, %dma_start3A_309] : memref<10112x64xf32, #tpu.memory_space<vmem_shared>> -> memref<10112x64xf32, #tpu.memory_space<vmem_shared>>
      %dma_start3A_311 = tpu.memref_slice %arg12[%dma_start3A_300] : memref<2x!tpu.dma_semaphore, #tpu.memory_space<semaphore_mem>> -> memref<1x!tpu.dma_semaphore, #tpu.memory_space<semaphore_mem>>
      %dma_start3A_312 = tpu.memref_squeeze %dma_start3A_311 : memref<1x!tpu.dma_semaphore, #tpu.memory_space<semaphore_mem>> -> memref<!tpu.dma_semaphore, #tpu.memory_space<semaphore_mem>>
      tpu.enqueue_indirect_dma source(%dma_start3A_310 : memref<10112x64xf32, #tpu.memory_space<vmem_shared>>) target(%dma_start3A_304 : memref<128x64xf32, #tpu.memory_space<vmem>>) offsets(%dma_start3A_307 : memref<128xi32, #tpu.memory_space<vmem>>) semaphore(%dma_start3A_312 : memref<!tpu.dma_semaphore, #tpu.memory_space<semaphore_mem>>)
      %add3A_313 = arith.constant 1 : i32
      %add3A_314 = arith.addi %mul3A_214, %add3A_313 : i32
      %dma_wait3A_315 = arith.constant 1 : i32
      %dma_wait3A_316 = arith.constant 1 : i32
      %dma_wait3A_317 = arith.constant 0 : i32
      %dma_wait3A_318 = arith.constant 0 : i32
      %dma_wait3A_319 = tpu.memref_slice %arg9[%dma_wait3A_315, %dma_wait3A_317, %dma_wait3A_318] : memref<2x128x64xf32, #tpu.memory_space<vmem>> -> memref<1x128x64xf32, #tpu.memory_space<vmem>>
      %dma_wait3A_320 = tpu.memref_squeeze %dma_wait3A_319 : memref<1x128x64xf32, #tpu.memory_space<vmem>> -> memref<128x64xf32, #tpu.memory_space<vmem>>
      %dma_wait3A_321 = arith.constant 0 : i32
      %dma_wait3A_322 = tpu.memref_slice %arg8[%add3A_314, %dma_wait3A_321] : memref<80x128xi32, #tpu.memory_space<vmem>> -> memref<1x128xi32, #tpu.memory_space<vmem>>
      %dma_wait3A_323 = tpu.memref_squeeze %dma_wait3A_322 : memref<1x128xi32, #tpu.memory_space<vmem>> -> memref<128xi32, #tpu.memory_space<vmem>>
      %dma_wait3A_324 = arith.constant 0 : i32
      %dma_wait3A_325 = arith.constant 0 : i32
      %dma_wait3A_326 = tpu.memref_slice %arg11[%dma_wait3A_324, %dma_wait3A_325] : memref<10112x64xf32, #tpu.memory_space<vmem_shared>> -> memref<10112x64xf32, #tpu.memory_space<vmem_shared>>
      %dma_wait3A_327 = tpu.memref_slice %arg13[%dma_wait3A_316] : memref<2x!tpu.dma_semaphore, #tpu.memory_space<semaphore_mem>> -> memref<1x!tpu.dma_semaphore, #tpu.memory_space<semaphore_mem>>
      %dma_wait3A_328 = tpu.memref_squeeze %dma_wait3A_327 : memref<1x!tpu.dma_semaphore, #tpu.memory_space<semaphore_mem>> -> memref<!tpu.dma_semaphore, #tpu.memory_space<semaphore_mem>>
      tpu.wait_indirect_dma semaphore(%dma_wait3A_328 : memref<!tpu.dma_semaphore, #tpu.memory_space<semaphore_mem>>) src(%dma_wait3A_320 : memref<128x64xf32, #tpu.memory_space<vmem>>) dst(%dma_wait3A_326 : memref<10112x64xf32, #tpu.memory_space<vmem_shared>>)
      %add3A_329 = arith.constant 2 : i32
      %add3A_330 = arith.addi %mul3A_214, %add3A_329 : i32
      %add3A_331 = arith.constant 1 : i32
      %add3A_332 = arith.addi %add3A_330, %add3A_331 : i32
      %dma_start3A_333 = arith.constant 1 : i32
      %dma_start3A_334 = arith.constant 1 : i32
      %dma_start3A_335 = arith.constant 0 : i32
      %dma_start3A_336 = arith.constant 0 : i32
      %dma_start3A_337 = tpu.memref_slice %arg9[%dma_start3A_333, %dma_start3A_335, %dma_start3A_336] : memref<2x128x64xf32, #tpu.memory_space<vmem>> -> memref<1x128x64xf32, #tpu.memory_space<vmem>>
      %dma_start3A_338 = tpu.memref_squeeze %dma_start3A_337 : memref<1x128x64xf32, #tpu.memory_space<vmem>> -> memref<128x64xf32, #tpu.memory_space<vmem>>
      %dma_start3A_339 = arith.constant 0 : i32
      %dma_start3A_340 = tpu.memref_slice %arg7[%add3A_332, %dma_start3A_339] : memref<80x128xi32, #tpu.memory_space<vmem>> -> memref<1x128xi32, #tpu.memory_space<vmem>>
      %dma_start3A_341 = tpu.memref_squeeze %dma_start3A_340 : memref<1x128xi32, #tpu.memory_space<vmem>> -> memref<128xi32, #tpu.memory_space<vmem>>
      %dma_start3A_342 = arith.constant 0 : i32
      %dma_start3A_343 = arith.constant 0 : i32
      %dma_start3A_344 = tpu.memref_slice %arg10[%dma_start3A_342, %dma_start3A_343] : memref<10112x64xf32, #tpu.memory_space<vmem_shared>> -> memref<10112x64xf32, #tpu.memory_space<vmem_shared>>
      %dma_start3A_345 = tpu.memref_slice %arg12[%dma_start3A_334] : memref<2x!tpu.dma_semaphore, #tpu.memory_space<semaphore_mem>> -> memref<1x!tpu.dma_semaphore, #tpu.memory_space<semaphore_mem>>
      %dma_start3A_346 = tpu.memref_squeeze %dma_start3A_345 : memref<1x!tpu.dma_semaphore, #tpu.memory_space<semaphore_mem>> -> memref<!tpu.dma_semaphore, #tpu.memory_space<semaphore_mem>>
      tpu.enqueue_indirect_dma source(%dma_start3A_344 : memref<10112x64xf32, #tpu.memory_space<vmem_shared>>) target(%dma_start3A_338 : memref<128x64xf32, #tpu.memory_space<vmem>>) offsets(%dma_start3A_341 : memref<128xi32, #tpu.memory_space<vmem>>) semaphore(%dma_start3A_346 : memref<!tpu.dma_semaphore, #tpu.memory_space<semaphore_mem>>)
    }
    %scan3A_112 = arith.constant 39 : i32
    %dma_wait3A_113 = arith.constant 78 : i32
    %dma_wait3A_114 = arith.constant 0 : i32
    %dma_wait3A_115 = arith.constant 0 : i32
    %dma_wait3A_116 = arith.constant 0 : i32
    %dma_wait3A_117 = arith.constant 0 : i32
    %dma_wait3A_118 = tpu.memref_slice %arg9[%dma_wait3A_114, %dma_wait3A_116, %dma_wait3A_117] : memref<2x128x64xf32, #tpu.memory_space<vmem>> -> memref<1x128x64xf32, #tpu.memory_space<vmem>>
    %dma_wait3A_119 = tpu.memref_squeeze %dma_wait3A_118 : memref<1x128x64xf32, #tpu.memory_space<vmem>> -> memref<128x64xf32, #tpu.memory_space<vmem>>
    %dma_wait3A_120 = arith.constant 0 : i32
    %dma_wait3A_121 = tpu.memref_slice %arg7[%dma_wait3A_113, %dma_wait3A_120] : memref<80x128xi32, #tpu.memory_space<vmem>> -> memref<1x128xi32, #tpu.memory_space<vmem>>
    %dma_wait3A_122 = tpu.memref_squeeze %dma_wait3A_121 : memref<1x128xi32, #tpu.memory_space<vmem>> -> memref<128xi32, #tpu.memory_space<vmem>>
    %dma_wait3A_123 = arith.constant 0 : i32
    %dma_wait3A_124 = arith.constant 0 : i32
    %dma_wait3A_125 = tpu.memref_slice %arg10[%dma_wait3A_123, %dma_wait3A_124] : memref<10112x64xf32, #tpu.memory_space<vmem_shared>> -> memref<10112x64xf32, #tpu.memory_space<vmem_shared>>
    %dma_wait3A_126 = tpu.memref_slice %arg12[%dma_wait3A_115] : memref<2x!tpu.dma_semaphore, #tpu.memory_space<semaphore_mem>> -> memref<1x!tpu.dma_semaphore, #tpu.memory_space<semaphore_mem>>
    %dma_wait3A_127 = tpu.memref_squeeze %dma_wait3A_126 : memref<1x!tpu.dma_semaphore, #tpu.memory_space<semaphore_mem>> -> memref<!tpu.dma_semaphore, #tpu.memory_space<semaphore_mem>>
    tpu.wait_indirect_dma semaphore(%dma_wait3A_127 : memref<!tpu.dma_semaphore, #tpu.memory_space<semaphore_mem>>) src(%dma_wait3A_125 : memref<10112x64xf32, #tpu.memory_space<vmem_shared>>) dst(%dma_wait3A_119 : memref<128x64xf32, #tpu.memory_space<vmem>>)
    %dma_start3A_128 = arith.constant 0 : i32
    %dma_start3A_129 = arith.constant 78 : i32
    %dma_start3A_130 = arith.constant 0 : i32
    %dma_start3A_131 = arith.constant 0 : i32
    %dma_start3A_132 = arith.constant 0 : i32
    %dma_start3A_133 = tpu.memref_slice %arg9[%dma_start3A_128, %dma_start3A_131, %dma_start3A_132] : memref<2x128x64xf32, #tpu.memory_space<vmem>> -> memref<1x128x64xf32, #tpu.memory_space<vmem>>
    %dma_start3A_134 = tpu.memref_squeeze %dma_start3A_133 : memref<1x128x64xf32, #tpu.memory_space<vmem>> -> memref<128x64xf32, #tpu.memory_space<vmem>>
    %dma_start3A_135 = arith.constant 0 : i32
    %dma_start3A_136 = tpu.memref_slice %arg8[%dma_start3A_129, %dma_start3A_135] : memref<80x128xi32, #tpu.memory_space<vmem>> -> memref<1x128xi32, #tpu.memory_space<vmem>>
    %dma_start3A_137 = tpu.memref_squeeze %dma_start3A_136 : memref<1x128xi32, #tpu.memory_space<vmem>> -> memref<128xi32, #tpu.memory_space<vmem>>
    %dma_start3A_138 = arith.constant 0 : i32
    %dma_start3A_139 = arith.constant 0 : i32
    %dma_start3A_140 = tpu.memref_slice %arg11[%dma_start3A_138, %dma_start3A_139] : memref<10112x64xf32, #tpu.memory_space<vmem_shared>> -> memref<10112x64xf32, #tpu.memory_space<vmem_shared>>
    %dma_start3A_141 = tpu.memref_slice %arg13[%dma_start3A_130] : memref<2x!tpu.dma_semaphore, #tpu.memory_space<semaphore_mem>> -> memref<1x!tpu.dma_semaphore, #tpu.memory_space<semaphore_mem>>
    %dma_start3A_142 = tpu.memref_squeeze %dma_start3A_141 : memref<1x!tpu.dma_semaphore, #tpu.memory_space<semaphore_mem>> -> memref<!tpu.dma_semaphore, #tpu.memory_space<semaphore_mem>>
    tpu.enqueue_indirect_dma source(%dma_start3A_134 : memref<128x64xf32, #tpu.memory_space<vmem>>) target(%dma_start3A_140 : memref<10112x64xf32, #tpu.memory_space<vmem_shared>>) offsets(%dma_start3A_137 : memref<128xi32, #tpu.memory_space<vmem>>) semaphore(%dma_start3A_142 : memref<!tpu.dma_semaphore, #tpu.memory_space<semaphore_mem>>) {add = true}
    %dma_wait3A_143 = arith.constant 79 : i32
    %dma_wait3A_144 = arith.constant 1 : i32
    %dma_wait3A_145 = arith.constant 1 : i32
    %dma_wait3A_146 = arith.constant 0 : i32
    %dma_wait3A_147 = arith.constant 0 : i32
    %dma_wait3A_148 = tpu.memref_slice %arg9[%dma_wait3A_144, %dma_wait3A_146, %dma_wait3A_147] : memref<2x128x64xf32, #tpu.memory_space<vmem>> -> memref<1x128x64xf32, #tpu.memory_space<vmem>>
    %dma_wait3A_149 = tpu.memref_squeeze %dma_wait3A_148 : memref<1x128x64xf32, #tpu.memory_space<vmem>> -> memref<128x64xf32, #tpu.memory_space<vmem>>
    %dma_wait3A_150 = arith.constant 0 : i32
    %dma_wait3A_151 = tpu.memref_slice %arg7[%dma_wait3A_143, %dma_wait3A_150] : memref<80x128xi32, #tpu.memory_space<vmem>> -> memref<1x128xi32, #tpu.memory_space<vmem>>
    %dma_wait3A_152 = tpu.memref_squeeze %dma_wait3A_151 : memref<1x128xi32, #tpu.memory_space<vmem>> -> memref<128xi32, #tpu.memory_space<vmem>>
    %dma_wait3A_153 = arith.constant 0 : i32
    %dma_wait3A_154 = arith.constant 0 : i32
    %dma_wait3A_155 = tpu.memref_slice %arg10[%dma_wait3A_153, %dma_wait3A_154] : memref<10112x64xf32, #tpu.memory_space<vmem_shared>> -> memref<10112x64xf32, #tpu.memory_space<vmem_shared>>
    %dma_wait3A_156 = tpu.memref_slice %arg12[%dma_wait3A_145] : memref<2x!tpu.dma_semaphore, #tpu.memory_space<semaphore_mem>> -> memref<1x!tpu.dma_semaphore, #tpu.memory_space<semaphore_mem>>
    %dma_wait3A_157 = tpu.memref_squeeze %dma_wait3A_156 : memref<1x!tpu.dma_semaphore, #tpu.memory_space<semaphore_mem>> -> memref<!tpu.dma_semaphore, #tpu.memory_space<semaphore_mem>>
    tpu.wait_indirect_dma semaphore(%dma_wait3A_157 : memref<!tpu.dma_semaphore, #tpu.memory_space<semaphore_mem>>) src(%dma_wait3A_155 : memref<10112x64xf32, #tpu.memory_space<vmem_shared>>) dst(%dma_wait3A_149 : memref<128x64xf32, #tpu.memory_space<vmem>>)
    %dma_start3A_158 = arith.constant 1 : i32
    %dma_start3A_159 = arith.constant 79 : i32
    %dma_start3A_160 = arith.constant 1 : i32
    %dma_start3A_161 = arith.constant 0 : i32
    %dma_start3A_162 = arith.constant 0 : i32
    %dma_start3A_163 = tpu.memref_slice %arg9[%dma_start3A_158, %dma_start3A_161, %dma_start3A_162] : memref<2x128x64xf32, #tpu.memory_space<vmem>> -> memref<1x128x64xf32, #tpu.memory_space<vmem>>
    %dma_start3A_164 = tpu.memref_squeeze %dma_start3A_163 : memref<1x128x64xf32, #tpu.memory_space<vmem>> -> memref<128x64xf32, #tpu.memory_space<vmem>>
    %dma_start3A_165 = arith.constant 0 : i32
    %dma_start3A_166 = tpu.memref_slice %arg8[%dma_start3A_159, %dma_start3A_165] : memref<80x128xi32, #tpu.memory_space<vmem>> -> memref<1x128xi32, #tpu.memory_space<vmem>>
    %dma_start3A_167 = tpu.memref_squeeze %dma_start3A_166 : memref<1x128xi32, #tpu.memory_space<vmem>> -> memref<128xi32, #tpu.memory_space<vmem>>
    %dma_start3A_168 = arith.constant 0 : i32
    %dma_start3A_169 = arith.constant 0 : i32
    %dma_start3A_170 = tpu.memref_slice %arg11[%dma_start3A_168, %dma_start3A_169] : memref<10112x64xf32, #tpu.memory_space<vmem_shared>> -> memref<10112x64xf32, #tpu.memory_space<vmem_shared>>
    %dma_start3A_171 = tpu.memref_slice %arg13[%dma_start3A_160] : memref<2x!tpu.dma_semaphore, #tpu.memory_space<semaphore_mem>> -> memref<1x!tpu.dma_semaphore, #tpu.memory_space<semaphore_mem>>
    %dma_start3A_172 = tpu.memref_squeeze %dma_start3A_171 : memref<1x!tpu.dma_semaphore, #tpu.memory_space<semaphore_mem>> -> memref<!tpu.dma_semaphore, #tpu.memory_space<semaphore_mem>>
    tpu.enqueue_indirect_dma source(%dma_start3A_164 : memref<128x64xf32, #tpu.memory_space<vmem>>) target(%dma_start3A_170 : memref<10112x64xf32, #tpu.memory_space<vmem_shared>>) offsets(%dma_start3A_167 : memref<128xi32, #tpu.memory_space<vmem>>) semaphore(%dma_start3A_172 : memref<!tpu.dma_semaphore, #tpu.memory_space<semaphore_mem>>) {add = true}
    %dma_wait3A_173 = arith.constant 0 : i32
    %dma_wait3A_174 = arith.constant 78 : i32
    %dma_wait3A_175 = arith.constant 0 : i32
    %dma_wait3A_176 = arith.constant 0 : i32
    %dma_wait3A_177 = arith.constant 0 : i32
    %dma_wait3A_178 = tpu.memref_slice %arg9[%dma_wait3A_173, %dma_wait3A_176, %dma_wait3A_177] : memref<2x128x64xf32, #tpu.memory_space<vmem>> -> memref<1x128x64xf32, #tpu.memory_space<vmem>>
    %dma_wait3A_179 = tpu.memref_squeeze %dma_wait3A_178 : memref<1x128x64xf32, #tpu.memory_space<vmem>> -> memref<128x64xf32, #tpu.memory_space<vmem>>
    %dma_wait3A_180 = arith.constant 0 : i32
    %dma_wait3A_181 = tpu.memref_slice %arg8[%dma_wait3A_174, %dma_wait3A_180] : memref<80x128xi32, #tpu.memory_space<vmem>> -> memref<1x128xi32, #tpu.memory_space<vmem>>
    %dma_wait3A_182 = tpu.memref_squeeze %dma_wait3A_181 : memref<1x128xi32, #tpu.memory_space<vmem>> -> memref<128xi32, #tpu.memory_space<vmem>>
    %dma_wait3A_183 = arith.constant 0 : i32
    %dma_wait3A_184 = arith.constant 0 : i32
    %dma_wait3A_185 = tpu.memref_slice %arg11[%dma_wait3A_183, %dma_wait3A_184] : memref<10112x64xf32, #tpu.memory_space<vmem_shared>> -> memref<10112x64xf32, #tpu.memory_space<vmem_shared>>
    %dma_wait3A_186 = tpu.memref_slice %arg13[%dma_wait3A_175] : memref<2x!tpu.dma_semaphore, #tpu.memory_space<semaphore_mem>> -> memref<1x!tpu.dma_semaphore, #tpu.memory_space<semaphore_mem>>
    %dma_wait3A_187 = tpu.memref_squeeze %dma_wait3A_186 : memref<1x!tpu.dma_semaphore, #tpu.memory_space<semaphore_mem>> -> memref<!tpu.dma_semaphore, #tpu.memory_space<semaphore_mem>>
    tpu.wait_indirect_dma semaphore(%dma_wait3A_187 : memref<!tpu.dma_semaphore, #tpu.memory_space<semaphore_mem>>) src(%dma_wait3A_179 : memref<128x64xf32, #tpu.memory_space<vmem>>) dst(%dma_wait3A_185 : memref<10112x64xf32, #tpu.memory_space<vmem_shared>>)
    %dma_wait3A_188 = arith.constant 1 : i32
    %dma_wait3A_189 = arith.constant 79 : i32
    %dma_wait3A_190 = arith.constant 1 : i32
    %dma_wait3A_191 = arith.constant 0 : i32
    %dma_wait3A_192 = arith.constant 0 : i32
    %dma_wait3A_193 = tpu.memref_slice %arg9[%dma_wait3A_188, %dma_wait3A_191, %dma_wait3A_192] : memref<2x128x64xf32, #tpu.memory_space<vmem>> -> memref<1x128x64xf32, #tpu.memory_space<vmem>>
    %dma_wait3A_194 = tpu.memref_squeeze %dma_wait3A_193 : memref<1x128x64xf32, #tpu.memory_space<vmem>> -> memref<128x64xf32, #tpu.memory_space<vmem>>
    %dma_wait3A_195 = arith.constant 0 : i32
    %dma_wait3A_196 = tpu.memref_slice %arg8[%dma_wait3A_189, %dma_wait3A_195] : memref<80x128xi32, #tpu.memory_space<vmem>> -> memref<1x128xi32, #tpu.memory_space<vmem>>
    %dma_wait3A_197 = tpu.memref_squeeze %dma_wait3A_196 : memref<1x128xi32, #tpu.memory_space<vmem>> -> memref<128xi32, #tpu.memory_space<vmem>>
    %dma_wait3A_198 = arith.constant 0 : i32
    %dma_wait3A_199 = arith.constant 0 : i32
    %dma_wait3A_200 = tpu.memref_slice %arg11[%dma_wait3A_198, %dma_wait3A_199] : memref<10112x64xf32, #tpu.memory_space<vmem_shared>> -> memref<10112x64xf32, #tpu.memory_space<vmem_shared>>
    %dma_wait3A_201 = tpu.memref_slice %arg13[%dma_wait3A_190] : memref<2x!tpu.dma_semaphore, #tpu.memory_space<semaphore_mem>> -> memref<1x!tpu.dma_semaphore, #tpu.memory_space<semaphore_mem>>
    %dma_wait3A_202 = tpu.memref_squeeze %dma_wait3A_201 : memref<1x!tpu.dma_semaphore, #tpu.memory_space<semaphore_mem>> -> memref<!tpu.dma_semaphore, #tpu.memory_space<semaphore_mem>>
    tpu.wait_indirect_dma semaphore(%dma_wait3A_202 : memref<!tpu.dma_semaphore, #tpu.memory_space<semaphore_mem>>) src(%dma_wait3A_194 : memref<128x64xf32, #tpu.memory_space<vmem>>) dst(%dma_wait3A_200 : memref<10112x64xf32, #tpu.memory_space<vmem_shared>>)
    %barrier3A_203 = arith.constant 0 : index
    tpu.barrier barrier_id(%barrier3A_203)
    %mul3A_204 = arith.constant 632 : i32
    %mul3A_205 = arith.muli %arg1, %mul3A_204 : i32
    %mul3A_206 = arith.constant 632 : i32
    %mul3A_207 = arith.muli %arg1, %mul3A_206 : i32
    "tpu.region"() ({
      %run_scoped3A = tpu.sem_alloc : memref<!tpu.dma_semaphore, #tpu.memory_space<semaphore_mem>>
      %dma_start3A_208 = arith.constant 0 : i32
      %dma_start3A_209 = arith.constant 0 : i32
      %dma_start3A_210 = tpu.memref_slice %arg6[%arg0, %dma_start3A_208, %dma_start3A_209] : memref<2x10112x64xf32, #tpu.memory_space<hbm>> -> memref<1x10112x64xf32, #tpu.memory_space<hbm>>
      %dma_start3A_211 = tpu.memref_squeeze %dma_start3A_210 : memref<1x10112x64xf32, #tpu.memory_space<hbm>> -> memref<10112x64xf32, #tpu.memory_space<hbm>>
      %dma_start3A_212 = arith.constant 0 : i32
      %dma_start3A_213 = tpu.memref_slice %dma_start3A_211[%mul3A_207, %dma_start3A_212] : memref<10112x64xf32, #tpu.memory_space<hbm>> -> memref<632x64xf32, #tpu.memory_space<hbm>>
      %dma_start3A_214 = arith.constant 0 : i32
      %dma_start3A_215 = tpu.memref_slice %arg11[%mul3A_205, %dma_start3A_214] : memref<10112x64xf32, #tpu.memory_space<vmem_shared>> -> memref<632x64xf32, #tpu.memory_space<vmem_shared>>
      tpu.enqueue_dma source(%dma_start3A_215 : memref<632x64xf32, #tpu.memory_space<vmem_shared>>) target(%dma_start3A_213 : memref<632x64xf32, #tpu.memory_space<hbm>>) target_semaphore(%run_scoped3A : memref<!tpu.dma_semaphore, #tpu.memory_space<semaphore_mem>>)
      %dma_wait3A_216 = arith.constant 0 : i32
      %dma_wait3A_217 = arith.constant 0 : i32
      %dma_wait3A_218 = tpu.memref_slice %arg6[%arg0, %dma_wait3A_216, %dma_wait3A_217] : memref<2x10112x64xf32, #tpu.memory_space<hbm>> -> memref<1x10112x64xf32, #tpu.memory_space<hbm>>
      %dma_wait3A_219 = tpu.memref_squeeze %dma_wait3A_218 : memref<1x10112x64xf32, #tpu.memory_space<hbm>> -> memref<10112x64xf32, #tpu.memory_space<hbm>>
      %dma_wait3A_220 = arith.constant 0 : i32
      %dma_wait3A_221 = tpu.memref_slice %dma_wait3A_219[%mul3A_207, %dma_wait3A_220] : memref<10112x64xf32, #tpu.memory_space<hbm>> -> memref<632x64xf32, #tpu.memory_space<hbm>>
      %dma_wait3A_222 = arith.constant 0 : i32
      %dma_wait3A_223 = tpu.memref_slice %arg11[%mul3A_205, %dma_wait3A_222] : memref<10112x64xf32, #tpu.memory_space<vmem_shared>> -> memref<632x64xf32, #tpu.memory_space<vmem_shared>>
      tpu.wait_dma2 semaphore(%run_scoped3A : memref<!tpu.dma_semaphore, #tpu.memory_space<semaphore_mem>>) src(%dma_wait3A_223 : memref<632x64xf32, #tpu.memory_space<vmem_shared>>) dst(%dma_wait3A_221 : memref<632x64xf32, #tpu.memory_space<hbm>>)
      tpu.yield
    }) : () -> ()
    return
  }
}

#map = affine_map<(d0, d1) -> (0, 0)>
#map1 = affine_map<(d0, d1) -> (0, 0, 0)>
module attributes {stable_mosaic.version = 14 : i64} {
  func.func @k(%arg0: i32, %arg1: i32, %arg2: memref<2560x128xi32, #tpu.memory_space<hbm>>, %arg3: memref<2560x128xi32, #tpu.memory_space<hbm>>, %arg4: memref<10112x64xf32, #tpu.memory_space<hbm>>, %arg5: memref<10112x64xf32, #tpu.memory_space<hbm>>, %arg6: memref<2x10112x64xf32, #tpu.memory_space<hbm>>, %arg7: memref<80x128xi32, #tpu.memory_space<vmem>>, %arg8: memref<80x128xi32, #tpu.memory_space<vmem>>, %arg9: memref<2x128x64xf32, #tpu.memory_space<vmem>>, %arg10: memref<10112x64xf32, #tpu.memory_space<vmem_shared>>, %arg11: memref<10112x64xf32, #tpu.memory_space<vmem_shared>>, %arg12: memref<2x!tpu.dma_semaphore, #tpu.memory_space<semaphore_mem>>, %arg13: memref<2x!tpu.dma_semaphore, #tpu.memory_space<semaphore_mem>>, %arg14: memref<4x!tpu.dma_semaphore, #tpu.memory_space<semaphore_mem>>) attributes {dimension_semantics = [#tpu.dimension_semantics<core_parallel>, #tpu.dimension_semantics<subcore_parallel>], iteration_bounds = array<i64: 2, 16>, scalar_prefetch = 0 : i64, scratch_operands = 8 : i64, tpu.core_type = #tpu.core_type<sc_vector_subcore>, window_params = [{transform_indices = #map}, {transform_indices = #map}, {transform_indices = #map}, {transform_indices = #map}, {transform_indices = #map1}]} {
    %mul3A = arith.constant 16 : i32
    %mul3A_0 = arith.muli %arg0, %mul3A : i32
    %add3A = arith.addi %mul3A_0, %arg1 : i32
    %mul3A_1 = arith.constant 80 : i32
    %mul3A_2 = arith.muli %add3A, %mul3A_1 : i32
    %dma_start3A = arith.constant 0 : i32
    %dma_start3A_3 = arith.constant 0 : i32
    %dma_start3A_4 = tpu.memref_slice %arg2[%mul3A_2, %dma_start3A_3] : memref<2560x128xi32, #tpu.memory_space<hbm>> -> memref<80x128xi32, #tpu.memory_space<hbm>>
    %dma_start3A_5 = tpu.memref_slice %arg14[%dma_start3A] : memref<4x!tpu.dma_semaphore, #tpu.memory_space<semaphore_mem>> -> memref<1x!tpu.dma_semaphore, #tpu.memory_space<semaphore_mem>>
    %dma_start3A_6 = tpu.memref_squeeze %dma_start3A_5 : memref<1x!tpu.dma_semaphore, #tpu.memory_space<semaphore_mem>> -> memref<!tpu.dma_semaphore, #tpu.memory_space<semaphore_mem>>
    %dma_start3A_7 = arith.constant 0 : i32
    %dma_start3A_8 = tpu.memref_slice %arg2[%mul3A_2, %dma_start3A_7] : memref<2560x128xi32, #tpu.memory_space<hbm>> -> memref<80x128xi32, #tpu.memory_space<hbm>>
    tpu.enqueue_dma source(%dma_start3A_8 : memref<80x128xi32, #tpu.memory_space<hbm>>) target(%arg7 : memref<80x128xi32, #tpu.memory_space<vmem>>) target_semaphore(%dma_start3A_6 : memref<!tpu.dma_semaphore, #tpu.memory_space<semaphore_mem>>)
    %mul3A_9 = arith.constant 80 : i32
    %mul3A_10 = arith.muli %add3A, %mul3A_9 : i32
    %dma_start3A_11 = arith.constant 1 : i32
    %dma_start3A_12 = arith.constant 0 : i32
    %dma_start3A_13 = tpu.memref_slice %arg3[%mul3A_10, %dma_start3A_12] : memref<2560x128xi32, #tpu.memory_space<hbm>> -> memref<80x128xi32, #tpu.memory_space<hbm>>
    %dma_start3A_14 = tpu.memref_slice %arg14[%dma_start3A_11] : memref<4x!tpu.dma_semaphore, #tpu.memory_space<semaphore_mem>> -> memref<1x!tpu.dma_semaphore, #tpu.memory_space<semaphore_mem>>
    %dma_start3A_15 = tpu.memref_squeeze %dma_start3A_14 : memref<1x!tpu.dma_semaphore, #tpu.memory_space<semaphore_mem>> -> memref<!tpu.dma_semaphore, #tpu.memory_space<semaphore_mem>>
    %dma_start3A_16 = arith.constant 0 : i32
    %dma_start3A_17 = tpu.memref_slice %arg3[%mul3A_10, %dma_start3A_16] : memref<2560x128xi32, #tpu.memory_space<hbm>> -> memref<80x128xi32, #tpu.memory_space<hbm>>
    tpu.enqueue_dma source(%dma_start3A_17 : memref<80x128xi32, #tpu.memory_space<hbm>>) target(%arg8 : memref<80x128xi32, #tpu.memory_space<vmem>>) target_semaphore(%dma_start3A_15 : memref<!tpu.dma_semaphore, #tpu.memory_space<semaphore_mem>>)
    %mul3A_18 = arith.constant 632 : i32
    %mul3A_19 = arith.muli %arg1, %mul3A_18 : i32
    %mul3A_20 = arith.constant 632 : i32
    %mul3A_21 = arith.muli %arg1, %mul3A_20 : i32
    %dma_start3A_22 = arith.constant 2 : i32
    %dma_start3A_23 = tpu.memref_slice %arg14[%dma_start3A_22] : memref<4x!tpu.dma_semaphore, #tpu.memory_space<semaphore_mem>> -> memref<1x!tpu.dma_semaphore, #tpu.memory_space<semaphore_mem>>
    %dma_start3A_24 = tpu.memref_squeeze %dma_start3A_23 : memref<1x!tpu.dma_semaphore, #tpu.memory_space<semaphore_mem>> -> memref<!tpu.dma_semaphore, #tpu.memory_space<semaphore_mem>>
    %dma_start3A_25 = arith.constant 0 : i32
    %dma_start3A_26 = tpu.memref_slice %arg10[%mul3A_21, %dma_start3A_25] : memref<10112x64xf32, #tpu.memory_space<vmem_shared>> -> memref<632x64xf32, #tpu.memory_space<vmem_shared>>
    %dma_start3A_27 = arith.constant 0 : i32
    %dma_start3A_28 = tpu.memref_slice %arg4[%mul3A_19, %dma_start3A_27] : memref<10112x64xf32, #tpu.memory_space<hbm>> -> memref<632x64xf32, #tpu.memory_space<hbm>>
    tpu.enqueue_dma source(%dma_start3A_28 : memref<632x64xf32, #tpu.memory_space<hbm>>) target(%dma_start3A_26 : memref<632x64xf32, #tpu.memory_space<vmem_shared>>) target_semaphore(%dma_start3A_24 : memref<!tpu.dma_semaphore, #tpu.memory_space<semaphore_mem>>)
    %mul3A_29 = arith.constant 632 : i32
    %mul3A_30 = arith.muli %arg1, %mul3A_29 : i32
    %mul3A_31 = arith.constant 632 : i32
    %mul3A_32 = arith.muli %arg1, %mul3A_31 : i32
    %dma_start3A_33 = arith.constant 3 : i32
    %dma_start3A_34 = tpu.memref_slice %arg14[%dma_start3A_33] : memref<4x!tpu.dma_semaphore, #tpu.memory_space<semaphore_mem>> -> memref<1x!tpu.dma_semaphore, #tpu.memory_space<semaphore_mem>>
    %dma_start3A_35 = tpu.memref_squeeze %dma_start3A_34 : memref<1x!tpu.dma_semaphore, #tpu.memory_space<semaphore_mem>> -> memref<!tpu.dma_semaphore, #tpu.memory_space<semaphore_mem>>
    %dma_start3A_36 = arith.constant 0 : i32
    %dma_start3A_37 = tpu.memref_slice %arg11[%mul3A_32, %dma_start3A_36] : memref<10112x64xf32, #tpu.memory_space<vmem_shared>> -> memref<632x64xf32, #tpu.memory_space<vmem_shared>>
    %dma_start3A_38 = arith.constant 0 : i32
    %dma_start3A_39 = tpu.memref_slice %arg5[%mul3A_30, %dma_start3A_38] : memref<10112x64xf32, #tpu.memory_space<hbm>> -> memref<632x64xf32, #tpu.memory_space<hbm>>
    tpu.enqueue_dma source(%dma_start3A_39 : memref<632x64xf32, #tpu.memory_space<hbm>>) target(%dma_start3A_37 : memref<632x64xf32, #tpu.memory_space<vmem_shared>>) target_semaphore(%dma_start3A_35 : memref<!tpu.dma_semaphore, #tpu.memory_space<semaphore_mem>>)
    %mul3A_40 = arith.constant 80 : i32
    %mul3A_41 = arith.muli %add3A, %mul3A_40 : i32
    %dma_wait3A = arith.constant 0 : i32
    %dma_wait3A_42 = arith.constant 0 : i32
    %dma_wait3A_43 = tpu.memref_slice %arg2[%mul3A_41, %dma_wait3A_42] : memref<2560x128xi32, #tpu.memory_space<hbm>> -> memref<80x128xi32, #tpu.memory_space<hbm>>
    %dma_wait3A_44 = tpu.memref_slice %arg14[%dma_wait3A] : memref<4x!tpu.dma_semaphore, #tpu.memory_space<semaphore_mem>> -> memref<1x!tpu.dma_semaphore, #tpu.memory_space<semaphore_mem>>
    %dma_wait3A_45 = tpu.memref_squeeze %dma_wait3A_44 : memref<1x!tpu.dma_semaphore, #tpu.memory_space<semaphore_mem>> -> memref<!tpu.dma_semaphore, #tpu.memory_space<semaphore_mem>>
    %dma_wait3A_46 = arith.constant 0 : i32
    %dma_wait3A_47 = tpu.memref_slice %arg2[%mul3A_41, %dma_wait3A_46] : memref<2560x128xi32, #tpu.memory_space<hbm>> -> memref<80x128xi32, #tpu.memory_space<hbm>>
    tpu.wait_dma2 semaphore(%dma_wait3A_45 : memref<!tpu.dma_semaphore, #tpu.memory_space<semaphore_mem>>) src(%dma_wait3A_47 : memref<80x128xi32, #tpu.memory_space<hbm>>) dst(%arg7 : memref<80x128xi32, #tpu.memory_space<vmem>>)
    %mul3A_48 = arith.constant 80 : i32
    %mul3A_49 = arith.muli %add3A, %mul3A_48 : i32
    %dma_wait3A_50 = arith.constant 1 : i32
    %dma_wait3A_51 = arith.constant 0 : i32
    %dma_wait3A_52 = tpu.memref_slice %arg3[%mul3A_49, %dma_wait3A_51] : memref<2560x128xi32, #tpu.memory_space<hbm>> -> memref<80x128xi32, #tpu.memory_space<hbm>>
    %dma_wait3A_53 = tpu.memref_slice %arg14[%dma_wait3A_50] : memref<4x!tpu.dma_semaphore, #tpu.memory_space<semaphore_mem>> -> memref<1x!tpu.dma_semaphore, #tpu.memory_space<semaphore_mem>>
    %dma_wait3A_54 = tpu.memref_squeeze %dma_wait3A_53 : memref<1x!tpu.dma_semaphore, #tpu.memory_space<semaphore_mem>> -> memref<!tpu.dma_semaphore, #tpu.memory_space<semaphore_mem>>
    %dma_wait3A_55 = arith.constant 0 : i32
    %dma_wait3A_56 = tpu.memref_slice %arg3[%mul3A_49, %dma_wait3A_55] : memref<2560x128xi32, #tpu.memory_space<hbm>> -> memref<80x128xi32, #tpu.memory_space<hbm>>
    tpu.wait_dma2 semaphore(%dma_wait3A_54 : memref<!tpu.dma_semaphore, #tpu.memory_space<semaphore_mem>>) src(%dma_wait3A_56 : memref<80x128xi32, #tpu.memory_space<hbm>>) dst(%arg8 : memref<80x128xi32, #tpu.memory_space<vmem>>)
    %mul3A_57 = arith.constant 632 : i32
    %mul3A_58 = arith.muli %arg1, %mul3A_57 : i32
    %mul3A_59 = arith.constant 632 : i32
    %mul3A_60 = arith.muli %arg1, %mul3A_59 : i32
    %dma_wait3A_61 = arith.constant 2 : i32
    %dma_wait3A_62 = tpu.memref_slice %arg14[%dma_wait3A_61] : memref<4x!tpu.dma_semaphore, #tpu.memory_space<semaphore_mem>> -> memref<1x!tpu.dma_semaphore, #tpu.memory_space<semaphore_mem>>
    %dma_wait3A_63 = tpu.memref_squeeze %dma_wait3A_62 : memref<1x!tpu.dma_semaphore, #tpu.memory_space<semaphore_mem>> -> memref<!tpu.dma_semaphore, #tpu.memory_space<semaphore_mem>>
    %dma_wait3A_64 = arith.constant 0 : i32
    %dma_wait3A_65 = tpu.memref_slice %arg10[%mul3A_60, %dma_wait3A_64] : memref<10112x64xf32, #tpu.memory_space<vmem_shared>> -> memref<632x64xf32, #tpu.memory_space<vmem_shared>>
    %dma_wait3A_66 = arith.constant 0 : i32
    %dma_wait3A_67 = tpu.memref_slice %arg4[%mul3A_58, %dma_wait3A_66] : memref<10112x64xf32, #tpu.memory_space<hbm>> -> memref<632x64xf32, #tpu.memory_space<hbm>>
    tpu.wait_dma2 semaphore(%dma_wait3A_63 : memref<!tpu.dma_semaphore, #tpu.memory_space<semaphore_mem>>) src(%dma_wait3A_67 : memref<632x64xf32, #tpu.memory_space<hbm>>) dst(%dma_wait3A_65 : memref<632x64xf32, #tpu.memory_space<vmem_shared>>)
    %mul3A_68 = arith.constant 632 : i32
    %mul3A_69 = arith.muli %arg1, %mul3A_68 : i32
    %mul3A_70 = arith.constant 632 : i32
    %mul3A_71 = arith.muli %arg1, %mul3A_70 : i32
    %dma_wait3A_72 = arith.constant 3 : i32
    %dma_wait3A_73 = tpu.memref_slice %arg14[%dma_wait3A_72] : memref<4x!tpu.dma_semaphore, #tpu.memory_space<semaphore_mem>> -> memref<1x!tpu.dma_semaphore, #tpu.memory_space<semaphore_mem>>
    %dma_wait3A_74 = tpu.memref_squeeze %dma_wait3A_73 : memref<1x!tpu.dma_semaphore, #tpu.memory_space<semaphore_mem>> -> memref<!tpu.dma_semaphore, #tpu.memory_space<semaphore_mem>>
    %dma_wait3A_75 = arith.constant 0 : i32
    %dma_wait3A_76 = tpu.memref_slice %arg11[%mul3A_71, %dma_wait3A_75] : memref<10112x64xf32, #tpu.memory_space<vmem_shared>> -> memref<632x64xf32, #tpu.memory_space<vmem_shared>>
    %dma_wait3A_77 = arith.constant 0 : i32
    %dma_wait3A_78 = tpu.memref_slice %arg5[%mul3A_69, %dma_wait3A_77] : memref<10112x64xf32, #tpu.memory_space<hbm>> -> memref<632x64xf32, #tpu.memory_space<hbm>>
    tpu.wait_dma2 semaphore(%dma_wait3A_74 : memref<!tpu.dma_semaphore, #tpu.memory_space<semaphore_mem>>) src(%dma_wait3A_78 : memref<632x64xf32, #tpu.memory_space<hbm>>) dst(%dma_wait3A_76 : memref<632x64xf32, #tpu.memory_space<vmem_shared>>)
    %barrier3A = arith.constant 0 : index
    tpu.barrier barrier_id(%barrier3A)
    %dma_start3A_79 = arith.constant 0 : i32
    %dma_start3A_80 = arith.constant 0 : i32
    %dma_start3A_81 = arith.constant 0 : i32
    %dma_start3A_82 = arith.constant 0 : i32
    %dma_start3A_83 = arith.constant 0 : i32
    %dma_start3A_84 = tpu.memref_slice %arg9[%dma_start3A_80, %dma_start3A_82, %dma_start3A_83] : memref<2x128x64xf32, #tpu.memory_space<vmem>> -> memref<1x128x64xf32, #tpu.memory_space<vmem>>
    %dma_start3A_85 = tpu.memref_squeeze %dma_start3A_84 : memref<1x128x64xf32, #tpu.memory_space<vmem>> -> memref<128x64xf32, #tpu.memory_space<vmem>>
    %dma_start3A_86 = arith.constant 0 : i32
    %dma_start3A_87 = tpu.memref_slice %arg7[%dma_start3A_79, %dma_start3A_86] : memref<80x128xi32, #tpu.memory_space<vmem>> -> memref<1x128xi32, #tpu.memory_space<vmem>>
    %dma_start3A_88 = tpu.memref_squeeze %dma_start3A_87 : memref<1x128xi32, #tpu.memory_space<vmem>> -> memref<128xi32, #tpu.memory_space<vmem>>
    %dma_start3A_89 = arith.constant 0 : i32
    %dma_start3A_90 = arith.constant 0 : i32
    %dma_start3A_91 = tpu.memref_slice %arg10[%dma_start3A_89, %dma_start3A_90] : memref<10112x64xf32, #tpu.memory_space<vmem_shared>> -> memref<10112x64xf32, #tpu.memory_space<vmem_shared>>
    %dma_start3A_92 = tpu.memref_slice %arg12[%dma_start3A_81] : memref<2x!tpu.dma_semaphore, #tpu.memory_space<semaphore_mem>> -> memref<1x!tpu.dma_semaphore, #tpu.memory_space<semaphore_mem>>
    %dma_start3A_93 = tpu.memref_squeeze %dma_start3A_92 : memref<1x!tpu.dma_semaphore, #tpu.memory_space<semaphore_mem>> -> memref<!tpu.dma_semaphore, #tpu.memory_space<semaphore_mem>>
    tpu.enqueue_indirect_dma source(%dma_start3A_91 : memref<10112x64xf32, #tpu.memory_space<vmem_shared>>) target(%dma_start3A_85 : memref<128x64xf32, #tpu.memory_space<vmem>>) offsets(%dma_start3A_88 : memref<128xi32, #tpu.memory_space<vmem>>) semaphore(%dma_start3A_93 : memref<!tpu.dma_semaphore, #tpu.memory_space<semaphore_mem>>)
    %dma_start3A_94 = arith.constant 1 : i32
    %dma_start3A_95 = arith.constant 1 : i32
    %dma_start3A_96 = arith.constant 1 : i32
    %dma_start3A_97 = arith.constant 0 : i32
    %dma_start3A_98 = arith.constant 0 : i32
    %dma_start3A_99 = tpu.memref_slice %arg9[%dma_start3A_95, %dma_start3A_97, %dma_start3A_98] : memref<2x128x64xf32, #tpu.memory_space<vmem>> -> memref<1x128x64xf32, #tpu.memory_space<vmem>>
    %dma_start3A_100 = tpu.memref_squeeze %dma_start3A_99 : memref<1x128x64xf32, #tpu.memory_space<vmem>> -> memref<128x64xf32, #tpu.memory_space<vmem>>
    %dma_start3A_101 = arith.constant 0 : i32
    %dma_start3A_102 = tpu.memref_slice %arg7[%dma_start3A_94, %dma_start3A_101] : memref<80x128xi32, #tpu.memory_space<vmem>> -> memref<1x128xi32, #tpu.memory_space<vmem>>
    %dma_start3A_103 = tpu.memref_squeeze %dma_start3A_102 : memref<1x128xi32, #tpu.memory_space<vmem>> -> memref<128xi32, #tpu.memory_space<vmem>>
    %dma_start3A_104 = arith.constant 0 : i32
    %dma_start3A_105 = arith.constant 0 : i32
    %dma_start3A_106 = tpu.memref_slice %arg10[%dma_start3A_104, %dma_start3A_105] : memref<10112x64xf32, #tpu.memory_space<vmem_shared>> -> memref<10112x64xf32, #tpu.memory_space<vmem_shared>>
    %dma_start3A_107 = tpu.memref_slice %arg12[%dma_start3A_96] : memref<2x!tpu.dma_semaphore, #tpu.memory_space<semaphore_mem>> -> memref<1x!tpu.dma_semaphore, #tpu.memory_space<semaphore_mem>>
    %dma_start3A_108 = tpu.memref_squeeze %dma_start3A_107 : memref<1x!tpu.dma_semaphore, #tpu.memory_space<semaphore_mem>> -> memref<!tpu.dma_semaphore, #tpu.memory_space<semaphore_mem>>
    tpu.enqueue_indirect_dma source(%dma_start3A_106 : memref<10112x64xf32, #tpu.memory_space<vmem_shared>>) target(%dma_start3A_100 : memref<128x64xf32, #tpu.memory_space<vmem>>) offsets(%dma_start3A_103 : memref<128xi32, #tpu.memory_space<vmem>>) semaphore(%dma_start3A_108 : memref<!tpu.dma_semaphore, #tpu.memory_space<semaphore_mem>>)
    %scan3A = arith.constant 0 : i32
    %scan3A_109 = arith.constant 39 : i32
    %scan3A_110 = arith.addi %scan3A, %scan3A_109 : i32
    %scan3A_111 = arith.constant 1 : i32
    scf.for %scan3A_208 = %scan3A to %scan3A_110 step %scan3A_111  : i32 {
      %mul3A_209 = arith.constant 1 : i32
      %mul3A_210 = arith.muli %scan3A_208, %mul3A_209 : i32
      %add3A_211 = arith.constant 0 : i32
      %add3A_212 = arith.addi %add3A_211, %mul3A_210 : i32
      %mul3A_213 = arith.constant 2 : i32
      %mul3A_214 = arith.muli %add3A_212, %mul3A_213 : i32
      %add3A_215 = arith.constant 0 : i32
      %add3A_216 = arith.addi %mul3A_214, %add3A_215 : i32
      %dma_wait3A_217 = arith.constant 0 : i32
      %dma_wait3A_218 = arith.constant 0 : i32
      %dma_wait3A_219 = arith.constant 0 : i32
      %dma_wait3A_220 = arith.constant 0 : i32
      %dma_wait3A_221 = tpu.memref_slice %arg9[%dma_wait3A_217, %dma_wait3A_219, %dma_wait3A_220] : memref<2x128x64xf32, #tpu.memory_space<vmem>> -> memref<1x128x64xf32, #tpu.memory_space<vmem>>
      %dma_wait3A_222 = tpu.memref_squeeze %dma_wait3A_221 : memref<1x128x64xf32, #tpu.memory_space<vmem>> -> memref<128x64xf32, #tpu.memory_space<vmem>>
      %dma_wait3A_223 = arith.constant 0 : i32
      %dma_wait3A_224 = tpu.memref_slice %arg7[%add3A_216, %dma_wait3A_223] : memref<80x128xi32, #tpu.memory_space<vmem>> -> memref<1x128xi32, #tpu.memory_space<vmem>>
      %dma_wait3A_225 = tpu.memref_squeeze %dma_wait3A_224 : memref<1x128xi32, #tpu.memory_space<vmem>> -> memref<128xi32, #tpu.memory_space<vmem>>
      %dma_wait3A_226 = arith.constant 0 : i32
      %dma_wait3A_227 = arith.constant 0 : i32
      %dma_wait3A_228 = tpu.memref_slice %arg10[%dma_wait3A_226, %dma_wait3A_227] : memref<10112x64xf32, #tpu.memory_space<vmem_shared>> -> memref<10112x64xf32, #tpu.memory_space<vmem_shared>>
      %dma_wait3A_229 = tpu.memref_slice %arg12[%dma_wait3A_218] : memref<2x!tpu.dma_semaphore, #tpu.memory_space<semaphore_mem>> -> memref<1x!tpu.dma_semaphore, #tpu.memory_space<semaphore_mem>>
      %dma_wait3A_230 = tpu.memref_squeeze %dma_wait3A_229 : memref<1x!tpu.dma_semaphore, #tpu.memory_space<semaphore_mem>> -> memref<!tpu.dma_semaphore, #tpu.memory_space<semaphore_mem>>
      tpu.wait_indirect_dma semaphore(%dma_wait3A_230 : memref<!tpu.dma_semaphore, #tpu.memory_space<semaphore_mem>>) src(%dma_wait3A_228 : memref<10112x64xf32, #tpu.memory_space<vmem_shared>>) dst(%dma_wait3A_222 : memref<128x64xf32, #tpu.memory_space<vmem>>)
      %add3A_231 = arith.constant 0 : i32
      %add3A_232 = arith.addi %mul3A_214, %add3A_231 : i32
      %dma_start3A_233 = arith.constant 0 : i32
      %dma_start3A_234 = arith.constant 0 : i32
      %dma_start3A_235 = arith.constant 0 : i32
      %dma_start3A_236 = arith.constant 0 : i32
      %dma_start3A_237 = tpu.memref_slice %arg9[%dma_start3A_233, %dma_start3A_235, %dma_start3A_236] : memref<2x128x64xf32, #tpu.memory_space<vmem>> -> memref<1x128x64xf32, #tpu.memory_space<vmem>>
      %dma_start3A_238 = tpu.memref_squeeze %dma_start3A_237 : memref<1x128x64xf32, #tpu.memory_space<vmem>> -> memref<128x64xf32, #tpu.memory_space<vmem>>
      %dma_start3A_239 = arith.constant 0 : i32
      %dma_start3A_240 = tpu.memref_slice %arg8[%add3A_232, %dma_start3A_239] : memref<80x128xi32, #tpu.memory_space<vmem>> -> memref<1x128xi32, #tpu.memory_space<vmem>>
      %dma_start3A_241 = tpu.memref_squeeze %dma_start3A_240 : memref<1x128xi32, #tpu.memory_space<vmem>> -> memref<128xi32, #tpu.memory_space<vmem>>
      %dma_start3A_242 = arith.constant 0 : i32
      %dma_start3A_243 = arith.constant 0 : i32
      %dma_start3A_244 = tpu.memref_slice %arg11[%dma_start3A_242, %dma_start3A_243] : memref<10112x64xf32, #tpu.memory_space<vmem_shared>> -> memref<10112x64xf32, #tpu.memory_space<vmem_shared>>
      %dma_start3A_245 = tpu.memref_slice %arg13[%dma_start3A_234] : memref<2x!tpu.dma_semaphore, #tpu.memory_space<semaphore_mem>> -> memref<1x!tpu.dma_semaphore, #tpu.memory_space<semaphore_mem>>
      %dma_start3A_246 = tpu.memref_squeeze %dma_start3A_245 : memref<1x!tpu.dma_semaphore, #tpu.memory_space<semaphore_mem>> -> memref<!tpu.dma_semaphore, #tpu.memory_space<semaphore_mem>>
      tpu.enqueue_indirect_dma source(%dma_start3A_238 : memref<128x64xf32, #tpu.memory_space<vmem>>) target(%dma_start3A_244 : memref<10112x64xf32, #tpu.memory_space<vmem_shared>>) offsets(%dma_start3A_241 : memref<128xi32, #tpu.memory_space<vmem>>) semaphore(%dma_start3A_246 : memref<!tpu.dma_semaphore, #tpu.memory_space<semaphore_mem>>) {add = true}
      %add3A_247 = arith.constant 1 : i32
      %add3A_248 = arith.addi %mul3A_214, %add3A_247 : i32
      %dma_wait3A_249 = arith.constant 1 : i32
      %dma_wait3A_250 = arith.constant 1 : i32
      %dma_wait3A_251 = arith.constant 0 : i32
      %dma_wait3A_252 = arith.constant 0 : i32
      %dma_wait3A_253 = tpu.memref_slice %arg9[%dma_wait3A_249, %dma_wait3A_251, %dma_wait3A_252] : memref<2x128x64xf32, #tpu.memory_space<vmem>> -> memref<1x128x64xf32, #tpu.memory_space<vmem>>
      %dma_wait3A_254 = tpu.memref_squeeze %dma_wait3A_253 : memref<1x128x64xf32, #tpu.memory_space<vmem>> -> memref<128x64xf32, #tpu.memory_space<vmem>>
      %dma_wait3A_255 = arith.constant 0 : i32
      %dma_wait3A_256 = tpu.memref_slice %arg7[%add3A_248, %dma_wait3A_255] : memref<80x128xi32, #tpu.memory_space<vmem>> -> memref<1x128xi32, #tpu.memory_space<vmem>>
      %dma_wait3A_257 = tpu.memref_squeeze %dma_wait3A_256 : memref<1x128xi32, #tpu.memory_space<vmem>> -> memref<128xi32, #tpu.memory_space<vmem>>
      %dma_wait3A_258 = arith.constant 0 : i32
      %dma_wait3A_259 = arith.constant 0 : i32
      %dma_wait3A_260 = tpu.memref_slice %arg10[%dma_wait3A_258, %dma_wait3A_259] : memref<10112x64xf32, #tpu.memory_space<vmem_shared>> -> memref<10112x64xf32, #tpu.memory_space<vmem_shared>>
      %dma_wait3A_261 = tpu.memref_slice %arg12[%dma_wait3A_250] : memref<2x!tpu.dma_semaphore, #tpu.memory_space<semaphore_mem>> -> memref<1x!tpu.dma_semaphore, #tpu.memory_space<semaphore_mem>>
      %dma_wait3A_262 = tpu.memref_squeeze %dma_wait3A_261 : memref<1x!tpu.dma_semaphore, #tpu.memory_space<semaphore_mem>> -> memref<!tpu.dma_semaphore, #tpu.memory_space<semaphore_mem>>
      tpu.wait_indirect_dma semaphore(%dma_wait3A_262 : memref<!tpu.dma_semaphore, #tpu.memory_space<semaphore_mem>>) src(%dma_wait3A_260 : memref<10112x64xf32, #tpu.memory_space<vmem_shared>>) dst(%dma_wait3A_254 : memref<128x64xf32, #tpu.memory_space<vmem>>)
      %add3A_263 = arith.constant 1 : i32
      %add3A_264 = arith.addi %mul3A_214, %add3A_263 : i32
      %dma_start3A_265 = arith.constant 1 : i32
      %dma_start3A_266 = arith.constant 1 : i32
      %dma_start3A_267 = arith.constant 0 : i32
      %dma_start3A_268 = arith.constant 0 : i32
      %dma_start3A_269 = tpu.memref_slice %arg9[%dma_start3A_265, %dma_start3A_267, %dma_start3A_268] : memref<2x128x64xf32, #tpu.memory_space<vmem>> -> memref<1x128x64xf32, #tpu.memory_space<vmem>>
      %dma_start3A_270 = tpu.memref_squeeze %dma_start3A_269 : memref<1x128x64xf32, #tpu.memory_space<vmem>> -> memref<128x64xf32, #tpu.memory_space<vmem>>
      %dma_start3A_271 = arith.constant 0 : i32
      %dma_start3A_272 = tpu.memref_slice %arg8[%add3A_264, %dma_start3A_271] : memref<80x128xi32, #tpu.memory_space<vmem>> -> memref<1x128xi32, #tpu.memory_space<vmem>>
      %dma_start3A_273 = tpu.memref_squeeze %dma_start3A_272 : memref<1x128xi32, #tpu.memory_space<vmem>> -> memref<128xi32, #tpu.memory_space<vmem>>
      %dma_start3A_274 = arith.constant 0 : i32
      %dma_start3A_275 = arith.constant 0 : i32
      %dma_start3A_276 = tpu.memref_slice %arg11[%dma_start3A_274, %dma_start3A_275] : memref<10112x64xf32, #tpu.memory_space<vmem_shared>> -> memref<10112x64xf32, #tpu.memory_space<vmem_shared>>
      %dma_start3A_277 = tpu.memref_slice %arg13[%dma_start3A_266] : memref<2x!tpu.dma_semaphore, #tpu.memory_space<semaphore_mem>> -> memref<1x!tpu.dma_semaphore, #tpu.memory_space<semaphore_mem>>
      %dma_start3A_278 = tpu.memref_squeeze %dma_start3A_277 : memref<1x!tpu.dma_semaphore, #tpu.memory_space<semaphore_mem>> -> memref<!tpu.dma_semaphore, #tpu.memory_space<semaphore_mem>>
      tpu.enqueue_indirect_dma source(%dma_start3A_270 : memref<128x64xf32, #tpu.memory_space<vmem>>) target(%dma_start3A_276 : memref<10112x64xf32, #tpu.memory_space<vmem_shared>>) offsets(%dma_start3A_273 : memref<128xi32, #tpu.memory_space<vmem>>) semaphore(%dma_start3A_278 : memref<!tpu.dma_semaphore, #tpu.memory_space<semaphore_mem>>) {add = true}
      %add3A_279 = arith.constant 0 : i32
      %add3A_280 = arith.addi %mul3A_214, %add3A_279 : i32
      %dma_wait3A_281 = arith.constant 0 : i32
      %dma_wait3A_282 = arith.constant 0 : i32
      %dma_wait3A_283 = arith.constant 0 : i32
      %dma_wait3A_284 = arith.constant 0 : i32
      %dma_wait3A_285 = tpu.memref_slice %arg9[%dma_wait3A_281, %dma_wait3A_283, %dma_wait3A_284] : memref<2x128x64xf32, #tpu.memory_space<vmem>> -> memref<1x128x64xf32, #tpu.memory_space<vmem>>
      %dma_wait3A_286 = tpu.memref_squeeze %dma_wait3A_285 : memref<1x128x64xf32, #tpu.memory_space<vmem>> -> memref<128x64xf32, #tpu.memory_space<vmem>>
      %dma_wait3A_287 = arith.constant 0 : i32
      %dma_wait3A_288 = tpu.memref_slice %arg8[%add3A_280, %dma_wait3A_287] : memref<80x128xi32, #tpu.memory_space<vmem>> -> memref<1x128xi32, #tpu.memory_space<vmem>>
      %dma_wait3A_289 = tpu.memref_squeeze %dma_wait3A_288 : memref<1x128xi32, #tpu.memory_space<vmem>> -> memref<128xi32, #tpu.memory_space<vmem>>
      %dma_wait3A_290 = arith.constant 0 : i32
      %dma_wait3A_291 = arith.constant 0 : i32
      %dma_wait3A_292 = tpu.memref_slice %arg11[%dma_wait3A_290, %dma_wait3A_291] : memref<10112x64xf32, #tpu.memory_space<vmem_shared>> -> memref<10112x64xf32, #tpu.memory_space<vmem_shared>>
      %dma_wait3A_293 = tpu.memref_slice %arg13[%dma_wait3A_282] : memref<2x!tpu.dma_semaphore, #tpu.memory_space<semaphore_mem>> -> memref<1x!tpu.dma_semaphore, #tpu.memory_space<semaphore_mem>>
      %dma_wait3A_294 = tpu.memref_squeeze %dma_wait3A_293 : memref<1x!tpu.dma_semaphore, #tpu.memory_space<semaphore_mem>> -> memref<!tpu.dma_semaphore, #tpu.memory_space<semaphore_mem>>
      tpu.wait_indirect_dma semaphore(%dma_wait3A_294 : memref<!tpu.dma_semaphore, #tpu.memory_space<semaphore_mem>>) src(%dma_wait3A_286 : memref<128x64xf32, #tpu.memory_space<vmem>>) dst(%dma_wait3A_292 : memref<10112x64xf32, #tpu.memory_space<vmem_shared>>)
      %add3A_295 = arith.constant 2 : i32
      %add3A_296 = arith.addi %mul3A_214, %add3A_295 : i32
      %add3A_297 = arith.constant 0 : i32
      %add3A_298 = arith.addi %add3A_296, %add3A_297 : i32
      %dma_start3A_299 = arith.constant 0 : i32
      %dma_start3A_300 = arith.constant 0 : i32
      %dma_start3A_301 = arith.constant 0 : i32
      %dma_start3A_302 = arith.constant 0 : i32
      %dma_start3A_303 = tpu.memref_slice %arg9[%dma_start3A_299, %dma_start3A_301, %dma_start3A_302] : memref<2x128x64xf32, #tpu.memory_space<vmem>> -> memref<1x128x64xf32, #tpu.memory_space<vmem>>
      %dma_start3A_304 = tpu.memref_squeeze %dma_start3A_303 : memref<1x128x64xf32, #tpu.memory_space<vmem>> -> memref<128x64xf32, #tpu.memory_space<vmem>>
      %dma_start3A_305 = arith.constant 0 : i32
      %dma_start3A_306 = tpu.memref_slice %arg7[%add3A_298, %dma_start3A_305] : memref<80x128xi32, #tpu.memory_space<vmem>> -> memref<1x128xi32, #tpu.memory_space<vmem>>
      %dma_start3A_307 = tpu.memref_squeeze %dma_start3A_306 : memref<1x128xi32, #tpu.memory_space<vmem>> -> memref<128xi32, #tpu.memory_space<vmem>>
      %dma_start3A_308 = arith.constant 0 : i32
      %dma_start3A_309 = arith.constant 0 : i32
      %dma_start3A_310 = tpu.memref_slice %arg10[%dma_start3A_308, %dma_start3A_309] : memref<10112x64xf32, #tpu.memory_space<vmem_shared>> -> memref<10112x64xf32, #tpu.memory_space<vmem_shared>>
      %dma_start3A_311 = tpu.memref_slice %arg12[%dma_start3A_300] : memref<2x!tpu.dma_semaphore, #tpu.memory_space<semaphore_mem>> -> memref<1x!tpu.dma_semaphore, #tpu.memory_space<semaphore_mem>>
      %dma_start3A_312 = tpu.memref_squeeze %dma_start3A_311 : memref<1x!tpu.dma_semaphore, #tpu.memory_space<semaphore_mem>> -> memref<!tpu.dma_semaphore, #tpu.memory_space<semaphore_mem>>
      tpu.enqueue_indirect_dma source(%dma_start3A_310 : memref<10112x64xf32, #tpu.memory_space<vmem_shared>>) target(%dma_start3A_304 : memref<128x64xf32, #tpu.memory_space<vmem>>) offsets(%dma_start3A_307 : memref<128xi32, #tpu.memory_space<vmem>>) semaphore(%dma_start3A_312 : memref<!tpu.dma_semaphore, #tpu.memory_space<semaphore_mem>>)
      %add3A_313 = arith.constant 1 : i32
      %add3A_314 = arith.addi %mul3A_214, %add3A_313 : i32
      %dma_wait3A_315 = arith.constant 1 : i32
      %dma_wait3A_316 = arith.constant 1 : i32
      %dma_wait3A_317 = arith.constant 0 : i32
      %dma_wait3A_318 = arith.constant 0 : i32
      %dma_wait3A_319 = tpu.memref_slice %arg9[%dma_wait3A_315, %dma_wait3A_317, %dma_wait3A_318] : memref<2x128x64xf32, #tpu.memory_space<vmem>> -> memref<1x128x64xf32, #tpu.memory_space<vmem>>
      %dma_wait3A_320 = tpu.memref_squeeze %dma_wait3A_319 : memref<1x128x64xf32, #tpu.memory_space<vmem>> -> memref<128x64xf32, #tpu.memory_space<vmem>>
      %dma_wait3A_321 = arith.constant 0 : i32
      %dma_wait3A_322 = tpu.memref_slice %arg8[%add3A_314, %dma_wait3A_321] : memref<80x128xi32, #tpu.memory_space<vmem>> -> memref<1x128xi32, #tpu.memory_space<vmem>>
      %dma_wait3A_323 = tpu.memref_squeeze %dma_wait3A_322 : memref<1x128xi32, #tpu.memory_space<vmem>> -> memref<128xi32, #tpu.memory_space<vmem>>
      %dma_wait3A_324 = arith.constant 0 : i32
      %dma_wait3A_325 = arith.constant 0 : i32
      %dma_wait3A_326 = tpu.memref_slice %arg11[%dma_wait3A_324, %dma_wait3A_325] : memref<10112x64xf32, #tpu.memory_space<vmem_shared>> -> memref<10112x64xf32, #tpu.memory_space<vmem_shared>>
      %dma_wait3A_327 = tpu.memref_slice %arg13[%dma_wait3A_316] : memref<2x!tpu.dma_semaphore, #tpu.memory_space<semaphore_mem>> -> memref<1x!tpu.dma_semaphore, #tpu.memory_space<semaphore_mem>>
      %dma_wait3A_328 = tpu.memref_squeeze %dma_wait3A_327 : memref<1x!tpu.dma_semaphore, #tpu.memory_space<semaphore_mem>> -> memref<!tpu.dma_semaphore, #tpu.memory_space<semaphore_mem>>
      tpu.wait_indirect_dma semaphore(%dma_wait3A_328 : memref<!tpu.dma_semaphore, #tpu.memory_space<semaphore_mem>>) src(%dma_wait3A_320 : memref<128x64xf32, #tpu.memory_space<vmem>>) dst(%dma_wait3A_326 : memref<10112x64xf32, #tpu.memory_space<vmem_shared>>)
      %add3A_329 = arith.constant 2 : i32
      %add3A_330 = arith.addi %mul3A_214, %add3A_329 : i32
      %add3A_331 = arith.constant 1 : i32
      %add3A_332 = arith.addi %add3A_330, %add3A_331 : i32
      %dma_start3A_333 = arith.constant 1 : i32
      %dma_start3A_334 = arith.constant 1 : i32
      %dma_start3A_335 = arith.constant 0 : i32
      %dma_start3A_336 = arith.constant 0 : i32
      %dma_start3A_337 = tpu.memref_slice %arg9[%dma_start3A_333, %dma_start3A_335, %dma_start3A_336] : memref<2x128x64xf32, #tpu.memory_space<vmem>> -> memref<1x128x64xf32, #tpu.memory_space<vmem>>
      %dma_start3A_338 = tpu.memref_squeeze %dma_start3A_337 : memref<1x128x64xf32, #tpu.memory_space<vmem>> -> memref<128x64xf32, #tpu.memory_space<vmem>>
      %dma_start3A_339 = arith.constant 0 : i32
      %dma_start3A_340 = tpu.memref_slice %arg7[%add3A_332, %dma_start3A_339] : memref<80x128xi32, #tpu.memory_space<vmem>> -> memref<1x128xi32, #tpu.memory_space<vmem>>
      %dma_start3A_341 = tpu.memref_squeeze %dma_start3A_340 : memref<1x128xi32, #tpu.memory_space<vmem>> -> memref<128xi32, #tpu.memory_space<vmem>>
      %dma_start3A_342 = arith.constant 0 : i32
      %dma_start3A_343 = arith.constant 0 : i32
      %dma_start3A_344 = tpu.memref_slice %arg10[%dma_start3A_342, %dma_start3A_343] : memref<10112x64xf32, #tpu.memory_space<vmem_shared>> -> memref<10112x64xf32, #tpu.memory_space<vmem_shared>>
      %dma_start3A_345 = tpu.memref_slice %arg12[%dma_start3A_334] : memref<2x!tpu.dma_semaphore, #tpu.memory_space<semaphore_mem>> -> memref<1x!tpu.dma_semaphore, #tpu.memory_space<semaphore_mem>>
      %dma_start3A_346 = tpu.memref_squeeze %dma_start3A_345 : memref<1x!tpu.dma_semaphore, #tpu.memory_space<semaphore_mem>> -> memref<!tpu.dma_semaphore, #tpu.memory_space<semaphore_mem>>
      tpu.enqueue_indirect_dma source(%dma_start3A_344 : memref<10112x64xf32, #tpu.memory_space<vmem_shared>>) target(%dma_start3A_338 : memref<128x64xf32, #tpu.memory_space<vmem>>) offsets(%dma_start3A_341 : memref<128xi32, #tpu.memory_space<vmem>>) semaphore(%dma_start3A_346 : memref<!tpu.dma_semaphore, #tpu.memory_space<semaphore_mem>>)
    }
    %scan3A_112 = arith.constant 39 : i32
    %dma_wait3A_113 = arith.constant 78 : i32
    %dma_wait3A_114 = arith.constant 0 : i32
    %dma_wait3A_115 = arith.constant 0 : i32
    %dma_wait3A_116 = arith.constant 0 : i32
    %dma_wait3A_117 = arith.constant 0 : i32
    %dma_wait3A_118 = tpu.memref_slice %arg9[%dma_wait3A_114, %dma_wait3A_116, %dma_wait3A_117] : memref<2x128x64xf32, #tpu.memory_space<vmem>> -> memref<1x128x64xf32, #tpu.memory_space<vmem>>
    %dma_wait3A_119 = tpu.memref_squeeze %dma_wait3A_118 : memref<1x128x64xf32, #tpu.memory_space<vmem>> -> memref<128x64xf32, #tpu.memory_space<vmem>>
    %dma_wait3A_120 = arith.constant 0 : i32
    %dma_wait3A_121 = tpu.memref_slice %arg7[%dma_wait3A_113, %dma_wait3A_120] : memref<80x128xi32, #tpu.memory_space<vmem>> -> memref<1x128xi32, #tpu.memory_space<vmem>>
    %dma_wait3A_122 = tpu.memref_squeeze %dma_wait3A_121 : memref<1x128xi32, #tpu.memory_space<vmem>> -> memref<128xi32, #tpu.memory_space<vmem>>
    %dma_wait3A_123 = arith.constant 0 : i32
    %dma_wait3A_124 = arith.constant 0 : i32
    %dma_wait3A_125 = tpu.memref_slice %arg10[%dma_wait3A_123, %dma_wait3A_124] : memref<10112x64xf32, #tpu.memory_space<vmem_shared>> -> memref<10112x64xf32, #tpu.memory_space<vmem_shared>>
    %dma_wait3A_126 = tpu.memref_slice %arg12[%dma_wait3A_115] : memref<2x!tpu.dma_semaphore, #tpu.memory_space<semaphore_mem>> -> memref<1x!tpu.dma_semaphore, #tpu.memory_space<semaphore_mem>>
    %dma_wait3A_127 = tpu.memref_squeeze %dma_wait3A_126 : memref<1x!tpu.dma_semaphore, #tpu.memory_space<semaphore_mem>> -> memref<!tpu.dma_semaphore, #tpu.memory_space<semaphore_mem>>
    tpu.wait_indirect_dma semaphore(%dma_wait3A_127 : memref<!tpu.dma_semaphore, #tpu.memory_space<semaphore_mem>>) src(%dma_wait3A_125 : memref<10112x64xf32, #tpu.memory_space<vmem_shared>>) dst(%dma_wait3A_119 : memref<128x64xf32, #tpu.memory_space<vmem>>)
    %dma_start3A_128 = arith.constant 0 : i32
    %dma_start3A_129 = arith.constant 78 : i32
    %dma_start3A_130 = arith.constant 0 : i32
    %dma_start3A_131 = arith.constant 0 : i32
    %dma_start3A_132 = arith.constant 0 : i32
    %dma_start3A_133 = tpu.memref_slice %arg9[%dma_start3A_128, %dma_start3A_131, %dma_start3A_132] : memref<2x128x64xf32, #tpu.memory_space<vmem>> -> memref<1x128x64xf32, #tpu.memory_space<vmem>>
    %dma_start3A_134 = tpu.memref_squeeze %dma_start3A_133 : memref<1x128x64xf32, #tpu.memory_space<vmem>> -> memref<128x64xf32, #tpu.memory_space<vmem>>
    %dma_start3A_135 = arith.constant 0 : i32
    %dma_start3A_136 = tpu.memref_slice %arg8[%dma_start3A_129, %dma_start3A_135] : memref<80x128xi32, #tpu.memory_space<vmem>> -> memref<1x128xi32, #tpu.memory_space<vmem>>
    %dma_start3A_137 = tpu.memref_squeeze %dma_start3A_136 : memref<1x128xi32, #tpu.memory_space<vmem>> -> memref<128xi32, #tpu.memory_space<vmem>>
    %dma_start3A_138 = arith.constant 0 : i32
    %dma_start3A_139 = arith.constant 0 : i32
    %dma_start3A_140 = tpu.memref_slice %arg11[%dma_start3A_138, %dma_start3A_139] : memref<10112x64xf32, #tpu.memory_space<vmem_shared>> -> memref<10112x64xf32, #tpu.memory_space<vmem_shared>>
    %dma_start3A_141 = tpu.memref_slice %arg13[%dma_start3A_130] : memref<2x!tpu.dma_semaphore, #tpu.memory_space<semaphore_mem>> -> memref<1x!tpu.dma_semaphore, #tpu.memory_space<semaphore_mem>>
    %dma_start3A_142 = tpu.memref_squeeze %dma_start3A_141 : memref<1x!tpu.dma_semaphore, #tpu.memory_space<semaphore_mem>> -> memref<!tpu.dma_semaphore, #tpu.memory_space<semaphore_mem>>
    tpu.enqueue_indirect_dma source(%dma_start3A_134 : memref<128x64xf32, #tpu.memory_space<vmem>>) target(%dma_start3A_140 : memref<10112x64xf32, #tpu.memory_space<vmem_shared>>) offsets(%dma_start3A_137 : memref<128xi32, #tpu.memory_space<vmem>>) semaphore(%dma_start3A_142 : memref<!tpu.dma_semaphore, #tpu.memory_space<semaphore_mem>>) {add = true}
    %dma_wait3A_143 = arith.constant 79 : i32
    %dma_wait3A_144 = arith.constant 1 : i32
    %dma_wait3A_145 = arith.constant 1 : i32
    %dma_wait3A_146 = arith.constant 0 : i32
    %dma_wait3A_147 = arith.constant 0 : i32
    %dma_wait3A_148 = tpu.memref_slice %arg9[%dma_wait3A_144, %dma_wait3A_146, %dma_wait3A_147] : memref<2x128x64xf32, #tpu.memory_space<vmem>> -> memref<1x128x64xf32, #tpu.memory_space<vmem>>
    %dma_wait3A_149 = tpu.memref_squeeze %dma_wait3A_148 : memref<1x128x64xf32, #tpu.memory_space<vmem>> -> memref<128x64xf32, #tpu.memory_space<vmem>>
    %dma_wait3A_150 = arith.constant 0 : i32
    %dma_wait3A_151 = tpu.memref_slice %arg7[%dma_wait3A_143, %dma_wait3A_150] : memref<80x128xi32, #tpu.memory_space<vmem>> -> memref<1x128xi32, #tpu.memory_space<vmem>>
    %dma_wait3A_152 = tpu.memref_squeeze %dma_wait3A_151 : memref<1x128xi32, #tpu.memory_space<vmem>> -> memref<128xi32, #tpu.memory_space<vmem>>
    %dma_wait3A_153 = arith.constant 0 : i32
    %dma_wait3A_154 = arith.constant 0 : i32
    %dma_wait3A_155 = tpu.memref_slice %arg10[%dma_wait3A_153, %dma_wait3A_154] : memref<10112x64xf32, #tpu.memory_space<vmem_shared>> -> memref<10112x64xf32, #tpu.memory_space<vmem_shared>>
    %dma_wait3A_156 = tpu.memref_slice %arg12[%dma_wait3A_145] : memref<2x!tpu.dma_semaphore, #tpu.memory_space<semaphore_mem>> -> memref<1x!tpu.dma_semaphore, #tpu.memory_space<semaphore_mem>>
    %dma_wait3A_157 = tpu.memref_squeeze %dma_wait3A_156 : memref<1x!tpu.dma_semaphore, #tpu.memory_space<semaphore_mem>> -> memref<!tpu.dma_semaphore, #tpu.memory_space<semaphore_mem>>
    tpu.wait_indirect_dma semaphore(%dma_wait3A_157 : memref<!tpu.dma_semaphore, #tpu.memory_space<semaphore_mem>>) src(%dma_wait3A_155 : memref<10112x64xf32, #tpu.memory_space<vmem_shared>>) dst(%dma_wait3A_149 : memref<128x64xf32, #tpu.memory_space<vmem>>)
    %dma_start3A_158 = arith.constant 1 : i32
    %dma_start3A_159 = arith.constant 79 : i32
    %dma_start3A_160 = arith.constant 1 : i32
    %dma_start3A_161 = arith.constant 0 : i32
    %dma_start3A_162 = arith.constant 0 : i32
    %dma_start3A_163 = tpu.memref_slice %arg9[%dma_start3A_158, %dma_start3A_161, %dma_start3A_162] : memref<2x128x64xf32, #tpu.memory_space<vmem>> -> memref<1x128x64xf32, #tpu.memory_space<vmem>>
    %dma_start3A_164 = tpu.memref_squeeze %dma_start3A_163 : memref<1x128x64xf32, #tpu.memory_space<vmem>> -> memref<128x64xf32, #tpu.memory_space<vmem>>
    %dma_start3A_165 = arith.constant 0 : i32
    %dma_start3A_166 = tpu.memref_slice %arg8[%dma_start3A_159, %dma_start3A_165] : memref<80x128xi32, #tpu.memory_space<vmem>> -> memref<1x128xi32, #tpu.memory_space<vmem>>
    %dma_start3A_167 = tpu.memref_squeeze %dma_start3A_166 : memref<1x128xi32, #tpu.memory_space<vmem>> -> memref<128xi32, #tpu.memory_space<vmem>>
    %dma_start3A_168 = arith.constant 0 : i32
    %dma_start3A_169 = arith.constant 0 : i32
    %dma_start3A_170 = tpu.memref_slice %arg11[%dma_start3A_168, %dma_start3A_169] : memref<10112x64xf32, #tpu.memory_space<vmem_shared>> -> memref<10112x64xf32, #tpu.memory_space<vmem_shared>>
    %dma_start3A_171 = tpu.memref_slice %arg13[%dma_start3A_160] : memref<2x!tpu.dma_semaphore, #tpu.memory_space<semaphore_mem>> -> memref<1x!tpu.dma_semaphore, #tpu.memory_space<semaphore_mem>>
    %dma_start3A_172 = tpu.memref_squeeze %dma_start3A_171 : memref<1x!tpu.dma_semaphore, #tpu.memory_space<semaphore_mem>> -> memref<!tpu.dma_semaphore, #tpu.memory_space<semaphore_mem>>
    tpu.enqueue_indirect_dma source(%dma_start3A_164 : memref<128x64xf32, #tpu.memory_space<vmem>>) target(%dma_start3A_170 : memref<10112x64xf32, #tpu.memory_space<vmem_shared>>) offsets(%dma_start3A_167 : memref<128xi32, #tpu.memory_space<vmem>>) semaphore(%dma_start3A_172 : memref<!tpu.dma_semaphore, #tpu.memory_space<semaphore_mem>>) {add = true}
    %dma_wait3A_173 = arith.constant 0 : i32
    %dma_wait3A_174 = arith.constant 78 : i32
    %dma_wait3A_175 = arith.constant 0 : i32
    %dma_wait3A_176 = arith.constant 0 : i32
    %dma_wait3A_177 = arith.constant 0 : i32
    %dma_wait3A_178 = tpu.memref_slice %arg9[%dma_wait3A_173, %dma_wait3A_176, %dma_wait3A_177] : memref<2x128x64xf32, #tpu.memory_space<vmem>> -> memref<1x128x64xf32, #tpu.memory_space<vmem>>
    %dma_wait3A_179 = tpu.memref_squeeze %dma_wait3A_178 : memref<1x128x64xf32, #tpu.memory_space<vmem>> -> memref<128x64xf32, #tpu.memory_space<vmem>>
    %dma_wait3A_180 = arith.constant 0 : i32
    %dma_wait3A_181 = tpu.memref_slice %arg8[%dma_wait3A_174, %dma_wait3A_180] : memref<80x128xi32, #tpu.memory_space<vmem>> -> memref<1x128xi32, #tpu.memory_space<vmem>>
    %dma_wait3A_182 = tpu.memref_squeeze %dma_wait3A_181 : memref<1x128xi32, #tpu.memory_space<vmem>> -> memref<128xi32, #tpu.memory_space<vmem>>
    %dma_wait3A_183 = arith.constant 0 : i32
    %dma_wait3A_184 = arith.constant 0 : i32
    %dma_wait3A_185 = tpu.memref_slice %arg11[%dma_wait3A_183, %dma_wait3A_184] : memref<10112x64xf32, #tpu.memory_space<vmem_shared>> -> memref<10112x64xf32, #tpu.memory_space<vmem_shared>>
    %dma_wait3A_186 = tpu.memref_slice %arg13[%dma_wait3A_175] : memref<2x!tpu.dma_semaphore, #tpu.memory_space<semaphore_mem>> -> memref<1x!tpu.dma_semaphore, #tpu.memory_space<semaphore_mem>>
    %dma_wait3A_187 = tpu.memref_squeeze %dma_wait3A_186 : memref<1x!tpu.dma_semaphore, #tpu.memory_space<semaphore_mem>> -> memref<!tpu.dma_semaphore, #tpu.memory_space<semaphore_mem>>
    tpu.wait_indirect_dma semaphore(%dma_wait3A_187 : memref<!tpu.dma_semaphore, #tpu.memory_space<semaphore_mem>>) src(%dma_wait3A_179 : memref<128x64xf32, #tpu.memory_space<vmem>>) dst(%dma_wait3A_185 : memref<10112x64xf32, #tpu.memory_space<vmem_shared>>)
    %dma_wait3A_188 = arith.constant 1 : i32
    %dma_wait3A_189 = arith.constant 79 : i32
    %dma_wait3A_190 = arith.constant 1 : i32
    %dma_wait3A_191 = arith.constant 0 : i32
    %dma_wait3A_192 = arith.constant 0 : i32
    %dma_wait3A_193 = tpu.memref_slice %arg9[%dma_wait3A_188, %dma_wait3A_191, %dma_wait3A_192] : memref<2x128x64xf32, #tpu.memory_space<vmem>> -> memref<1x128x64xf32, #tpu.memory_space<vmem>>
    %dma_wait3A_194 = tpu.memref_squeeze %dma_wait3A_193 : memref<1x128x64xf32, #tpu.memory_space<vmem>> -> memref<128x64xf32, #tpu.memory_space<vmem>>
    %dma_wait3A_195 = arith.constant 0 : i32
    %dma_wait3A_196 = tpu.memref_slice %arg8[%dma_wait3A_189, %dma_wait3A_195] : memref<80x128xi32, #tpu.memory_space<vmem>> -> memref<1x128xi32, #tpu.memory_space<vmem>>
    %dma_wait3A_197 = tpu.memref_squeeze %dma_wait3A_196 : memref<1x128xi32, #tpu.memory_space<vmem>> -> memref<128xi32, #tpu.memory_space<vmem>>
    %dma_wait3A_198 = arith.constant 0 : i32
    %dma_wait3A_199 = arith.constant 0 : i32
    %dma_wait3A_200 = tpu.memref_slice %arg11[%dma_wait3A_198, %dma_wait3A_199] : memref<10112x64xf32, #tpu.memory_space<vmem_shared>> -> memref<10112x64xf32, #tpu.memory_space<vmem_shared>>
    %dma_wait3A_201 = tpu.memref_slice %arg13[%dma_wait3A_190] : memref<2x!tpu.dma_semaphore, #tpu.memory_space<semaphore_mem>> -> memref<1x!tpu.dma_semaphore, #tpu.memory_space<semaphore_mem>>
    %dma_wait3A_202 = tpu.memref_squeeze %dma_wait3A_201 : memref<1x!tpu.dma_semaphore, #tpu.memory_space<semaphore_mem>> -> memref<!tpu.dma_semaphore, #tpu.memory_space<semaphore_mem>>
    tpu.wait_indirect_dma semaphore(%dma_wait3A_202 : memref<!tpu.dma_semaphore, #tpu.memory_space<semaphore_mem>>) src(%dma_wait3A_194 : memref<128x64xf32, #tpu.memory_space<vmem>>) dst(%dma_wait3A_200 : memref<10112x64xf32, #tpu.memory_space<vmem_shared>>)
    %barrier3A_203 = arith.constant 0 : index
    tpu.barrier barrier_id(%barrier3A_203)
    %mul3A_204 = arith.constant 632 : i32
    %mul3A_205 = arith.muli %arg1, %mul3A_204 : i32
    %mul3A_206 = arith.constant 632 : i32
    %mul3A_207 = arith.muli %arg1, %mul3A_206 : i32
    "tpu.region"() ({
      %run_scoped3A = tpu.sem_alloc : memref<!tpu.dma_semaphore, #tpu.memory_space<semaphore_mem>>
      %dma_start3A_208 = arith.constant 0 : i32
      %dma_start3A_209 = arith.constant 0 : i32
      %dma_start3A_210 = tpu.memref_slice %arg6[%arg0, %dma_start3A_208, %dma_start3A_209] : memref<2x10112x64xf32, #tpu.memory_space<hbm>> -> memref<1x10112x64xf32, #tpu.memory_space<hbm>>
      %dma_start3A_211 = tpu.memref_squeeze %dma_start3A_210 : memref<1x10112x64xf32, #tpu.memory_space<hbm>> -> memref<10112x64xf32, #tpu.memory_space<hbm>>
      %dma_start3A_212 = arith.constant 0 : i32
      %dma_start3A_213 = tpu.memref_slice %dma_start3A_211[%mul3A_207, %dma_start3A_212] : memref<10112x64xf32, #tpu.memory_space<hbm>> -> memref<632x64xf32, #tpu.memory_space<hbm>>
      %dma_start3A_214 = arith.constant 0 : i32
      %dma_start3A_215 = tpu.memref_slice %arg11[%mul3A_205, %dma_start3A_214] : memref<10112x64xf32, #tpu.memory_space<vmem_shared>> -> memref<632x64xf32, #tpu.memory_space<vmem_shared>>
      tpu.enqueue_dma source(%dma_start3A_215 : memref<632x64xf32, #tpu.memory_space<vmem_shared>>) target(%dma_start3A_213 : memref<632x64xf32, #tpu.memory_space<hbm>>) target_semaphore(%run_scoped3A : memref<!tpu.dma_semaphore, #tpu.memory_space<semaphore_mem>>)
      %dma_wait3A_216 = arith.constant 0 : i32
      %dma_wait3A_217 = arith.constant 0 : i32
      %dma_wait3A_218 = tpu.memref_slice %arg6[%arg0, %dma_wait3A_216, %dma_wait3A_217] : memref<2x10112x64xf32, #tpu.memory_space<hbm>> -> memref<1x10112x64xf32, #tpu.memory_space<hbm>>
      %dma_wait3A_219 = tpu.memref_squeeze %dma_wait3A_218 : memref<1x10112x64xf32, #tpu.memory_space<hbm>> -> memref<10112x64xf32, #tpu.memory_space<hbm>>
      %dma_wait3A_220 = arith.constant 0 : i32
      %dma_wait3A_221 = tpu.memref_slice %dma_wait3A_219[%mul3A_207, %dma_wait3A_220] : memref<10112x64xf32, #tpu.memory_space<hbm>> -> memref<632x64xf32, #tpu.memory_space<hbm>>
      %dma_wait3A_222 = arith.constant 0 : i32
      %dma_wait3A_223 = tpu.memref_slice %arg11[%mul3A_205, %dma_wait3A_222] : memref<10112x64xf32, #tpu.memory_space<vmem_shared>> -> memref<632x64xf32, #tpu.memory_space<vmem_shared>>
      tpu.wait_dma2 semaphore(%run_scoped3A : memref<!tpu.dma_semaphore, #tpu.memory_space<semaphore_mem>>) src(%dma_wait3A_223 : memref<632x64xf32, #tpu.memory_space<vmem_shared>>) dst(%dma_wait3A_221 : memref<632x64xf32, #tpu.memory_space<hbm>>)
      tpu.yield
    }) : () -> ()
    return
  }
}

#map = affine_map<(d0, d1) -> (0, 0)>
#map1 = affine_map<(d0, d1) -> (0, 0, 0)>
module attributes {stable_mosaic.version = 14 : i64} {
  func.func @k(%arg0: i32, %arg1: i32, %arg2: memref<2560x128xi32, #tpu.memory_space<hbm>>, %arg3: memref<2560x128xi32, #tpu.memory_space<hbm>>, %arg4: memref<10112x64xf32, #tpu.memory_space<hbm>>, %arg5: memref<10112x64xf32, #tpu.memory_space<hbm>>, %arg6: memref<2x10112x64xf32, #tpu.memory_space<hbm>>, %arg7: memref<80x128xi32, #tpu.memory_space<vmem>>, %arg8: memref<80x128xi32, #tpu.memory_space<vmem>>, %arg9: memref<2x128x64xf32, #tpu.memory_space<vmem>>, %arg10: memref<10112x64xf32, #tpu.memory_space<vmem_shared>>, %arg11: memref<10112x64xf32, #tpu.memory_space<vmem_shared>>, %arg12: memref<2x!tpu.dma_semaphore, #tpu.memory_space<semaphore_mem>>, %arg13: memref<2x!tpu.dma_semaphore, #tpu.memory_space<semaphore_mem>>, %arg14: memref<4x!tpu.dma_semaphore, #tpu.memory_space<semaphore_mem>>) attributes {dimension_semantics = [#tpu.dimension_semantics<core_parallel>, #tpu.dimension_semantics<subcore_parallel>], iteration_bounds = array<i64: 2, 16>, scalar_prefetch = 0 : i64, scratch_operands = 8 : i64, tpu.core_type = #tpu.core_type<sc_vector_subcore>, window_params = [{transform_indices = #map}, {transform_indices = #map}, {transform_indices = #map}, {transform_indices = #map}, {transform_indices = #map1}]} {
    %mul3A = arith.constant 16 : i32
    %mul3A_0 = arith.muli %arg0, %mul3A : i32
    %add3A = arith.addi %mul3A_0, %arg1 : i32
    %mul3A_1 = arith.constant 80 : i32
    %mul3A_2 = arith.muli %add3A, %mul3A_1 : i32
    %dma_start3A = arith.constant 0 : i32
    %dma_start3A_3 = arith.constant 0 : i32
    %dma_start3A_4 = tpu.memref_slice %arg2[%mul3A_2, %dma_start3A_3] : memref<2560x128xi32, #tpu.memory_space<hbm>> -> memref<80x128xi32, #tpu.memory_space<hbm>>
    %dma_start3A_5 = tpu.memref_slice %arg14[%dma_start3A] : memref<4x!tpu.dma_semaphore, #tpu.memory_space<semaphore_mem>> -> memref<1x!tpu.dma_semaphore, #tpu.memory_space<semaphore_mem>>
    %dma_start3A_6 = tpu.memref_squeeze %dma_start3A_5 : memref<1x!tpu.dma_semaphore, #tpu.memory_space<semaphore_mem>> -> memref<!tpu.dma_semaphore, #tpu.memory_space<semaphore_mem>>
    %dma_start3A_7 = arith.constant 0 : i32
    %dma_start3A_8 = tpu.memref_slice %arg2[%mul3A_2, %dma_start3A_7] : memref<2560x128xi32, #tpu.memory_space<hbm>> -> memref<80x128xi32, #tpu.memory_space<hbm>>
    tpu.enqueue_dma source(%dma_start3A_8 : memref<80x128xi32, #tpu.memory_space<hbm>>) target(%arg7 : memref<80x128xi32, #tpu.memory_space<vmem>>) target_semaphore(%dma_start3A_6 : memref<!tpu.dma_semaphore, #tpu.memory_space<semaphore_mem>>)
    %mul3A_9 = arith.constant 80 : i32
    %mul3A_10 = arith.muli %add3A, %mul3A_9 : i32
    %dma_start3A_11 = arith.constant 1 : i32
    %dma_start3A_12 = arith.constant 0 : i32
    %dma_start3A_13 = tpu.memref_slice %arg3[%mul3A_10, %dma_start3A_12] : memref<2560x128xi32, #tpu.memory_space<hbm>> -> memref<80x128xi32, #tpu.memory_space<hbm>>
    %dma_start3A_14 = tpu.memref_slice %arg14[%dma_start3A_11] : memref<4x!tpu.dma_semaphore, #tpu.memory_space<semaphore_mem>> -> memref<1x!tpu.dma_semaphore, #tpu.memory_space<semaphore_mem>>
    %dma_start3A_15 = tpu.memref_squeeze %dma_start3A_14 : memref<1x!tpu.dma_semaphore, #tpu.memory_space<semaphore_mem>> -> memref<!tpu.dma_semaphore, #tpu.memory_space<semaphore_mem>>
    %dma_start3A_16 = arith.constant 0 : i32
    %dma_start3A_17 = tpu.memref_slice %arg3[%mul3A_10, %dma_start3A_16] : memref<2560x128xi32, #tpu.memory_space<hbm>> -> memref<80x128xi32, #tpu.memory_space<hbm>>
    tpu.enqueue_dma source(%dma_start3A_17 : memref<80x128xi32, #tpu.memory_space<hbm>>) target(%arg8 : memref<80x128xi32, #tpu.memory_space<vmem>>) target_semaphore(%dma_start3A_15 : memref<!tpu.dma_semaphore, #tpu.memory_space<semaphore_mem>>)
    %mul3A_18 = arith.constant 632 : i32
    %mul3A_19 = arith.muli %arg1, %mul3A_18 : i32
    %mul3A_20 = arith.constant 632 : i32
    %mul3A_21 = arith.muli %arg1, %mul3A_20 : i32
    %dma_start3A_22 = arith.constant 2 : i32
    %dma_start3A_23 = tpu.memref_slice %arg14[%dma_start3A_22] : memref<4x!tpu.dma_semaphore, #tpu.memory_space<semaphore_mem>> -> memref<1x!tpu.dma_semaphore, #tpu.memory_space<semaphore_mem>>
    %dma_start3A_24 = tpu.memref_squeeze %dma_start3A_23 : memref<1x!tpu.dma_semaphore, #tpu.memory_space<semaphore_mem>> -> memref<!tpu.dma_semaphore, #tpu.memory_space<semaphore_mem>>
    %dma_start3A_25 = arith.constant 0 : i32
    %dma_start3A_26 = tpu.memref_slice %arg10[%mul3A_21, %dma_start3A_25] : memref<10112x64xf32, #tpu.memory_space<vmem_shared>> -> memref<632x64xf32, #tpu.memory_space<vmem_shared>>
    %dma_start3A_27 = arith.constant 0 : i32
    %dma_start3A_28 = tpu.memref_slice %arg4[%mul3A_19, %dma_start3A_27] : memref<10112x64xf32, #tpu.memory_space<hbm>> -> memref<632x64xf32, #tpu.memory_space<hbm>>
    tpu.enqueue_dma source(%dma_start3A_28 : memref<632x64xf32, #tpu.memory_space<hbm>>) target(%dma_start3A_26 : memref<632x64xf32, #tpu.memory_space<vmem_shared>>) target_semaphore(%dma_start3A_24 : memref<!tpu.dma_semaphore, #tpu.memory_space<semaphore_mem>>)
    %mul3A_29 = arith.constant 632 : i32
    %mul3A_30 = arith.muli %arg1, %mul3A_29 : i32
    %mul3A_31 = arith.constant 632 : i32
    %mul3A_32 = arith.muli %arg1, %mul3A_31 : i32
    %dma_start3A_33 = arith.constant 3 : i32
    %dma_start3A_34 = tpu.memref_slice %arg14[%dma_start3A_33] : memref<4x!tpu.dma_semaphore, #tpu.memory_space<semaphore_mem>> -> memref<1x!tpu.dma_semaphore, #tpu.memory_space<semaphore_mem>>
    %dma_start3A_35 = tpu.memref_squeeze %dma_start3A_34 : memref<1x!tpu.dma_semaphore, #tpu.memory_space<semaphore_mem>> -> memref<!tpu.dma_semaphore, #tpu.memory_space<semaphore_mem>>
    %dma_start3A_36 = arith.constant 0 : i32
    %dma_start3A_37 = tpu.memref_slice %arg11[%mul3A_32, %dma_start3A_36] : memref<10112x64xf32, #tpu.memory_space<vmem_shared>> -> memref<632x64xf32, #tpu.memory_space<vmem_shared>>
    %dma_start3A_38 = arith.constant 0 : i32
    %dma_start3A_39 = tpu.memref_slice %arg5[%mul3A_30, %dma_start3A_38] : memref<10112x64xf32, #tpu.memory_space<hbm>> -> memref<632x64xf32, #tpu.memory_space<hbm>>
    tpu.enqueue_dma source(%dma_start3A_39 : memref<632x64xf32, #tpu.memory_space<hbm>>) target(%dma_start3A_37 : memref<632x64xf32, #tpu.memory_space<vmem_shared>>) target_semaphore(%dma_start3A_35 : memref<!tpu.dma_semaphore, #tpu.memory_space<semaphore_mem>>)
    %mul3A_40 = arith.constant 80 : i32
    %mul3A_41 = arith.muli %add3A, %mul3A_40 : i32
    %dma_wait3A = arith.constant 0 : i32
    %dma_wait3A_42 = arith.constant 0 : i32
    %dma_wait3A_43 = tpu.memref_slice %arg2[%mul3A_41, %dma_wait3A_42] : memref<2560x128xi32, #tpu.memory_space<hbm>> -> memref<80x128xi32, #tpu.memory_space<hbm>>
    %dma_wait3A_44 = tpu.memref_slice %arg14[%dma_wait3A] : memref<4x!tpu.dma_semaphore, #tpu.memory_space<semaphore_mem>> -> memref<1x!tpu.dma_semaphore, #tpu.memory_space<semaphore_mem>>
    %dma_wait3A_45 = tpu.memref_squeeze %dma_wait3A_44 : memref<1x!tpu.dma_semaphore, #tpu.memory_space<semaphore_mem>> -> memref<!tpu.dma_semaphore, #tpu.memory_space<semaphore_mem>>
    %dma_wait3A_46 = arith.constant 0 : i32
    %dma_wait3A_47 = tpu.memref_slice %arg2[%mul3A_41, %dma_wait3A_46] : memref<2560x128xi32, #tpu.memory_space<hbm>> -> memref<80x128xi32, #tpu.memory_space<hbm>>
    tpu.wait_dma2 semaphore(%dma_wait3A_45 : memref<!tpu.dma_semaphore, #tpu.memory_space<semaphore_mem>>) src(%dma_wait3A_47 : memref<80x128xi32, #tpu.memory_space<hbm>>) dst(%arg7 : memref<80x128xi32, #tpu.memory_space<vmem>>)
    %mul3A_48 = arith.constant 80 : i32
    %mul3A_49 = arith.muli %add3A, %mul3A_48 : i32
    %dma_wait3A_50 = arith.constant 1 : i32
    %dma_wait3A_51 = arith.constant 0 : i32
    %dma_wait3A_52 = tpu.memref_slice %arg3[%mul3A_49, %dma_wait3A_51] : memref<2560x128xi32, #tpu.memory_space<hbm>> -> memref<80x128xi32, #tpu.memory_space<hbm>>
    %dma_wait3A_53 = tpu.memref_slice %arg14[%dma_wait3A_50] : memref<4x!tpu.dma_semaphore, #tpu.memory_space<semaphore_mem>> -> memref<1x!tpu.dma_semaphore, #tpu.memory_space<semaphore_mem>>
    %dma_wait3A_54 = tpu.memref_squeeze %dma_wait3A_53 : memref<1x!tpu.dma_semaphore, #tpu.memory_space<semaphore_mem>> -> memref<!tpu.dma_semaphore, #tpu.memory_space<semaphore_mem>>
    %dma_wait3A_55 = arith.constant 0 : i32
    %dma_wait3A_56 = tpu.memref_slice %arg3[%mul3A_49, %dma_wait3A_55] : memref<2560x128xi32, #tpu.memory_space<hbm>> -> memref<80x128xi32, #tpu.memory_space<hbm>>
    tpu.wait_dma2 semaphore(%dma_wait3A_54 : memref<!tpu.dma_semaphore, #tpu.memory_space<semaphore_mem>>) src(%dma_wait3A_56 : memref<80x128xi32, #tpu.memory_space<hbm>>) dst(%arg8 : memref<80x128xi32, #tpu.memory_space<vmem>>)
    %mul3A_57 = arith.constant 632 : i32
    %mul3A_58 = arith.muli %arg1, %mul3A_57 : i32
    %mul3A_59 = arith.constant 632 : i32
    %mul3A_60 = arith.muli %arg1, %mul3A_59 : i32
    %dma_wait3A_61 = arith.constant 2 : i32
    %dma_wait3A_62 = tpu.memref_slice %arg14[%dma_wait3A_61] : memref<4x!tpu.dma_semaphore, #tpu.memory_space<semaphore_mem>> -> memref<1x!tpu.dma_semaphore, #tpu.memory_space<semaphore_mem>>
    %dma_wait3A_63 = tpu.memref_squeeze %dma_wait3A_62 : memref<1x!tpu.dma_semaphore, #tpu.memory_space<semaphore_mem>> -> memref<!tpu.dma_semaphore, #tpu.memory_space<semaphore_mem>>
    %dma_wait3A_64 = arith.constant 0 : i32
    %dma_wait3A_65 = tpu.memref_slice %arg10[%mul3A_60, %dma_wait3A_64] : memref<10112x64xf32, #tpu.memory_space<vmem_shared>> -> memref<632x64xf32, #tpu.memory_space<vmem_shared>>
    %dma_wait3A_66 = arith.constant 0 : i32
    %dma_wait3A_67 = tpu.memref_slice %arg4[%mul3A_58, %dma_wait3A_66] : memref<10112x64xf32, #tpu.memory_space<hbm>> -> memref<632x64xf32, #tpu.memory_space<hbm>>
    tpu.wait_dma2 semaphore(%dma_wait3A_63 : memref<!tpu.dma_semaphore, #tpu.memory_space<semaphore_mem>>) src(%dma_wait3A_67 : memref<632x64xf32, #tpu.memory_space<hbm>>) dst(%dma_wait3A_65 : memref<632x64xf32, #tpu.memory_space<vmem_shared>>)
    %mul3A_68 = arith.constant 632 : i32
    %mul3A_69 = arith.muli %arg1, %mul3A_68 : i32
    %mul3A_70 = arith.constant 632 : i32
    %mul3A_71 = arith.muli %arg1, %mul3A_70 : i32
    %dma_wait3A_72 = arith.constant 3 : i32
    %dma_wait3A_73 = tpu.memref_slice %arg14[%dma_wait3A_72] : memref<4x!tpu.dma_semaphore, #tpu.memory_space<semaphore_mem>> -> memref<1x!tpu.dma_semaphore, #tpu.memory_space<semaphore_mem>>
    %dma_wait3A_74 = tpu.memref_squeeze %dma_wait3A_73 : memref<1x!tpu.dma_semaphore, #tpu.memory_space<semaphore_mem>> -> memref<!tpu.dma_semaphore, #tpu.memory_space<semaphore_mem>>
    %dma_wait3A_75 = arith.constant 0 : i32
    %dma_wait3A_76 = tpu.memref_slice %arg11[%mul3A_71, %dma_wait3A_75] : memref<10112x64xf32, #tpu.memory_space<vmem_shared>> -> memref<632x64xf32, #tpu.memory_space<vmem_shared>>
    %dma_wait3A_77 = arith.constant 0 : i32
    %dma_wait3A_78 = tpu.memref_slice %arg5[%mul3A_69, %dma_wait3A_77] : memref<10112x64xf32, #tpu.memory_space<hbm>> -> memref<632x64xf32, #tpu.memory_space<hbm>>
    tpu.wait_dma2 semaphore(%dma_wait3A_74 : memref<!tpu.dma_semaphore, #tpu.memory_space<semaphore_mem>>) src(%dma_wait3A_78 : memref<632x64xf32, #tpu.memory_space<hbm>>) dst(%dma_wait3A_76 : memref<632x64xf32, #tpu.memory_space<vmem_shared>>)
    %barrier3A = arith.constant 0 : index
    tpu.barrier barrier_id(%barrier3A)
    %dma_start3A_79 = arith.constant 0 : i32
    %dma_start3A_80 = arith.constant 0 : i32
    %dma_start3A_81 = arith.constant 0 : i32
    %dma_start3A_82 = arith.constant 0 : i32
    %dma_start3A_83 = arith.constant 0 : i32
    %dma_start3A_84 = tpu.memref_slice %arg9[%dma_start3A_80, %dma_start3A_82, %dma_start3A_83] : memref<2x128x64xf32, #tpu.memory_space<vmem>> -> memref<1x128x64xf32, #tpu.memory_space<vmem>>
    %dma_start3A_85 = tpu.memref_squeeze %dma_start3A_84 : memref<1x128x64xf32, #tpu.memory_space<vmem>> -> memref<128x64xf32, #tpu.memory_space<vmem>>
    %dma_start3A_86 = arith.constant 0 : i32
    %dma_start3A_87 = tpu.memref_slice %arg7[%dma_start3A_79, %dma_start3A_86] : memref<80x128xi32, #tpu.memory_space<vmem>> -> memref<1x128xi32, #tpu.memory_space<vmem>>
    %dma_start3A_88 = tpu.memref_squeeze %dma_start3A_87 : memref<1x128xi32, #tpu.memory_space<vmem>> -> memref<128xi32, #tpu.memory_space<vmem>>
    %dma_start3A_89 = arith.constant 0 : i32
    %dma_start3A_90 = arith.constant 0 : i32
    %dma_start3A_91 = tpu.memref_slice %arg10[%dma_start3A_89, %dma_start3A_90] : memref<10112x64xf32, #tpu.memory_space<vmem_shared>> -> memref<10112x64xf32, #tpu.memory_space<vmem_shared>>
    %dma_start3A_92 = tpu.memref_slice %arg12[%dma_start3A_81] : memref<2x!tpu.dma_semaphore, #tpu.memory_space<semaphore_mem>> -> memref<1x!tpu.dma_semaphore, #tpu.memory_space<semaphore_mem>>
    %dma_start3A_93 = tpu.memref_squeeze %dma_start3A_92 : memref<1x!tpu.dma_semaphore, #tpu.memory_space<semaphore_mem>> -> memref<!tpu.dma_semaphore, #tpu.memory_space<semaphore_mem>>
    tpu.enqueue_indirect_dma source(%dma_start3A_91 : memref<10112x64xf32, #tpu.memory_space<vmem_shared>>) target(%dma_start3A_85 : memref<128x64xf32, #tpu.memory_space<vmem>>) offsets(%dma_start3A_88 : memref<128xi32, #tpu.memory_space<vmem>>) semaphore(%dma_start3A_93 : memref<!tpu.dma_semaphore, #tpu.memory_space<semaphore_mem>>)
    %dma_start3A_94 = arith.constant 1 : i32
    %dma_start3A_95 = arith.constant 1 : i32
    %dma_start3A_96 = arith.constant 1 : i32
    %dma_start3A_97 = arith.constant 0 : i32
    %dma_start3A_98 = arith.constant 0 : i32
    %dma_start3A_99 = tpu.memref_slice %arg9[%dma_start3A_95, %dma_start3A_97, %dma_start3A_98] : memref<2x128x64xf32, #tpu.memory_space<vmem>> -> memref<1x128x64xf32, #tpu.memory_space<vmem>>
    %dma_start3A_100 = tpu.memref_squeeze %dma_start3A_99 : memref<1x128x64xf32, #tpu.memory_space<vmem>> -> memref<128x64xf32, #tpu.memory_space<vmem>>
    %dma_start3A_101 = arith.constant 0 : i32
    %dma_start3A_102 = tpu.memref_slice %arg7[%dma_start3A_94, %dma_start3A_101] : memref<80x128xi32, #tpu.memory_space<vmem>> -> memref<1x128xi32, #tpu.memory_space<vmem>>
    %dma_start3A_103 = tpu.memref_squeeze %dma_start3A_102 : memref<1x128xi32, #tpu.memory_space<vmem>> -> memref<128xi32, #tpu.memory_space<vmem>>
    %dma_start3A_104 = arith.constant 0 : i32
    %dma_start3A_105 = arith.constant 0 : i32
    %dma_start3A_106 = tpu.memref_slice %arg10[%dma_start3A_104, %dma_start3A_105] : memref<10112x64xf32, #tpu.memory_space<vmem_shared>> -> memref<10112x64xf32, #tpu.memory_space<vmem_shared>>
    %dma_start3A_107 = tpu.memref_slice %arg12[%dma_start3A_96] : memref<2x!tpu.dma_semaphore, #tpu.memory_space<semaphore_mem>> -> memref<1x!tpu.dma_semaphore, #tpu.memory_space<semaphore_mem>>
    %dma_start3A_108 = tpu.memref_squeeze %dma_start3A_107 : memref<1x!tpu.dma_semaphore, #tpu.memory_space<semaphore_mem>> -> memref<!tpu.dma_semaphore, #tpu.memory_space<semaphore_mem>>
    tpu.enqueue_indirect_dma source(%dma_start3A_106 : memref<10112x64xf32, #tpu.memory_space<vmem_shared>>) target(%dma_start3A_100 : memref<128x64xf32, #tpu.memory_space<vmem>>) offsets(%dma_start3A_103 : memref<128xi32, #tpu.memory_space<vmem>>) semaphore(%dma_start3A_108 : memref<!tpu.dma_semaphore, #tpu.memory_space<semaphore_mem>>)
    %scan3A = arith.constant 0 : i32
    %scan3A_109 = arith.constant 39 : i32
    %scan3A_110 = arith.addi %scan3A, %scan3A_109 : i32
    %scan3A_111 = arith.constant 1 : i32
    scf.for %scan3A_208 = %scan3A to %scan3A_110 step %scan3A_111  : i32 {
      %mul3A_209 = arith.constant 1 : i32
      %mul3A_210 = arith.muli %scan3A_208, %mul3A_209 : i32
      %add3A_211 = arith.constant 0 : i32
      %add3A_212 = arith.addi %add3A_211, %mul3A_210 : i32
      %mul3A_213 = arith.constant 2 : i32
      %mul3A_214 = arith.muli %add3A_212, %mul3A_213 : i32
      %add3A_215 = arith.constant 0 : i32
      %add3A_216 = arith.addi %mul3A_214, %add3A_215 : i32
      %dma_wait3A_217 = arith.constant 0 : i32
      %dma_wait3A_218 = arith.constant 0 : i32
      %dma_wait3A_219 = arith.constant 0 : i32
      %dma_wait3A_220 = arith.constant 0 : i32
      %dma_wait3A_221 = tpu.memref_slice %arg9[%dma_wait3A_217, %dma_wait3A_219, %dma_wait3A_220] : memref<2x128x64xf32, #tpu.memory_space<vmem>> -> memref<1x128x64xf32, #tpu.memory_space<vmem>>
      %dma_wait3A_222 = tpu.memref_squeeze %dma_wait3A_221 : memref<1x128x64xf32, #tpu.memory_space<vmem>> -> memref<128x64xf32, #tpu.memory_space<vmem>>
      %dma_wait3A_223 = arith.constant 0 : i32
      %dma_wait3A_224 = tpu.memref_slice %arg7[%add3A_216, %dma_wait3A_223] : memref<80x128xi32, #tpu.memory_space<vmem>> -> memref<1x128xi32, #tpu.memory_space<vmem>>
      %dma_wait3A_225 = tpu.memref_squeeze %dma_wait3A_224 : memref<1x128xi32, #tpu.memory_space<vmem>> -> memref<128xi32, #tpu.memory_space<vmem>>
      %dma_wait3A_226 = arith.constant 0 : i32
      %dma_wait3A_227 = arith.constant 0 : i32
      %dma_wait3A_228 = tpu.memref_slice %arg10[%dma_wait3A_226, %dma_wait3A_227] : memref<10112x64xf32, #tpu.memory_space<vmem_shared>> -> memref<10112x64xf32, #tpu.memory_space<vmem_shared>>
      %dma_wait3A_229 = tpu.memref_slice %arg12[%dma_wait3A_218] : memref<2x!tpu.dma_semaphore, #tpu.memory_space<semaphore_mem>> -> memref<1x!tpu.dma_semaphore, #tpu.memory_space<semaphore_mem>>
      %dma_wait3A_230 = tpu.memref_squeeze %dma_wait3A_229 : memref<1x!tpu.dma_semaphore, #tpu.memory_space<semaphore_mem>> -> memref<!tpu.dma_semaphore, #tpu.memory_space<semaphore_mem>>
      tpu.wait_indirect_dma semaphore(%dma_wait3A_230 : memref<!tpu.dma_semaphore, #tpu.memory_space<semaphore_mem>>) src(%dma_wait3A_228 : memref<10112x64xf32, #tpu.memory_space<vmem_shared>>) dst(%dma_wait3A_222 : memref<128x64xf32, #tpu.memory_space<vmem>>)
      %add3A_231 = arith.constant 0 : i32
      %add3A_232 = arith.addi %mul3A_214, %add3A_231 : i32
      %dma_start3A_233 = arith.constant 0 : i32
      %dma_start3A_234 = arith.constant 0 : i32
      %dma_start3A_235 = arith.constant 0 : i32
      %dma_start3A_236 = arith.constant 0 : i32
      %dma_start3A_237 = tpu.memref_slice %arg9[%dma_start3A_233, %dma_start3A_235, %dma_start3A_236] : memref<2x128x64xf32, #tpu.memory_space<vmem>> -> memref<1x128x64xf32, #tpu.memory_space<vmem>>
      %dma_start3A_238 = tpu.memref_squeeze %dma_start3A_237 : memref<1x128x64xf32, #tpu.memory_space<vmem>> -> memref<128x64xf32, #tpu.memory_space<vmem>>
      %dma_start3A_239 = arith.constant 0 : i32
      %dma_start3A_240 = tpu.memref_slice %arg8[%add3A_232, %dma_start3A_239] : memref<80x128xi32, #tpu.memory_space<vmem>> -> memref<1x128xi32, #tpu.memory_space<vmem>>
      %dma_start3A_241 = tpu.memref_squeeze %dma_start3A_240 : memref<1x128xi32, #tpu.memory_space<vmem>> -> memref<128xi32, #tpu.memory_space<vmem>>
      %dma_start3A_242 = arith.constant 0 : i32
      %dma_start3A_243 = arith.constant 0 : i32
      %dma_start3A_244 = tpu.memref_slice %arg11[%dma_start3A_242, %dma_start3A_243] : memref<10112x64xf32, #tpu.memory_space<vmem_shared>> -> memref<10112x64xf32, #tpu.memory_space<vmem_shared>>
      %dma_start3A_245 = tpu.memref_slice %arg13[%dma_start3A_234] : memref<2x!tpu.dma_semaphore, #tpu.memory_space<semaphore_mem>> -> memref<1x!tpu.dma_semaphore, #tpu.memory_space<semaphore_mem>>
      %dma_start3A_246 = tpu.memref_squeeze %dma_start3A_245 : memref<1x!tpu.dma_semaphore, #tpu.memory_space<semaphore_mem>> -> memref<!tpu.dma_semaphore, #tpu.memory_space<semaphore_mem>>
      tpu.enqueue_indirect_dma source(%dma_start3A_238 : memref<128x64xf32, #tpu.memory_space<vmem>>) target(%dma_start3A_244 : memref<10112x64xf32, #tpu.memory_space<vmem_shared>>) offsets(%dma_start3A_241 : memref<128xi32, #tpu.memory_space<vmem>>) semaphore(%dma_start3A_246 : memref<!tpu.dma_semaphore, #tpu.memory_space<semaphore_mem>>) {add = true}
      %add3A_247 = arith.constant 1 : i32
      %add3A_248 = arith.addi %mul3A_214, %add3A_247 : i32
      %dma_wait3A_249 = arith.constant 1 : i32
      %dma_wait3A_250 = arith.constant 1 : i32
      %dma_wait3A_251 = arith.constant 0 : i32
      %dma_wait3A_252 = arith.constant 0 : i32
      %dma_wait3A_253 = tpu.memref_slice %arg9[%dma_wait3A_249, %dma_wait3A_251, %dma_wait3A_252] : memref<2x128x64xf32, #tpu.memory_space<vmem>> -> memref<1x128x64xf32, #tpu.memory_space<vmem>>
      %dma_wait3A_254 = tpu.memref_squeeze %dma_wait3A_253 : memref<1x128x64xf32, #tpu.memory_space<vmem>> -> memref<128x64xf32, #tpu.memory_space<vmem>>
      %dma_wait3A_255 = arith.constant 0 : i32
      %dma_wait3A_256 = tpu.memref_slice %arg7[%add3A_248, %dma_wait3A_255] : memref<80x128xi32, #tpu.memory_space<vmem>> -> memref<1x128xi32, #tpu.memory_space<vmem>>
      %dma_wait3A_257 = tpu.memref_squeeze %dma_wait3A_256 : memref<1x128xi32, #tpu.memory_space<vmem>> -> memref<128xi32, #tpu.memory_space<vmem>>
      %dma_wait3A_258 = arith.constant 0 : i32
      %dma_wait3A_259 = arith.constant 0 : i32
      %dma_wait3A_260 = tpu.memref_slice %arg10[%dma_wait3A_258, %dma_wait3A_259] : memref<10112x64xf32, #tpu.memory_space<vmem_shared>> -> memref<10112x64xf32, #tpu.memory_space<vmem_shared>>
      %dma_wait3A_261 = tpu.memref_slice %arg12[%dma_wait3A_250] : memref<2x!tpu.dma_semaphore, #tpu.memory_space<semaphore_mem>> -> memref<1x!tpu.dma_semaphore, #tpu.memory_space<semaphore_mem>>
      %dma_wait3A_262 = tpu.memref_squeeze %dma_wait3A_261 : memref<1x!tpu.dma_semaphore, #tpu.memory_space<semaphore_mem>> -> memref<!tpu.dma_semaphore, #tpu.memory_space<semaphore_mem>>
      tpu.wait_indirect_dma semaphore(%dma_wait3A_262 : memref<!tpu.dma_semaphore, #tpu.memory_space<semaphore_mem>>) src(%dma_wait3A_260 : memref<10112x64xf32, #tpu.memory_space<vmem_shared>>) dst(%dma_wait3A_254 : memref<128x64xf32, #tpu.memory_space<vmem>>)
      %add3A_263 = arith.constant 1 : i32
      %add3A_264 = arith.addi %mul3A_214, %add3A_263 : i32
      %dma_start3A_265 = arith.constant 1 : i32
      %dma_start3A_266 = arith.constant 1 : i32
      %dma_start3A_267 = arith.constant 0 : i32
      %dma_start3A_268 = arith.constant 0 : i32
      %dma_start3A_269 = tpu.memref_slice %arg9[%dma_start3A_265, %dma_start3A_267, %dma_start3A_268] : memref<2x128x64xf32, #tpu.memory_space<vmem>> -> memref<1x128x64xf32, #tpu.memory_space<vmem>>
      %dma_start3A_270 = tpu.memref_squeeze %dma_start3A_269 : memref<1x128x64xf32, #tpu.memory_space<vmem>> -> memref<128x64xf32, #tpu.memory_space<vmem>>
      %dma_start3A_271 = arith.constant 0 : i32
      %dma_start3A_272 = tpu.memref_slice %arg8[%add3A_264, %dma_start3A_271] : memref<80x128xi32, #tpu.memory_space<vmem>> -> memref<1x128xi32, #tpu.memory_space<vmem>>
      %dma_start3A_273 = tpu.memref_squeeze %dma_start3A_272 : memref<1x128xi32, #tpu.memory_space<vmem>> -> memref<128xi32, #tpu.memory_space<vmem>>
      %dma_start3A_274 = arith.constant 0 : i32
      %dma_start3A_275 = arith.constant 0 : i32
      %dma_start3A_276 = tpu.memref_slice %arg11[%dma_start3A_274, %dma_start3A_275] : memref<10112x64xf32, #tpu.memory_space<vmem_shared>> -> memref<10112x64xf32, #tpu.memory_space<vmem_shared>>
      %dma_start3A_277 = tpu.memref_slice %arg13[%dma_start3A_266] : memref<2x!tpu.dma_semaphore, #tpu.memory_space<semaphore_mem>> -> memref<1x!tpu.dma_semaphore, #tpu.memory_space<semaphore_mem>>
      %dma_start3A_278 = tpu.memref_squeeze %dma_start3A_277 : memref<1x!tpu.dma_semaphore, #tpu.memory_space<semaphore_mem>> -> memref<!tpu.dma_semaphore, #tpu.memory_space<semaphore_mem>>
      tpu.enqueue_indirect_dma source(%dma_start3A_270 : memref<128x64xf32, #tpu.memory_space<vmem>>) target(%dma_start3A_276 : memref<10112x64xf32, #tpu.memory_space<vmem_shared>>) offsets(%dma_start3A_273 : memref<128xi32, #tpu.memory_space<vmem>>) semaphore(%dma_start3A_278 : memref<!tpu.dma_semaphore, #tpu.memory_space<semaphore_mem>>) {add = true}
      %add3A_279 = arith.constant 0 : i32
      %add3A_280 = arith.addi %mul3A_214, %add3A_279 : i32
      %dma_wait3A_281 = arith.constant 0 : i32
      %dma_wait3A_282 = arith.constant 0 : i32
      %dma_wait3A_283 = arith.constant 0 : i32
      %dma_wait3A_284 = arith.constant 0 : i32
      %dma_wait3A_285 = tpu.memref_slice %arg9[%dma_wait3A_281, %dma_wait3A_283, %dma_wait3A_284] : memref<2x128x64xf32, #tpu.memory_space<vmem>> -> memref<1x128x64xf32, #tpu.memory_space<vmem>>
      %dma_wait3A_286 = tpu.memref_squeeze %dma_wait3A_285 : memref<1x128x64xf32, #tpu.memory_space<vmem>> -> memref<128x64xf32, #tpu.memory_space<vmem>>
      %dma_wait3A_287 = arith.constant 0 : i32
      %dma_wait3A_288 = tpu.memref_slice %arg8[%add3A_280, %dma_wait3A_287] : memref<80x128xi32, #tpu.memory_space<vmem>> -> memref<1x128xi32, #tpu.memory_space<vmem>>
      %dma_wait3A_289 = tpu.memref_squeeze %dma_wait3A_288 : memref<1x128xi32, #tpu.memory_space<vmem>> -> memref<128xi32, #tpu.memory_space<vmem>>
      %dma_wait3A_290 = arith.constant 0 : i32
      %dma_wait3A_291 = arith.constant 0 : i32
      %dma_wait3A_292 = tpu.memref_slice %arg11[%dma_wait3A_290, %dma_wait3A_291] : memref<10112x64xf32, #tpu.memory_space<vmem_shared>> -> memref<10112x64xf32, #tpu.memory_space<vmem_shared>>
      %dma_wait3A_293 = tpu.memref_slice %arg13[%dma_wait3A_282] : memref<2x!tpu.dma_semaphore, #tpu.memory_space<semaphore_mem>> -> memref<1x!tpu.dma_semaphore, #tpu.memory_space<semaphore_mem>>
      %dma_wait3A_294 = tpu.memref_squeeze %dma_wait3A_293 : memref<1x!tpu.dma_semaphore, #tpu.memory_space<semaphore_mem>> -> memref<!tpu.dma_semaphore, #tpu.memory_space<semaphore_mem>>
      tpu.wait_indirect_dma semaphore(%dma_wait3A_294 : memref<!tpu.dma_semaphore, #tpu.memory_space<semaphore_mem>>) src(%dma_wait3A_286 : memref<128x64xf32, #tpu.memory_space<vmem>>) dst(%dma_wait3A_292 : memref<10112x64xf32, #tpu.memory_space<vmem_shared>>)
      %add3A_295 = arith.constant 2 : i32
      %add3A_296 = arith.addi %mul3A_214, %add3A_295 : i32
      %add3A_297 = arith.constant 0 : i32
      %add3A_298 = arith.addi %add3A_296, %add3A_297 : i32
      %dma_start3A_299 = arith.constant 0 : i32
      %dma_start3A_300 = arith.constant 0 : i32
      %dma_start3A_301 = arith.constant 0 : i32
      %dma_start3A_302 = arith.constant 0 : i32
      %dma_start3A_303 = tpu.memref_slice %arg9[%dma_start3A_299, %dma_start3A_301, %dma_start3A_302] : memref<2x128x64xf32, #tpu.memory_space<vmem>> -> memref<1x128x64xf32, #tpu.memory_space<vmem>>
      %dma_start3A_304 = tpu.memref_squeeze %dma_start3A_303 : memref<1x128x64xf32, #tpu.memory_space<vmem>> -> memref<128x64xf32, #tpu.memory_space<vmem>>
      %dma_start3A_305 = arith.constant 0 : i32
      %dma_start3A_306 = tpu.memref_slice %arg7[%add3A_298, %dma_start3A_305] : memref<80x128xi32, #tpu.memory_space<vmem>> -> memref<1x128xi32, #tpu.memory_space<vmem>>
      %dma_start3A_307 = tpu.memref_squeeze %dma_start3A_306 : memref<1x128xi32, #tpu.memory_space<vmem>> -> memref<128xi32, #tpu.memory_space<vmem>>
      %dma_start3A_308 = arith.constant 0 : i32
      %dma_start3A_309 = arith.constant 0 : i32
      %dma_start3A_310 = tpu.memref_slice %arg10[%dma_start3A_308, %dma_start3A_309] : memref<10112x64xf32, #tpu.memory_space<vmem_shared>> -> memref<10112x64xf32, #tpu.memory_space<vmem_shared>>
      %dma_start3A_311 = tpu.memref_slice %arg12[%dma_start3A_300] : memref<2x!tpu.dma_semaphore, #tpu.memory_space<semaphore_mem>> -> memref<1x!tpu.dma_semaphore, #tpu.memory_space<semaphore_mem>>
      %dma_start3A_312 = tpu.memref_squeeze %dma_start3A_311 : memref<1x!tpu.dma_semaphore, #tpu.memory_space<semaphore_mem>> -> memref<!tpu.dma_semaphore, #tpu.memory_space<semaphore_mem>>
      tpu.enqueue_indirect_dma source(%dma_start3A_310 : memref<10112x64xf32, #tpu.memory_space<vmem_shared>>) target(%dma_start3A_304 : memref<128x64xf32, #tpu.memory_space<vmem>>) offsets(%dma_start3A_307 : memref<128xi32, #tpu.memory_space<vmem>>) semaphore(%dma_start3A_312 : memref<!tpu.dma_semaphore, #tpu.memory_space<semaphore_mem>>)
      %add3A_313 = arith.constant 1 : i32
      %add3A_314 = arith.addi %mul3A_214, %add3A_313 : i32
      %dma_wait3A_315 = arith.constant 1 : i32
      %dma_wait3A_316 = arith.constant 1 : i32
      %dma_wait3A_317 = arith.constant 0 : i32
      %dma_wait3A_318 = arith.constant 0 : i32
      %dma_wait3A_319 = tpu.memref_slice %arg9[%dma_wait3A_315, %dma_wait3A_317, %dma_wait3A_318] : memref<2x128x64xf32, #tpu.memory_space<vmem>> -> memref<1x128x64xf32, #tpu.memory_space<vmem>>
      %dma_wait3A_320 = tpu.memref_squeeze %dma_wait3A_319 : memref<1x128x64xf32, #tpu.memory_space<vmem>> -> memref<128x64xf32, #tpu.memory_space<vmem>>
      %dma_wait3A_321 = arith.constant 0 : i32
      %dma_wait3A_322 = tpu.memref_slice %arg8[%add3A_314, %dma_wait3A_321] : memref<80x128xi32, #tpu.memory_space<vmem>> -> memref<1x128xi32, #tpu.memory_space<vmem>>
      %dma_wait3A_323 = tpu.memref_squeeze %dma_wait3A_322 : memref<1x128xi32, #tpu.memory_space<vmem>> -> memref<128xi32, #tpu.memory_space<vmem>>
      %dma_wait3A_324 = arith.constant 0 : i32
      %dma_wait3A_325 = arith.constant 0 : i32
      %dma_wait3A_326 = tpu.memref_slice %arg11[%dma_wait3A_324, %dma_wait3A_325] : memref<10112x64xf32, #tpu.memory_space<vmem_shared>> -> memref<10112x64xf32, #tpu.memory_space<vmem_shared>>
      %dma_wait3A_327 = tpu.memref_slice %arg13[%dma_wait3A_316] : memref<2x!tpu.dma_semaphore, #tpu.memory_space<semaphore_mem>> -> memref<1x!tpu.dma_semaphore, #tpu.memory_space<semaphore_mem>>
      %dma_wait3A_328 = tpu.memref_squeeze %dma_wait3A_327 : memref<1x!tpu.dma_semaphore, #tpu.memory_space<semaphore_mem>> -> memref<!tpu.dma_semaphore, #tpu.memory_space<semaphore_mem>>
      tpu.wait_indirect_dma semaphore(%dma_wait3A_328 : memref<!tpu.dma_semaphore, #tpu.memory_space<semaphore_mem>>) src(%dma_wait3A_320 : memref<128x64xf32, #tpu.memory_space<vmem>>) dst(%dma_wait3A_326 : memref<10112x64xf32, #tpu.memory_space<vmem_shared>>)
      %add3A_329 = arith.constant 2 : i32
      %add3A_330 = arith.addi %mul3A_214, %add3A_329 : i32
      %add3A_331 = arith.constant 1 : i32
      %add3A_332 = arith.addi %add3A_330, %add3A_331 : i32
      %dma_start3A_333 = arith.constant 1 : i32
      %dma_start3A_334 = arith.constant 1 : i32
      %dma_start3A_335 = arith.constant 0 : i32
      %dma_start3A_336 = arith.constant 0 : i32
      %dma_start3A_337 = tpu.memref_slice %arg9[%dma_start3A_333, %dma_start3A_335, %dma_start3A_336] : memref<2x128x64xf32, #tpu.memory_space<vmem>> -> memref<1x128x64xf32, #tpu.memory_space<vmem>>
      %dma_start3A_338 = tpu.memref_squeeze %dma_start3A_337 : memref<1x128x64xf32, #tpu.memory_space<vmem>> -> memref<128x64xf32, #tpu.memory_space<vmem>>
      %dma_start3A_339 = arith.constant 0 : i32
      %dma_start3A_340 = tpu.memref_slice %arg7[%add3A_332, %dma_start3A_339] : memref<80x128xi32, #tpu.memory_space<vmem>> -> memref<1x128xi32, #tpu.memory_space<vmem>>
      %dma_start3A_341 = tpu.memref_squeeze %dma_start3A_340 : memref<1x128xi32, #tpu.memory_space<vmem>> -> memref<128xi32, #tpu.memory_space<vmem>>
      %dma_start3A_342 = arith.constant 0 : i32
      %dma_start3A_343 = arith.constant 0 : i32
      %dma_start3A_344 = tpu.memref_slice %arg10[%dma_start3A_342, %dma_start3A_343] : memref<10112x64xf32, #tpu.memory_space<vmem_shared>> -> memref<10112x64xf32, #tpu.memory_space<vmem_shared>>
      %dma_start3A_345 = tpu.memref_slice %arg12[%dma_start3A_334] : memref<2x!tpu.dma_semaphore, #tpu.memory_space<semaphore_mem>> -> memref<1x!tpu.dma_semaphore, #tpu.memory_space<semaphore_mem>>
      %dma_start3A_346 = tpu.memref_squeeze %dma_start3A_345 : memref<1x!tpu.dma_semaphore, #tpu.memory_space<semaphore_mem>> -> memref<!tpu.dma_semaphore, #tpu.memory_space<semaphore_mem>>
      tpu.enqueue_indirect_dma source(%dma_start3A_344 : memref<10112x64xf32, #tpu.memory_space<vmem_shared>>) target(%dma_start3A_338 : memref<128x64xf32, #tpu.memory_space<vmem>>) offsets(%dma_start3A_341 : memref<128xi32, #tpu.memory_space<vmem>>) semaphore(%dma_start3A_346 : memref<!tpu.dma_semaphore, #tpu.memory_space<semaphore_mem>>)
    }
    %scan3A_112 = arith.constant 39 : i32
    %dma_wait3A_113 = arith.constant 78 : i32
    %dma_wait3A_114 = arith.constant 0 : i32
    %dma_wait3A_115 = arith.constant 0 : i32
    %dma_wait3A_116 = arith.constant 0 : i32
    %dma_wait3A_117 = arith.constant 0 : i32
    %dma_wait3A_118 = tpu.memref_slice %arg9[%dma_wait3A_114, %dma_wait3A_116, %dma_wait3A_117] : memref<2x128x64xf32, #tpu.memory_space<vmem>> -> memref<1x128x64xf32, #tpu.memory_space<vmem>>
    %dma_wait3A_119 = tpu.memref_squeeze %dma_wait3A_118 : memref<1x128x64xf32, #tpu.memory_space<vmem>> -> memref<128x64xf32, #tpu.memory_space<vmem>>
    %dma_wait3A_120 = arith.constant 0 : i32
    %dma_wait3A_121 = tpu.memref_slice %arg7[%dma_wait3A_113, %dma_wait3A_120] : memref<80x128xi32, #tpu.memory_space<vmem>> -> memref<1x128xi32, #tpu.memory_space<vmem>>
    %dma_wait3A_122 = tpu.memref_squeeze %dma_wait3A_121 : memref<1x128xi32, #tpu.memory_space<vmem>> -> memref<128xi32, #tpu.memory_space<vmem>>
    %dma_wait3A_123 = arith.constant 0 : i32
    %dma_wait3A_124 = arith.constant 0 : i32
    %dma_wait3A_125 = tpu.memref_slice %arg10[%dma_wait3A_123, %dma_wait3A_124] : memref<10112x64xf32, #tpu.memory_space<vmem_shared>> -> memref<10112x64xf32, #tpu.memory_space<vmem_shared>>
    %dma_wait3A_126 = tpu.memref_slice %arg12[%dma_wait3A_115] : memref<2x!tpu.dma_semaphore, #tpu.memory_space<semaphore_mem>> -> memref<1x!tpu.dma_semaphore, #tpu.memory_space<semaphore_mem>>
    %dma_wait3A_127 = tpu.memref_squeeze %dma_wait3A_126 : memref<1x!tpu.dma_semaphore, #tpu.memory_space<semaphore_mem>> -> memref<!tpu.dma_semaphore, #tpu.memory_space<semaphore_mem>>
    tpu.wait_indirect_dma semaphore(%dma_wait3A_127 : memref<!tpu.dma_semaphore, #tpu.memory_space<semaphore_mem>>) src(%dma_wait3A_125 : memref<10112x64xf32, #tpu.memory_space<vmem_shared>>) dst(%dma_wait3A_119 : memref<128x64xf32, #tpu.memory_space<vmem>>)
    %dma_start3A_128 = arith.constant 0 : i32
    %dma_start3A_129 = arith.constant 78 : i32
    %dma_start3A_130 = arith.constant 0 : i32
    %dma_start3A_131 = arith.constant 0 : i32
    %dma_start3A_132 = arith.constant 0 : i32
    %dma_start3A_133 = tpu.memref_slice %arg9[%dma_start3A_128, %dma_start3A_131, %dma_start3A_132] : memref<2x128x64xf32, #tpu.memory_space<vmem>> -> memref<1x128x64xf32, #tpu.memory_space<vmem>>
    %dma_start3A_134 = tpu.memref_squeeze %dma_start3A_133 : memref<1x128x64xf32, #tpu.memory_space<vmem>> -> memref<128x64xf32, #tpu.memory_space<vmem>>
    %dma_start3A_135 = arith.constant 0 : i32
    %dma_start3A_136 = tpu.memref_slice %arg8[%dma_start3A_129, %dma_start3A_135] : memref<80x128xi32, #tpu.memory_space<vmem>> -> memref<1x128xi32, #tpu.memory_space<vmem>>
    %dma_start3A_137 = tpu.memref_squeeze %dma_start3A_136 : memref<1x128xi32, #tpu.memory_space<vmem>> -> memref<128xi32, #tpu.memory_space<vmem>>
    %dma_start3A_138 = arith.constant 0 : i32
    %dma_start3A_139 = arith.constant 0 : i32
    %dma_start3A_140 = tpu.memref_slice %arg11[%dma_start3A_138, %dma_start3A_139] : memref<10112x64xf32, #tpu.memory_space<vmem_shared>> -> memref<10112x64xf32, #tpu.memory_space<vmem_shared>>
    %dma_start3A_141 = tpu.memref_slice %arg13[%dma_start3A_130] : memref<2x!tpu.dma_semaphore, #tpu.memory_space<semaphore_mem>> -> memref<1x!tpu.dma_semaphore, #tpu.memory_space<semaphore_mem>>
    %dma_start3A_142 = tpu.memref_squeeze %dma_start3A_141 : memref<1x!tpu.dma_semaphore, #tpu.memory_space<semaphore_mem>> -> memref<!tpu.dma_semaphore, #tpu.memory_space<semaphore_mem>>
    tpu.enqueue_indirect_dma source(%dma_start3A_134 : memref<128x64xf32, #tpu.memory_space<vmem>>) target(%dma_start3A_140 : memref<10112x64xf32, #tpu.memory_space<vmem_shared>>) offsets(%dma_start3A_137 : memref<128xi32, #tpu.memory_space<vmem>>) semaphore(%dma_start3A_142 : memref<!tpu.dma_semaphore, #tpu.memory_space<semaphore_mem>>) {add = true}
    %dma_wait3A_143 = arith.constant 79 : i32
    %dma_wait3A_144 = arith.constant 1 : i32
    %dma_wait3A_145 = arith.constant 1 : i32
    %dma_wait3A_146 = arith.constant 0 : i32
    %dma_wait3A_147 = arith.constant 0 : i32
    %dma_wait3A_148 = tpu.memref_slice %arg9[%dma_wait3A_144, %dma_wait3A_146, %dma_wait3A_147] : memref<2x128x64xf32, #tpu.memory_space<vmem>> -> memref<1x128x64xf32, #tpu.memory_space<vmem>>
    %dma_wait3A_149 = tpu.memref_squeeze %dma_wait3A_148 : memref<1x128x64xf32, #tpu.memory_space<vmem>> -> memref<128x64xf32, #tpu.memory_space<vmem>>
    %dma_wait3A_150 = arith.constant 0 : i32
    %dma_wait3A_151 = tpu.memref_slice %arg7[%dma_wait3A_143, %dma_wait3A_150] : memref<80x128xi32, #tpu.memory_space<vmem>> -> memref<1x128xi32, #tpu.memory_space<vmem>>
    %dma_wait3A_152 = tpu.memref_squeeze %dma_wait3A_151 : memref<1x128xi32, #tpu.memory_space<vmem>> -> memref<128xi32, #tpu.memory_space<vmem>>
    %dma_wait3A_153 = arith.constant 0 : i32
    %dma_wait3A_154 = arith.constant 0 : i32
    %dma_wait3A_155 = tpu.memref_slice %arg10[%dma_wait3A_153, %dma_wait3A_154] : memref<10112x64xf32, #tpu.memory_space<vmem_shared>> -> memref<10112x64xf32, #tpu.memory_space<vmem_shared>>
    %dma_wait3A_156 = tpu.memref_slice %arg12[%dma_wait3A_145] : memref<2x!tpu.dma_semaphore, #tpu.memory_space<semaphore_mem>> -> memref<1x!tpu.dma_semaphore, #tpu.memory_space<semaphore_mem>>
    %dma_wait3A_157 = tpu.memref_squeeze %dma_wait3A_156 : memref<1x!tpu.dma_semaphore, #tpu.memory_space<semaphore_mem>> -> memref<!tpu.dma_semaphore, #tpu.memory_space<semaphore_mem>>
    tpu.wait_indirect_dma semaphore(%dma_wait3A_157 : memref<!tpu.dma_semaphore, #tpu.memory_space<semaphore_mem>>) src(%dma_wait3A_155 : memref<10112x64xf32, #tpu.memory_space<vmem_shared>>) dst(%dma_wait3A_149 : memref<128x64xf32, #tpu.memory_space<vmem>>)
    %dma_start3A_158 = arith.constant 1 : i32
    %dma_start3A_159 = arith.constant 79 : i32
    %dma_start3A_160 = arith.constant 1 : i32
    %dma_start3A_161 = arith.constant 0 : i32
    %dma_start3A_162 = arith.constant 0 : i32
    %dma_start3A_163 = tpu.memref_slice %arg9[%dma_start3A_158, %dma_start3A_161, %dma_start3A_162] : memref<2x128x64xf32, #tpu.memory_space<vmem>> -> memref<1x128x64xf32, #tpu.memory_space<vmem>>
    %dma_start3A_164 = tpu.memref_squeeze %dma_start3A_163 : memref<1x128x64xf32, #tpu.memory_space<vmem>> -> memref<128x64xf32, #tpu.memory_space<vmem>>
    %dma_start3A_165 = arith.constant 0 : i32
    %dma_start3A_166 = tpu.memref_slice %arg8[%dma_start3A_159, %dma_start3A_165] : memref<80x128xi32, #tpu.memory_space<vmem>> -> memref<1x128xi32, #tpu.memory_space<vmem>>
    %dma_start3A_167 = tpu.memref_squeeze %dma_start3A_166 : memref<1x128xi32, #tpu.memory_space<vmem>> -> memref<128xi32, #tpu.memory_space<vmem>>
    %dma_start3A_168 = arith.constant 0 : i32
    %dma_start3A_169 = arith.constant 0 : i32
    %dma_start3A_170 = tpu.memref_slice %arg11[%dma_start3A_168, %dma_start3A_169] : memref<10112x64xf32, #tpu.memory_space<vmem_shared>> -> memref<10112x64xf32, #tpu.memory_space<vmem_shared>>
    %dma_start3A_171 = tpu.memref_slice %arg13[%dma_start3A_160] : memref<2x!tpu.dma_semaphore, #tpu.memory_space<semaphore_mem>> -> memref<1x!tpu.dma_semaphore, #tpu.memory_space<semaphore_mem>>
    %dma_start3A_172 = tpu.memref_squeeze %dma_start3A_171 : memref<1x!tpu.dma_semaphore, #tpu.memory_space<semaphore_mem>> -> memref<!tpu.dma_semaphore, #tpu.memory_space<semaphore_mem>>
    tpu.enqueue_indirect_dma source(%dma_start3A_164 : memref<128x64xf32, #tpu.memory_space<vmem>>) target(%dma_start3A_170 : memref<10112x64xf32, #tpu.memory_space<vmem_shared>>) offsets(%dma_start3A_167 : memref<128xi32, #tpu.memory_space<vmem>>) semaphore(%dma_start3A_172 : memref<!tpu.dma_semaphore, #tpu.memory_space<semaphore_mem>>) {add = true}
    %dma_wait3A_173 = arith.constant 0 : i32
    %dma_wait3A_174 = arith.constant 78 : i32
    %dma_wait3A_175 = arith.constant 0 : i32
    %dma_wait3A_176 = arith.constant 0 : i32
    %dma_wait3A_177 = arith.constant 0 : i32
    %dma_wait3A_178 = tpu.memref_slice %arg9[%dma_wait3A_173, %dma_wait3A_176, %dma_wait3A_177] : memref<2x128x64xf32, #tpu.memory_space<vmem>> -> memref<1x128x64xf32, #tpu.memory_space<vmem>>
    %dma_wait3A_179 = tpu.memref_squeeze %dma_wait3A_178 : memref<1x128x64xf32, #tpu.memory_space<vmem>> -> memref<128x64xf32, #tpu.memory_space<vmem>>
    %dma_wait3A_180 = arith.constant 0 : i32
    %dma_wait3A_181 = tpu.memref_slice %arg8[%dma_wait3A_174, %dma_wait3A_180] : memref<80x128xi32, #tpu.memory_space<vmem>> -> memref<1x128xi32, #tpu.memory_space<vmem>>
    %dma_wait3A_182 = tpu.memref_squeeze %dma_wait3A_181 : memref<1x128xi32, #tpu.memory_space<vmem>> -> memref<128xi32, #tpu.memory_space<vmem>>
    %dma_wait3A_183 = arith.constant 0 : i32
    %dma_wait3A_184 = arith.constant 0 : i32
    %dma_wait3A_185 = tpu.memref_slice %arg11[%dma_wait3A_183, %dma_wait3A_184] : memref<10112x64xf32, #tpu.memory_space<vmem_shared>> -> memref<10112x64xf32, #tpu.memory_space<vmem_shared>>
    %dma_wait3A_186 = tpu.memref_slice %arg13[%dma_wait3A_175] : memref<2x!tpu.dma_semaphore, #tpu.memory_space<semaphore_mem>> -> memref<1x!tpu.dma_semaphore, #tpu.memory_space<semaphore_mem>>
    %dma_wait3A_187 = tpu.memref_squeeze %dma_wait3A_186 : memref<1x!tpu.dma_semaphore, #tpu.memory_space<semaphore_mem>> -> memref<!tpu.dma_semaphore, #tpu.memory_space<semaphore_mem>>
    tpu.wait_indirect_dma semaphore(%dma_wait3A_187 : memref<!tpu.dma_semaphore, #tpu.memory_space<semaphore_mem>>) src(%dma_wait3A_179 : memref<128x64xf32, #tpu.memory_space<vmem>>) dst(%dma_wait3A_185 : memref<10112x64xf32, #tpu.memory_space<vmem_shared>>)
    %dma_wait3A_188 = arith.constant 1 : i32
    %dma_wait3A_189 = arith.constant 79 : i32
    %dma_wait3A_190 = arith.constant 1 : i32
    %dma_wait3A_191 = arith.constant 0 : i32
    %dma_wait3A_192 = arith.constant 0 : i32
    %dma_wait3A_193 = tpu.memref_slice %arg9[%dma_wait3A_188, %dma_wait3A_191, %dma_wait3A_192] : memref<2x128x64xf32, #tpu.memory_space<vmem>> -> memref<1x128x64xf32, #tpu.memory_space<vmem>>
    %dma_wait3A_194 = tpu.memref_squeeze %dma_wait3A_193 : memref<1x128x64xf32, #tpu.memory_space<vmem>> -> memref<128x64xf32, #tpu.memory_space<vmem>>
    %dma_wait3A_195 = arith.constant 0 : i32
    %dma_wait3A_196 = tpu.memref_slice %arg8[%dma_wait3A_189, %dma_wait3A_195] : memref<80x128xi32, #tpu.memory_space<vmem>> -> memref<1x128xi32, #tpu.memory_space<vmem>>
    %dma_wait3A_197 = tpu.memref_squeeze %dma_wait3A_196 : memref<1x128xi32, #tpu.memory_space<vmem>> -> memref<128xi32, #tpu.memory_space<vmem>>
    %dma_wait3A_198 = arith.constant 0 : i32
    %dma_wait3A_199 = arith.constant 0 : i32
    %dma_wait3A_200 = tpu.memref_slice %arg11[%dma_wait3A_198, %dma_wait3A_199] : memref<10112x64xf32, #tpu.memory_space<vmem_shared>> -> memref<10112x64xf32, #tpu.memory_space<vmem_shared>>
    %dma_wait3A_201 = tpu.memref_slice %arg13[%dma_wait3A_190] : memref<2x!tpu.dma_semaphore, #tpu.memory_space<semaphore_mem>> -> memref<1x!tpu.dma_semaphore, #tpu.memory_space<semaphore_mem>>
    %dma_wait3A_202 = tpu.memref_squeeze %dma_wait3A_201 : memref<1x!tpu.dma_semaphore, #tpu.memory_space<semaphore_mem>> -> memref<!tpu.dma_semaphore, #tpu.memory_space<semaphore_mem>>
    tpu.wait_indirect_dma semaphore(%dma_wait3A_202 : memref<!tpu.dma_semaphore, #tpu.memory_space<semaphore_mem>>) src(%dma_wait3A_194 : memref<128x64xf32, #tpu.memory_space<vmem>>) dst(%dma_wait3A_200 : memref<10112x64xf32, #tpu.memory_space<vmem_shared>>)
    %barrier3A_203 = arith.constant 0 : index
    tpu.barrier barrier_id(%barrier3A_203)
    %mul3A_204 = arith.constant 632 : i32
    %mul3A_205 = arith.muli %arg1, %mul3A_204 : i32
    %mul3A_206 = arith.constant 632 : i32
    %mul3A_207 = arith.muli %arg1, %mul3A_206 : i32
    "tpu.region"() ({
      %run_scoped3A = tpu.sem_alloc : memref<!tpu.dma_semaphore, #tpu.memory_space<semaphore_mem>>
      %dma_start3A_208 = arith.constant 0 : i32
      %dma_start3A_209 = arith.constant 0 : i32
      %dma_start3A_210 = tpu.memref_slice %arg6[%arg0, %dma_start3A_208, %dma_start3A_209] : memref<2x10112x64xf32, #tpu.memory_space<hbm>> -> memref<1x10112x64xf32, #tpu.memory_space<hbm>>
      %dma_start3A_211 = tpu.memref_squeeze %dma_start3A_210 : memref<1x10112x64xf32, #tpu.memory_space<hbm>> -> memref<10112x64xf32, #tpu.memory_space<hbm>>
      %dma_start3A_212 = arith.constant 0 : i32
      %dma_start3A_213 = tpu.memref_slice %dma_start3A_211[%mul3A_207, %dma_start3A_212] : memref<10112x64xf32, #tpu.memory_space<hbm>> -> memref<632x64xf32, #tpu.memory_space<hbm>>
      %dma_start3A_214 = arith.constant 0 : i32
      %dma_start3A_215 = tpu.memref_slice %arg11[%mul3A_205, %dma_start3A_214] : memref<10112x64xf32, #tpu.memory_space<vmem_shared>> -> memref<632x64xf32, #tpu.memory_space<vmem_shared>>
      tpu.enqueue_dma source(%dma_start3A_215 : memref<632x64xf32, #tpu.memory_space<vmem_shared>>) target(%dma_start3A_213 : memref<632x64xf32, #tpu.memory_space<hbm>>) target_semaphore(%run_scoped3A : memref<!tpu.dma_semaphore, #tpu.memory_space<semaphore_mem>>)
      %dma_wait3A_216 = arith.constant 0 : i32
      %dma_wait3A_217 = arith.constant 0 : i32
      %dma_wait3A_218 = tpu.memref_slice %arg6[%arg0, %dma_wait3A_216, %dma_wait3A_217] : memref<2x10112x64xf32, #tpu.memory_space<hbm>> -> memref<1x10112x64xf32, #tpu.memory_space<hbm>>
      %dma_wait3A_219 = tpu.memref_squeeze %dma_wait3A_218 : memref<1x10112x64xf32, #tpu.memory_space<hbm>> -> memref<10112x64xf32, #tpu.memory_space<hbm>>
      %dma_wait3A_220 = arith.constant 0 : i32
      %dma_wait3A_221 = tpu.memref_slice %dma_wait3A_219[%mul3A_207, %dma_wait3A_220] : memref<10112x64xf32, #tpu.memory_space<hbm>> -> memref<632x64xf32, #tpu.memory_space<hbm>>
      %dma_wait3A_222 = arith.constant 0 : i32
      %dma_wait3A_223 = tpu.memref_slice %arg11[%mul3A_205, %dma_wait3A_222] : memref<10112x64xf32, #tpu.memory_space<vmem_shared>> -> memref<632x64xf32, #tpu.memory_space<vmem_shared>>
      tpu.wait_dma2 semaphore(%run_scoped3A : memref<!tpu.dma_semaphore, #tpu.memory_space<semaphore_mem>>) src(%dma_wait3A_223 : memref<632x64xf32, #tpu.memory_space<vmem_shared>>) dst(%dma_wait3A_221 : memref<632x64xf32, #tpu.memory_space<hbm>>)
      tpu.yield
    }) : () -> ()
    return
  }
}

module attributes {stable_mosaic.version = 14 : i64} {
  func.func @body(%arg0: memref<2x10112x16xf32, #tpu.memory_space<vmem>>, %arg1: memref<10000x128xf32, #tpu.memory_space<vmem>>, %arg2: memref<128x64xf32, #tpu.memory_space<vmem>>, %arg3: memref<10000x1xf32, #tpu.memory_space<vmem>>, %arg4: memref<10112x64xf32, #tpu.memory_space<vmem>>) attributes {dimension_semantics = [], scalar_prefetch = 0 : i64, scratch_operands = 0 : i64, tpu.core_type = #tpu.core_type<tc>} {
    %get3A = arith.constant 0 : index
    %get3A_0 = arith.constant 0 : index
    %get3A_1 = arith.constant 0 : index
    %get3A_2 = vector.load %arg0[%get3A, %get3A_0, %get3A_1] : memref<2x10112x16xf32, #tpu.memory_space<vmem>>, vector<2x10112x16xf32>
    %slice3A = vector.extract_strided_slice %get3A_2 {offsets = [0, 0, 0], sizes = [1, 10000, 1], strides = [1, 1, 1]} : vector<2x10112x16xf32> to vector<1x10000x1xf32>
    %squeeze3A = vector.shape_cast %slice3A : vector<1x10000x1xf32> to vector<10000x1xf32>
    %slice3A_3 = vector.extract_strided_slice %get3A_2 {offsets = [1, 0, 0], sizes = [1, 10000, 1], strides = [1, 1, 1]} : vector<2x10112x16xf32> to vector<1x10000x1xf32>
    %squeeze3A_4 = vector.shape_cast %slice3A_3 : vector<1x10000x1xf32> to vector<10000x1xf32>
    %add3A = arith.addf %squeeze3A, %squeeze3A_4 : vector<10000x1xf32>
    %add3A_5 = arith.constant 1.000000e+00 : f32
    %add3A_6 = vector.broadcast %add3A_5 : f32 to vector<10000x1xf32>
    %add3A_7 = arith.addf %add3A, %add3A_6 : vector<10000x1xf32>
    %rsqrt3A = math.rsqrt %add3A_7 : vector<10000x1xf32>
    %swap3A = arith.constant 0 : index
    %swap3A_8 = arith.constant 0 : index
    %swap3A_9 = vector.load %arg3[%swap3A, %swap3A_8] : memref<10000x1xf32, #tpu.memory_space<vmem>>, vector<10000x1xf32>
    tpu.vector_store %arg3[%swap3A, %swap3A_8], %rsqrt3A {strides = array<i32>} : memref<10000x1xf32, #tpu.memory_space<vmem>>, vector<10000x1xf32>,
    %get3A_10 = arith.constant 0 : index
    %get3A_11 = arith.constant 0 : index
    %get3A_12 = vector.load %arg1[%get3A_10, %get3A_11] : memref<10000x128xf32, #tpu.memory_space<vmem>>, vector<10000x128xf32>
    %get3A_13 = arith.constant 0 : index
    %get3A_14 = arith.constant 0 : index
    %get3A_15 = vector.load %arg2[%get3A_13, %get3A_14] : memref<128x64xf32, #tpu.memory_space<vmem>>, vector<128x64xf32>
    %dot_general3A = arith.constant dense<0.000000e+00> : vector<10000x64xf32>
    %dot_general3A_16 = tpu.matmul %get3A_12, %get3A_15, %dot_general3A {dimension_numbers = #tpu.dot_dimension_numbers<[1], [0], [0], [1], [0, 0, 1, 1], [], []>, transpose_lhs_hint = false} : vector<10000x128xf32>, vector<128x64xf32>, vector<10000x64xf32> -> vector<10000x64xf32>
    %mul3A = vector.broadcast %rsqrt3A : vector<10000x1xf32> to vector<10000x64xf32>
    %mul3A_17 = arith.mulf %dot_general3A_16, %mul3A : vector<10000x64xf32>
    %broadcast_in_dim3A = arith.constant 0.000000e+00 : f32
    %broadcast_in_dim3A_18 = vector.broadcast %broadcast_in_dim3A : f32 to vector<112x64xf32>
    %concatenate3A = tpu.concatenate %mul3A_17, %broadcast_in_dim3A_18 in 0 : vector<10000x64xf32>, vector<112x64xf32> -> vector<10112x64xf32>
    %swap3A_19 = arith.constant 0 : index
    %swap3A_20 = arith.constant 0 : index
    %swap3A_21 = vector.load %arg4[%swap3A_19, %swap3A_20] : memref<10112x64xf32, #tpu.memory_space<vmem>>, vector<10112x64xf32>
    tpu.vector_store %arg4[%swap3A_19, %swap3A_20], %concatenate3A {strides = array<i32>} : memref<10112x64xf32, #tpu.memory_space<vmem>>, vector<10112x64xf32>,
    return
  }
}

module attributes {stable_mosaic.version = 14 : i64} {
  func.func @body(%arg0: memref<2x10112x64xf32, #tpu.memory_space<vmem>>, %arg1: memref<10112x64xf32, #tpu.memory_space<vmem>>, %arg2: memref<10000x1xf32, #tpu.memory_space<vmem>>, %arg3: memref<1x64xf32, #tpu.memory_space<vmem>>, %arg4: memref<64x64xf32, #tpu.memory_space<vmem>>, %arg5: memref<10112x64xf32, #tpu.memory_space<vmem>>) attributes {dimension_semantics = [], scalar_prefetch = 0 : i64, scratch_operands = 0 : i64, tpu.core_type = #tpu.core_type<tc>} {
    %get3A = arith.constant 0 : index
    %get3A_0 = arith.constant 0 : index
    %get3A_1 = arith.constant 0 : index
    %get3A_2 = vector.load %arg0[%get3A, %get3A_0, %get3A_1] : memref<2x10112x64xf32, #tpu.memory_space<vmem>>, vector<2x10112x64xf32>
    %slice3A = vector.extract_strided_slice %get3A_2 {offsets = [0, 0, 0], sizes = [1, 10000, 64], strides = [1, 1, 1]} : vector<2x10112x64xf32> to vector<1x10000x64xf32>
    %squeeze3A = vector.shape_cast %slice3A : vector<1x10000x64xf32> to vector<10000x64xf32>
    %slice3A_3 = vector.extract_strided_slice %get3A_2 {offsets = [1, 0, 0], sizes = [1, 10000, 64], strides = [1, 1, 1]} : vector<2x10112x64xf32> to vector<1x10000x64xf32>
    %squeeze3A_4 = vector.shape_cast %slice3A_3 : vector<1x10000x64xf32> to vector<10000x64xf32>
    %add3A = arith.addf %squeeze3A, %squeeze3A_4 : vector<10000x64xf32>
    %get3A_5 = arith.constant 0 : index
    %get3A_6 = arith.constant 0 : index
    %get3A_7 = vector.load %arg1[%get3A_5, %get3A_6] : memref<10112x64xf32, #tpu.memory_space<vmem>>, vector<10112x64xf32>
    %slice3A_8 = vector.extract_strided_slice %get3A_7 {offsets = [0, 0], sizes = [10000, 64], strides = [1, 1]} : vector<10112x64xf32> to vector<10000x64xf32>
    %add3A_9 = arith.addf %add3A, %slice3A_8 : vector<10000x64xf32>
    %get3A_10 = arith.constant 0 : index
    %get3A_11 = arith.constant 0 : index
    %get3A_12 = vector.load %arg2[%get3A_10, %get3A_11] : memref<10000x1xf32, #tpu.memory_space<vmem>>, vector<10000x1xf32>
    %mul3A = vector.broadcast %get3A_12 : vector<10000x1xf32> to vector<10000x64xf32>
    %mul3A_13 = arith.mulf %mul3A, %add3A_9 : vector<10000x64xf32>
    %get3A_14 = arith.constant 0 : index
    %get3A_15 = arith.constant 0 : index
    %get3A_16 = vector.load %arg3[%get3A_14, %get3A_15] : memref<1x64xf32, #tpu.memory_space<vmem>>, vector<1x64xf32>
    %add3A_17 = vector.broadcast %get3A_16 : vector<1x64xf32> to vector<10000x64xf32>
    %add3A_18 = arith.addf %mul3A_13, %add3A_17 : vector<10000x64xf32>
    %max3A = arith.constant 0.000000e+00 : f32
    %max3A_19 = vector.broadcast %max3A : f32 to vector<10000x64xf32>
    %max3A_20 = arith.maximumf %add3A_18, %max3A_19 : vector<10000x64xf32>
    %get3A_21 = arith.constant 0 : index
    %get3A_22 = arith.constant 0 : index
    %get3A_23 = vector.load %arg4[%get3A_21, %get3A_22] : memref<64x64xf32, #tpu.memory_space<vmem>>, vector<64x64xf32>
    %dot_general3A = arith.constant dense<0.000000e+00> : vector<10000x64xf32>
    %dot_general3A_24 = tpu.matmul %max3A_20, %get3A_23, %dot_general3A {dimension_numbers = #tpu.dot_dimension_numbers<[1], [0], [0], [1], [0, 0, 1, 1], [], []>, transpose_lhs_hint = false} : vector<10000x64xf32>, vector<64x64xf32>, vector<10000x64xf32> -> vector<10000x64xf32>
    %mul3A_25 = vector.broadcast %get3A_12 : vector<10000x1xf32> to vector<10000x64xf32>
    %mul3A_26 = arith.mulf %mul3A_25, %dot_general3A_24 : vector<10000x64xf32>
    %broadcast_in_dim3A = arith.constant 0.000000e+00 : f32
    %broadcast_in_dim3A_27 = vector.broadcast %broadcast_in_dim3A : f32 to vector<112x64xf32>
    %concatenate3A = tpu.concatenate %mul3A_26, %broadcast_in_dim3A_27 in 0 : vector<10000x64xf32>, vector<112x64xf32> -> vector<10112x64xf32>
    %swap3A = arith.constant 0 : index
    %swap3A_28 = arith.constant 0 : index
    %swap3A_29 = vector.load %arg5[%swap3A, %swap3A_28] : memref<10112x64xf32, #tpu.memory_space<vmem>>, vector<10112x64xf32>
    tpu.vector_store %arg5[%swap3A, %swap3A_28], %concatenate3A {strides = array<i32>} : memref<10112x64xf32, #tpu.memory_space<vmem>>, vector<10112x64xf32>,
    return
  }
}

module attributes {stable_mosaic.version = 14 : i64} {
  func.func @body(%arg0: memref<2x10112x64xf32, #tpu.memory_space<vmem>>, %arg1: memref<10112x64xf32, #tpu.memory_space<vmem>>, %arg2: memref<10000x1xf32, #tpu.memory_space<vmem>>, %arg3: memref<1x64xf32, #tpu.memory_space<vmem>>, %arg4: memref<10000x64xf32, #tpu.memory_space<vmem>>) attributes {dimension_semantics = [], scalar_prefetch = 0 : i64, scratch_operands = 0 : i64, tpu.core_type = #tpu.core_type<tc>} {
    %get3A = arith.constant 0 : index
    %get3A_0 = arith.constant 0 : index
    %get3A_1 = arith.constant 0 : index
    %get3A_2 = vector.load %arg0[%get3A, %get3A_0, %get3A_1] : memref<2x10112x64xf32, #tpu.memory_space<vmem>>, vector<2x10112x64xf32>
    %slice3A = vector.extract_strided_slice %get3A_2 {offsets = [0, 0, 0], sizes = [1, 10000, 64], strides = [1, 1, 1]} : vector<2x10112x64xf32> to vector<1x10000x64xf32>
    %squeeze3A = vector.shape_cast %slice3A : vector<1x10000x64xf32> to vector<10000x64xf32>
    %slice3A_3 = vector.extract_strided_slice %get3A_2 {offsets = [1, 0, 0], sizes = [1, 10000, 64], strides = [1, 1, 1]} : vector<2x10112x64xf32> to vector<1x10000x64xf32>
    %squeeze3A_4 = vector.shape_cast %slice3A_3 : vector<1x10000x64xf32> to vector<10000x64xf32>
    %add3A = arith.addf %squeeze3A, %squeeze3A_4 : vector<10000x64xf32>
    %get3A_5 = arith.constant 0 : index
    %get3A_6 = arith.constant 0 : index
    %get3A_7 = vector.load %arg1[%get3A_5, %get3A_6] : memref<10112x64xf32, #tpu.memory_space<vmem>>, vector<10112x64xf32>
    %slice3A_8 = vector.extract_strided_slice %get3A_7 {offsets = [0, 0], sizes = [10000, 64], strides = [1, 1]} : vector<10112x64xf32> to vector<10000x64xf32>
    %add3A_9 = arith.addf %add3A, %slice3A_8 : vector<10000x64xf32>
    %get3A_10 = arith.constant 0 : index
    %get3A_11 = arith.constant 0 : index
    %get3A_12 = vector.load %arg2[%get3A_10, %get3A_11] : memref<10000x1xf32, #tpu.memory_space<vmem>>, vector<10000x1xf32>
    %mul3A = vector.broadcast %get3A_12 : vector<10000x1xf32> to vector<10000x64xf32>
    %mul3A_13 = arith.mulf %mul3A, %add3A_9 : vector<10000x64xf32>
    %get3A_14 = arith.constant 0 : index
    %get3A_15 = arith.constant 0 : index
    %get3A_16 = vector.load %arg3[%get3A_14, %get3A_15] : memref<1x64xf32, #tpu.memory_space<vmem>>, vector<1x64xf32>
    %add3A_17 = vector.broadcast %get3A_16 : vector<1x64xf32> to vector<10000x64xf32>
    %add3A_18 = arith.addf %mul3A_13, %add3A_17 : vector<10000x64xf32>
    %swap3A = arith.constant 0 : index
    %swap3A_19 = arith.constant 0 : index
    %swap3A_20 = vector.load %arg4[%swap3A, %swap3A_19] : memref<10000x64xf32, #tpu.memory_space<vmem>>, vector<10000x64xf32>
    tpu.vector_store %arg4[%swap3A, %swap3A_19], %add3A_18 {strides = array<i32>} : memref<10000x64xf32, #tpu.memory_space<vmem>>, vector<10000x64xf32>,
    return
  }
}

</mosaic_0001>

<sc_bundles>
// kernel: kernel.12.cloned.1.call-start
scs
__scs_entry_jumppad:
0x0: {  	(pc) =	sbr.rel $0x88, $3  }
0x1: {  	(tag) =	ssettag $0x0;
	lr =	simm.s32 $0x1  }
0x2: {  	[smem:$0x3F97] =	sst lr;
	_ =	strace $0xD0000000  }
0x3: {  	_ = 	snop  }
0x4: {  	_ = 	snop  }
0x5: {  	_ = 	snop  }
0x6: {  	_ = 	snop  }
0x7: {  	_ = 	snop  }
__scs_overlays_trampoline_lowered:
0x8: {  	[smem:$0x3FA6] =	sst s0  }
0x9: {  	[smem:$0x3FA7] =	sst s1  }
0xa: {  	[smem:$0x3FA8] =	sst s2  }
0xb: {  	[smem:$0x3FA9] =	sst s3  }
0xc: {  	[smem:$0x3FAA] =	sst s4  }
0xd: {  	[smem:$0x3FAB] =	sst s5  }
0xe: {  	[smem:$0x3FAC] =	sst s6  }
0xf: {  	[smem:$0x3FAD] =	sst s7  }
0x10: {  	[smem:$0x3FAE] =	sst s8  }
0x11: {  	[smem:$0x3FAF] =	sst s9;
	s0 =	simm.s32 @!p0 $0x0  }
0x12: {  	s1 =	sld [smem:$0x3F95];
	s0 =	simm.s32 @p0 $0x1  }
0x13: {  	[smem:$0x3FB0] =	sst s0;
	s0 =	simm.s32 @!p1 $0x0  }
0x14: {  	s2 =	sld [smem:$0x3F94];
	s0 =	simm.s32 @p1 $0x1  }
0x15: {  	[smem:$0x3FB1] =	sst s0;
	s0 =	simm.s32 @!p2 $0x0  }
0x16: {  	s3 =	sld [smem:$0x3FDB];
	s0 =	simm.s32 @p2 $0x1  }
0x17: {  	s4 =	simm.s32 $0x1BF5;
	[smem:$0x3FB3] =	sst s0  }
0x18: {  	s0 =	sld [smem:$0x3F96];
	_ =	swait.ge [sflag:s4], $0x0  }
0x19: {  	s7 =	sld [smem:$0x3F97]  }
0x1a: {  	s8 =	sadd.s32 $0xFFFFE003, lr  }
0x1b: {  	s9 =	sadd.s32 $0xFFFFFEF7, lr;
	s5 =	simm.s32 $0xFFFFFFFF;
	p2 =	slt.u32 s8, $0xFFFFF086  }
0x1c: {  	p1 =	slt.u32 s9, $0xF7A;
	s5 =	simm.s32 @!p2 $0x0  }
0x1d: {  	s5 =	simm.s32 @p1 $0x1;
	p0 =	seq.s32 s7, s2  }
0x1e: {  	s7 =	smul.u32 @!p0 $0xF7A, s2;
	p2 =	seq.s32 @!p0 s5, $0x0  }
0x1f: {  	s9 =	smul.u32 $0xF7A, s1;
	s8 =	simm.s32 @!p0 $0x1BF5;
	p2 =	por !p2, p0  }
0x20: {  	[sflag:s8] =	ssyncset.s32 @!p0 $0xFFFFF086;
	s6 =	sadd.s32 @!p0 s3, s7;
	s7 =	simm.s32 @!p0 $0x108  }
0x21: {  	s3 =	sadd.s32 s3, s9;
	s6 =	sadd.s32 @!p0 $0x88, s6;
	s7 =	simm.s32 @p2 $0x1082  }
0x22: {  	[simem:s7], [sflag:s8] =	dma.local @!p0 [hbm:s6], $0xF7A  }
0x23: {  	s9 =	sor.u32 $0xD0000000, s2;
	s6 =	simm.s32 $0x108;
	_ =	swait.ge @!p0 [sflag:s8], $0x0  }
0x24: {  	s3 =	sadd.s32 $0x88, s3;
	s6 =	simm.s32 @!p1 $0x1082;
	[sflag:s4] =	ssyncset.s32 $0xFFFFF086  }
0x25: {  	[simem:s6], [sflag:s4] =	dma.local [hbm:s3], $0xF7A  }
0x26: {  	[smem:$0x3F97] =	sst s1;
	(tag) =	ssettag s2;
	_ =	strace s9  }
0x27: {  	s1 =	sld [smem:$0x3FA7]  }
0x28: {  	s2 =	sld [smem:$0x3FA8]  }
0x29: {  	s4 =	sld [smem:$0x3FAA]  }
0x2a: {  	p0 =	seq.s32 s5, $0x0;
	s5 =	sld [smem:$0x3FAB]  }
0x2b: {  	s6 =	sld [smem:$0x3FAC]  }
0x2c: {  	s7 =	sld [smem:$0x3FAD]  }
0x2d: {  	s3 =	simm.s32 $0x108;
	s8 =	sld [smem:$0x3FAE]  }
0x2e: {  	s3 =	simm.s32 @!p0 $0x1082;
	s9 =	sld [smem:$0x3FAF]  }
0x2f: {  	lr =	sadd.s32 s0, s3;
	s0 =	sld [smem:$0x3FA6]  }
0x30: {  	s3 =	sld [smem:$0x3FA9]  }
0x31: {  	[smem:$0x3FB2] =	sst s10  }
0x32: {  	s10 =	sld [smem:$0x3FB0];
	_ =	sdelay $0x3  }
0x33: {  	p0 =	seq.s32 s10, $0x1;
	s10 =	sld [smem:$0x3FB2];
	_ =	sdelay $0x3  }
0x34: {  	[smem:$0x3FB2] =	sst s10  }
0x35: {  	s10 =	sld [smem:$0x3FB1];
	_ =	sdelay $0x3  }
0x36: {  	p1 =	seq.s32 s10, $0x1;
	s10 =	sld [smem:$0x3FB2];
	_ =	sdelay $0x3  }
0x37: {  	[smem:$0x3FB2] =	sst s10  }
0x38: {  	s10 =	sld [smem:$0x3FB3]  }
0x39: {  	_ = 	snop;
	(pc) =	sbr.ind lr, $3  }
0x3a: {  	_ = 	snop  }
0x3b: {  	_ = 	snop  }
0x3c: {  	p2 =	seq.s32 s10, $0x1;
	s10 =	sld [smem:$0x3FB2]  }
0x3d: {  	_ =	shalt  }
0x3e: {  	_ =	shalt  }
0x3f: {  	_ =	shalt  }
0x40: {  	_ =	shalt  }
0x41: {  	_ =	shalt  }
0x42: {  	_ =	shalt  }
0x43: {  	_ =	shalt  }
0x44: {  	_ =	shalt  }
0x45: {  	_ =	shalt  }
0x46: {  	_ =	shalt  }
0x47: {  	_ =	shalt  }
0x48: {  	_ =	shalt  }
0x49: {  	_ =	shalt  }
0x4a: {  	_ =	shalt  }
0x4b: {  	_ =	shalt  }
0x4c: {  	_ =	shalt  }
0x4d: {  	_ =	shalt  }
0x4e: {  	_ =	shalt  }
0x4f: {  	_ =	shalt  }
0x50: {  	_ =	shalt  }
0x51: {  	_ =	shalt  }
0x52: {  	_ =	shalt  }
0x53: {  	_ =	shalt  }
0x54: {  	_ =	shalt  }
0x55: {  	_ =	shalt  }
0x56: {  	_ =	shalt  }
0x57: {  	_ =	shalt  }
0x58: {  	_ =	shalt  }
0x59: {  	_ =	shalt  }
0x5a: {  	_ =	shalt  }
0x5b: {  	_ =	shalt  }
0x5c: {  	_ =	shalt  }
0x5d: {  	_ =	shalt  }
0x5e: {  	_ =	shalt  }
0x5f: {  	_ =	shalt  }
0x60: {  	_ =	shalt  }
0x61: {  	_ =	shalt  }
0x62: {  	_ =	shalt  }
0x63: {  	_ =	shalt  }
0x64: {  	_ =	shalt  }
0x65: {  	_ =	shalt  }
0x66: {  	_ =	shalt  }
0x67: {  	_ =	shalt  }
0x68: {  	_ =	shalt  }
0x69: {  	_ =	shalt  }
0x6a: {  	_ =	shalt  }
0x6b: {  	_ =	shalt  }
0x6c: {  	_ =	shalt  }
0x6d: {  	_ =	shalt  }
0x6e: {  	_ =	shalt  }
0x6f: {  	_ =	shalt  }
0x70: {  	_ =	shalt  }
0x71: {  	_ =	shalt  }
0x72: {  	_ =	shalt  }
0x73: {  	_ =	shalt  }
0x74: {  	_ =	shalt  }
0x75: {  	_ =	shalt  }
0x76: {  	_ =	shalt  }
0x77: {  	_ =	shalt  }
0x78: {  	_ =	shalt  }
0x79: {  	_ =	shalt  }
0x7a: {  	_ =	shalt  }
0x7b: {  	_ =	shalt  }
0x7c: {  	_ =	shalt  }
0x7d: {  	_ =	shalt  }
0x7e: {  	_ =	shalt  }
0x7f: {  	_ =	shalt  }
0x80: {  	_ =	shalt  }
0x81: {  	_ =	shalt  }
0x82: {  	_ =	shalt  }
0x83: {  	_ =	shalt  }
0x84: {  	_ =	shalt  }
0x85: {  	_ =	shalt  }
0x86: {  	_ =	shalt  }
0x87: {  	_ =	shalt  }
.Lfunc_end0:
.L_simem_size_0:
called_computation_lowered:
.L_overlay_start_0:
0x88: {  	s2 =	sld [smem:$0x3FD9]  }
0x89: {  	s3 =	sld [smem:$0x3FFE];
	_ =	sdelay $0x1  }
0x8a: {  	s1 =	srdreg.scid  }
0x8b: {  	s0 =	sand.u32 $0x1, s1  }
0x8c: {  	s17 =	sshll.u32 s0, $0xA;
	s2 =	sadd.s32 s3, s2  }
0x8d: {  	s2 =	sadd.s32 s2, s17  }
0x8e: {  	[smem:$0x3FBE] =	sst s2  }
0x8f: {  	_ = 	snop  }
0x90: {  	s2 =	sld [smem:$0x3FD0];
	(tm) =	ssettm $0x1  }
0x91: {  	s18 =	sld [smem:$0x3FFB];
	_ =	sdelay $0x3  }
0x92: {  	_ =	strace s18  }
0x93: {  	s3 =	sld [smem:$0x3FFC];
	_ =	sdelay $0x3  }
0x94: {  	_ =	strace s3  }
0x95: {  	s3 =	sld [smem:$0x3FFD];
	_ =	sdelay $0x3  }
0x96: {  	_ =	strace s3  }
0x97: {  	_ =	strace $0x8FFFFFFF  }
0x98: {  	s19 =	sld [smem:$0x3FDB];
	_ =	sdelay $0x1  }
0x99: {  	s4 =	simm.s32 $_scs_section_size  }
0x9a: {  	s5 =	simm.s32 $_size__tile_overlayer_lowered;
	s6 =	simm.s32 $_tile_overlayer_lowered  }
0x9b: {  	s22 =	simm.s32 $0x1BFF;
	s21 =	sshll.u32 s6, $0x1;
	s3 =	sadd.s32 s4, s19  }
0x9c: {  	s7 =	simm.s32 $0x0;
	s20 =	sshll.u32 s5, $0x1;
	s5 =	sadd.s32 s21, s3  }
0x9d: {  	[timem:s7], [sflag:s22] =	dma.local [hbm:s5], s20  }
0x9e: {  	_ =	swait.ge [sflag:s22], s20  }
0x9f: {  	s4 =	ssub.s32 $0x0, s20;
	[sflag:s22] =	ssyncset.done $0x0  }
0xa0: {  	[sflag:s22] =	ssyncadd.s32 s4;
	_ =	sdelay $0x1  }
0xa1: {  	s23 =	simm.s32 $0x1B8B  }
0xa2: {  	_ =	swait.ge [sflag:s23], $0x1  }
0xa3: {  	[sflag:s23] =	ssyncset.done $0x0  }
0xa4: {  	s25 =	simm.s32 $0x1B8E;
	s24 =	sld [smem:$0x3FFE];
	[sflag:s23] =	ssyncadd.s32 $0xFFFFFFFF  }
0xa5: {  	s26 =	simm.s32 $execute0_lowered;
	[smem:$0x3FD2] =	sst s25  }
0xa6: {  	s5 =	sshll.u32 s26, $0x1;
	_ =	strace $0x80000046;
	[dreg:$0x1] =	wrdreg $0xFFFFFFFF  }
0xa7: {  	s28 =	simm.s32 $_size_execute0_lowered;
	s3 =	sadd.s32 s3, s5;
	[dreg:$0x0] =	wrdreg $0x0  }
0xa8: {  	s5 =	sshll.u32 s28, $0x1;
	[dreg:$0x2] =	wrdreg s3  }
0xa9: {  	[dreg:$0x3] =	wrdreg s5  }
0xaa: {  	[dreg:$0x4] =	wrdreg $0xC0  }
0xab: {  	_ =	task [dreg:s7], $0x5FFFF  }
0xac: {  	[dreg:$0x1] =	wrdreg $0xFFFFFFFF  }
0xad: {  	[dreg:$0x0] =	wrdreg $0x60  }
0xae: {  	[dreg:$0x2] =	wrdreg s24  }
0xaf: {  	[dreg:$0x3] =	wrdreg s2  }
0xb0: {  	[dreg:$0x4] =	wrdreg $0x30000  }
0xb1: {  	[dreg:$0x5] =	wrdreg $0x9  }
0xb2: {  	_ =	task.clear_ibuf [dreg:s7], $0x6FFFF;
	_ =	strace $0x90000046  }
0xb3: {  	s29 =	simm.s32 $0x9;
	_ =	strace $0x80000048  }
0xb4: {  	_ =	swait.ge [sflag:s29], $0x1  }
0xb5: {  	[sflag:s29] =	ssyncadd.s32 $0xFFFFFFFF  }
0xb6: {  	_ =	strace $0x90000048  }
0xb7: {  	_ =	sfence  }
0xb8: {  	s30 =	sld [smem:$0x0];
	_ =	sdelay $0x2  }
0xb9: {  	s31 =	sshll.u32 s1, $0xD;
	s1 =	sshrl.u32 s1, $0x2  }
0xba: {  	s3 =	sand.u32 $0x4000, s31;
	s1 =	sadd.s32 s1, s30  }
0xbb: {  	s0 =	sor.u32 s3, s0;
	s1 =	sshll.u32 s1, $0x11  }
0xbc: {  	s0 =	sor.u32 s1, s0  }
0xbd: {  	s0 =	sadd.s32 $0x8F2B, s0  }
0xbe: {  	[sflag:s0] =	ssyncadd.remote.s32 $0x1  }
0xbf: {  	_ =	sfence.sel $0xFFFF  }
0xc0: {  	[dreg:$0x0] =	wrdreg $0xFFFFFFFF;
	(pc) =	sbr.abs _section_cstart, $3  }
0xc1: {  	[dreg:$0x1] =	wrdreg $0xFFFFFFFF  }
0xc2: {  	_ =	task.clear_ibuf [dreg:s7], $0x2FFFF;
	_ =	strace $0x9FFFFFFF  }
0xc3: {  	(tm) =	ssettm $0x7FFFFFFF  }
tec
execute0_lowered:
.L_overlay_start_1:
0x0: {  	(tag) =	ssettag $0x1  }
0x1: {  	s5 =	rddreg [dreg:$0x0]  }
0x2: {  	s0 =	srdreg.scid;
	s7 =	rddreg [dreg:$0x1]  }
0x3: {  	s2 =	rddreg [dreg:$0x2];
	s1 =	stileid.u32  }
0x4: {  	s3 =	simm.s32 $0x0;
	s13 =	simm.s32 $0x100;
	s14 =	simm.s32 $0x180  }
0x5: {  	s15 =	simm.s32 $0x1;
	s16 =	simm.s32 $0x2;
	s17 =	simm.s32 $0x3  }
0x6: {  	s18 =	simm.s32 $0x4;
	s6 =	sand.u32 $0x1, s0;
	s0 =	rddreg [dreg:$0x3]  }
0x7: {  	[smem:$0x7FF] =	sst s3;
	s8 =	smul.u32 $0x2780, s1;
	s31 =	sshll.u32 s1, $0x6  }
0x8: {  	s4 =	sshll.u32 s6, $0x4;
	_ =	strace $0x80000047;
	s10 =	ssub.s32 $0x2, s6  }
0x9: {  	s12 =	smul.u32 $0x4F00, s6;
	s4 =	sor.u32 s1, s4;
	s19 =	sshrl.u32 s8, $0x3  }
0xa: {  	s11 =	sshrl.u32 s10, $0x1;
	s30 =	sadd.s32 s8, s2;
	s8 =	simm.s32 $0x2800  }
0xb: {  	s4 =	smul.u32 $0x500, s4;
	s29 =	sadd.s32 s19, s5;
	s10 =	ssub.s32 s10, s11  }
0xc: {  	s20 =	sadd.s32 s7, s12;
	s11 =	sshrl.u32 s30, $0x3;
	s12 =	simm.s32 $0x80  }
0xd: {  	s6 =	sadd.s32 $0xC800, s29;
	s7 =	smax.u32 s10, $0x1;
	s10 =	sor.u32 $0x1C05, s31  }
0xe: {  	s19 =	sadd.s32 s19, s20;
	s20 =	simm.s32 $0x0;
	s9 =	sadd.s32 s4, s5  }
0xf: {  	s4 =	sadd.s32 $0xC600, s5;
	s5 =	sadd.s32 $0x2600, s9;
	s9 =	simm.s32 $0x5  }
.LBB2_1:
0x10: {  	[tilespmem:s8], [sflag:$0x5] =	stream.linear.gather [hbm4b:s4+s3], $0x800, $0x38;
	[tilespmem:$0x5780] =	vst v63  }
0x11: {  	_ =	swait.ge [sflag:s9], $0x800  }
0x12: {  	[sflag:s9] =	ssyncset.done $0x0  }
0x13: {  	[sflag:s9] =	ssyncadd.s32 $0xFFFFF800  }
0x14: {  	[tilespmem:s3], [sflag:$0x5] =	stream.linear.gather [hbm4b:s5+s3], $0x2800, $0x38;
	[tilespmem:$0x5780] =	vst v63  }
0x15: {  	_ =	swait.ge [sflag:s9], $0x2800  }
0x16: {  	[sflag:s9] =	ssyncset.done $0x0  }
0x17: {  	[sflag:s9] =	ssyncadd.s32 $0xFFFFD800  }
0x18: {  	[spmem:s11], [sflag:s10] =	dma.local [hbm:s6], $0x4F0  }
0x19: {  	_ =	swait.ge [sflag:s9], $0x4F0  }
0x1a: {  	[sflag:s9] =	ssyncset.done $0x0  }
0x1b: {  	[sflag:s9] =	ssyncadd.s32 $0xFFFFFB10  }
0x1c: {  	[bflag:$0x0] =	sbarrier.arrive $0xFFFF  }
0x1d: {  	[spmem:s2] =	stream.indirect.scatter.add.f32 [tilespmem:s8], [sflag:$0x1], $0x10, s3, s12, $0xb8;
	[tilespmem:$0x5780] =	vst v63  }
0x1e: {  	_ = 	snop  }
0x1f: {  	[spmem:s2] =	stream.indirect.scatter.add.f32 [tilespmem:s8], [sflag:$0x2], $0x10, s12, s12, $0xb8;
	[tilespmem:$0x5780] =	vst v63  }
0x20: {  	_ = 	snop  }
0x21: {  	[spmem:s2] =	stream.indirect.scatter.add.f32 [tilespmem:s8], [sflag:$0x3], $0x10, s13, s12, $0xb8;
	[tilespmem:$0x5780] =	vst v63  }
0x22: {  	_ = 	snop  }
0x23: {  	[spmem:s2] =	stream.indirect.scatter.add.f32 [tilespmem:s8], [sflag:$0x4], $0x10, s14, s12, $0xb8;
	[tilespmem:$0x5780] =	vst v63  }
0x24: {  	_ =	swait.ge [sflag:s15], $0x800  }
0x25: {  	[sflag:s15] =	ssyncset.done $0x0  }
0x26: {  	s21 =	simm.s32 $0x200;
	[sflag:s15] =	ssyncadd.s32 $0xFFFFF800  }
0x27: {  	[spmem:s2] =	stream.indirect.scatter.add.f32 [tilespmem:s8], [sflag:$0x1], $0x10, s21, s12, $0xb8;
	[tilespmem:$0x5780] =	vst v63  }
0x28: {  	_ =	swait.ge [sflag:s16], $0x800  }
0x29: {  	[sflag:s16] =	ssyncset.done $0x0  }
0x2a: {  	s30 =	simm.s32 $0x280;
	[sflag:s16] =	ssyncadd.s32 $0xFFFFF800  }
0x2b: {  	[spmem:s2] =	stream.indirect.scatter.add.f32 [tilespmem:s8], [sflag:$0x2], $0x10, s30, s12, $0xb8;
	[tilespmem:$0x5780] =	vst v63  }
0x2c: {  	_ =	swait.ge [sflag:s17], $0x800  }
0x2d: {  	[sflag:s17] =	ssyncset.done $0x0  }
0x2e: {  	s31 =	simm.s32 $0x300;
	[sflag:s17] =	ssyncadd.s32 $0xFFFFF800  }
0x2f: {  	[spmem:s2] =	stream.indirect.scatter.add.f32 [tilespmem:s8], [sflag:$0x3], $0x10, s31, s12, $0xb8;
	[tilespmem:$0x5780] =	vst v63  }
0x30: {  	_ =	swait.ge [sflag:s18], $0x800  }
0x31: {  	[sflag:s18] =	ssyncset.done $0x0  }
0x32: {  	s22 =	simm.s32 $0x380;
	s21 =	simm.s32 $0xFFFF7000;
	[sflag:s18] =	ssyncadd.s32 $0xFFFFF800  }
.LBB2_2:
0x33: {  	[spmem:s2] =	stream.indirect.scatter.add.f32 [tilespmem:s8], [sflag:$0x4], $0x10, s22, s12, $0xb8;
	[tilespmem:$0x5780] =	vst v63  }
0x34: {  	s22 =	smov.u32 s21  }
0x35: {  	p0 =	sne.s32 s21, $0xFFFFF800;
	s21 =	sadd.s32 $0x800, s21;
	_ =	swait.ge [sflag:s15], $0x800  }
0x36: {  	s22 =	sshra.s32 s22, $0x2;
	[sflag:s15] =	ssyncset.done $0x0  }
0x37: {  	s23 =	sadd.s32 $0x2800, s22;
	[sflag:s15] =	ssyncadd.s32 $0xFFFFF800  }
0x38: {  	[spmem:s2] =	stream.indirect.scatter.add.f32 [tilespmem:s8], [sflag:$0x1], $0x10, s23, s12, $0xb8;
	[tilespmem:$0x5780] =	vst v63  }
0x39: {  	_ =	swait.ge [sflag:s16], $0x800  }
0x3a: {  	[sflag:s16] =	ssyncset.done $0x0  }
0x3b: {  	s23 =	sadd.s32 $0x2880, s22;
	[sflag:s16] =	ssyncadd.s32 $0xFFFFF800  }
0x3c: {  	[spmem:s2] =	stream.indirect.scatter.add.f32 [tilespmem:s8], [sflag:$0x2], $0x10, s23, s12, $0xb8;
	[tilespmem:$0x5780] =	vst v63  }
0x3d: {  	_ =	swait.ge [sflag:s17], $0x800  }
0x3e: {  	[sflag:s17] =	ssyncset.done $0x0  }
.Ltmp0:
0x3f: {  	s23 =	sadd.s32 $0x2900, s22;
	[sflag:s17] =	ssyncadd.s32 $0xFFFFF800;
	(pc) =	sbr.rel @p0 .LBB2_2-.Ltmp0, $4  }
0x40: {  	[spmem:s2] =	stream.indirect.scatter.add.f32 [tilespmem:s8], [sflag:$0x3], $0x10, s23, s12, $0xb8;
	[tilespmem:$0x5780] =	vst v63  }
0x41: {  	_ =	swait.ge [sflag:s18], $0x800  }
0x42: {  	[sflag:s18] =	ssyncset.done $0x0  }
0x43: {  	s22 =	sadd.s32 $0x2980, s22;
	[sflag:s18] =	ssyncadd.s32 $0xFFFFF800  }
0x44: {  	[spmem:s2] =	stream.indirect.scatter.add.f32 [tilespmem:s8], [sflag:$0x4], $0x10, s22, s12, $0xb8;
	[tilespmem:$0x5780] =	vst v63  }
0x45: {  	_ =	swait.ge [sflag:s15], $0x800  }
0x46: {  	[sflag:s15] =	ssyncset.done $0x0  }
0x47: {  	[sflag:s15] =	ssyncadd.s32 $0xFFFFF800  }
0x48: {  	_ =	swait.ge [sflag:s16], $0x800  }
0x49: {  	[sflag:s16] =	ssyncset.done $0x0  }
0x4a: {  	[sflag:s16] =	ssyncadd.s32 $0xFFFFF800  }
0x4b: {  	_ =	swait.ge [sflag:s17], $0x800  }
0x4c: {  	[sflag:s17] =	ssyncset.done $0x0  }
0x4d: {  	[sflag:s17] =	ssyncadd.s32 $0xFFFFF800  }
0x4e: {  	_ =	swait.ge [sflag:s18], $0x800  }
0x4f: {  	s20 =	sadd.s32 $0x1, s20;
	[sflag:s18] =	ssyncset.done $0x0  }
0x50: {  	p0 =	sne.s32 s20, s7;
	[sflag:s18] =	ssyncadd.s32 $0xFFFFF800  }
.Ltmp1:
0x51: {  	[bflag:$0x0] =	sbarrier.arrive $0xFFFF;
	(pc) =	sbr.rel @p0 .LBB2_1-.Ltmp1, $4  }
0x52: {  	[hbm:s19], [sflag:s10] =	dma.local [spmem:s11], $0x4F0  }
0x53: {  	_ =	swait.ge [sflag:s9], $0x4F0  }
0x54: {  	[sflag:s9] =	ssyncset.done $0x0  }
0x55: {  	[sflag:s9] =	ssyncadd.s32 $0xFFFFFB10  }
0x56: {  	_ =	sfence.sel $0x180000  }
0x57: {  	[bflag:$0x0] =	sbarrier.arrive $0xFFFF  }
0x58: {  	p0 =	sne.s32 s1, $0x0;
	_ =	strace $0x90000047  }
0x59: {  	s0 =	sadd.s32 @!p0 $0x100000, s0;
	[bflag:$0x2] =	sbarrier.arrive $0xFFFF  }
0x5a: {  	[sflag:s0] =	ssyncadd.tile.s32 @!p0 $0x1;
	_ =	shalt  }
.Lfunc_end2:
_tile_overlayer_lowered:
.L_overlay_start_2:
0x5b: {  	(tag) =	ssettag $0x2  }
0x5c: {  	s0 =	rddreg [dreg:$0x0];
	s2 =	stileid.u32  }
0x5d: {  	s1 =	rddreg [dreg:$0x1];
	p0 =	sne.s32 s2, $0x0  }
0x5e: {  	s3 =	rddreg [dreg:$0x2];
	[bflag:$0x3] =	sbarrier.arrive $0xFFFF;
	s2 =	simm.s32 @!p0 $0x1C05  }
0x5f: {  	[timem:s3], [sflag:s2] =	dma.local @!p0 [hbm:s0], s1  }
0x60: {  	s0 =	simm.s32 @!p0 $0x5  }
0x61: {  	_ =	swait.ge @!p0 [sflag:s0], s1  }
0x62: {  	s1 =	ssub.s32 @!p0 $0x0, s1;
	[sflag:s0] =	ssyncset.done @!p0 $0x0  }
0x63: {  	[sflag:s0] =	ssyncadd.s32 @!p0 s1  }
0x64: {  	[bflag:$0x3] =	sbarrier.arrive $0xFFFF  }
0x65: {  	_ =	shalt  }

// kernel: kernel.15.cloned.1.call-start
scs
__scs_entry_jumppad:
0x0: {  	(pc) =	sbr.rel $0x88, $3  }
0x1: {  	(tag) =	ssettag $0x0;
	lr =	simm.s32 $0x1  }
0x2: {  	[smem:$0x3F97] =	sst lr;
	_ =	strace $0xD0000000  }
0x3: {  	_ = 	snop  }
0x4: {  	_ = 	snop  }
0x5: {  	_ = 	snop  }
0x6: {  	_ = 	snop  }
0x7: {  	_ = 	snop  }
__scs_overlays_trampoline_lowered:
0x8: {  	[smem:$0x3FA6] =	sst s0  }
0x9: {  	[smem:$0x3FA7] =	sst s1  }
0xa: {  	[smem:$0x3FA8] =	sst s2  }
0xb: {  	[smem:$0x3FA9] =	sst s3  }
0xc: {  	[smem:$0x3FAA] =	sst s4  }
0xd: {  	[smem:$0x3FAB] =	sst s5  }
0xe: {  	[smem:$0x3FAC] =	sst s6  }
0xf: {  	[smem:$0x3FAD] =	sst s7  }
0x10: {  	[smem:$0x3FAE] =	sst s8  }
0x11: {  	[smem:$0x3FAF] =	sst s9;
	s0 =	simm.s32 @!p0 $0x0  }
0x12: {  	s1 =	sld [smem:$0x3F95];
	s0 =	simm.s32 @p0 $0x1  }
0x13: {  	[smem:$0x3FB0] =	sst s0;
	s0 =	simm.s32 @!p1 $0x0  }
0x14: {  	s2 =	sld [smem:$0x3F94];
	s0 =	simm.s32 @p1 $0x1  }
0x15: {  	[smem:$0x3FB1] =	sst s0;
	s0 =	simm.s32 @!p2 $0x0  }
0x16: {  	s3 =	sld [smem:$0x3FDB];
	s0 =	simm.s32 @p2 $0x1  }
0x17: {  	s4 =	simm.s32 $0x1BF5;
	[smem:$0x3FB3] =	sst s0  }
0x18: {  	s0 =	sld [smem:$0x3F96];
	_ =	swait.ge [sflag:s4], $0x0  }
0x19: {  	s7 =	sld [smem:$0x3F97]  }
0x1a: {  	s8 =	sadd.s32 $0xFFFFE003, lr  }
0x1b: {  	s9 =	sadd.s32 $0xFFFFFEF7, lr;
	s5 =	simm.s32 $0xFFFFFFFF;
	p2 =	slt.u32 s8, $0xFFFFF086  }
0x1c: {  	p1 =	slt.u32 s9, $0xF7A;
	s5 =	simm.s32 @!p2 $0x0  }
0x1d: {  	s5 =	simm.s32 @p1 $0x1;
	p0 =	seq.s32 s7, s2  }
0x1e: {  	s7 =	smul.u32 @!p0 $0xF7A, s2;
	p2 =	seq.s32 @!p0 s5, $0x0  }
0x1f: {  	s9 =	smul.u32 $0xF7A, s1;
	s8 =	simm.s32 @!p0 $0x1BF5;
	p2 =	por !p2, p0  }
0x20: {  	[sflag:s8] =	ssyncset.s32 @!p0 $0xFFFFF086;
	s6 =	sadd.s32 @!p0 s3, s7;
	s7 =	simm.s32 @!p0 $0x108  }
0x21: {  	s3 =	sadd.s32 s3, s9;
	s6 =	sadd.s32 @!p0 $0x88, s6;
	s7 =	simm.s32 @p2 $0x1082  }
0x22: {  	[simem:s7], [sflag:s8] =	dma.local @!p0 [hbm:s6], $0xF7A  }
0x23: {  	s9 =	sor.u32 $0xD0000000, s2;
	s6 =	simm.s32 $0x108;
	_ =	swait.ge @!p0 [sflag:s8], $0x0  }
0x24: {  	s3 =	sadd.s32 $0x88, s3;
	s6 =	simm.s32 @!p1 $0x1082;
	[sflag:s4] =	ssyncset.s32 $0xFFFFF086  }
0x25: {  	[simem:s6], [sflag:s4] =	dma.local [hbm:s3], $0xF7A  }
0x26: {  	[smem:$0x3F97] =	sst s1;
	(tag) =	ssettag s2;
	_ =	strace s9  }
0x27: {  	s1 =	sld [smem:$0x3FA7]  }
0x28: {  	s2 =	sld [smem:$0x3FA8]  }
0x29: {  	s4 =	sld [smem:$0x3FAA]  }
0x2a: {  	p0 =	seq.s32 s5, $0x0;
	s5 =	sld [smem:$0x3FAB]  }
0x2b: {  	s6 =	sld [smem:$0x3FAC]  }
0x2c: {  	s7 =	sld [smem:$0x3FAD]  }
0x2d: {  	s3 =	simm.s32 $0x108;
	s8 =	sld [smem:$0x3FAE]  }
0x2e: {  	s3 =	simm.s32 @!p0 $0x1082;
	s9 =	sld [smem:$0x3FAF]  }
0x2f: {  	lr =	sadd.s32 s0, s3;
	s0 =	sld [smem:$0x3FA6]  }
0x30: {  	s3 =	sld [smem:$0x3FA9]  }
0x31: {  	[smem:$0x3FB2] =	sst s10  }
0x32: {  	s10 =	sld [smem:$0x3FB0];
	_ =	sdelay $0x3  }
0x33: {  	p0 =	seq.s32 s10, $0x1;
	s10 =	sld [smem:$0x3FB2];
	_ =	sdelay $0x3  }
0x34: {  	[smem:$0x3FB2] =	sst s10  }
0x35: {  	s10 =	sld [smem:$0x3FB1];
	_ =	sdelay $0x3  }
0x36: {  	p1 =	seq.s32 s10, $0x1;
	s10 =	sld [smem:$0x3FB2];
	_ =	sdelay $0x3  }
0x37: {  	[smem:$0x3FB2] =	sst s10  }
0x38: {  	s10 =	sld [smem:$0x3FB3]  }
0x39: {  	_ = 	snop;
	(pc) =	sbr.ind lr, $3  }
0x3a: {  	_ = 	snop  }
0x3b: {  	_ = 	snop  }
0x3c: {  	p2 =	seq.s32 s10, $0x1;
	s10 =	sld [smem:$0x3FB2]  }
0x3d: {  	_ =	shalt  }
0x3e: {  	_ =	shalt  }
0x3f: {  	_ =	shalt  }
0x40: {  	_ =	shalt  }
0x41: {  	_ =	shalt  }
0x42: {  	_ =	shalt  }
0x43: {  	_ =	shalt  }
0x44: {  	_ =	shalt  }
0x45: {  	_ =	shalt  }
0x46: {  	_ =	shalt  }
0x47: {  	_ =	shalt  }
0x48: {  	_ =	shalt  }
0x49: {  	_ =	shalt  }
0x4a: {  	_ =	shalt  }
0x4b: {  	_ =	shalt  }
0x4c: {  	_ =	shalt  }
0x4d: {  	_ =	shalt  }
0x4e: {  	_ =	shalt  }
0x4f: {  	_ =	shalt  }
0x50: {  	_ =	shalt  }
0x51: {  	_ =	shalt  }
0x52: {  	_ =	shalt  }
0x53: {  	_ =	shalt  }
0x54: {  	_ =	shalt  }
0x55: {  	_ =	shalt  }
0x56: {  	_ =	shalt  }
0x57: {  	_ =	shalt  }
0x58: {  	_ =	shalt  }
0x59: {  	_ =	shalt  }
0x5a: {  	_ =	shalt  }
0x5b: {  	_ =	shalt  }
0x5c: {  	_ =	shalt  }
0x5d: {  	_ =	shalt  }
0x5e: {  	_ =	shalt  }
0x5f: {  	_ =	shalt  }
0x60: {  	_ =	shalt  }
0x61: {  	_ =	shalt  }
0x62: {  	_ =	shalt  }
0x63: {  	_ =	shalt  }
0x64: {  	_ =	shalt  }
0x65: {  	_ =	shalt  }
0x66: {  	_ =	shalt  }
0x67: {  	_ =	shalt  }
0x68: {  	_ =	shalt  }
0x69: {  	_ =	shalt  }
0x6a: {  	_ =	shalt  }
0x6b: {  	_ =	shalt  }
0x6c: {  	_ =	shalt  }
0x6d: {  	_ =	shalt  }
0x6e: {  	_ =	shalt  }
0x6f: {  	_ =	shalt  }
0x70: {  	_ =	shalt  }
0x71: {  	_ =	shalt  }
0x72: {  	_ =	shalt  }
0x73: {  	_ =	shalt  }
0x74: {  	_ =	shalt  }
0x75: {  	_ =	shalt  }
0x76: {  	_ =	shalt  }
0x77: {  	_ =	shalt  }
0x78: {  	_ =	shalt  }
0x79: {  	_ =	shalt  }
0x7a: {  	_ =	shalt  }
0x7b: {  	_ =	shalt  }
0x7c: {  	_ =	shalt  }
0x7d: {  	_ =	shalt  }
0x7e: {  	_ =	shalt  }
0x7f: {  	_ =	shalt  }
0x80: {  	_ =	shalt  }
0x81: {  	_ =	shalt  }
0x82: {  	_ =	shalt  }
0x83: {  	_ =	shalt  }
0x84: {  	_ =	shalt  }
0x85: {  	_ =	shalt  }
0x86: {  	_ =	shalt  }
0x87: {  	_ =	shalt  }
.Lfunc_end0:
.L_simem_size_0:
called_computation.1_lowered:
.L_overlay_start_0:
0x88: {  	s2 =	sld [smem:$0x3FD9]  }
0x89: {  	s3 =	sld [smem:$0x3FFE];
	_ =	sdelay $0x1  }
0x8a: {  	s1 =	srdreg.scid  }
0x8b: {  	s0 =	sand.u32 $0x1, s1  }
0x8c: {  	s17 =	sshll.u32 s0, $0xA;
	s2 =	sadd.s32 s3, s2  }
0x8d: {  	s2 =	sadd.s32 s2, s17  }
0x8e: {  	[smem:$0x3FBE] =	sst s2  }
0x8f: {  	_ = 	snop  }
0x90: {  	s2 =	sld [smem:$0x3FD0];
	(tm) =	ssettm $0x1  }
0x91: {  	s18 =	sld [smem:$0x3FFB];
	_ =	sdelay $0x3  }
0x92: {  	_ =	strace s18  }
0x93: {  	s3 =	sld [smem:$0x3FFC];
	_ =	sdelay $0x3  }
0x94: {  	_ =	strace s3  }
0x95: {  	s3 =	sld [smem:$0x3FFD];
	_ =	sdelay $0x3  }
0x96: {  	_ =	strace s3  }
0x97: {  	_ =	strace $0x8FFFFFFF  }
0x98: {  	s19 =	sld [smem:$0x3FDB];
	_ =	sdelay $0x1  }
0x99: {  	s4 =	simm.s32 $_scs_section_size  }
0x9a: {  	s5 =	simm.s32 $_size__tile_overlayer_lowered;
	s6 =	simm.s32 $_tile_overlayer_lowered  }
0x9b: {  	s22 =	simm.s32 $0x1BFF;
	s21 =	sshll.u32 s6, $0x1;
	s3 =	sadd.s32 s4, s19  }
0x9c: {  	s7 =	simm.s32 $0x0;
	s20 =	sshll.u32 s5, $0x1;
	s5 =	sadd.s32 s21, s3  }
0x9d: {  	[timem:s7], [sflag:s22] =	dma.local [hbm:s5], s20  }
0x9e: {  	_ =	swait.ge [sflag:s22], s20  }
0x9f: {  	s4 =	ssub.s32 $0x0, s20;
	[sflag:s22] =	ssyncset.done $0x0  }
0xa0: {  	[sflag:s22] =	ssyncadd.s32 s4;
	_ =	sdelay $0x1  }
0xa1: {  	s23 =	simm.s32 $0x1B8B  }
0xa2: {  	_ =	swait.ge [sflag:s23], $0x1  }
0xa3: {  	[sflag:s23] =	ssyncset.done $0x0  }
0xa4: {  	s25 =	simm.s32 $0x1B8E;
	s24 =	sld [smem:$0x3FFE];
	[sflag:s23] =	ssyncadd.s32 $0xFFFFFFFF  }
0xa5: {  	s26 =	simm.s32 $execute0_lowered;
	[smem:$0x3FD2] =	sst s25  }
0xa6: {  	s5 =	sshll.u32 s26, $0x1;
	_ =	strace $0x80000049;
	[dreg:$0x1] =	wrdreg $0xFFFFFFFF  }
0xa7: {  	s28 =	simm.s32 $_size_execute0_lowered;
	s3 =	sadd.s32 s3, s5;
	[dreg:$0x0] =	wrdreg $0x0  }
0xa8: {  	s5 =	sshll.u32 s28, $0x1;
	[dreg:$0x2] =	wrdreg s3  }
0xa9: {  	[dreg:$0x3] =	wrdreg s5  }
0xaa: {  	[dreg:$0x4] =	wrdreg $0xC0  }
0xab: {  	_ =	task [dreg:s7], $0x5FFFF  }
0xac: {  	[dreg:$0x1] =	wrdreg $0xFFFFFFFF  }
0xad: {  	[dreg:$0x0] =	wrdreg $0x60  }
0xae: {  	[dreg:$0x2] =	wrdreg s24  }
0xaf: {  	[dreg:$0x3] =	wrdreg s2  }
0xb0: {  	[dreg:$0x4] =	wrdreg $0x90000  }
0xb1: {  	[dreg:$0x5] =	wrdreg $0x12E000  }
0xb2: {  	[dreg:$0x6] =	wrdreg $0x9  }
0xb3: {  	_ =	task.clear_ibuf [dreg:s7], $0x7FFFF;
	_ =	strace $0x90000049  }
0xb4: {  	s29 =	simm.s32 $0x9;
	_ =	strace $0x8000004B  }
0xb5: {  	_ =	swait.ge [sflag:s29], $0x1  }
0xb6: {  	[sflag:s29] =	ssyncadd.s32 $0xFFFFFFFF  }
0xb7: {  	_ =	strace $0x9000004B  }
0xb8: {  	_ =	sfence  }
0xb9: {  	s30 =	sld [smem:$0x0];
	_ =	sdelay $0x2  }
0xba: {  	s31 =	sshll.u32 s1, $0xD;
	s1 =	sshrl.u32 s1, $0x2  }
0xbb: {  	s3 =	sand.u32 $0x4000, s31;
	s1 =	sadd.s32 s1, s30  }
0xbc: {  	s0 =	sor.u32 s3, s0;
	s1 =	sshll.u32 s1, $0x11  }
0xbd: {  	s0 =	sor.u32 s1, s0  }
0xbe: {  	s0 =	sadd.s32 $0x8F2B, s0  }
0xbf: {  	[sflag:s0] =	ssyncadd.remote.s32 $0x1  }
0xc0: {  	_ =	sfence.sel $0xFFFF  }
0xc1: {  	[dreg:$0x0] =	wrdreg $0xFFFFFFFF;
	(pc) =	sbr.abs _section_cstart, $3  }
0xc2: {  	[dreg:$0x1] =	wrdreg $0xFFFFFFFF  }
0xc3: {  	_ =	task.clear_ibuf [dreg:s7], $0x2FFFF;
	_ =	strace $0x9FFFFFFF  }
0xc4: {  	(tm) =	ssettm $0x7FFFFFFF  }
0xc5: {  	_ =	shalt  }
tec
execute0_lowered:
.L_overlay_start_1:
0x0: {  	(tag) =	ssettag $0x1  }
0x1: {  	s0 =	rddreg [dreg:$0x0]  }
0x2: {  	s1 =	srdreg.scid;
	s8 =	rddreg [dreg:$0x1]  }
0x3: {  	s2 =	rddreg [dreg:$0x2];
	s9 =	stileid.u32  }
0x4: {  	s3 =	rddreg [dreg:$0x3];
	s16 =	simm.s32 $0x5;
	s17 =	simm.s32 $0x6  }
0x5: {  	s18 =	simm.s32 $0x7;
	s19 =	simm.s32 $0x8;
	s20 =	simm.s32 $0x80  }
0x6: {  	s21 =	simm.s32 $0x5000;
	s22 =	simm.s32 $0x7000;
	s23 =	simm.s32 $0x1  }
0x7: {  	s25 =	simm.s32 $0x2;
	s26 =	simm.s32 $0x3;
	s28 =	simm.s32 $0x4  }
0x8: {  	s30 =	simm.s32 $0x4F80;
	s1 =	sand.u32 $0x1, s1;
	s10 =	smul.u32 $0x9E00, s9  }
0x9: {  	s31 =	simm.s32 $0x9;
	s4 =	sshll.u32 s1, $0x4;
	s6 =	smul.u32 $0x13C00, s1  }
0xa: {  	s1 =	ssub.s32 $0x2, s1;
	s5 =	sor.u32 s9, s4;
	s4 =	simm.s32 $0x0  }
0xb: {  	s12 =	sshrl.u32 s10, $0x3;
	s29 =	sshrl.u32 s1, $0x1;
	s13 =	sadd.s32 s10, s2  }
0xc: {  	s15 =	sadd.s32 s10, s3;
	s5 =	smul.u32 $0x500, s5;
	[smem:$0x7FF] =	sst s4  }
0xd: {  	s11 =	sadd.s32 s12, s0;
	s1 =	ssub.s32 s1, s29;
	s8 =	sadd.s32 s8, s12  }
0xe: {  	s13 =	sshrl.u32 s13, $0x3;
	s15 =	sshrl.u32 s15, $0x3;
	_ =	strace $0x8000004A  }
0xf: {  	s10 =	sadd.s32 $0x1B800, s11;
	s11 =	smax.u32 s1, $0x1;
	s7 =	sadd.s32 s5, s0  }
0x10: {  	s1 =	simm.s32 $0x0;
	s0 =	sadd.s32 s6, s0;
	s5 =	sadd.s32 $0x11800, s7  }
0x11: {  	s6 =	sadd.s32 $0x2600, s7;
	s7 =	sshll.u32 s9, $0x6;
	s0 =	sadd.s32 $0x2F400, s0  }
0x12: {  	s9 =	sor.u32 $0x1C07, s7;
	s14 =	sor.u32 $0x1C08, s7;
	s24 =	sadd.s32 s12, s0  }
.LBB2_1:
0x13: {  	[tilespmem:s4], [sflag:$0x5] =	stream.linear.gather [hbm4b:s5+s4], $0x2800, $0x38;
	[tilespmem:$0x1CC00] =	vst v63  }
0x14: {  	s0 =	simm.s32 $0x2800  }
0x15: {  	[tilespmem:s0], [sflag:$0x6] =	stream.linear.gather [hbm4b:s6+s4], $0x2800, $0x38;
	[tilespmem:$0x1CC00] =	vst v63  }
0x16: {  	[spmem:s13], [sflag:s9] =	dma.local [hbm:s8], $0x13C0  }
0x17: {  	[spmem:s15], [sflag:s14] =	dma.local [hbm:s10], $0x13C0  }
0x18: {  	_ =	swait.ge [sflag:s16], $0x2800  }
0x19: {  	[sflag:s16] =	ssyncset.done $0x0  }
0x1a: {  	[sflag:s16] =	ssyncadd.s32 $0xFFFFD800  }
0x1b: {  	_ =	swait.ge [sflag:s17], $0x2800  }
0x1c: {  	[sflag:s17] =	ssyncset.done $0x0  }
0x1d: {  	[sflag:s17] =	ssyncadd.s32 $0xFFFFD800  }
0x1e: {  	_ =	swait.ge [sflag:s18], $0x13C0  }
0x1f: {  	[sflag:s18] =	ssyncset.done $0x0  }
0x20: {  	[sflag:s18] =	ssyncadd.s32 $0xFFFFEC40  }
0x21: {  	_ =	swait.ge [sflag:s19], $0x13C0  }
0x22: {  	[sflag:s19] =	ssyncset.done $0x0  }
0x23: {  	[sflag:s19] =	ssyncadd.s32 $0xFFFFEC40  }
0x24: {  	[bflag:$0x0] =	sbarrier.arrive $0xFFFF  }
0x25: {  	[tilespmem:s21], [sflag:$0x1] =	stream.indirect.gather [spmem:s2], $0x40, s4, s20, $0xb8;
	[tilespmem:$0x1CC00] =	vst v63  }
0x26: {  	_ = 	snop  }
0x27: {  	[tilespmem:s22], [sflag:$0x2] =	stream.indirect.gather [spmem:s2], $0x40, s20, s20, $0xb8;
	[tilespmem:$0x1CC00] =	vst v63  }
0x28: {  	_ =	swait.ge [sflag:s23], $0x2000  }
0x29: {  	[sflag:s23] =	ssyncset.done $0x0  }
0x2a: {  	s29 =	simm.s32 $0x2800;
	[sflag:s23] =	ssyncadd.s32 $0xFFFFE000  }
0x2b: {  	[spmem:s3] =	stream.indirect.scatter.add.f32 [tilespmem:s21], [sflag:$0x3], $0x40, s29, s20, $0xb8;
	[tilespmem:$0x1CC00] =	vst v63  }
0x2c: {  	_ =	swait.ge [sflag:s25], $0x2000  }
0x2d: {  	[sflag:s25] =	ssyncset.done $0x0  }
0x2e: {  	s12 =	simm.s32 $0x2880;
	[sflag:s25] =	ssyncadd.s32 $0xFFFFE000  }
0x2f: {  	[spmem:s3] =	stream.indirect.scatter.add.f32 [tilespmem:s22], [sflag:$0x4], $0x40, s12, s20, $0xb8;
	[tilespmem:$0x1CC00] =	vst v63  }
0x30: {  	_ =	swait.ge [sflag:s26], $0x2000  }
0x31: {  	[sflag:s26] =	ssyncset.done $0x0  }
0x32: {  	s29 =	simm.s32 $0x100;
	[sflag:s26] =	ssyncadd.s32 $0xFFFFE000  }
0x33: {  	[tilespmem:s21], [sflag:$0x1] =	stream.indirect.gather [spmem:s2], $0x40, s29, s20, $0xb8;
	[tilespmem:$0x1CC00] =	vst v63  }
0x34: {  	_ =	swait.ge [sflag:s28], $0x2000  }
0x35: {  	[sflag:s28] =	ssyncset.done $0x0  }
0x36: {  	s0 =	simm.s32 $0x400;
	s12 =	simm.s32 $0x180;
	[sflag:s28] =	ssyncadd.s32 $0xFFFFE000  }
.LBB2_2:
0x37: {  	[tilespmem:s22], [sflag:$0x2] =	stream.indirect.gather [spmem:s2], $0x40, s12, s20, $0xb8;
	[tilespmem:$0x1CC00] =	vst v63  }
0x38: {  	s12 =	smov.u32 s0  }
0x39: {  	p0 =	sne.s32 s0, $0x9800;
	s0 =	sadd.s32 $0x400, s0;
	_ =	swait.ge [sflag:s23], $0x2000  }
0x3a: {  	s12 =	sshra.s32 s12, $0x2;
	[sflag:s23] =	ssyncset.done $0x0  }
0x3b: {  	s29 =	sadd.s32 $0x2800, s12;
	[sflag:s23] =	ssyncadd.s32 $0xFFFFE000  }
0x3c: {  	[spmem:s3] =	stream.indirect.scatter.add.f32 [tilespmem:s21], [sflag:$0x3], $0x40, s29, s20, $0xb8;
	[tilespmem:$0x1CC00] =	vst v63  }
0x3d: {  	_ =	swait.ge [sflag:s25], $0x2000  }
0x3e: {  	[sflag:s25] =	ssyncset.done $0x0  }
0x3f: {  	s29 =	sadd.s32 $0x2880, s12;
	[sflag:s25] =	ssyncadd.s32 $0xFFFFE000  }
0x40: {  	[spmem:s3] =	stream.indirect.scatter.add.f32 [tilespmem:s22], [sflag:$0x4], $0x40, s29, s20, $0xb8;
	[tilespmem:$0x1CC00] =	vst v63  }
0x41: {  	_ =	swait.ge [sflag:s26], $0x2000  }
0x42: {  	[sflag:s26] =	ssyncset.done $0x0  }
.Ltmp0:
0x43: {  	s29 =	sadd.s32 $0x100, s12;
	[sflag:s26] =	ssyncadd.s32 $0xFFFFE000;
	(pc) =	sbr.rel @p0 .LBB2_2-.Ltmp0, $4  }
0x44: {  	[tilespmem:s21], [sflag:$0x1] =	stream.indirect.gather [spmem:s2], $0x40, s29, s20, $0xb8;
	[tilespmem:$0x1CC00] =	vst v63  }
0x45: {  	_ =	swait.ge [sflag:s28], $0x2000  }
0x46: {  	[sflag:s28] =	ssyncset.done $0x0  }
0x47: {  	s12 =	sadd.s32 $0x180, s12;
	[sflag:s28] =	ssyncadd.s32 $0xFFFFE000  }
0x48: {  	[tilespmem:s22], [sflag:$0x2] =	stream.indirect.gather [spmem:s2], $0x40, s12, s20, $0xb8;
	[tilespmem:$0x1CC00] =	vst v63  }
0x49: {  	_ =	swait.ge [sflag:s23], $0x2000  }
0x4a: {  	[sflag:s23] =	ssyncset.done $0x0  }
0x4b: {  	s0 =	simm.s32 $0x4F00;
	[sflag:s23] =	ssyncadd.s32 $0xFFFFE000  }
0x4c: {  	[spmem:s3] =	stream.indirect.scatter.add.f32 [tilespmem:s21], [sflag:$0x3], $0x40, s0, s20, $0xb8;
	[tilespmem:$0x1CC00] =	vst v63  }
0x4d: {  	_ =	swait.ge [sflag:s25], $0x2000  }
0x4e: {  	[sflag:s25] =	ssyncset.done $0x0  }
0x4f: {  	[sflag:s25] =	ssyncadd.s32 $0xFFFFE000  }
0x50: {  	[spmem:s3] =	stream.indirect.scatter.add.f32 [tilespmem:s22], [sflag:$0x4], $0x40, s30, s20, $0xb8;
	[tilespmem:$0x1CC00] =	vst v63  }
0x51: {  	_ =	swait.ge [sflag:s26], $0x2000  }
0x52: {  	[sflag:s26] =	ssyncset.done $0x0  }
0x53: {  	[sflag:s26] =	ssyncadd.s32 $0xFFFFE000  }
0x54: {  	_ =	swait.ge [sflag:s28], $0x2000  }
0x55: {  	s1 =	sadd.s32 $0x1, s1;
	[sflag:s28] =	ssyncset.done $0x0  }
0x56: {  	p0 =	sne.s32 s1, s11;
	[sflag:s28] =	ssyncadd.s32 $0xFFFFE000  }
.Ltmp1:
0x57: {  	s29 =	sor.u32 $0x1C09, s7;
	[bflag:$0x0] =	sbarrier.arrive $0xFFFF;
	(pc) =	sbr.rel @p0 .LBB2_1-.Ltmp1, $4  }
0x58: {  	[hbm:s24], [sflag:s29] =	dma.local [spmem:s15], $0x13C0  }
0x59: {  	_ =	swait.ge [sflag:s31], $0x13C0  }
0x5a: {  	[sflag:s31] =	ssyncset.done $0x0  }
0x5b: {  	[sflag:s31] =	ssyncadd.s32 $0xFFFFEC40  }
0x5c: {  	_ =	sfence.sel $0x180000  }
0x5d: {  	[bflag:$0x0] =	sbarrier.arrive $0xFFFF  }
0x5e: {  	_ =	strace $0x9000004A  }
0x5f: {  	s0 =	stileid.u32;
	[bflag:$0x2] =	sbarrier.arrive $0xFFFF  }
0x60: {  	p0 =	sne.s32 s0, $0x0;
	s0 =	rddreg [dreg:$0x4]  }
0x61: {  	s0 =	sadd.s32 @!p0 $0x100000, s0  }
0x62: {  	[sflag:s0] =	ssyncadd.tile.s32 @!p0 $0x1;
	_ =	shalt  }
.Lfunc_end2:
_tile_overlayer_lowered:
.L_overlay_start_2:
0x63: {  	(tag) =	ssettag $0x2  }
0x64: {  	s0 =	rddreg [dreg:$0x0];
	s2 =	stileid.u32  }
0x65: {  	s1 =	rddreg [dreg:$0x1];
	p0 =	sne.s32 s2, $0x0  }
0x66: {  	s3 =	rddreg [dreg:$0x2];
	[bflag:$0x3] =	sbarrier.arrive $0xFFFF;
	s2 =	simm.s32 @!p0 $0x1C09  }
0x67: {  	[timem:s3], [sflag:s2] =	dma.local @!p0 [hbm:s0], s1  }
0x68: {  	s0 =	simm.s32 @!p0 $0x9  }
0x69: {  	_ =	swait.ge @!p0 [sflag:s0], s1  }
0x6a: {  	s1 =	ssub.s32 @!p0 $0x0, s1;
	[sflag:s0] =	ssyncset.done @!p0 $0x0  }
0x6b: {  	[sflag:s0] =	ssyncadd.s32 @!p0 s1  }
0x6c: {  	[bflag:$0x3] =	sbarrier.arrive $0xFFFF  }
0x6d: {  	_ =	shalt  }

// kernel: kernel.18.cloned.1.call-start
scs
__scs_entry_jumppad:
0x0: {  	(pc) =	sbr.rel $0x88, $3  }
0x1: {  	(tag) =	ssettag $0x0;
	lr =	simm.s32 $0x1  }
0x2: {  	[smem:$0x3F97] =	sst lr;
	_ =	strace $0xD0000000  }
0x3: {  	_ = 	snop  }
0x4: {  	_ = 	snop  }
0x5: {  	_ = 	snop  }
0x6: {  	_ = 	snop  }
0x7: {  	_ = 	snop  }
__scs_overlays_trampoline_lowered:
0x8: {  	[smem:$0x3FA6] =	sst s0  }
0x9: {  	[smem:$0x3FA7] =	sst s1  }
0xa: {  	[smem:$0x3FA8] =	sst s2  }
0xb: {  	[smem:$0x3FA9] =	sst s3  }
0xc: {  	[smem:$0x3FAA] =	sst s4  }
0xd: {  	[smem:$0x3FAB] =	sst s5  }
0xe: {  	[smem:$0x3FAC] =	sst s6  }
0xf: {  	[smem:$0x3FAD] =	sst s7  }
0x10: {  	[smem:$0x3FAE] =	sst s8  }
0x11: {  	[smem:$0x3FAF] =	sst s9;
	s0 =	simm.s32 @!p0 $0x0  }
0x12: {  	s1 =	sld [smem:$0x3F95];
	s0 =	simm.s32 @p0 $0x1  }
0x13: {  	[smem:$0x3FB0] =	sst s0;
	s0 =	simm.s32 @!p1 $0x0  }
0x14: {  	s2 =	sld [smem:$0x3F94];
	s0 =	simm.s32 @p1 $0x1  }
0x15: {  	[smem:$0x3FB1] =	sst s0;
	s0 =	simm.s32 @!p2 $0x0  }
0x16: {  	s3 =	sld [smem:$0x3FDB];
	s0 =	simm.s32 @p2 $0x1  }
0x17: {  	s4 =	simm.s32 $0x1BF5;
	[smem:$0x3FB3] =	sst s0  }
0x18: {  	s0 =	sld [smem:$0x3F96];
	_ =	swait.ge [sflag:s4], $0x0  }
0x19: {  	s7 =	sld [smem:$0x3F97]  }
0x1a: {  	s8 =	sadd.s32 $0xFFFFE003, lr  }
0x1b: {  	s9 =	sadd.s32 $0xFFFFFEF7, lr;
	s5 =	simm.s32 $0xFFFFFFFF;
	p2 =	slt.u32 s8, $0xFFFFF086  }
0x1c: {  	p1 =	slt.u32 s9, $0xF7A;
	s5 =	simm.s32 @!p2 $0x0  }
0x1d: {  	s5 =	simm.s32 @p1 $0x1;
	p0 =	seq.s32 s7, s2  }
0x1e: {  	s7 =	smul.u32 @!p0 $0xF7A, s2;
	p2 =	seq.s32 @!p0 s5, $0x0  }
0x1f: {  	s9 =	smul.u32 $0xF7A, s1;
	s8 =	simm.s32 @!p0 $0x1BF5;
	p2 =	por !p2, p0  }
0x20: {  	[sflag:s8] =	ssyncset.s32 @!p0 $0xFFFFF086;
	s6 =	sadd.s32 @!p0 s3, s7;
	s7 =	simm.s32 @!p0 $0x108  }
0x21: {  	s3 =	sadd.s32 s3, s9;
	s6 =	sadd.s32 @!p0 $0x88, s6;
	s7 =	simm.s32 @p2 $0x1082  }
0x22: {  	[simem:s7], [sflag:s8] =	dma.local @!p0 [hbm:s6], $0xF7A  }
0x23: {  	s9 =	sor.u32 $0xD0000000, s2;
	s6 =	simm.s32 $0x108;
	_ =	swait.ge @!p0 [sflag:s8], $0x0  }
0x24: {  	s3 =	sadd.s32 $0x88, s3;
	s6 =	simm.s32 @!p1 $0x1082;
	[sflag:s4] =	ssyncset.s32 $0xFFFFF086  }
0x25: {  	[simem:s6], [sflag:s4] =	dma.local [hbm:s3], $0xF7A  }
0x26: {  	[smem:$0x3F97] =	sst s1;
	(tag) =	ssettag s2;
	_ =	strace s9  }
0x27: {  	s1 =	sld [smem:$0x3FA7]  }
0x28: {  	s2 =	sld [smem:$0x3FA8]  }
0x29: {  	s4 =	sld [smem:$0x3FAA]  }
0x2a: {  	p0 =	seq.s32 s5, $0x0;
	s5 =	sld [smem:$0x3FAB]  }
0x2b: {  	s6 =	sld [smem:$0x3FAC]  }
0x2c: {  	s7 =	sld [smem:$0x3FAD]  }
0x2d: {  	s3 =	simm.s32 $0x108;
	s8 =	sld [smem:$0x3FAE]  }
0x2e: {  	s3 =	simm.s32 @!p0 $0x1082;
	s9 =	sld [smem:$0x3FAF]  }
0x2f: {  	lr =	sadd.s32 s0, s3;
	s0 =	sld [smem:$0x3FA6]  }
0x30: {  	s3 =	sld [smem:$0x3FA9]  }
0x31: {  	[smem:$0x3FB2] =	sst s10  }
0x32: {  	s10 =	sld [smem:$0x3FB0];
	_ =	sdelay $0x3  }
0x33: {  	p0 =	seq.s32 s10, $0x1;
	s10 =	sld [smem:$0x3FB2];
	_ =	sdelay $0x3  }
0x34: {  	[smem:$0x3FB2] =	sst s10  }
0x35: {  	s10 =	sld [smem:$0x3FB1];
	_ =	sdelay $0x3  }
0x36: {  	p1 =	seq.s32 s10, $0x1;
	s10 =	sld [smem:$0x3FB2];
	_ =	sdelay $0x3  }
0x37: {  	[smem:$0x3FB2] =	sst s10  }
0x38: {  	s10 =	sld [smem:$0x3FB3]  }
0x39: {  	_ = 	snop;
	(pc) =	sbr.ind lr, $3  }
0x3a: {  	_ = 	snop  }
0x3b: {  	_ = 	snop  }
0x3c: {  	p2 =	seq.s32 s10, $0x1;
	s10 =	sld [smem:$0x3FB2]  }
0x3d: {  	_ =	shalt  }
0x3e: {  	_ =	shalt  }
0x3f: {  	_ =	shalt  }
0x40: {  	_ =	shalt  }
0x41: {  	_ =	shalt  }
0x42: {  	_ =	shalt  }
0x43: {  	_ =	shalt  }
0x44: {  	_ =	shalt  }
0x45: {  	_ =	shalt  }
0x46: {  	_ =	shalt  }
0x47: {  	_ =	shalt  }
0x48: {  	_ =	shalt  }
0x49: {  	_ =	shalt  }
0x4a: {  	_ =	shalt  }
0x4b: {  	_ =	shalt  }
0x4c: {  	_ =	shalt  }
0x4d: {  	_ =	shalt  }
0x4e: {  	_ =	shalt  }
0x4f: {  	_ =	shalt  }
0x50: {  	_ =	shalt  }
0x51: {  	_ =	shalt  }
0x52: {  	_ =	shalt  }
0x53: {  	_ =	shalt  }
0x54: {  	_ =	shalt  }
0x55: {  	_ =	shalt  }
0x56: {  	_ =	shalt  }
0x57: {  	_ =	shalt  }
0x58: {  	_ =	shalt  }
0x59: {  	_ =	shalt  }
0x5a: {  	_ =	shalt  }
0x5b: {  	_ =	shalt  }
0x5c: {  	_ =	shalt  }
0x5d: {  	_ =	shalt  }
0x5e: {  	_ =	shalt  }
0x5f: {  	_ =	shalt  }
0x60: {  	_ =	shalt  }
0x61: {  	_ =	shalt  }
0x62: {  	_ =	shalt  }
0x63: {  	_ =	shalt  }
0x64: {  	_ =	shalt  }
0x65: {  	_ =	shalt  }
0x66: {  	_ =	shalt  }
0x67: {  	_ =	shalt  }
0x68: {  	_ =	shalt  }
0x69: {  	_ =	shalt  }
0x6a: {  	_ =	shalt  }
0x6b: {  	_ =	shalt  }
0x6c: {  	_ =	shalt  }
0x6d: {  	_ =	shalt  }
0x6e: {  	_ =	shalt  }
0x6f: {  	_ =	shalt  }
0x70: {  	_ =	shalt  }
0x71: {  	_ =	shalt  }
0x72: {  	_ =	shalt  }
0x73: {  	_ =	shalt  }
0x74: {  	_ =	shalt  }
0x75: {  	_ =	shalt  }
0x76: {  	_ =	shalt  }
0x77: {  	_ =	shalt  }
0x78: {  	_ =	shalt  }
0x79: {  	_ =	shalt  }
0x7a: {  	_ =	shalt  }
0x7b: {  	_ =	shalt  }
0x7c: {  	_ =	shalt  }
0x7d: {  	_ =	shalt  }
0x7e: {  	_ =	shalt  }
0x7f: {  	_ =	shalt  }
0x80: {  	_ =	shalt  }
0x81: {  	_ =	shalt  }
0x82: {  	_ =	shalt  }
0x83: {  	_ =	shalt  }
0x84: {  	_ =	shalt  }
0x85: {  	_ =	shalt  }
0x86: {  	_ =	shalt  }
0x87: {  	_ =	shalt  }
.Lfunc_end0:
.L_simem_size_0:
called_computation.2_lowered:
.L_overlay_start_0:
0x88: {  	s2 =	sld [smem:$0x3FD9]  }
0x89: {  	s3 =	sld [smem:$0x3FFE];
	_ =	sdelay $0x1  }
0x8a: {  	s1 =	srdreg.scid  }
0x8b: {  	s0 =	sand.u32 $0x1, s1  }
0x8c: {  	s17 =	sshll.u32 s0, $0xA;
	s2 =	sadd.s32 s3, s2  }
0x8d: {  	s2 =	sadd.s32 s2, s17  }
0x8e: {  	[smem:$0x3FBE] =	sst s2  }
0x8f: {  	_ = 	snop  }
0x90: {  	s2 =	sld [smem:$0x3FD0];
	(tm) =	ssettm $0x1  }
0x91: {  	s18 =	sld [smem:$0x3FFB];
	_ =	sdelay $0x3  }
0x92: {  	_ =	strace s18  }
0x93: {  	s3 =	sld [smem:$0x3FFC];
	_ =	sdelay $0x3  }
0x94: {  	_ =	strace s3  }
0x95: {  	s3 =	sld [smem:$0x3FFD];
	_ =	sdelay $0x3  }
0x96: {  	_ =	strace s3  }
0x97: {  	_ =	strace $0x8FFFFFFF  }
0x98: {  	s19 =	sld [smem:$0x3FDB];
	_ =	sdelay $0x1  }
0x99: {  	s4 =	simm.s32 $_scs_section_size  }
0x9a: {  	s5 =	simm.s32 $_size__tile_overlayer_lowered;
	s6 =	simm.s32 $_tile_overlayer_lowered  }
0x9b: {  	s22 =	simm.s32 $0x1BFF;
	s21 =	sshll.u32 s6, $0x1;
	s3 =	sadd.s32 s4, s19  }
0x9c: {  	s7 =	simm.s32 $0x0;
	s20 =	sshll.u32 s5, $0x1;
	s5 =	sadd.s32 s21, s3  }
0x9d: {  	[timem:s7], [sflag:s22] =	dma.local [hbm:s5], s20  }
0x9e: {  	_ =	swait.ge [sflag:s22], s20  }
0x9f: {  	s4 =	ssub.s32 $0x0, s20;
	[sflag:s22] =	ssyncset.done $0x0  }
0xa0: {  	[sflag:s22] =	ssyncadd.s32 s4;
	_ =	sdelay $0x1  }
0xa1: {  	s23 =	simm.s32 $0x1B8B  }
0xa2: {  	_ =	swait.ge [sflag:s23], $0x1  }
0xa3: {  	[sflag:s23] =	ssyncset.done $0x0  }
0xa4: {  	s25 =	simm.s32 $0x1B8E;
	s24 =	sld [smem:$0x3FFE];
	[sflag:s23] =	ssyncadd.s32 $0xFFFFFFFF  }
0xa5: {  	s26 =	simm.s32 $execute0_lowered;
	[smem:$0x3FD2] =	sst s25  }
0xa6: {  	s5 =	sshll.u32 s26, $0x1;
	_ =	strace $0x8000004C;
	[dreg:$0x1] =	wrdreg $0xFFFFFFFF  }
0xa7: {  	s28 =	simm.s32 $_size_execute0_lowered;
	s3 =	sadd.s32 s3, s5;
	[dreg:$0x0] =	wrdreg $0x0  }
0xa8: {  	s5 =	sshll.u32 s28, $0x1;
	[dreg:$0x2] =	wrdreg s3  }
0xa9: {  	[dreg:$0x3] =	wrdreg s5  }
0xaa: {  	[dreg:$0x4] =	wrdreg $0xC0  }
0xab: {  	_ =	task [dreg:s7], $0x5FFFF  }
0xac: {  	[dreg:$0x1] =	wrdreg $0xFFFFFFFF  }
0xad: {  	[dreg:$0x0] =	wrdreg $0x60  }
0xae: {  	[dreg:$0x2] =	wrdreg s24  }
0xaf: {  	[dreg:$0x3] =	wrdreg s2  }
0xb0: {  	[dreg:$0x4] =	wrdreg $0x90000  }
0xb1: {  	[dreg:$0x5] =	wrdreg $0x12E000  }
0xb2: {  	[dreg:$0x6] =	wrdreg $0x9  }
0xb3: {  	_ =	task.clear_ibuf [dreg:s7], $0x7FFFF;
	_ =	strace $0x9000004C  }
0xb4: {  	s29 =	simm.s32 $0x9;
	_ =	strace $0x8000004E  }
0xb5: {  	_ =	swait.ge [sflag:s29], $0x1  }
0xb6: {  	[sflag:s29] =	ssyncadd.s32 $0xFFFFFFFF  }
0xb7: {  	_ =	strace $0x9000004E  }
0xb8: {  	_ =	sfence  }
0xb9: {  	s30 =	sld [smem:$0x0];
	_ =	sdelay $0x2  }
0xba: {  	s31 =	sshll.u32 s1, $0xD;
	s1 =	sshrl.u32 s1, $0x2  }
0xbb: {  	s3 =	sand.u32 $0x4000, s31;
	s1 =	sadd.s32 s1, s30  }
0xbc: {  	s0 =	sor.u32 s3, s0;
	s1 =	sshll.u32 s1, $0x11  }
0xbd: {  	s0 =	sor.u32 s1, s0  }
0xbe: {  	s0 =	sadd.s32 $0x8F2B, s0  }
0xbf: {  	[sflag:s0] =	ssyncadd.remote.s32 $0x1  }
0xc0: {  	_ =	sfence.sel $0xFFFF  }
0xc1: {  	[dreg:$0x0] =	wrdreg $0xFFFFFFFF;
	(pc) =	sbr.abs _section_cstart, $3  }
0xc2: {  	[dreg:$0x1] =	wrdreg $0xFFFFFFFF  }
0xc3: {  	_ =	task.clear_ibuf [dreg:s7], $0x2FFFF;
	_ =	strace $0x9FFFFFFF  }
0xc4: {  	(tm) =	ssettm $0x7FFFFFFF  }
0xc5: {  	_ =	shalt  }
tec
execute0_lowered:
.L_overlay_start_1:
0x0: {  	(tag) =	ssettag $0x1  }
0x1: {  	s0 =	rddreg [dreg:$0x0]  }
0x2: {  	s1 =	srdreg.scid;
	s8 =	rddreg [dreg:$0x1]  }
0x3: {  	s2 =	rddreg [dreg:$0x2];
	s9 =	stileid.u32  }
0x4: {  	s3 =	rddreg [dreg:$0x3];
	s16 =	simm.s32 $0x5;
	s17 =	simm.s32 $0x6  }
0x5: {  	s18 =	simm.s32 $0x7;
	s19 =	simm.s32 $0x8;
	s20 =	simm.s32 $0x80  }
0x6: {  	s21 =	simm.s32 $0x5000;
	s22 =	simm.s32 $0x7000;
	s23 =	simm.s32 $0x1  }
0x7: {  	s25 =	simm.s32 $0x2;
	s26 =	simm.s32 $0x3;
	s28 =	simm.s32 $0x4  }
0x8: {  	s30 =	simm.s32 $0x4F80;
	s1 =	sand.u32 $0x1, s1;
	s10 =	smul.u32 $0x9E00, s9  }
0x9: {  	s31 =	simm.s32 $0x9;
	s4 =	sshll.u32 s1, $0x4;
	s6 =	smul.u32 $0x13C00, s1  }
0xa: {  	s1 =	ssub.s32 $0x2, s1;
	s5 =	sor.u32 s9, s4;
	s4 =	simm.s32 $0x0  }
0xb: {  	s12 =	sshrl.u32 s10, $0x3;
	s29 =	sshrl.u32 s1, $0x1;
	s13 =	sadd.s32 s10, s2  }
0xc: {  	s15 =	sadd.s32 s10, s3;
	s5 =	smul.u32 $0x500, s5;
	[smem:$0x7FF] =	sst s4  }
0xd: {  	s11 =	sadd.s32 s12, s0;
	s1 =	ssub.s32 s1, s29;
	s8 =	sadd.s32 s8, s12  }
0xe: {  	s13 =	sshrl.u32 s13, $0x3;
	s15 =	sshrl.u32 s15, $0x3;
	_ =	strace $0x8000004D  }
0xf: {  	s10 =	sadd.s32 $0x1B800, s11;
	s11 =	smax.u32 s1, $0x1;
	s7 =	sadd.s32 s5, s0  }
0x10: {  	s1 =	simm.s32 $0x0;
	s0 =	sadd.s32 s6, s0;
	s5 =	sadd.s32 $0x11800, s7  }
0x11: {  	s6 =	sadd.s32 $0x2600, s7;
	s7 =	sshll.u32 s9, $0x6;
	s0 =	sadd.s32 $0x2F400, s0  }
0x12: {  	s9 =	sor.u32 $0x1C07, s7;
	s14 =	sor.u32 $0x1C08, s7;
	s24 =	sadd.s32 s12, s0  }
.LBB2_1:
0x13: {  	[tilespmem:s4], [sflag:$0x5] =	stream.linear.gather [hbm4b:s5+s4], $0x2800, $0x38;
	[tilespmem:$0x1CC00] =	vst v63  }
0x14: {  	s0 =	simm.s32 $0x2800  }
0x15: {  	[tilespmem:s0], [sflag:$0x6] =	stream.linear.gather [hbm4b:s6+s4], $0x2800, $0x38;
	[tilespmem:$0x1CC00] =	vst v63  }
0x16: {  	[spmem:s13], [sflag:s9] =	dma.local [hbm:s8], $0x13C0  }
0x17: {  	[spmem:s15], [sflag:s14] =	dma.local [hbm:s10], $0x13C0  }
0x18: {  	_ =	swait.ge [sflag:s16], $0x2800  }
0x19: {  	[sflag:s16] =	ssyncset.done $0x0  }
0x1a: {  	[sflag:s16] =	ssyncadd.s32 $0xFFFFD800  }
0x1b: {  	_ =	swait.ge [sflag:s17], $0x2800  }
0x1c: {  	[sflag:s17] =	ssyncset.done $0x0  }
0x1d: {  	[sflag:s17] =	ssyncadd.s32 $0xFFFFD800  }
0x1e: {  	_ =	swait.ge [sflag:s18], $0x13C0  }
0x1f: {  	[sflag:s18] =	ssyncset.done $0x0  }
0x20: {  	[sflag:s18] =	ssyncadd.s32 $0xFFFFEC40  }
0x21: {  	_ =	swait.ge [sflag:s19], $0x13C0  }
0x22: {  	[sflag:s19] =	ssyncset.done $0x0  }
0x23: {  	[sflag:s19] =	ssyncadd.s32 $0xFFFFEC40  }
0x24: {  	[bflag:$0x0] =	sbarrier.arrive $0xFFFF  }
0x25: {  	[tilespmem:s21], [sflag:$0x1] =	stream.indirect.gather [spmem:s2], $0x40, s4, s20, $0xb8;
	[tilespmem:$0x1CC00] =	vst v63  }
0x26: {  	_ = 	snop  }
0x27: {  	[tilespmem:s22], [sflag:$0x2] =	stream.indirect.gather [spmem:s2], $0x40, s20, s20, $0xb8;
	[tilespmem:$0x1CC00] =	vst v63  }
0x28: {  	_ =	swait.ge [sflag:s23], $0x2000  }
0x29: {  	[sflag:s23] =	ssyncset.done $0x0  }
0x2a: {  	s29 =	simm.s32 $0x2800;
	[sflag:s23] =	ssyncadd.s32 $0xFFFFE000  }
0x2b: {  	[spmem:s3] =	stream.indirect.scatter.add.f32 [tilespmem:s21], [sflag:$0x3], $0x40, s29, s20, $0xb8;
	[tilespmem:$0x1CC00] =	vst v63  }
0x2c: {  	_ =	swait.ge [sflag:s25], $0x2000  }
0x2d: {  	[sflag:s25] =	ssyncset.done $0x0  }
0x2e: {  	s12 =	simm.s32 $0x2880;
	[sflag:s25] =	ssyncadd.s32 $0xFFFFE000  }
0x2f: {  	[spmem:s3] =	stream.indirect.scatter.add.f32 [tilespmem:s22], [sflag:$0x4], $0x40, s12, s20, $0xb8;
	[tilespmem:$0x1CC00] =	vst v63  }
0x30: {  	_ =	swait.ge [sflag:s26], $0x2000  }
0x31: {  	[sflag:s26] =	ssyncset.done $0x0  }
0x32: {  	s29 =	simm.s32 $0x100;
	[sflag:s26] =	ssyncadd.s32 $0xFFFFE000  }
0x33: {  	[tilespmem:s21], [sflag:$0x1] =	stream.indirect.gather [spmem:s2], $0x40, s29, s20, $0xb8;
	[tilespmem:$0x1CC00] =	vst v63  }
0x34: {  	_ =	swait.ge [sflag:s28], $0x2000  }
0x35: {  	[sflag:s28] =	ssyncset.done $0x0  }
0x36: {  	s0 =	simm.s32 $0x400;
	s12 =	simm.s32 $0x180;
	[sflag:s28] =	ssyncadd.s32 $0xFFFFE000  }
.LBB2_2:
0x37: {  	[tilespmem:s22], [sflag:$0x2] =	stream.indirect.gather [spmem:s2], $0x40, s12, s20, $0xb8;
	[tilespmem:$0x1CC00] =	vst v63  }
0x38: {  	s12 =	smov.u32 s0  }
0x39: {  	p0 =	sne.s32 s0, $0x9800;
	s0 =	sadd.s32 $0x400, s0;
	_ =	swait.ge [sflag:s23], $0x2000  }
0x3a: {  	s12 =	sshra.s32 s12, $0x2;
	[sflag:s23] =	ssyncset.done $0x0  }
0x3b: {  	s29 =	sadd.s32 $0x2800, s12;
	[sflag:s23] =	ssyncadd.s32 $0xFFFFE000  }
0x3c: {  	[spmem:s3] =	stream.indirect.scatter.add.f32 [tilespmem:s21], [sflag:$0x3], $0x40, s29, s20, $0xb8;
	[tilespmem:$0x1CC00] =	vst v63  }
0x3d: {  	_ =	swait.ge [sflag:s25], $0x2000  }
0x3e: {  	[sflag:s25] =	ssyncset.done $0x0  }
0x3f: {  	s29 =	sadd.s32 $0x2880, s12;
	[sflag:s25] =	ssyncadd.s32 $0xFFFFE000  }
0x40: {  	[spmem:s3] =	stream.indirect.scatter.add.f32 [tilespmem:s22], [sflag:$0x4], $0x40, s29, s20, $0xb8;
	[tilespmem:$0x1CC00] =	vst v63  }
0x41: {  	_ =	swait.ge [sflag:s26], $0x2000  }
0x42: {  	[sflag:s26] =	ssyncset.done $0x0  }
.Ltmp0:
0x43: {  	s29 =	sadd.s32 $0x100, s12;
	[sflag:s26] =	ssyncadd.s32 $0xFFFFE000;
	(pc) =	sbr.rel @p0 .LBB2_2-.Ltmp0, $4  }
0x44: {  	[tilespmem:s21], [sflag:$0x1] =	stream.indirect.gather [spmem:s2], $0x40, s29, s20, $0xb8;
	[tilespmem:$0x1CC00] =	vst v63  }
0x45: {  	_ =	swait.ge [sflag:s28], $0x2000  }
0x46: {  	[sflag:s28] =	ssyncset.done $0x0  }
0x47: {  	s12 =	sadd.s32 $0x180, s12;
	[sflag:s28] =	ssyncadd.s32 $0xFFFFE000  }
0x48: {  	[tilespmem:s22], [sflag:$0x2] =	stream.indirect.gather [spmem:s2], $0x40, s12, s20, $0xb8;
	[tilespmem:$0x1CC00] =	vst v63  }
0x49: {  	_ =	swait.ge [sflag:s23], $0x2000  }
0x4a: {  	[sflag:s23] =	ssyncset.done $0x0  }
0x4b: {  	s0 =	simm.s32 $0x4F00;
	[sflag:s23] =	ssyncadd.s32 $0xFFFFE000  }
0x4c: {  	[spmem:s3] =	stream.indirect.scatter.add.f32 [tilespmem:s21], [sflag:$0x3], $0x40, s0, s20, $0xb8;
	[tilespmem:$0x1CC00] =	vst v63  }
0x4d: {  	_ =	swait.ge [sflag:s25], $0x2000  }
0x4e: {  	[sflag:s25] =	ssyncset.done $0x0  }
0x4f: {  	[sflag:s25] =	ssyncadd.s32 $0xFFFFE000  }
0x50: {  	[spmem:s3] =	stream.indirect.scatter.add.f32 [tilespmem:s22], [sflag:$0x4], $0x40, s30, s20, $0xb8;
	[tilespmem:$0x1CC00] =	vst v63  }
0x51: {  	_ =	swait.ge [sflag:s26], $0x2000  }
0x52: {  	[sflag:s26] =	ssyncset.done $0x0  }
0x53: {  	[sflag:s26] =	ssyncadd.s32 $0xFFFFE000  }
0x54: {  	_ =	swait.ge [sflag:s28], $0x2000  }
0x55: {  	s1 =	sadd.s32 $0x1, s1;
	[sflag:s28] =	ssyncset.done $0x0  }
0x56: {  	p0 =	sne.s32 s1, s11;
	[sflag:s28] =	ssyncadd.s32 $0xFFFFE000  }
.Ltmp1:
0x57: {  	s29 =	sor.u32 $0x1C09, s7;
	[bflag:$0x0] =	sbarrier.arrive $0xFFFF;
	(pc) =	sbr.rel @p0 .LBB2_1-.Ltmp1, $4  }
0x58: {  	[hbm:s24], [sflag:s29] =	dma.local [spmem:s15], $0x13C0  }
0x59: {  	_ =	swait.ge [sflag:s31], $0x13C0  }
0x5a: {  	[sflag:s31] =	ssyncset.done $0x0  }
0x5b: {  	[sflag:s31] =	ssyncadd.s32 $0xFFFFEC40  }
0x5c: {  	_ =	sfence.sel $0x180000  }
0x5d: {  	[bflag:$0x0] =	sbarrier.arrive $0xFFFF  }
0x5e: {  	_ =	strace $0x9000004D  }
0x5f: {  	s0 =	stileid.u32;
	[bflag:$0x2] =	sbarrier.arrive $0xFFFF  }
0x60: {  	p0 =	sne.s32 s0, $0x0;
	s0 =	rddreg [dreg:$0x4]  }
0x61: {  	s0 =	sadd.s32 @!p0 $0x100000, s0  }
0x62: {  	[sflag:s0] =	ssyncadd.tile.s32 @!p0 $0x1;
	_ =	shalt  }
.Lfunc_end2:
_tile_overlayer_lowered:
.L_overlay_start_2:
0x63: {  	(tag) =	ssettag $0x2  }
0x64: {  	s0 =	rddreg [dreg:$0x0];
	s2 =	stileid.u32  }
0x65: {  	s1 =	rddreg [dreg:$0x1];
	p0 =	sne.s32 s2, $0x0  }
0x66: {  	s3 =	rddreg [dreg:$0x2];
	[bflag:$0x3] =	sbarrier.arrive $0xFFFF;
	s2 =	simm.s32 @!p0 $0x1C09  }
0x67: {  	[timem:s3], [sflag:s2] =	dma.local @!p0 [hbm:s0], s1  }
0x68: {  	s0 =	simm.s32 @!p0 $0x9  }
0x69: {  	_ =	swait.ge @!p0 [sflag:s0], s1  }
0x6a: {  	s1 =	ssub.s32 @!p0 $0x0, s1;
	[sflag:s0] =	ssyncset.done @!p0 $0x0  }
0x6b: {  	[sflag:s0] =	ssyncadd.s32 @!p0 s1  }
0x6c: {  	[bflag:$0x3] =	sbarrier.arrive $0xFFFF  }
0x6d: {  	_ =	shalt  }

// kernel: kernel.21.cloned.1.call-start
scs
__scs_entry_jumppad:
0x0: {  	(pc) =	sbr.rel $0x88, $3  }
0x1: {  	(tag) =	ssettag $0x0;
	lr =	simm.s32 $0x1  }
0x2: {  	[smem:$0x3F97] =	sst lr;
	_ =	strace $0xD0000000  }
0x3: {  	_ = 	snop  }
0x4: {  	_ = 	snop  }
0x5: {  	_ = 	snop  }
0x6: {  	_ = 	snop  }
0x7: {  	_ = 	snop  }
__scs_overlays_trampoline_lowered:
0x8: {  	[smem:$0x3FA6] =	sst s0  }
0x9: {  	[smem:$0x3FA7] =	sst s1  }
0xa: {  	[smem:$0x3FA8] =	sst s2  }
0xb: {  	[smem:$0x3FA9] =	sst s3  }
0xc: {  	[smem:$0x3FAA] =	sst s4  }
0xd: {  	[smem:$0x3FAB] =	sst s5  }
0xe: {  	[smem:$0x3FAC] =	sst s6  }
0xf: {  	[smem:$0x3FAD] =	sst s7  }
0x10: {  	[smem:$0x3FAE] =	sst s8  }
0x11: {  	[smem:$0x3FAF] =	sst s9;
	s0 =	simm.s32 @!p0 $0x0  }
0x12: {  	s1 =	sld [smem:$0x3F95];
	s0 =	simm.s32 @p0 $0x1  }
0x13: {  	[smem:$0x3FB0] =	sst s0;
	s0 =	simm.s32 @!p1 $0x0  }
0x14: {  	s2 =	sld [smem:$0x3F94];
	s0 =	simm.s32 @p1 $0x1  }
0x15: {  	[smem:$0x3FB1] =	sst s0;
	s0 =	simm.s32 @!p2 $0x0  }
0x16: {  	s3 =	sld [smem:$0x3FDB];
	s0 =	simm.s32 @p2 $0x1  }
0x17: {  	s4 =	simm.s32 $0x1BF5;
	[smem:$0x3FB3] =	sst s0  }
0x18: {  	s0 =	sld [smem:$0x3F96];
	_ =	swait.ge [sflag:s4], $0x0  }
0x19: {  	s7 =	sld [smem:$0x3F97]  }
0x1a: {  	s8 =	sadd.s32 $0xFFFFE003, lr  }
0x1b: {  	s9 =	sadd.s32 $0xFFFFFEF7, lr;
	s5 =	simm.s32 $0xFFFFFFFF;
	p2 =	slt.u32 s8, $0xFFFFF086  }
0x1c: {  	p1 =	slt.u32 s9, $0xF7A;
	s5 =	simm.s32 @!p2 $0x0  }
0x1d: {  	s5 =	simm.s32 @p1 $0x1;
	p0 =	seq.s32 s7, s2  }
0x1e: {  	s7 =	smul.u32 @!p0 $0xF7A, s2;
	p2 =	seq.s32 @!p0 s5, $0x0  }
0x1f: {  	s9 =	smul.u32 $0xF7A, s1;
	s8 =	simm.s32 @!p0 $0x1BF5;
	p2 =	por !p2, p0  }
0x20: {  	[sflag:s8] =	ssyncset.s32 @!p0 $0xFFFFF086;
	s6 =	sadd.s32 @!p0 s3, s7;
	s7 =	simm.s32 @!p0 $0x108  }
0x21: {  	s3 =	sadd.s32 s3, s9;
	s6 =	sadd.s32 @!p0 $0x88, s6;
	s7 =	simm.s32 @p2 $0x1082  }
0x22: {  	[simem:s7], [sflag:s8] =	dma.local @!p0 [hbm:s6], $0xF7A  }
0x23: {  	s9 =	sor.u32 $0xD0000000, s2;
	s6 =	simm.s32 $0x108;
	_ =	swait.ge @!p0 [sflag:s8], $0x0  }
0x24: {  	s3 =	sadd.s32 $0x88, s3;
	s6 =	simm.s32 @!p1 $0x1082;
	[sflag:s4] =	ssyncset.s32 $0xFFFFF086  }
0x25: {  	[simem:s6], [sflag:s4] =	dma.local [hbm:s3], $0xF7A  }
0x26: {  	[smem:$0x3F97] =	sst s1;
	(tag) =	ssettag s2;
	_ =	strace s9  }
0x27: {  	s1 =	sld [smem:$0x3FA7]  }
0x28: {  	s2 =	sld [smem:$0x3FA8]  }
0x29: {  	s4 =	sld [smem:$0x3FAA]  }
0x2a: {  	p0 =	seq.s32 s5, $0x0;
	s5 =	sld [smem:$0x3FAB]  }
0x2b: {  	s6 =	sld [smem:$0x3FAC]  }
0x2c: {  	s7 =	sld [smem:$0x3FAD]  }
0x2d: {  	s3 =	simm.s32 $0x108;
	s8 =	sld [smem:$0x3FAE]  }
0x2e: {  	s3 =	simm.s32 @!p0 $0x1082;
	s9 =	sld [smem:$0x3FAF]  }
0x2f: {  	lr =	sadd.s32 s0, s3;
	s0 =	sld [smem:$0x3FA6]  }
0x30: {  	s3 =	sld [smem:$0x3FA9]  }
0x31: {  	[smem:$0x3FB2] =	sst s10  }
0x32: {  	s10 =	sld [smem:$0x3FB0];
	_ =	sdelay $0x3  }
0x33: {  	p0 =	seq.s32 s10, $0x1;
	s10 =	sld [smem:$0x3FB2];
	_ =	sdelay $0x3  }
0x34: {  	[smem:$0x3FB2] =	sst s10  }
0x35: {  	s10 =	sld [smem:$0x3FB1];
	_ =	sdelay $0x3  }
0x36: {  	p1 =	seq.s32 s10, $0x1;
	s10 =	sld [smem:$0x3FB2];
	_ =	sdelay $0x3  }
0x37: {  	[smem:$0x3FB2] =	sst s10  }
0x38: {  	s10 =	sld [smem:$0x3FB3]  }
0x39: {  	_ = 	snop;
	(pc) =	sbr.ind lr, $3  }
0x3a: {  	_ = 	snop  }
0x3b: {  	_ = 	snop  }
0x3c: {  	p2 =	seq.s32 s10, $0x1;
	s10 =	sld [smem:$0x3FB2]  }
0x3d: {  	_ =	shalt  }
0x3e: {  	_ =	shalt  }
0x3f: {  	_ =	shalt  }
0x40: {  	_ =	shalt  }
0x41: {  	_ =	shalt  }
0x42: {  	_ =	shalt  }
0x43: {  	_ =	shalt  }
0x44: {  	_ =	shalt  }
0x45: {  	_ =	shalt  }
0x46: {  	_ =	shalt  }
0x47: {  	_ =	shalt  }
0x48: {  	_ =	shalt  }
0x49: {  	_ =	shalt  }
0x4a: {  	_ =	shalt  }
0x4b: {  	_ =	shalt  }
0x4c: {  	_ =	shalt  }
0x4d: {  	_ =	shalt  }
0x4e: {  	_ =	shalt  }
0x4f: {  	_ =	shalt  }
0x50: {  	_ =	shalt  }
0x51: {  	_ =	shalt  }
0x52: {  	_ =	shalt  }
0x53: {  	_ =	shalt  }
0x54: {  	_ =	shalt  }
0x55: {  	_ =	shalt  }
0x56: {  	_ =	shalt  }
0x57: {  	_ =	shalt  }
0x58: {  	_ =	shalt  }
0x59: {  	_ =	shalt  }
0x5a: {  	_ =	shalt  }
0x5b: {  	_ =	shalt  }
0x5c: {  	_ =	shalt  }
0x5d: {  	_ =	shalt  }
0x5e: {  	_ =	shalt  }
0x5f: {  	_ =	shalt  }
0x60: {  	_ =	shalt  }
0x61: {  	_ =	shalt  }
0x62: {  	_ =	shalt  }
0x63: {  	_ =	shalt  }
0x64: {  	_ =	shalt  }
0x65: {  	_ =	shalt  }
0x66: {  	_ =	shalt  }
0x67: {  	_ =	shalt  }
0x68: {  	_ =	shalt  }
0x69: {  	_ =	shalt  }
0x6a: {  	_ =	shalt  }
0x6b: {  	_ =	shalt  }
0x6c: {  	_ =	shalt  }
0x6d: {  	_ =	shalt  }
0x6e: {  	_ =	shalt  }
0x6f: {  	_ =	shalt  }
0x70: {  	_ =	shalt  }
0x71: {  	_ =	shalt  }
0x72: {  	_ =	shalt  }
0x73: {  	_ =	shalt  }
0x74: {  	_ =	shalt  }
0x75: {  	_ =	shalt  }
0x76: {  	_ =	shalt  }
0x77: {  	_ =	shalt  }
0x78: {  	_ =	shalt  }
0x79: {  	_ =	shalt  }
0x7a: {  	_ =	shalt  }
0x7b: {  	_ =	shalt  }
0x7c: {  	_ =	shalt  }
0x7d: {  	_ =	shalt  }
0x7e: {  	_ =	shalt  }
0x7f: {  	_ =	shalt  }
0x80: {  	_ =	shalt  }
0x81: {  	_ =	shalt  }
0x82: {  	_ =	shalt  }
0x83: {  	_ =	shalt  }
0x84: {  	_ =	shalt  }
0x85: {  	_ =	shalt  }
0x86: {  	_ =	shalt  }
0x87: {  	_ =	shalt  }
.Lfunc_end0:
.L_simem_size_0:
called_computation.3_lowered:
.L_overlay_start_0:
0x88: {  	s2 =	sld [smem:$0x3FD9]  }
0x89: {  	s3 =	sld [smem:$0x3FFE];
	_ =	sdelay $0x1  }
0x8a: {  	s1 =	srdreg.scid  }
0x8b: {  	s0 =	sand.u32 $0x1, s1  }
0x8c: {  	s17 =	sshll.u32 s0, $0xA;
	s2 =	sadd.s32 s3, s2  }
0x8d: {  	s2 =	sadd.s32 s2, s17  }
0x8e: {  	[smem:$0x3FBE] =	sst s2  }
0x8f: {  	_ = 	snop  }
0x90: {  	s2 =	sld [smem:$0x3FD0];
	(tm) =	ssettm $0x1  }
0x91: {  	s18 =	sld [smem:$0x3FFB];
	_ =	sdelay $0x3  }
0x92: {  	_ =	strace s18  }
0x93: {  	s3 =	sld [smem:$0x3FFC];
	_ =	sdelay $0x3  }
0x94: {  	_ =	strace s3  }
0x95: {  	s3 =	sld [smem:$0x3FFD];
	_ =	sdelay $0x3  }
0x96: {  	_ =	strace s3  }
0x97: {  	_ =	strace $0x8FFFFFFF  }
0x98: {  	s19 =	sld [smem:$0x3FDB];
	_ =	sdelay $0x1  }
0x99: {  	s4 =	simm.s32 $_scs_section_size  }
0x9a: {  	s5 =	simm.s32 $_size__tile_overlayer_lowered;
	s6 =	simm.s32 $_tile_overlayer_lowered  }
0x9b: {  	s22 =	simm.s32 $0x1BFF;
	s21 =	sshll.u32 s6, $0x1;
	s3 =	sadd.s32 s4, s19  }
0x9c: {  	s7 =	simm.s32 $0x0;
	s20 =	sshll.u32 s5, $0x1;
	s5 =	sadd.s32 s21, s3  }
0x9d: {  	[timem:s7], [sflag:s22] =	dma.local [hbm:s5], s20  }
0x9e: {  	_ =	swait.ge [sflag:s22], s20  }
0x9f: {  	s4 =	ssub.s32 $0x0, s20;
	[sflag:s22] =	ssyncset.done $0x0  }
0xa0: {  	[sflag:s22] =	ssyncadd.s32 s4;
	_ =	sdelay $0x1  }
0xa1: {  	s23 =	simm.s32 $0x1B8B  }
0xa2: {  	_ =	swait.ge [sflag:s23], $0x1  }
0xa3: {  	[sflag:s23] =	ssyncset.done $0x0  }
0xa4: {  	s25 =	simm.s32 $0x1B8E;
	s24 =	sld [smem:$0x3FFE];
	[sflag:s23] =	ssyncadd.s32 $0xFFFFFFFF  }
0xa5: {  	s26 =	simm.s32 $execute0_lowered;
	[smem:$0x3FD2] =	sst s25  }
0xa6: {  	s5 =	sshll.u32 s26, $0x1;
	_ =	strace $0x8000004F;
	[dreg:$0x1] =	wrdreg $0xFFFFFFFF  }
0xa7: {  	s28 =	simm.s32 $_size_execute0_lowered;
	s3 =	sadd.s32 s3, s5;
	[dreg:$0x0] =	wrdreg $0x0  }
0xa8: {  	s5 =	sshll.u32 s28, $0x1;
	[dreg:$0x2] =	wrdreg s3  }
0xa9: {  	[dreg:$0x3] =	wrdreg s5  }
0xaa: {  	[dreg:$0x4] =	wrdreg $0xC0  }
0xab: {  	_ =	task [dreg:s7], $0x5FFFF  }
0xac: {  	[dreg:$0x1] =	wrdreg $0xFFFFFFFF  }
0xad: {  	[dreg:$0x0] =	wrdreg $0x60  }
0xae: {  	[dreg:$0x2] =	wrdreg s24  }
0xaf: {  	[dreg:$0x3] =	wrdreg s2  }
0xb0: {  	[dreg:$0x4] =	wrdreg $0x90000  }
0xb1: {  	[dreg:$0x5] =	wrdreg $0x12E000  }
0xb2: {  	[dreg:$0x6] =	wrdreg $0x9  }
0xb3: {  	_ =	task.clear_ibuf [dreg:s7], $0x7FFFF;
	_ =	strace $0x9000004F  }
0xb4: {  	s29 =	simm.s32 $0x9;
	_ =	strace $0x80000051  }
0xb5: {  	_ =	swait.ge [sflag:s29], $0x1  }
0xb6: {  	[sflag:s29] =	ssyncadd.s32 $0xFFFFFFFF  }
0xb7: {  	_ =	strace $0x90000051  }
0xb8: {  	_ =	sfence  }
0xb9: {  	s30 =	sld [smem:$0x0];
	_ =	sdelay $0x2  }
0xba: {  	s31 =	sshll.u32 s1, $0xD;
	s1 =	sshrl.u32 s1, $0x2  }
0xbb: {  	s3 =	sand.u32 $0x4000, s31;
	s1 =	sadd.s32 s1, s30  }
0xbc: {  	s0 =	sor.u32 s3, s0;
	s1 =	sshll.u32 s1, $0x11  }
0xbd: {  	s0 =	sor.u32 s1, s0  }
0xbe: {  	s0 =	sadd.s32 $0x8F2B, s0  }
0xbf: {  	[sflag:s0] =	ssyncadd.remote.s32 $0x1  }
0xc0: {  	_ =	sfence.sel $0xFFFF  }
0xc1: {  	[dreg:$0x0] =	wrdreg $0xFFFFFFFF;
	(pc) =	sbr.abs _section_cstart, $3  }
0xc2: {  	[dreg:$0x1] =	wrdreg $0xFFFFFFFF  }
0xc3: {  	_ =	task.clear_ibuf [dreg:s7], $0x2FFFF;
	_ =	strace $0x9FFFFFFF  }
0xc4: {  	(tm) =	ssettm $0x7FFFFFFF  }
0xc5: {  	_ =	shalt  }
tec
execute0_lowered:
.L_overlay_start_1:
0x0: {  	(tag) =	ssettag $0x1  }
0x1: {  	s0 =	rddreg [dreg:$0x0]  }
0x2: {  	s1 =	srdreg.scid;
	s8 =	rddreg [dreg:$0x1]  }
0x3: {  	s2 =	rddreg [dreg:$0x2];
	s9 =	stileid.u32  }
0x4: {  	s3 =	rddreg [dreg:$0x3];
	s16 =	simm.s32 $0x5;
	s17 =	simm.s32 $0x6  }
0x5: {  	s18 =	simm.s32 $0x7;
	s19 =	simm.s32 $0x8;
	s20 =	simm.s32 $0x80  }
0x6: {  	s21 =	simm.s32 $0x5000;
	s22 =	simm.s32 $0x7000;
	s23 =	simm.s32 $0x1  }
0x7: {  	s25 =	simm.s32 $0x2;
	s26 =	simm.s32 $0x3;
	s28 =	simm.s32 $0x4  }
0x8: {  	s30 =	simm.s32 $0x4F80;
	s1 =	sand.u32 $0x1, s1;
	s10 =	smul.u32 $0x9E00, s9  }
0x9: {  	s31 =	simm.s32 $0x9;
	s4 =	sshll.u32 s1, $0x4;
	s6 =	smul.u32 $0x13C00, s1  }
0xa: {  	s1 =	ssub.s32 $0x2, s1;
	s5 =	sor.u32 s9, s4;
	s4 =	simm.s32 $0x0  }
0xb: {  	s12 =	sshrl.u32 s10, $0x3;
	s29 =	sshrl.u32 s1, $0x1;
	s13 =	sadd.s32 s10, s2  }
0xc: {  	s15 =	sadd.s32 s10, s3;
	s5 =	smul.u32 $0x500, s5;
	[smem:$0x7FF] =	sst s4  }
0xd: {  	s11 =	sadd.s32 s12, s0;
	s1 =	ssub.s32 s1, s29;
	s8 =	sadd.s32 s8, s12  }
0xe: {  	s13 =	sshrl.u32 s13, $0x3;
	s15 =	sshrl.u32 s15, $0x3;
	_ =	strace $0x80000050  }
0xf: {  	s10 =	sadd.s32 $0x1B800, s11;
	s11 =	smax.u32 s1, $0x1;
	s7 =	sadd.s32 s5, s0  }
0x10: {  	s1 =	simm.s32 $0x0;
	s0 =	sadd.s32 s6, s0;
	s5 =	sadd.s32 $0x11800, s7  }
0x11: {  	s6 =	sadd.s32 $0x2600, s7;
	s7 =	sshll.u32 s9, $0x6;
	s0 =	sadd.s32 $0x2F400, s0  }
0x12: {  	s9 =	sor.u32 $0x1C07, s7;
	s14 =	sor.u32 $0x1C08, s7;
	s24 =	sadd.s32 s12, s0  }
.LBB2_1:
0x13: {  	[tilespmem:s4], [sflag:$0x5] =	stream.linear.gather [hbm4b:s5+s4], $0x2800, $0x38;
	[tilespmem:$0x1CC00] =	vst v63  }
0x14: {  	s0 =	simm.s32 $0x2800  }
0x15: {  	[tilespmem:s0], [sflag:$0x6] =	stream.linear.gather [hbm4b:s6+s4], $0x2800, $0x38;
	[tilespmem:$0x1CC00] =	vst v63  }
0x16: {  	[spmem:s13], [sflag:s9] =	dma.local [hbm:s8], $0x13C0  }
0x17: {  	[spmem:s15], [sflag:s14] =	dma.local [hbm:s10], $0x13C0  }
0x18: {  	_ =	swait.ge [sflag:s16], $0x2800  }
0x19: {  	[sflag:s16] =	ssyncset.done $0x0  }
0x1a: {  	[sflag:s16] =	ssyncadd.s32 $0xFFFFD800  }
0x1b: {  	_ =	swait.ge [sflag:s17], $0x2800  }
0x1c: {  	[sflag:s17] =	ssyncset.done $0x0  }
0x1d: {  	[sflag:s17] =	ssyncadd.s32 $0xFFFFD800  }
0x1e: {  	_ =	swait.ge [sflag:s18], $0x13C0  }
0x1f: {  	[sflag:s18] =	ssyncset.done $0x0  }
0x20: {  	[sflag:s18] =	ssyncadd.s32 $0xFFFFEC40  }
0x21: {  	_ =	swait.ge [sflag:s19], $0x13C0  }
0x22: {  	[sflag:s19] =	ssyncset.done $0x0  }
0x23: {  	[sflag:s19] =	ssyncadd.s32 $0xFFFFEC40  }
0x24: {  	[bflag:$0x0] =	sbarrier.arrive $0xFFFF  }
0x25: {  	[tilespmem:s21], [sflag:$0x1] =	stream.indirect.gather [spmem:s2], $0x40, s4, s20, $0xb8;
	[tilespmem:$0x1CC00] =	vst v63  }
0x26: {  	_ = 	snop  }
0x27: {  	[tilespmem:s22], [sflag:$0x2] =	stream.indirect.gather [spmem:s2], $0x40, s20, s20, $0xb8;
	[tilespmem:$0x1CC00] =	vst v63  }
0x28: {  	_ =	swait.ge [sflag:s23], $0x2000  }
0x29: {  	[sflag:s23] =	ssyncset.done $0x0  }
0x2a: {  	s29 =	simm.s32 $0x2800;
	[sflag:s23] =	ssyncadd.s32 $0xFFFFE000  }
0x2b: {  	[spmem:s3] =	stream.indirect.scatter.add.f32 [tilespmem:s21], [sflag:$0x3], $0x40, s29, s20, $0xb8;
	[tilespmem:$0x1CC00] =	vst v63  }
0x2c: {  	_ =	swait.ge [sflag:s25], $0x2000  }
0x2d: {  	[sflag:s25] =	ssyncset.done $0x0  }
0x2e: {  	s12 =	simm.s32 $0x2880;
	[sflag:s25] =	ssyncadd.s32 $0xFFFFE000  }
0x2f: {  	[spmem:s3] =	stream.indirect.scatter.add.f32 [tilespmem:s22], [sflag:$0x4], $0x40, s12, s20, $0xb8;
	[tilespmem:$0x1CC00] =	vst v63  }
0x30: {  	_ =	swait.ge [sflag:s26], $0x2000  }
0x31: {  	[sflag:s26] =	ssyncset.done $0x0  }
0x32: {  	s29 =	simm.s32 $0x100;
	[sflag:s26] =	ssyncadd.s32 $0xFFFFE000  }
0x33: {  	[tilespmem:s21], [sflag:$0x1] =	stream.indirect.gather [spmem:s2], $0x40, s29, s20, $0xb8;
	[tilespmem:$0x1CC00] =	vst v63  }
0x34: {  	_ =	swait.ge [sflag:s28], $0x2000  }
0x35: {  	[sflag:s28] =	ssyncset.done $0x0  }
0x36: {  	s0 =	simm.s32 $0x400;
	s12 =	simm.s32 $0x180;
	[sflag:s28] =	ssyncadd.s32 $0xFFFFE000  }
.LBB2_2:
0x37: {  	[tilespmem:s22], [sflag:$0x2] =	stream.indirect.gather [spmem:s2], $0x40, s12, s20, $0xb8;
	[tilespmem:$0x1CC00] =	vst v63  }
0x38: {  	s12 =	smov.u32 s0  }
0x39: {  	p0 =	sne.s32 s0, $0x9800;
	s0 =	sadd.s32 $0x400, s0;
	_ =	swait.ge [sflag:s23], $0x2000  }
0x3a: {  	s12 =	sshra.s32 s12, $0x2;
	[sflag:s23] =	ssyncset.done $0x0  }
0x3b: {  	s29 =	sadd.s32 $0x2800, s12;
	[sflag:s23] =	ssyncadd.s32 $0xFFFFE000  }
0x3c: {  	[spmem:s3] =	stream.indirect.scatter.add.f32 [tilespmem:s21], [sflag:$0x3], $0x40, s29, s20, $0xb8;
	[tilespmem:$0x1CC00] =	vst v63  }
0x3d: {  	_ =	swait.ge [sflag:s25], $0x2000  }
0x3e: {  	[sflag:s25] =	ssyncset.done $0x0  }
0x3f: {  	s29 =	sadd.s32 $0x2880, s12;
	[sflag:s25] =	ssyncadd.s32 $0xFFFFE000  }
0x40: {  	[spmem:s3] =	stream.indirect.scatter.add.f32 [tilespmem:s22], [sflag:$0x4], $0x40, s29, s20, $0xb8;
	[tilespmem:$0x1CC00] =	vst v63  }
0x41: {  	_ =	swait.ge [sflag:s26], $0x2000  }
0x42: {  	[sflag:s26] =	ssyncset.done $0x0  }
.Ltmp0:
0x43: {  	s29 =	sadd.s32 $0x100, s12;
	[sflag:s26] =	ssyncadd.s32 $0xFFFFE000;
	(pc) =	sbr.rel @p0 .LBB2_2-.Ltmp0, $4  }
0x44: {  	[tilespmem:s21], [sflag:$0x1] =	stream.indirect.gather [spmem:s2], $0x40, s29, s20, $0xb8;
	[tilespmem:$0x1CC00] =	vst v63  }
0x45: {  	_ =	swait.ge [sflag:s28], $0x2000  }
0x46: {  	[sflag:s28] =	ssyncset.done $0x0  }
0x47: {  	s12 =	sadd.s32 $0x180, s12;
	[sflag:s28] =	ssyncadd.s32 $0xFFFFE000  }
0x48: {  	[tilespmem:s22], [sflag:$0x2] =	stream.indirect.gather [spmem:s2], $0x40, s12, s20, $0xb8;
	[tilespmem:$0x1CC00] =	vst v63  }
0x49: {  	_ =	swait.ge [sflag:s23], $0x2000  }
0x4a: {  	[sflag:s23] =	ssyncset.done $0x0  }
0x4b: {  	s0 =	simm.s32 $0x4F00;
	[sflag:s23] =	ssyncadd.s32 $0xFFFFE000  }
0x4c: {  	[spmem:s3] =	stream.indirect.scatter.add.f32 [tilespmem:s21], [sflag:$0x3], $0x40, s0, s20, $0xb8;
	[tilespmem:$0x1CC00] =	vst v63  }
0x4d: {  	_ =	swait.ge [sflag:s25], $0x2000  }
0x4e: {  	[sflag:s25] =	ssyncset.done $0x0  }
0x4f: {  	[sflag:s25] =	ssyncadd.s32 $0xFFFFE000  }
0x50: {  	[spmem:s3] =	stream.indirect.scatter.add.f32 [tilespmem:s22], [sflag:$0x4], $0x40, s30, s20, $0xb8;
	[tilespmem:$0x1CC00] =	vst v63  }
0x51: {  	_ =	swait.ge [sflag:s26], $0x2000  }
0x52: {  	[sflag:s26] =	ssyncset.done $0x0  }
0x53: {  	[sflag:s26] =	ssyncadd.s32 $0xFFFFE000  }
0x54: {  	_ =	swait.ge [sflag:s28], $0x2000  }
0x55: {  	s1 =	sadd.s32 $0x1, s1;
	[sflag:s28] =	ssyncset.done $0x0  }
0x56: {  	p0 =	sne.s32 s1, s11;
	[sflag:s28] =	ssyncadd.s32 $0xFFFFE000  }
.Ltmp1:
0x57: {  	s29 =	sor.u32 $0x1C09, s7;
	[bflag:$0x0] =	sbarrier.arrive $0xFFFF;
	(pc) =	sbr.rel @p0 .LBB2_1-.Ltmp1, $4  }
0x58: {  	[hbm:s24], [sflag:s29] =	dma.local [spmem:s15], $0x13C0  }
0x59: {  	_ =	swait.ge [sflag:s31], $0x13C0  }
0x5a: {  	[sflag:s31] =	ssyncset.done $0x0  }
0x5b: {  	[sflag:s31] =	ssyncadd.s32 $0xFFFFEC40  }
0x5c: {  	_ =	sfence.sel $0x180000  }
0x5d: {  	[bflag:$0x0] =	sbarrier.arrive $0xFFFF  }
0x5e: {  	_ =	strace $0x90000050  }
0x5f: {  	s0 =	stileid.u32;
	[bflag:$0x2] =	sbarrier.arrive $0xFFFF  }
0x60: {  	p0 =	sne.s32 s0, $0x0;
	s0 =	rddreg [dreg:$0x4]  }
0x61: {  	s0 =	sadd.s32 @!p0 $0x100000, s0  }
0x62: {  	[sflag:s0] =	ssyncadd.tile.s32 @!p0 $0x1;
	_ =	shalt  }
.Lfunc_end2:
_tile_overlayer_lowered:
.L_overlay_start_2:
0x63: {  	(tag) =	ssettag $0x2  }
0x64: {  	s0 =	rddreg [dreg:$0x0];
	s2 =	stileid.u32  }
0x65: {  	s1 =	rddreg [dreg:$0x1];
	p0 =	sne.s32 s2, $0x0  }
0x66: {  	s3 =	rddreg [dreg:$0x2];
	[bflag:$0x3] =	sbarrier.arrive $0xFFFF;
	s2 =	simm.s32 @!p0 $0x1C09  }
0x67: {  	[timem:s3], [sflag:s2] =	dma.local @!p0 [hbm:s0], s1  }
0x68: {  	s0 =	simm.s32 @!p0 $0x9  }
0x69: {  	_ =	swait.ge @!p0 [sflag:s0], s1  }
0x6a: {  	s1 =	ssub.s32 @!p0 $0x0, s1;
	[sflag:s0] =	ssyncset.done @!p0 $0x0  }
0x6b: {  	[sflag:s0] =	ssyncadd.s32 @!p0 s1  }
0x6c: {  	[bflag:$0x3] =	sbarrier.arrive $0xFFFF  }
0x6d: {  	_ =	shalt  }

// kernel: kernel.24.cloned.1.call-start
scs
__scs_entry_jumppad:
0x0: {  	(pc) =	sbr.rel $0x88, $3  }
0x1: {  	(tag) =	ssettag $0x0;
	lr =	simm.s32 $0x1  }
0x2: {  	[smem:$0x3F97] =	sst lr;
	_ =	strace $0xD0000000  }
0x3: {  	_ = 	snop  }
0x4: {  	_ = 	snop  }
0x5: {  	_ = 	snop  }
0x6: {  	_ = 	snop  }
0x7: {  	_ = 	snop  }
__scs_overlays_trampoline_lowered:
0x8: {  	[smem:$0x3FA6] =	sst s0  }
0x9: {  	[smem:$0x3FA7] =	sst s1  }
0xa: {  	[smem:$0x3FA8] =	sst s2  }
0xb: {  	[smem:$0x3FA9] =	sst s3  }
0xc: {  	[smem:$0x3FAA] =	sst s4  }
0xd: {  	[smem:$0x3FAB] =	sst s5  }
0xe: {  	[smem:$0x3FAC] =	sst s6  }
0xf: {  	[smem:$0x3FAD] =	sst s7  }
0x10: {  	[smem:$0x3FAE] =	sst s8  }
0x11: {  	[smem:$0x3FAF] =	sst s9;
	s0 =	simm.s32 @!p0 $0x0  }
0x12: {  	s1 =	sld [smem:$0x3F95];
	s0 =	simm.s32 @p0 $0x1  }
0x13: {  	[smem:$0x3FB0] =	sst s0;
	s0 =	simm.s32 @!p1 $0x0  }
0x14: {  	s2 =	sld [smem:$0x3F94];
	s0 =	simm.s32 @p1 $0x1  }
0x15: {  	[smem:$0x3FB1] =	sst s0;
	s0 =	simm.s32 @!p2 $0x0  }
0x16: {  	s3 =	sld [smem:$0x3FDB];
	s0 =	simm.s32 @p2 $0x1  }
0x17: {  	s4 =	simm.s32 $0x1BF5;
	[smem:$0x3FB3] =	sst s0  }
0x18: {  	s0 =	sld [smem:$0x3F96];
	_ =	swait.ge [sflag:s4], $0x0  }
0x19: {  	s7 =	sld [smem:$0x3F97]  }
0x1a: {  	s8 =	sadd.s32 $0xFFFFE003, lr  }
0x1b: {  	s9 =	sadd.s32 $0xFFFFFEF7, lr;
	s5 =	simm.s32 $0xFFFFFFFF;
	p2 =	slt.u32 s8, $0xFFFFF086  }
0x1c: {  	p1 =	slt.u32 s9, $0xF7A;
	s5 =	simm.s32 @!p2 $0x0  }
0x1d: {  	s5 =	simm.s32 @p1 $0x1;
	p0 =	seq.s32 s7, s2  }
0x1e: {  	s7 =	smul.u32 @!p0 $0xF7A, s2;
	p2 =	seq.s32 @!p0 s5, $0x0  }
0x1f: {  	s9 =	smul.u32 $0xF7A, s1;
	s8 =	simm.s32 @!p0 $0x1BF5;
	p2 =	por !p2, p0  }
0x20: {  	[sflag:s8] =	ssyncset.s32 @!p0 $0xFFFFF086;
	s6 =	sadd.s32 @!p0 s3, s7;
	s7 =	simm.s32 @!p0 $0x108  }
0x21: {  	s3 =	sadd.s32 s3, s9;
	s6 =	sadd.s32 @!p0 $0x88, s6;
	s7 =	simm.s32 @p2 $0x1082  }
0x22: {  	[simem:s7], [sflag:s8] =	dma.local @!p0 [hbm:s6], $0xF7A  }
0x23: {  	s9 =	sor.u32 $0xD0000000, s2;
	s6 =	simm.s32 $0x108;
	_ =	swait.ge @!p0 [sflag:s8], $0x0  }
0x24: {  	s3 =	sadd.s32 $0x88, s3;
	s6 =	simm.s32 @!p1 $0x1082;
	[sflag:s4] =	ssyncset.s32 $0xFFFFF086  }
0x25: {  	[simem:s6], [sflag:s4] =	dma.local [hbm:s3], $0xF7A  }
0x26: {  	[smem:$0x3F97] =	sst s1;
	(tag) =	ssettag s2;
	_ =	strace s9  }
0x27: {  	s1 =	sld [smem:$0x3FA7]  }
0x28: {  	s2 =	sld [smem:$0x3FA8]  }
0x29: {  	s4 =	sld [smem:$0x3FAA]  }
0x2a: {  	p0 =	seq.s32 s5, $0x0;
	s5 =	sld [smem:$0x3FAB]  }
0x2b: {  	s6 =	sld [smem:$0x3FAC]  }
0x2c: {  	s7 =	sld [smem:$0x3FAD]  }
0x2d: {  	s3 =	simm.s32 $0x108;
	s8 =	sld [smem:$0x3FAE]  }
0x2e: {  	s3 =	simm.s32 @!p0 $0x1082;
	s9 =	sld [smem:$0x3FAF]  }
0x2f: {  	lr =	sadd.s32 s0, s3;
	s0 =	sld [smem:$0x3FA6]  }
0x30: {  	s3 =	sld [smem:$0x3FA9]  }
0x31: {  	[smem:$0x3FB2] =	sst s10  }
0x32: {  	s10 =	sld [smem:$0x3FB0];
	_ =	sdelay $0x3  }
0x33: {  	p0 =	seq.s32 s10, $0x1;
	s10 =	sld [smem:$0x3FB2];
	_ =	sdelay $0x3  }
0x34: {  	[smem:$0x3FB2] =	sst s10  }
0x35: {  	s10 =	sld [smem:$0x3FB1];
	_ =	sdelay $0x3  }
0x36: {  	p1 =	seq.s32 s10, $0x1;
	s10 =	sld [smem:$0x3FB2];
	_ =	sdelay $0x3  }
0x37: {  	[smem:$0x3FB2] =	sst s10  }
0x38: {  	s10 =	sld [smem:$0x3FB3]  }
0x39: {  	_ = 	snop;
	(pc) =	sbr.ind lr, $3  }
0x3a: {  	_ = 	snop  }
0x3b: {  	_ = 	snop  }
0x3c: {  	p2 =	seq.s32 s10, $0x1;
	s10 =	sld [smem:$0x3FB2]  }
0x3d: {  	_ =	shalt  }
0x3e: {  	_ =	shalt  }
0x3f: {  	_ =	shalt  }
0x40: {  	_ =	shalt  }
0x41: {  	_ =	shalt  }
0x42: {  	_ =	shalt  }
0x43: {  	_ =	shalt  }
0x44: {  	_ =	shalt  }
0x45: {  	_ =	shalt  }
0x46: {  	_ =	shalt  }
0x47: {  	_ =	shalt  }
0x48: {  	_ =	shalt  }
0x49: {  	_ =	shalt  }
0x4a: {  	_ =	shalt  }
0x4b: {  	_ =	shalt  }
0x4c: {  	_ =	shalt  }
0x4d: {  	_ =	shalt  }
0x4e: {  	_ =	shalt  }
0x4f: {  	_ =	shalt  }
0x50: {  	_ =	shalt  }
0x51: {  	_ =	shalt  }
0x52: {  	_ =	shalt  }
0x53: {  	_ =	shalt  }
0x54: {  	_ =	shalt  }
0x55: {  	_ =	shalt  }
0x56: {  	_ =	shalt  }
0x57: {  	_ =	shalt  }
0x58: {  	_ =	shalt  }
0x59: {  	_ =	shalt  }
0x5a: {  	_ =	shalt  }
0x5b: {  	_ =	shalt  }
0x5c: {  	_ =	shalt  }
0x5d: {  	_ =	shalt  }
0x5e: {  	_ =	shalt  }
0x5f: {  	_ =	shalt  }
0x60: {  	_ =	shalt  }
0x61: {  	_ =	shalt  }
0x62: {  	_ =	shalt  }
0x63: {  	_ =	shalt  }
0x64: {  	_ =	shalt  }
0x65: {  	_ =	shalt  }
0x66: {  	_ =	shalt  }
0x67: {  	_ =	shalt  }
0x68: {  	_ =	shalt  }
0x69: {  	_ =	shalt  }
0x6a: {  	_ =	shalt  }
0x6b: {  	_ =	shalt  }
0x6c: {  	_ =	shalt  }
0x6d: {  	_ =	shalt  }
0x6e: {  	_ =	shalt  }
0x6f: {  	_ =	shalt  }
0x70: {  	_ =	shalt  }
0x71: {  	_ =	shalt  }
0x72: {  	_ =	shalt  }
0x73: {  	_ =	shalt  }
0x74: {  	_ =	shalt  }
0x75: {  	_ =	shalt  }
0x76: {  	_ =	shalt  }
0x77: {  	_ =	shalt  }
0x78: {  	_ =	shalt  }
0x79: {  	_ =	shalt  }
0x7a: {  	_ =	shalt  }
0x7b: {  	_ =	shalt  }
0x7c: {  	_ =	shalt  }
0x7d: {  	_ =	shalt  }
0x7e: {  	_ =	shalt  }
0x7f: {  	_ =	shalt  }
0x80: {  	_ =	shalt  }
0x81: {  	_ =	shalt  }
0x82: {  	_ =	shalt  }
0x83: {  	_ =	shalt  }
0x84: {  	_ =	shalt  }
0x85: {  	_ =	shalt  }
0x86: {  	_ =	shalt  }
0x87: {  	_ =	shalt  }
.Lfunc_end0:
.L_simem_size_0:
called_computation.4_lowered:
.L_overlay_start_0:
0x88: {  	s2 =	sld [smem:$0x3FD9]  }
0x89: {  	s3 =	sld [smem:$0x3FFE];
	_ =	sdelay $0x1  }
0x8a: {  	s1 =	srdreg.scid  }
0x8b: {  	s0 =	sand.u32 $0x1, s1  }
0x8c: {  	s17 =	sshll.u32 s0, $0xA;
	s2 =	sadd.s32 s3, s2  }
0x8d: {  	s2 =	sadd.s32 s2, s17  }
0x8e: {  	[smem:$0x3FBE] =	sst s2  }
0x8f: {  	_ = 	snop  }
0x90: {  	s2 =	sld [smem:$0x3FD0];
	(tm) =	ssettm $0x1  }
0x91: {  	s18 =	sld [smem:$0x3FFB];
	_ =	sdelay $0x3  }
0x92: {  	_ =	strace s18  }
0x93: {  	s3 =	sld [smem:$0x3FFC];
	_ =	sdelay $0x3  }
0x94: {  	_ =	strace s3  }
0x95: {  	s3 =	sld [smem:$0x3FFD];
	_ =	sdelay $0x3  }
0x96: {  	_ =	strace s3  }
0x97: {  	_ =	strace $0x8FFFFFFF  }
0x98: {  	s19 =	sld [smem:$0x3FDB];
	_ =	sdelay $0x1  }
0x99: {  	s4 =	simm.s32 $_scs_section_size  }
0x9a: {  	s5 =	simm.s32 $_size__tile_overlayer_lowered;
	s6 =	simm.s32 $_tile_overlayer_lowered  }
0x9b: {  	s22 =	simm.s32 $0x1BFF;
	s21 =	sshll.u32 s6, $0x1;
	s3 =	sadd.s32 s4, s19  }
0x9c: {  	s7 =	simm.s32 $0x0;
	s20 =	sshll.u32 s5, $0x1;
	s5 =	sadd.s32 s21, s3  }
0x9d: {  	[timem:s7], [sflag:s22] =	dma.local [hbm:s5], s20  }
0x9e: {  	_ =	swait.ge [sflag:s22], s20  }
0x9f: {  	s4 =	ssub.s32 $0x0, s20;
	[sflag:s22] =	ssyncset.done $0x0  }
0xa0: {  	[sflag:s22] =	ssyncadd.s32 s4;
	_ =	sdelay $0x1  }
0xa1: {  	s23 =	simm.s32 $0x1B8B  }
0xa2: {  	_ =	swait.ge [sflag:s23], $0x1  }
0xa3: {  	[sflag:s23] =	ssyncset.done $0x0  }
0xa4: {  	s25 =	simm.s32 $0x1B8E;
	s24 =	sld [smem:$0x3FFE];
	[sflag:s23] =	ssyncadd.s32 $0xFFFFFFFF  }
0xa5: {  	s26 =	simm.s32 $execute0_lowered;
	[smem:$0x3FD2] =	sst s25  }
0xa6: {  	s5 =	sshll.u32 s26, $0x1;
	_ =	strace $0x80000052;
	[dreg:$0x1] =	wrdreg $0xFFFFFFFF  }
0xa7: {  	s28 =	simm.s32 $_size_execute0_lowered;
	s3 =	sadd.s32 s3, s5;
	[dreg:$0x0] =	wrdreg $0x0  }
0xa8: {  	s5 =	sshll.u32 s28, $0x1;
	[dreg:$0x2] =	wrdreg s3  }
0xa9: {  	[dreg:$0x3] =	wrdreg s5  }
0xaa: {  	[dreg:$0x4] =	wrdreg $0xC0  }
0xab: {  	_ =	task [dreg:s7], $0x5FFFF  }
0xac: {  	[dreg:$0x1] =	wrdreg $0xFFFFFFFF  }
0xad: {  	[dreg:$0x0] =	wrdreg $0x60  }
0xae: {  	[dreg:$0x2] =	wrdreg s24  }
0xaf: {  	[dreg:$0x3] =	wrdreg s2  }
0xb0: {  	[dreg:$0x4] =	wrdreg $0x90000  }
0xb1: {  	[dreg:$0x5] =	wrdreg $0x12E000  }
0xb2: {  	[dreg:$0x6] =	wrdreg $0x9  }
0xb3: {  	_ =	task.clear_ibuf [dreg:s7], $0x7FFFF;
	_ =	strace $0x90000052  }
0xb4: {  	s29 =	simm.s32 $0x9;
	_ =	strace $0x80000054  }
0xb5: {  	_ =	swait.ge [sflag:s29], $0x1  }
0xb6: {  	[sflag:s29] =	ssyncadd.s32 $0xFFFFFFFF  }
0xb7: {  	_ =	strace $0x90000054  }
0xb8: {  	_ =	sfence  }
0xb9: {  	s30 =	sld [smem:$0x0];
	_ =	sdelay $0x2  }
0xba: {  	s31 =	sshll.u32 s1, $0xD;
	s1 =	sshrl.u32 s1, $0x2  }
0xbb: {  	s3 =	sand.u32 $0x4000, s31;
	s1 =	sadd.s32 s1, s30  }
0xbc: {  	s0 =	sor.u32 s3, s0;
	s1 =	sshll.u32 s1, $0x11  }
0xbd: {  	s0 =	sor.u32 s1, s0  }
0xbe: {  	s0 =	sadd.s32 $0x8F2B, s0  }
0xbf: {  	[sflag:s0] =	ssyncadd.remote.s32 $0x1  }
0xc0: {  	_ =	sfence.sel $0xFFFF  }
0xc1: {  	[dreg:$0x0] =	wrdreg $0xFFFFFFFF;
	(pc) =	sbr.abs _section_cstart, $3  }
0xc2: {  	[dreg:$0x1] =	wrdreg $0xFFFFFFFF  }
0xc3: {  	_ =	task.clear_ibuf [dreg:s7], $0x2FFFF;
	_ =	strace $0x9FFFFFFF  }
0xc4: {  	(tm) =	ssettm $0x7FFFFFFF  }
0xc5: {  	_ =	shalt  }
tec
execute0_lowered:
.L_overlay_start_1:
0x0: {  	(tag) =	ssettag $0x1  }
0x1: {  	s0 =	rddreg [dreg:$0x0]  }
0x2: {  	s1 =	srdreg.scid;
	s8 =	rddreg [dreg:$0x1]  }
0x3: {  	s2 =	rddreg [dreg:$0x2];
	s9 =	stileid.u32  }
0x4: {  	s3 =	rddreg [dreg:$0x3];
	s16 =	simm.s32 $0x5;
	s17 =	simm.s32 $0x6  }
0x5: {  	s18 =	simm.s32 $0x7;
	s19 =	simm.s32 $0x8;
	s20 =	simm.s32 $0x80  }
0x6: {  	s21 =	simm.s32 $0x5000;
	s22 =	simm.s32 $0x7000;
	s23 =	simm.s32 $0x1  }
0x7: {  	s25 =	simm.s32 $0x2;
	s26 =	simm.s32 $0x3;
	s28 =	simm.s32 $0x4  }
0x8: {  	s30 =	simm.s32 $0x4F80;
	s1 =	sand.u32 $0x1, s1;
	s10 =	smul.u32 $0x9E00, s9  }
0x9: {  	s31 =	simm.s32 $0x9;
	s4 =	sshll.u32 s1, $0x4;
	s6 =	smul.u32 $0x13C00, s1  }
0xa: {  	s1 =	ssub.s32 $0x2, s1;
	s5 =	sor.u32 s9, s4;
	s4 =	simm.s32 $0x0  }
0xb: {  	s12 =	sshrl.u32 s10, $0x3;
	s29 =	sshrl.u32 s1, $0x1;
	s13 =	sadd.s32 s10, s2  }
0xc: {  	s15 =	sadd.s32 s10, s3;
	s5 =	smul.u32 $0x500, s5;
	[smem:$0x7FF] =	sst s4  }
0xd: {  	s11 =	sadd.s32 s12, s0;
	s1 =	ssub.s32 s1, s29;
	s8 =	sadd.s32 s8, s12  }
0xe: {  	s13 =	sshrl.u32 s13, $0x3;
	s15 =	sshrl.u32 s15, $0x3;
	_ =	strace $0x80000053  }
0xf: {  	s10 =	sadd.s32 $0x1B800, s11;
	s11 =	smax.u32 s1, $0x1;
	s7 =	sadd.s32 s5, s0  }
0x10: {  	s1 =	simm.s32 $0x0;
	s0 =	sadd.s32 s6, s0;
	s5 =	sadd.s32 $0x11800, s7  }
0x11: {  	s6 =	sadd.s32 $0x2600, s7;
	s7 =	sshll.u32 s9, $0x6;
	s0 =	sadd.s32 $0x2F400, s0  }
0x12: {  	s9 =	sor.u32 $0x1C07, s7;
	s14 =	sor.u32 $0x1C08, s7;
	s24 =	sadd.s32 s12, s0  }
.LBB2_1:
0x13: {  	[tilespmem:s4], [sflag:$0x5] =	stream.linear.gather [hbm4b:s5+s4], $0x2800, $0x38;
	[tilespmem:$0x1CC00] =	vst v63  }
0x14: {  	s0 =	simm.s32 $0x2800  }
0x15: {  	[tilespmem:s0], [sflag:$0x6] =	stream.linear.gather [hbm4b:s6+s4], $0x2800, $0x38;
	[tilespmem:$0x1CC00] =	vst v63  }
0x16: {  	[spmem:s13], [sflag:s9] =	dma.local [hbm:s8], $0x13C0  }
0x17: {  	[spmem:s15], [sflag:s14] =	dma.local [hbm:s10], $0x13C0  }
0x18: {  	_ =	swait.ge [sflag:s16], $0x2800  }
0x19: {  	[sflag:s16] =	ssyncset.done $0x0  }
0x1a: {  	[sflag:s16] =	ssyncadd.s32 $0xFFFFD800  }
0x1b: {  	_ =	swait.ge [sflag:s17], $0x2800  }
0x1c: {  	[sflag:s17] =	ssyncset.done $0x0  }
0x1d: {  	[sflag:s17] =	ssyncadd.s32 $0xFFFFD800  }
0x1e: {  	_ =	swait.ge [sflag:s18], $0x13C0  }
0x1f: {  	[sflag:s18] =	ssyncset.done $0x0  }
0x20: {  	[sflag:s18] =	ssyncadd.s32 $0xFFFFEC40  }
0x21: {  	_ =	swait.ge [sflag:s19], $0x13C0  }
0x22: {  	[sflag:s19] =	ssyncset.done $0x0  }
0x23: {  	[sflag:s19] =	ssyncadd.s32 $0xFFFFEC40  }
0x24: {  	[bflag:$0x0] =	sbarrier.arrive $0xFFFF  }
0x25: {  	[tilespmem:s21], [sflag:$0x1] =	stream.indirect.gather [spmem:s2], $0x40, s4, s20, $0xb8;
	[tilespmem:$0x1CC00] =	vst v63  }
0x26: {  	_ = 	snop  }
0x27: {  	[tilespmem:s22], [sflag:$0x2] =	stream.indirect.gather [spmem:s2], $0x40, s20, s20, $0xb8;
	[tilespmem:$0x1CC00] =	vst v63  }
0x28: {  	_ =	swait.ge [sflag:s23], $0x2000  }
0x29: {  	[sflag:s23] =	ssyncset.done $0x0  }
0x2a: {  	s29 =	simm.s32 $0x2800;
	[sflag:s23] =	ssyncadd.s32 $0xFFFFE000  }
0x2b: {  	[spmem:s3] =	stream.indirect.scatter.add.f32 [tilespmem:s21], [sflag:$0x3], $0x40, s29, s20, $0xb8;
	[tilespmem:$0x1CC00] =	vst v63  }
0x2c: {  	_ =	swait.ge [sflag:s25], $0x2000  }
0x2d: {  	[sflag:s25] =	ssyncset.done $0x0  }
0x2e: {  	s12 =	simm.s32 $0x2880;
	[sflag:s25] =	ssyncadd.s32 $0xFFFFE000  }
0x2f: {  	[spmem:s3] =	stream.indirect.scatter.add.f32 [tilespmem:s22], [sflag:$0x4], $0x40, s12, s20, $0xb8;
	[tilespmem:$0x1CC00] =	vst v63  }
0x30: {  	_ =	swait.ge [sflag:s26], $0x2000  }
0x31: {  	[sflag:s26] =	ssyncset.done $0x0  }
0x32: {  	s29 =	simm.s32 $0x100;
	[sflag:s26] =	ssyncadd.s32 $0xFFFFE000  }
0x33: {  	[tilespmem:s21], [sflag:$0x1] =	stream.indirect.gather [spmem:s2], $0x40, s29, s20, $0xb8;
	[tilespmem:$0x1CC00] =	vst v63  }
0x34: {  	_ =	swait.ge [sflag:s28], $0x2000  }
0x35: {  	[sflag:s28] =	ssyncset.done $0x0  }
0x36: {  	s0 =	simm.s32 $0x400;
	s12 =	simm.s32 $0x180;
	[sflag:s28] =	ssyncadd.s32 $0xFFFFE000  }
.LBB2_2:
0x37: {  	[tilespmem:s22], [sflag:$0x2] =	stream.indirect.gather [spmem:s2], $0x40, s12, s20, $0xb8;
	[tilespmem:$0x1CC00] =	vst v63  }
0x38: {  	s12 =	smov.u32 s0  }
0x39: {  	p0 =	sne.s32 s0, $0x9800;
	s0 =	sadd.s32 $0x400, s0;
	_ =	swait.ge [sflag:s23], $0x2000  }
0x3a: {  	s12 =	sshra.s32 s12, $0x2;
	[sflag:s23] =	ssyncset.done $0x0  }
0x3b: {  	s29 =	sadd.s32 $0x2800, s12;
	[sflag:s23] =	ssyncadd.s32 $0xFFFFE000  }
0x3c: {  	[spmem:s3] =	stream.indirect.scatter.add.f32 [tilespmem:s21], [sflag:$0x3], $0x40, s29, s20, $0xb8;
	[tilespmem:$0x1CC00] =	vst v63  }
0x3d: {  	_ =	swait.ge [sflag:s25], $0x2000  }
0x3e: {  	[sflag:s25] =	ssyncset.done $0x0  }
0x3f: {  	s29 =	sadd.s32 $0x2880, s12;
	[sflag:s25] =	ssyncadd.s32 $0xFFFFE000  }
0x40: {  	[spmem:s3] =	stream.indirect.scatter.add.f32 [tilespmem:s22], [sflag:$0x4], $0x40, s29, s20, $0xb8;
	[tilespmem:$0x1CC00] =	vst v63  }
0x41: {  	_ =	swait.ge [sflag:s26], $0x2000  }
0x42: {  	[sflag:s26] =	ssyncset.done $0x0  }
.Ltmp0:
0x43: {  	s29 =	sadd.s32 $0x100, s12;
	[sflag:s26] =	ssyncadd.s32 $0xFFFFE000;
	(pc) =	sbr.rel @p0 .LBB2_2-.Ltmp0, $4  }
0x44: {  	[tilespmem:s21], [sflag:$0x1] =	stream.indirect.gather [spmem:s2], $0x40, s29, s20, $0xb8;
	[tilespmem:$0x1CC00] =	vst v63  }
0x45: {  	_ =	swait.ge [sflag:s28], $0x2000  }
0x46: {  	[sflag:s28] =	ssyncset.done $0x0  }
0x47: {  	s12 =	sadd.s32 $0x180, s12;
	[sflag:s28] =	ssyncadd.s32 $0xFFFFE000  }
0x48: {  	[tilespmem:s22], [sflag:$0x2] =	stream.indirect.gather [spmem:s2], $0x40, s12, s20, $0xb8;
	[tilespmem:$0x1CC00] =	vst v63  }
0x49: {  	_ =	swait.ge [sflag:s23], $0x2000  }
0x4a: {  	[sflag:s23] =	ssyncset.done $0x0  }
0x4b: {  	s0 =	simm.s32 $0x4F00;
	[sflag:s23] =	ssyncadd.s32 $0xFFFFE000  }
0x4c: {  	[spmem:s3] =	stream.indirect.scatter.add.f32 [tilespmem:s21], [sflag:$0x3], $0x40, s0, s20, $0xb8;
	[tilespmem:$0x1CC00] =	vst v63  }
0x4d: {  	_ =	swait.ge [sflag:s25], $0x2000  }
0x4e: {  	[sflag:s25] =	ssyncset.done $0x0  }
0x4f: {  	[sflag:s25] =	ssyncadd.s32 $0xFFFFE000  }
0x50: {  	[spmem:s3] =	stream.indirect.scatter.add.f32 [tilespmem:s22], [sflag:$0x4], $0x40, s30, s20, $0xb8;
	[tilespmem:$0x1CC00] =	vst v63  }
0x51: {  	_ =	swait.ge [sflag:s26], $0x2000  }
0x52: {  	[sflag:s26] =	ssyncset.done $0x0  }
0x53: {  	[sflag:s26] =	ssyncadd.s32 $0xFFFFE000  }
0x54: {  	_ =	swait.ge [sflag:s28], $0x2000  }
0x55: {  	s1 =	sadd.s32 $0x1, s1;
	[sflag:s28] =	ssyncset.done $0x0  }
0x56: {  	p0 =	sne.s32 s1, s11;
	[sflag:s28] =	ssyncadd.s32 $0xFFFFE000  }
.Ltmp1:
0x57: {  	s29 =	sor.u32 $0x1C09, s7;
	[bflag:$0x0] =	sbarrier.arrive $0xFFFF;
	(pc) =	sbr.rel @p0 .LBB2_1-.Ltmp1, $4  }
0x58: {  	[hbm:s24], [sflag:s29] =	dma.local [spmem:s15], $0x13C0  }
0x59: {  	_ =	swait.ge [sflag:s31], $0x13C0  }
0x5a: {  	[sflag:s31] =	ssyncset.done $0x0  }
0x5b: {  	[sflag:s31] =	ssyncadd.s32 $0xFFFFEC40  }
0x5c: {  	_ =	sfence.sel $0x180000  }
0x5d: {  	[bflag:$0x0] =	sbarrier.arrive $0xFFFF  }
0x5e: {  	_ =	strace $0x90000053  }
0x5f: {  	s0 =	stileid.u32;
	[bflag:$0x2] =	sbarrier.arrive $0xFFFF  }
0x60: {  	p0 =	sne.s32 s0, $0x0;
	s0 =	rddreg [dreg:$0x4]  }
0x61: {  	s0 =	sadd.s32 @!p0 $0x100000, s0  }
0x62: {  	[sflag:s0] =	ssyncadd.tile.s32 @!p0 $0x1;
	_ =	shalt  }
.Lfunc_end2:
_tile_overlayer_lowered:
.L_overlay_start_2:
0x63: {  	(tag) =	ssettag $0x2  }
0x64: {  	s0 =	rddreg [dreg:$0x0];
	s2 =	stileid.u32  }
0x65: {  	s1 =	rddreg [dreg:$0x1];
	p0 =	sne.s32 s2, $0x0  }
0x66: {  	s3 =	rddreg [dreg:$0x2];
	[bflag:$0x3] =	sbarrier.arrive $0xFFFF;
	s2 =	simm.s32 @!p0 $0x1C09  }
0x67: {  	[timem:s3], [sflag:s2] =	dma.local @!p0 [hbm:s0], s1  }
0x68: {  	s0 =	simm.s32 @!p0 $0x9  }
0x69: {  	_ =	swait.ge @!p0 [sflag:s0], s1  }
0x6a: {  	s1 =	ssub.s32 @!p0 $0x0, s1;
	[sflag:s0] =	ssyncset.done @!p0 $0x0  }
0x6b: {  	[sflag:s0] =	ssyncadd.s32 @!p0 s1  }
0x6c: {  	[bflag:$0x3] =	sbarrier.arrive $0xFFFF  }
0x6d: {  	_ =	shalt  }

</sc_bundles>
